<compile_context>
chip_gen: v7x
topology: tpu7x:2x2x1
jax: 0.10.2.dev20260603
libtpu: 0.0.44.dev20260713+nightly
codegen_flags: <defaults>
</compile_context>

<pallas_src>
import functools

import jax
import jax.numpy as jnp
from jax import lax
from jax.experimental import pallas as pl
from jax.experimental.pallas import tpu as pltpu
from jax.experimental.pallas import tpu_sc as plsc

H = 64
NA = 819200
NSV = 16384
ROWS = 100001
HR = 896
HPAD = HR * 128
HCH = 128
HSL = HR // 16
NC = 2
NS = 16
NW = NC * NS
A_PER = NA // NW
A_NCH = 8
A_CH = A_PER // A_NCH
SV_PER = NSV // NW
SV_CH = 128
SV_NCH = SV_PER // SV_CH

_MESH = plsc.VectorSubcoreMesh(core_axis_name="c", subcore_axis_name="s")


@functools.partial(
    pl.kernel,
    out_type=jax.ShapeDtypeStruct((NC, HR, 128), jnp.int32),
    mesh=_MESH,
    scratch_types=[
        pltpu.VMEM((2, A_CH), jnp.int32),
        pltpu.VMEM((HR, 128), jnp.int32),
        pltpu.VMEM((HR // HCH, HCH), jnp.int32),
        pltpu.VMEM_SHARED((HR, 128), jnp.int32),
        pltpu.SemaphoreType.DMA,
        pltpu.SemaphoreType.DMA,
    ],
    compiler_params=pltpu.CompilerParams(needs_layout_passes=False),
)
def _hist(a_hbm, counts_hbm, idx_v, hist_v, iota_v, sh_hist, sem0, sem1):
    cid = lax.axis_index("c")
    sid = lax.axis_index("s")
    wid = sid * NC + cid
    base = wid * A_PER
    sems = (sem0, sem1)

    dmas = [pltpu.async_copy(a_hbm.at[pl.ds(base, A_CH)], idx_v.at[0],
                             sem0)]

    zero16 = jnp.zeros((16,), jnp.int32)

    @plsc.parallel_loop(0, HR, step=1, unroll=4)
    def _(r):
        for j in range(128 // 16):
            hist_v[r, pl.ds(j * 16, 16)] = zero16

    iota16 = lax.iota(jnp.int32, 16)
    for k in range(HR // HCH):
        for j in range(HCH // 16):
            iota_v[k, pl.ds(j * 16, 16)] = iota16 + (k * HCH + j * 16)

    pltpu.sync_copy(hist_v.at[pl.ds(sid * HSL, HSL)],
                    sh_hist.at[pl.ds(sid * HSL, HSL)])

    ones = jnp.ones((16,), jnp.int32)

    for c in range(A_NCH):
        if c + 1 < A_NCH:
            dmas.append(pltpu.async_copy(
                a_hbm.at[pl.ds(base + (c + 1) * A_CH, A_CH)],
                idx_v.at[(c + 1) % 2], sems[(c + 1) % 2]))
        dmas[c].wait()

        @plsc.parallel_loop(0, A_CH // 16, step=1, unroll=8)
        def _(i):
            idx16 = idx_v[c % 2, pl.ds(i * 16, 16)]
            plsc.addupdate_scatter(hist_v, [idx16 // 128, idx16 % 128],
                                   ones)

    plsc.subcore_barrier()

    for k in range(HR // HCH):
        pltpu.sync_copy(hist_v.at[pl.ds(k * HCH, HCH)],
                        sh_hist.at[iota_v.at[k]], add=True)

    plsc.subcore_barrier()

    pltpu.sync_copy(sh_hist.at[pl.ds(sid * HSL, HSL)],
                    hist_v.at[pl.ds(0, HSL)])
    pltpu.sync_copy(hist_v.at[pl.ds(0, HSL)],
                    counts_hbm.at[cid].at[pl.ds(sid * HSL, HSL)])


@functools.partial(
    pl.kernel,
    out_type=jax.ShapeDtypeStruct((NSV, H), jnp.float32),
    mesh=_MESH,
    scratch_types=[
        pltpu.VMEM((SV_NCH, SV_CH), jnp.int32),
        pltpu.VMEM((SV_NCH, SV_CH), jnp.int32),
        pltpu.VMEM((SV_PER, H), jnp.float32),
        pltpu.VMEM((SV_PER, H), jnp.float32),
        pltpu.SemaphoreType.DMA,
        pltpu.SemaphoreType.DMA,
    ],
    compiler_params=pltpu.CompilerParams(use_tc_tiling_on_sc=False),
)
def _sv(s_hbm, v_hbm, wsh_hbm, wvh_hbm, out_hbm,
        sidx_v, vidx_v, srow_v, vrow_v, ssem, vsem):
    cid = lax.axis_index("c")
    sid = lax.axis_index("s")
    wid = sid * NC + cid
    base = wid * SV_PER

    pltpu.sync_copy(s_hbm.at[wid], sidx_v)
    pltpu.sync_copy(v_hbm.at[wid], vidx_v)

    copies = []
    for j in range(SV_NCH):
        copies.append(pltpu.async_copy(
            wsh_hbm.at[sidx_v.at[j]], srow_v.at[pl.ds(j * SV_CH, SV_CH)],
            ssem))
        copies.append(pltpu.async_copy(
            wvh_hbm.at[vidx_v.at[j]], vrow_v.at[pl.ds(j * SV_CH, SV_CH)],
            vsem))
    for c in copies:
        c.wait()

    @plsc.parallel_loop(0, SV_PER, step=1, unroll=2)
    def _(r):
        for j in range(H // 16):
            sl = pl.ds(j * 16, 16)
            srow_v[r, sl] = srow_v[r, sl] + vrow_v[r, sl]

    pltpu.sync_copy(srow_v, out_hbm.at[pl.ds(base, SV_PER)])


_BR = 7168
_MV_STEPS = 14


def _matvec_body(c_ref, wt_ref, o_ref):
    g = pl.program_id(0)
    c3 = c_ref[...]
    wt = wt_ref[...]
    cols = g * _BR + lax.broadcasted_iota(jnp.int32, (1, _BR), 1)
    wt = jnp.where(cols < ROWS, wt, 0.0)
    csum = (c3[0] + c3[1]).astype(jnp.float32)
    part = jnp.zeros((1, H), jnp.float32)
    for r in range(HSL):
        part += lax.dot_general(
            csum[r:r + 1, :], wt[:, r * 128:(r + 1) * 128],
            (((1,), (1,)), ((), ())),
            preferred_element_type=jnp.float32)

    @pl.when(g == 0)
    def _():
        o_ref[...] = jnp.zeros_like(o_ref)

    o_ref[...] += part


def _matvec(counts3, wah_t):
    out = pl.pallas_call(
        _matvec_body,
        grid=(_MV_STEPS,),
        in_specs=[
            pl.BlockSpec((NC, HSL, 128), lambda g: (0, g, 0)),
            pl.BlockSpec((H, _BR), lambda g: (0, g)),
        ],
        out_specs=pl.BlockSpec((1, H), lambda g: (0, 0)),
        out_shape=jax.ShapeDtypeStruct((1, H), jnp.float32),
    )(counts3, wah_t)
    return out[0]


def kernel(a, s, v, Wah, Wsh, Wvh):
    a = a.astype(jnp.int32)
    s = s.astype(jnp.int32).reshape(NW, SV_NCH, SV_CH)
    v = v.astype(jnp.int32).reshape(NW, SV_NCH, SV_CH)
    counts3 = _hist(a)
    a_emb = _matvec(counts3, Wah.T)
    sv_emb = _sv(s, v, Wsh, Wvh)
    return (a_emb, sv_emb)

# --- scband reference (transcript-rebuilt; emitter-appended) ---
"""Pipeline reference for scband-encoder-rnn-3813930959212 (READ-ONLY COPY).

The authoritative reference and input builder live on the scoring server;
editing this copy changes nothing except your own understanding.
"""

import jax, jax.numpy as jnp
import numpy as np

H = 64
DA = 100000
DS = 100000
DV = 100000


def _make_table(key, rows, hidden):
    W = 0.3 * jax.random.normal(key, (rows, hidden), dtype=jnp.float32)
    W = W.at[rows - 1, :].set(0.0)
    return jnp.clip(W, -1.0, 1.0)


def setup_inputs(seed: int = 0) -> dict:
    key = jax.random.key(seed)
    ks = jax.random.split(key, 6)
    a = jax.random.randint(ks[0], (819200,), 0, 100000)
    s = jax.random.randint(ks[1], (16384,), 0, 100000)
    v = jax.random.randint(ks[2], (16384,), 0, 100000)
    Wah = _make_table(ks[3], DA + 1, H)
    Wsh = _make_table(ks[4], DS + 1, H)
    Wvh = _make_table(ks[5], DV + 1, H)
    return {"a": a, "s": s, "v": v, "Wah": Wah, "Wsh": Wsh, "Wvh": Wvh}


def reference(a, s, v, Wah, Wsh, Wvh):
    # Faithful translation of EncoderRNN._emb (the module's embedding-lookup forward):
    # a_emb = sum over rows Wah[a, :]; s_emb = Wsh[s, :]; v_emb = Wvh[v, :]; sv_emb = s_emb + v_emb
    a_emb = jnp.sum(jnp.take(Wah, a, axis=0), axis=0)
    s_emb = jnp.take(Wsh, s, axis=0)
    v_emb = jnp.take(Wvh, v, axis=0)
    sv_emb = s_emb + v_emb
    return (a_emb, sv_emb)

if __name__ == "__main__":
    import jax
    _d = setup_inputs()
    print(jax.jit(kernel)(*tuple(_d.values())))

</pallas_src>

<mosaic_0001>
#map = affine_map<(d0, d1) -> (0, 0, 0)>
#map1 = affine_map<(d0, d1) -> (0, 0)>
module attributes {stable_mosaic.version = 14 : i64} {
  func.func @_sv(%arg0: i32, %arg1: i32, %arg2: memref<32x4x128xi32, #tpu.memory_space<hbm>>, %arg3: memref<32x4x128xi32, #tpu.memory_space<hbm>>, %arg4: memref<100001x64xf32, #tpu.memory_space<hbm>>, %arg5: memref<100001x64xf32, #tpu.memory_space<hbm>>, %arg6: memref<16384x64xf32, #tpu.memory_space<hbm>>, %arg7: memref<4x128xi32, #tpu.memory_space<vmem>>, %arg8: memref<4x128xi32, #tpu.memory_space<vmem>>, %arg9: memref<512x64xf32, #tpu.memory_space<vmem>>, %arg10: memref<512x64xf32, #tpu.memory_space<vmem>>, %arg11: memref<!tpu.dma_semaphore, #tpu.memory_space<semaphore_mem>>, %arg12: memref<!tpu.dma_semaphore, #tpu.memory_space<semaphore_mem>>) attributes {dimension_semantics = [#tpu.dimension_semantics<core_parallel>, #tpu.dimension_semantics<subcore_parallel>], iteration_bounds = array<i64: 2, 16>, scalar_prefetch = 0 : i64, scratch_operands = 6 : i64, tpu.core_type = #tpu.core_type<sc_vector_subcore>, window_params = [{transform_indices = #map}, {transform_indices = #map}, {transform_indices = #map1}, {transform_indices = #map1}, {transform_indices = #map1}]} {
    %mul3A = arith.constant 2 : i32
    %mul3A_0 = arith.muli %arg1, %mul3A : i32
    %add3A = arith.addi %mul3A_0, %arg0 : i32
    %mul3A_1 = arith.constant 512 : i32
    %mul3A_2 = arith.muli %add3A, %mul3A_1 : i32
    "tpu.region"() ({
      %run_scoped3A = tpu.sem_alloc : memref<!tpu.dma_semaphore, #tpu.memory_space<semaphore_mem>>
      %dma_start3A_163 = arith.constant 0 : i32
      %dma_start3A_164 = arith.constant 0 : i32
      %dma_start3A_165 = tpu.memref_slice %arg2[%add3A, %dma_start3A_163, %dma_start3A_164] : memref<32x4x128xi32, #tpu.memory_space<hbm>> -> memref<1x4x128xi32, #tpu.memory_space<hbm>>
      %dma_start3A_166 = tpu.memref_squeeze %dma_start3A_165 : memref<1x4x128xi32, #tpu.memory_space<hbm>> -> memref<4x128xi32, #tpu.memory_space<hbm>>
      %dma_start3A_167 = arith.constant 0 : i32
      %dma_start3A_168 = arith.constant 0 : i32
      %dma_start3A_169 = tpu.memref_slice %arg2[%add3A, %dma_start3A_167, %dma_start3A_168] : memref<32x4x128xi32, #tpu.memory_space<hbm>> -> memref<1x4x128xi32, #tpu.memory_space<hbm>>
      %dma_start3A_170 = tpu.memref_squeeze %dma_start3A_169 : memref<1x4x128xi32, #tpu.memory_space<hbm>> -> memref<4x128xi32, #tpu.memory_space<hbm>>
      tpu.enqueue_dma source(%dma_start3A_170 : memref<4x128xi32, #tpu.memory_space<hbm>>) target(%arg7 : memref<4x128xi32, #tpu.memory_space<vmem>>) target_semaphore(%run_scoped3A : memref<!tpu.dma_semaphore, #tpu.memory_space<semaphore_mem>>)
      %dma_wait3A_171 = arith.constant 0 : i32
      %dma_wait3A_172 = arith.constant 0 : i32
      %dma_wait3A_173 = tpu.memref_slice %arg2[%add3A, %dma_wait3A_171, %dma_wait3A_172] : memref<32x4x128xi32, #tpu.memory_space<hbm>> -> memref<1x4x128xi32, #tpu.memory_space<hbm>>
      %dma_wait3A_174 = tpu.memref_squeeze %dma_wait3A_173 : memref<1x4x128xi32, #tpu.memory_space<hbm>> -> memref<4x128xi32, #tpu.memory_space<hbm>>
      %dma_wait3A_175 = arith.constant 0 : i32
      %dma_wait3A_176 = arith.constant 0 : i32
      %dma_wait3A_177 = tpu.memref_slice %arg2[%add3A, %dma_wait3A_175, %dma_wait3A_176] : memref<32x4x128xi32, #tpu.memory_space<hbm>> -> memref<1x4x128xi32, #tpu.memory_space<hbm>>
      %dma_wait3A_178 = tpu.memref_squeeze %dma_wait3A_177 : memref<1x4x128xi32, #tpu.memory_space<hbm>> -> memref<4x128xi32, #tpu.memory_space<hbm>>
      tpu.wait_dma2 semaphore(%run_scoped3A : memref<!tpu.dma_semaphore, #tpu.memory_space<semaphore_mem>>) src(%dma_wait3A_178 : memref<4x128xi32, #tpu.memory_space<hbm>>) dst(%arg7 : memref<4x128xi32, #tpu.memory_space<vmem>>)
      tpu.yield
    }) : () -> ()
    "tpu.region"() ({
      %run_scoped3A = tpu.sem_alloc : memref<!tpu.dma_semaphore, #tpu.memory_space<semaphore_mem>>
      %dma_start3A_163 = arith.constant 0 : i32
      %dma_start3A_164 = arith.constant 0 : i32
      %dma_start3A_165 = tpu.memref_slice %arg3[%add3A, %dma_start3A_163, %dma_start3A_164] : memref<32x4x128xi32, #tpu.memory_space<hbm>> -> memref<1x4x128xi32, #tpu.memory_space<hbm>>
      %dma_start3A_166 = tpu.memref_squeeze %dma_start3A_165 : memref<1x4x128xi32, #tpu.memory_space<hbm>> -> memref<4x128xi32, #tpu.memory_space<hbm>>
      %dma_start3A_167 = arith.constant 0 : i32
      %dma_start3A_168 = arith.constant 0 : i32
      %dma_start3A_169 = tpu.memref_slice %arg3[%add3A, %dma_start3A_167, %dma_start3A_168] : memref<32x4x128xi32, #tpu.memory_space<hbm>> -> memref<1x4x128xi32, #tpu.memory_space<hbm>>
      %dma_start3A_170 = tpu.memref_squeeze %dma_start3A_169 : memref<1x4x128xi32, #tpu.memory_space<hbm>> -> memref<4x128xi32, #tpu.memory_space<hbm>>
      tpu.enqueue_dma source(%dma_start3A_170 : memref<4x128xi32, #tpu.memory_space<hbm>>) target(%arg8 : memref<4x128xi32, #tpu.memory_space<vmem>>) target_semaphore(%run_scoped3A : memref<!tpu.dma_semaphore, #tpu.memory_space<semaphore_mem>>)
      %dma_wait3A_171 = arith.constant 0 : i32
      %dma_wait3A_172 = arith.constant 0 : i32
      %dma_wait3A_173 = tpu.memref_slice %arg3[%add3A, %dma_wait3A_171, %dma_wait3A_172] : memref<32x4x128xi32, #tpu.memory_space<hbm>> -> memref<1x4x128xi32, #tpu.memory_space<hbm>>
      %dma_wait3A_174 = tpu.memref_squeeze %dma_wait3A_173 : memref<1x4x128xi32, #tpu.memory_space<hbm>> -> memref<4x128xi32, #tpu.memory_space<hbm>>
      %dma_wait3A_175 = arith.constant 0 : i32
      %dma_wait3A_176 = arith.constant 0 : i32
      %dma_wait3A_177 = tpu.memref_slice %arg3[%add3A, %dma_wait3A_175, %dma_wait3A_176] : memref<32x4x128xi32, #tpu.memory_space<hbm>> -> memref<1x4x128xi32, #tpu.memory_space<hbm>>
      %dma_wait3A_178 = tpu.memref_squeeze %dma_wait3A_177 : memref<1x4x128xi32, #tpu.memory_space<hbm>> -> memref<4x128xi32, #tpu.memory_space<hbm>>
      tpu.wait_dma2 semaphore(%run_scoped3A : memref<!tpu.dma_semaphore, #tpu.memory_space<semaphore_mem>>) src(%dma_wait3A_178 : memref<4x128xi32, #tpu.memory_space<hbm>>) dst(%arg8 : memref<4x128xi32, #tpu.memory_space<vmem>>)
      tpu.yield
    }) : () -> ()
    %dma_start3A = arith.constant 0 : i32
    %dma_start3A_3 = arith.constant 0 : i32
    %dma_start3A_4 = arith.constant 0 : i32
    %dma_start3A_5 = tpu.memref_slice %arg9[%dma_start3A_3, %dma_start3A_4] : memref<512x64xf32, #tpu.memory_space<vmem>> -> memref<128x64xf32, #tpu.memory_space<vmem>>
    %dma_start3A_6 = arith.constant 0 : i32
    %dma_start3A_7 = tpu.memref_slice %arg7[%dma_start3A, %dma_start3A_6] : memref<4x128xi32, #tpu.memory_space<vmem>> -> memref<1x128xi32, #tpu.memory_space<vmem>>
    %dma_start3A_8 = tpu.memref_squeeze %dma_start3A_7 : memref<1x128xi32, #tpu.memory_space<vmem>> -> memref<128xi32, #tpu.memory_space<vmem>>
    %dma_start3A_9 = arith.constant 0 : i32
    %dma_start3A_10 = arith.constant 0 : i32
    %dma_start3A_11 = tpu.memref_slice %arg4[%dma_start3A_9, %dma_start3A_10] : memref<100001x64xf32, #tpu.memory_space<hbm>> -> memref<100001x64xf32, #tpu.memory_space<hbm>>
    tpu.enqueue_indirect_dma source(%dma_start3A_11 : memref<100001x64xf32, #tpu.memory_space<hbm>>) target(%dma_start3A_5 : memref<128x64xf32, #tpu.memory_space<vmem>>) offsets(%dma_start3A_8 : memref<128xi32, #tpu.memory_space<vmem>>) semaphore(%arg11 : memref<!tpu.dma_semaphore, #tpu.memory_space<semaphore_mem>>)
    %dma_start3A_12 = arith.constant 0 : i32
    %dma_start3A_13 = arith.constant 0 : i32
    %dma_start3A_14 = arith.constant 0 : i32
    %dma_start3A_15 = tpu.memref_slice %arg10[%dma_start3A_13, %dma_start3A_14] : memref<512x64xf32, #tpu.memory_space<vmem>> -> memref<128x64xf32, #tpu.memory_space<vmem>>
    %dma_start3A_16 = arith.constant 0 : i32
    %dma_start3A_17 = tpu.memref_slice %arg8[%dma_start3A_12, %dma_start3A_16] : memref<4x128xi32, #tpu.memory_space<vmem>> -> memref<1x128xi32, #tpu.memory_space<vmem>>
    %dma_start3A_18 = tpu.memref_squeeze %dma_start3A_17 : memref<1x128xi32, #tpu.memory_space<vmem>> -> memref<128xi32, #tpu.memory_space<vmem>>
    %dma_start3A_19 = arith.constant 0 : i32
    %dma_start3A_20 = arith.constant 0 : i32
    %dma_start3A_21 = tpu.memref_slice %arg5[%dma_start3A_19, %dma_start3A_20] : memref<100001x64xf32, #tpu.memory_space<hbm>> -> memref<100001x64xf32, #tpu.memory_space<hbm>>
    tpu.enqueue_indirect_dma source(%dma_start3A_21 : memref<100001x64xf32, #tpu.memory_space<hbm>>) target(%dma_start3A_15 : memref<128x64xf32, #tpu.memory_space<vmem>>) offsets(%dma_start3A_18 : memref<128xi32, #tpu.memory_space<vmem>>) semaphore(%arg12 : memref<!tpu.dma_semaphore, #tpu.memory_space<semaphore_mem>>)
    %dma_start3A_22 = arith.constant 1 : i32
    %dma_start3A_23 = arith.constant 128 : i32
    %dma_start3A_24 = arith.constant 0 : i32
    %dma_start3A_25 = tpu.memref_slice %arg9[%dma_start3A_23, %dma_start3A_24] : memref<512x64xf32, #tpu.memory_space<vmem>> -> memref<128x64xf32, #tpu.memory_space<vmem>>
    %dma_start3A_26 = arith.constant 0 : i32
    %dma_start3A_27 = tpu.memref_slice %arg7[%dma_start3A_22, %dma_start3A_26] : memref<4x128xi32, #tpu.memory_space<vmem>> -> memref<1x128xi32, #tpu.memory_space<vmem>>
    %dma_start3A_28 = tpu.memref_squeeze %dma_start3A_27 : memref<1x128xi32, #tpu.memory_space<vmem>> -> memref<128xi32, #tpu.memory_space<vmem>>
    %dma_start3A_29 = arith.constant 0 : i32
    %dma_start3A_30 = arith.constant 0 : i32
    %dma_start3A_31 = tpu.memref_slice %arg4[%dma_start3A_29, %dma_start3A_30] : memref<100001x64xf32, #tpu.memory_space<hbm>> -> memref<100001x64xf32, #tpu.memory_space<hbm>>
    tpu.enqueue_indirect_dma source(%dma_start3A_31 : memref<100001x64xf32, #tpu.memory_space<hbm>>) target(%dma_start3A_25 : memref<128x64xf32, #tpu.memory_space<vmem>>) offsets(%dma_start3A_28 : memref<128xi32, #tpu.memory_space<vmem>>) semaphore(%arg11 : memref<!tpu.dma_semaphore, #tpu.memory_space<semaphore_mem>>)
    %dma_start3A_32 = arith.constant 1 : i32
    %dma_start3A_33 = arith.constant 128 : i32
    %dma_start3A_34 = arith.constant 0 : i32
    %dma_start3A_35 = tpu.memref_slice %arg10[%dma_start3A_33, %dma_start3A_34] : memref<512x64xf32, #tpu.memory_space<vmem>> -> memref<128x64xf32, #tpu.memory_space<vmem>>
    %dma_start3A_36 = arith.constant 0 : i32
    %dma_start3A_37 = tpu.memref_slice %arg8[%dma_start3A_32, %dma_start3A_36] : memref<4x128xi32, #tpu.memory_space<vmem>> -> memref<1x128xi32, #tpu.memory_space<vmem>>
    %dma_start3A_38 = tpu.memref_squeeze %dma_start3A_37 : memref<1x128xi32, #tpu.memory_space<vmem>> -> memref<128xi32, #tpu.memory_space<vmem>>
    %dma_start3A_39 = arith.constant 0 : i32
    %dma_start3A_40 = arith.constant 0 : i32
    %dma_start3A_41 = tpu.memref_slice %arg5[%dma_start3A_39, %dma_start3A_40] : memref<100001x64xf32, #tpu.memory_space<hbm>> -> memref<100001x64xf32, #tpu.memory_space<hbm>>
    tpu.enqueue_indirect_dma source(%dma_start3A_41 : memref<100001x64xf32, #tpu.memory_space<hbm>>) target(%dma_start3A_35 : memref<128x64xf32, #tpu.memory_space<vmem>>) offsets(%dma_start3A_38 : memref<128xi32, #tpu.memory_space<vmem>>) semaphore(%arg12 : memref<!tpu.dma_semaphore, #tpu.memory_space<semaphore_mem>>)
    %dma_start3A_42 = arith.constant 2 : i32
    %dma_start3A_43 = arith.constant 256 : i32
    %dma_start3A_44 = arith.constant 0 : i32
    %dma_start3A_45 = tpu.memref_slice %arg9[%dma_start3A_43, %dma_start3A_44] : memref<512x64xf32, #tpu.memory_space<vmem>> -> memref<128x64xf32, #tpu.memory_space<vmem>>
    %dma_start3A_46 = arith.constant 0 : i32
    %dma_start3A_47 = tpu.memref_slice %arg7[%dma_start3A_42, %dma_start3A_46] : memref<4x128xi32, #tpu.memory_space<vmem>> -> memref<1x128xi32, #tpu.memory_space<vmem>>
    %dma_start3A_48 = tpu.memref_squeeze %dma_start3A_47 : memref<1x128xi32, #tpu.memory_space<vmem>> -> memref<128xi32, #tpu.memory_space<vmem>>
    %dma_start3A_49 = arith.constant 0 : i32
    %dma_start3A_50 = arith.constant 0 : i32
    %dma_start3A_51 = tpu.memref_slice %arg4[%dma_start3A_49, %dma_start3A_50] : memref<100001x64xf32, #tpu.memory_space<hbm>> -> memref<100001x64xf32, #tpu.memory_space<hbm>>
    tpu.enqueue_indirect_dma source(%dma_start3A_51 : memref<100001x64xf32, #tpu.memory_space<hbm>>) target(%dma_start3A_45 : memref<128x64xf32, #tpu.memory_space<vmem>>) offsets(%dma_start3A_48 : memref<128xi32, #tpu.memory_space<vmem>>) semaphore(%arg11 : memref<!tpu.dma_semaphore, #tpu.memory_space<semaphore_mem>>)
    %dma_start3A_52 = arith.constant 2 : i32
    %dma_start3A_53 = arith.constant 256 : i32
    %dma_start3A_54 = arith.constant 0 : i32
    %dma_start3A_55 = tpu.memref_slice %arg10[%dma_start3A_53, %dma_start3A_54] : memref<512x64xf32, #tpu.memory_space<vmem>> -> memref<128x64xf32, #tpu.memory_space<vmem>>
    %dma_start3A_56 = arith.constant 0 : i32
    %dma_start3A_57 = tpu.memref_slice %arg8[%dma_start3A_52, %dma_start3A_56] : memref<4x128xi32, #tpu.memory_space<vmem>> -> memref<1x128xi32, #tpu.memory_space<vmem>>
    %dma_start3A_58 = tpu.memref_squeeze %dma_start3A_57 : memref<1x128xi32, #tpu.memory_space<vmem>> -> memref<128xi32, #tpu.memory_space<vmem>>
    %dma_start3A_59 = arith.constant 0 : i32
    %dma_start3A_60 = arith.constant 0 : i32
    %dma_start3A_61 = tpu.memref_slice %arg5[%dma_start3A_59, %dma_start3A_60] : memref<100001x64xf32, #tpu.memory_space<hbm>> -> memref<100001x64xf32, #tpu.memory_space<hbm>>
    tpu.enqueue_indirect_dma source(%dma_start3A_61 : memref<100001x64xf32, #tpu.memory_space<hbm>>) target(%dma_start3A_55 : memref<128x64xf32, #tpu.memory_space<vmem>>) offsets(%dma_start3A_58 : memref<128xi32, #tpu.memory_space<vmem>>) semaphore(%arg12 : memref<!tpu.dma_semaphore, #tpu.memory_space<semaphore_mem>>)
    %dma_start3A_62 = arith.constant 3 : i32
    %dma_start3A_63 = arith.constant 384 : i32
    %dma_start3A_64 = arith.constant 0 : i32
    %dma_start3A_65 = tpu.memref_slice %arg9[%dma_start3A_63, %dma_start3A_64] : memref<512x64xf32, #tpu.memory_space<vmem>> -> memref<128x64xf32, #tpu.memory_space<vmem>>
    %dma_start3A_66 = arith.constant 0 : i32
    %dma_start3A_67 = tpu.memref_slice %arg7[%dma_start3A_62, %dma_start3A_66] : memref<4x128xi32, #tpu.memory_space<vmem>> -> memref<1x128xi32, #tpu.memory_space<vmem>>
    %dma_start3A_68 = tpu.memref_squeeze %dma_start3A_67 : memref<1x128xi32, #tpu.memory_space<vmem>> -> memref<128xi32, #tpu.memory_space<vmem>>
    %dma_start3A_69 = arith.constant 0 : i32
    %dma_start3A_70 = arith.constant 0 : i32
    %dma_start3A_71 = tpu.memref_slice %arg4[%dma_start3A_69, %dma_start3A_70] : memref<100001x64xf32, #tpu.memory_space<hbm>> -> memref<100001x64xf32, #tpu.memory_space<hbm>>
    tpu.enqueue_indirect_dma source(%dma_start3A_71 : memref<100001x64xf32, #tpu.memory_space<hbm>>) target(%dma_start3A_65 : memref<128x64xf32, #tpu.memory_space<vmem>>) offsets(%dma_start3A_68 : memref<128xi32, #tpu.memory_space<vmem>>) semaphore(%arg11 : memref<!tpu.dma_semaphore, #tpu.memory_space<semaphore_mem>>)
    %dma_start3A_72 = arith.constant 3 : i32
    %dma_start3A_73 = arith.constant 384 : i32
    %dma_start3A_74 = arith.constant 0 : i32
    %dma_start3A_75 = tpu.memref_slice %arg10[%dma_start3A_73, %dma_start3A_74] : memref<512x64xf32, #tpu.memory_space<vmem>> -> memref<128x64xf32, #tpu.memory_space<vmem>>
    %dma_start3A_76 = arith.constant 0 : i32
    %dma_start3A_77 = tpu.memref_slice %arg8[%dma_start3A_72, %dma_start3A_76] : memref<4x128xi32, #tpu.memory_space<vmem>> -> memref<1x128xi32, #tpu.memory_space<vmem>>
    %dma_start3A_78 = tpu.memref_squeeze %dma_start3A_77 : memref<1x128xi32, #tpu.memory_space<vmem>> -> memref<128xi32, #tpu.memory_space<vmem>>
    %dma_start3A_79 = arith.constant 0 : i32
    %dma_start3A_80 = arith.constant 0 : i32
    %dma_start3A_81 = tpu.memref_slice %arg5[%dma_start3A_79, %dma_start3A_80] : memref<100001x64xf32, #tpu.memory_space<hbm>> -> memref<100001x64xf32, #tpu.memory_space<hbm>>
    tpu.enqueue_indirect_dma source(%dma_start3A_81 : memref<100001x64xf32, #tpu.memory_space<hbm>>) target(%dma_start3A_75 : memref<128x64xf32, #tpu.memory_space<vmem>>) offsets(%dma_start3A_78 : memref<128xi32, #tpu.memory_space<vmem>>) semaphore(%arg12 : memref<!tpu.dma_semaphore, #tpu.memory_space<semaphore_mem>>)
    %dma_wait3A = arith.constant 0 : i32
    %dma_wait3A_82 = arith.constant 0 : i32
    %dma_wait3A_83 = arith.constant 0 : i32
    %dma_wait3A_84 = tpu.memref_slice %arg9[%dma_wait3A_82, %dma_wait3A_83] : memref<512x64xf32, #tpu.memory_space<vmem>> -> memref<128x64xf32, #tpu.memory_space<vmem>>
    %dma_wait3A_85 = arith.constant 0 : i32
    %dma_wait3A_86 = tpu.memref_slice %arg7[%dma_wait3A, %dma_wait3A_85] : memref<4x128xi32, #tpu.memory_space<vmem>> -> memref<1x128xi32, #tpu.memory_space<vmem>>
    %dma_wait3A_87 = tpu.memref_squeeze %dma_wait3A_86 : memref<1x128xi32, #tpu.memory_space<vmem>> -> memref<128xi32, #tpu.memory_space<vmem>>
    %dma_wait3A_88 = arith.constant 0 : i32
    %dma_wait3A_89 = arith.constant 0 : i32
    %dma_wait3A_90 = tpu.memref_slice %arg4[%dma_wait3A_88, %dma_wait3A_89] : memref<100001x64xf32, #tpu.memory_space<hbm>> -> memref<100001x64xf32, #tpu.memory_space<hbm>>
    tpu.wait_indirect_dma semaphore(%arg11 : memref<!tpu.dma_semaphore, #tpu.memory_space<semaphore_mem>>) src(%dma_wait3A_90 : memref<100001x64xf32, #tpu.memory_space<hbm>>) dst(%dma_wait3A_84 : memref<128x64xf32, #tpu.memory_space<vmem>>)
    %dma_wait3A_91 = arith.constant 0 : i32
    %dma_wait3A_92 = arith.constant 0 : i32
    %dma_wait3A_93 = arith.constant 0 : i32
    %dma_wait3A_94 = tpu.memref_slice %arg10[%dma_wait3A_92, %dma_wait3A_93] : memref<512x64xf32, #tpu.memory_space<vmem>> -> memref<128x64xf32, #tpu.memory_space<vmem>>
    %dma_wait3A_95 = arith.constant 0 : i32
    %dma_wait3A_96 = tpu.memref_slice %arg8[%dma_wait3A_91, %dma_wait3A_95] : memref<4x128xi32, #tpu.memory_space<vmem>> -> memref<1x128xi32, #tpu.memory_space<vmem>>
    %dma_wait3A_97 = tpu.memref_squeeze %dma_wait3A_96 : memref<1x128xi32, #tpu.memory_space<vmem>> -> memref<128xi32, #tpu.memory_space<vmem>>
    %dma_wait3A_98 = arith.constant 0 : i32
    %dma_wait3A_99 = arith.constant 0 : i32
    %dma_wait3A_100 = tpu.memref_slice %arg5[%dma_wait3A_98, %dma_wait3A_99] : memref<100001x64xf32, #tpu.memory_space<hbm>> -> memref<100001x64xf32, #tpu.memory_space<hbm>>
    tpu.wait_indirect_dma semaphore(%arg12 : memref<!tpu.dma_semaphore, #tpu.memory_space<semaphore_mem>>) src(%dma_wait3A_100 : memref<100001x64xf32, #tpu.memory_space<hbm>>) dst(%dma_wait3A_94 : memref<128x64xf32, #tpu.memory_space<vmem>>)
    %dma_wait3A_101 = arith.constant 1 : i32
    %dma_wait3A_102 = arith.constant 128 : i32
    %dma_wait3A_103 = arith.constant 0 : i32
    %dma_wait3A_104 = tpu.memref_slice %arg9[%dma_wait3A_102, %dma_wait3A_103] : memref<512x64xf32, #tpu.memory_space<vmem>> -> memref<128x64xf32, #tpu.memory_space<vmem>>
    %dma_wait3A_105 = arith.constant 0 : i32
    %dma_wait3A_106 = tpu.memref_slice %arg7[%dma_wait3A_101, %dma_wait3A_105] : memref<4x128xi32, #tpu.memory_space<vmem>> -> memref<1x128xi32, #tpu.memory_space<vmem>>
    %dma_wait3A_107 = tpu.memref_squeeze %dma_wait3A_106 : memref<1x128xi32, #tpu.memory_space<vmem>> -> memref<128xi32, #tpu.memory_space<vmem>>
    %dma_wait3A_108 = arith.constant 0 : i32
    %dma_wait3A_109 = arith.constant 0 : i32
    %dma_wait3A_110 = tpu.memref_slice %arg4[%dma_wait3A_108, %dma_wait3A_109] : memref<100001x64xf32, #tpu.memory_space<hbm>> -> memref<100001x64xf32, #tpu.memory_space<hbm>>
    tpu.wait_indirect_dma semaphore(%arg11 : memref<!tpu.dma_semaphore, #tpu.memory_space<semaphore_mem>>) src(%dma_wait3A_110 : memref<100001x64xf32, #tpu.memory_space<hbm>>) dst(%dma_wait3A_104 : memref<128x64xf32, #tpu.memory_space<vmem>>)
    %dma_wait3A_111 = arith.constant 1 : i32
    %dma_wait3A_112 = arith.constant 128 : i32
    %dma_wait3A_113 = arith.constant 0 : i32
    %dma_wait3A_114 = tpu.memref_slice %arg10[%dma_wait3A_112, %dma_wait3A_113] : memref<512x64xf32, #tpu.memory_space<vmem>> -> memref<128x64xf32, #tpu.memory_space<vmem>>
    %dma_wait3A_115 = arith.constant 0 : i32
    %dma_wait3A_116 = tpu.memref_slice %arg8[%dma_wait3A_111, %dma_wait3A_115] : memref<4x128xi32, #tpu.memory_space<vmem>> -> memref<1x128xi32, #tpu.memory_space<vmem>>
    %dma_wait3A_117 = tpu.memref_squeeze %dma_wait3A_116 : memref<1x128xi32, #tpu.memory_space<vmem>> -> memref<128xi32, #tpu.memory_space<vmem>>
    %dma_wait3A_118 = arith.constant 0 : i32
    %dma_wait3A_119 = arith.constant 0 : i32
    %dma_wait3A_120 = tpu.memref_slice %arg5[%dma_wait3A_118, %dma_wait3A_119] : memref<100001x64xf32, #tpu.memory_space<hbm>> -> memref<100001x64xf32, #tpu.memory_space<hbm>>
    tpu.wait_indirect_dma semaphore(%arg12 : memref<!tpu.dma_semaphore, #tpu.memory_space<semaphore_mem>>) src(%dma_wait3A_120 : memref<100001x64xf32, #tpu.memory_space<hbm>>) dst(%dma_wait3A_114 : memref<128x64xf32, #tpu.memory_space<vmem>>)
    %dma_wait3A_121 = arith.constant 2 : i32
    %dma_wait3A_122 = arith.constant 256 : i32
    %dma_wait3A_123 = arith.constant 0 : i32
    %dma_wait3A_124 = tpu.memref_slice %arg9[%dma_wait3A_122, %dma_wait3A_123] : memref<512x64xf32, #tpu.memory_space<vmem>> -> memref<128x64xf32, #tpu.memory_space<vmem>>
    %dma_wait3A_125 = arith.constant 0 : i32
    %dma_wait3A_126 = tpu.memref_slice %arg7[%dma_wait3A_121, %dma_wait3A_125] : memref<4x128xi32, #tpu.memory_space<vmem>> -> memref<1x128xi32, #tpu.memory_space<vmem>>
    %dma_wait3A_127 = tpu.memref_squeeze %dma_wait3A_126 : memref<1x128xi32, #tpu.memory_space<vmem>> -> memref<128xi32, #tpu.memory_space<vmem>>
    %dma_wait3A_128 = arith.constant 0 : i32
    %dma_wait3A_129 = arith.constant 0 : i32
    %dma_wait3A_130 = tpu.memref_slice %arg4[%dma_wait3A_128, %dma_wait3A_129] : memref<100001x64xf32, #tpu.memory_space<hbm>> -> memref<100001x64xf32, #tpu.memory_space<hbm>>
    tpu.wait_indirect_dma semaphore(%arg11 : memref<!tpu.dma_semaphore, #tpu.memory_space<semaphore_mem>>) src(%dma_wait3A_130 : memref<100001x64xf32, #tpu.memory_space<hbm>>) dst(%dma_wait3A_124 : memref<128x64xf32, #tpu.memory_space<vmem>>)
    %dma_wait3A_131 = arith.constant 2 : i32
    %dma_wait3A_132 = arith.constant 256 : i32
    %dma_wait3A_133 = arith.constant 0 : i32
    %dma_wait3A_134 = tpu.memref_slice %arg10[%dma_wait3A_132, %dma_wait3A_133] : memref<512x64xf32, #tpu.memory_space<vmem>> -> memref<128x64xf32, #tpu.memory_space<vmem>>
    %dma_wait3A_135 = arith.constant 0 : i32
    %dma_wait3A_136 = tpu.memref_slice %arg8[%dma_wait3A_131, %dma_wait3A_135] : memref<4x128xi32, #tpu.memory_space<vmem>> -> memref<1x128xi32, #tpu.memory_space<vmem>>
    %dma_wait3A_137 = tpu.memref_squeeze %dma_wait3A_136 : memref<1x128xi32, #tpu.memory_space<vmem>> -> memref<128xi32, #tpu.memory_space<vmem>>
    %dma_wait3A_138 = arith.constant 0 : i32
    %dma_wait3A_139 = arith.constant 0 : i32
    %dma_wait3A_140 = tpu.memref_slice %arg5[%dma_wait3A_138, %dma_wait3A_139] : memref<100001x64xf32, #tpu.memory_space<hbm>> -> memref<100001x64xf32, #tpu.memory_space<hbm>>
    tpu.wait_indirect_dma semaphore(%arg12 : memref<!tpu.dma_semaphore, #tpu.memory_space<semaphore_mem>>) src(%dma_wait3A_140 : memref<100001x64xf32, #tpu.memory_space<hbm>>) dst(%dma_wait3A_134 : memref<128x64xf32, #tpu.memory_space<vmem>>)
    %dma_wait3A_141 = arith.constant 3 : i32
    %dma_wait3A_142 = arith.constant 384 : i32
    %dma_wait3A_143 = arith.constant 0 : i32
    %dma_wait3A_144 = tpu.memref_slice %arg9[%dma_wait3A_142, %dma_wait3A_143] : memref<512x64xf32, #tpu.memory_space<vmem>> -> memref<128x64xf32, #tpu.memory_space<vmem>>
    %dma_wait3A_145 = arith.constant 0 : i32
    %dma_wait3A_146 = tpu.memref_slice %arg7[%dma_wait3A_141, %dma_wait3A_145] : memref<4x128xi32, #tpu.memory_space<vmem>> -> memref<1x128xi32, #tpu.memory_space<vmem>>
    %dma_wait3A_147 = tpu.memref_squeeze %dma_wait3A_146 : memref<1x128xi32, #tpu.memory_space<vmem>> -> memref<128xi32, #tpu.memory_space<vmem>>
    %dma_wait3A_148 = arith.constant 0 : i32
    %dma_wait3A_149 = arith.constant 0 : i32
    %dma_wait3A_150 = tpu.memref_slice %arg4[%dma_wait3A_148, %dma_wait3A_149] : memref<100001x64xf32, #tpu.memory_space<hbm>> -> memref<100001x64xf32, #tpu.memory_space<hbm>>
    tpu.wait_indirect_dma semaphore(%arg11 : memref<!tpu.dma_semaphore, #tpu.memory_space<semaphore_mem>>) src(%dma_wait3A_150 : memref<100001x64xf32, #tpu.memory_space<hbm>>) dst(%dma_wait3A_144 : memref<128x64xf32, #tpu.memory_space<vmem>>)
    %dma_wait3A_151 = arith.constant 3 : i32
    %dma_wait3A_152 = arith.constant 384 : i32
    %dma_wait3A_153 = arith.constant 0 : i32
    %dma_wait3A_154 = tpu.memref_slice %arg10[%dma_wait3A_152, %dma_wait3A_153] : memref<512x64xf32, #tpu.memory_space<vmem>> -> memref<128x64xf32, #tpu.memory_space<vmem>>
    %dma_wait3A_155 = arith.constant 0 : i32
    %dma_wait3A_156 = tpu.memref_slice %arg8[%dma_wait3A_151, %dma_wait3A_155] : memref<4x128xi32, #tpu.memory_space<vmem>> -> memref<1x128xi32, #tpu.memory_space<vmem>>
    %dma_wait3A_157 = tpu.memref_squeeze %dma_wait3A_156 : memref<1x128xi32, #tpu.memory_space<vmem>> -> memref<128xi32, #tpu.memory_space<vmem>>
    %dma_wait3A_158 = arith.constant 0 : i32
    %dma_wait3A_159 = arith.constant 0 : i32
    %dma_wait3A_160 = tpu.memref_slice %arg5[%dma_wait3A_158, %dma_wait3A_159] : memref<100001x64xf32, #tpu.memory_space<hbm>> -> memref<100001x64xf32, #tpu.memory_space<hbm>>
    tpu.wait_indirect_dma semaphore(%arg12 : memref<!tpu.dma_semaphore, #tpu.memory_space<semaphore_mem>>) src(%dma_wait3A_160 : memref<100001x64xf32, #tpu.memory_space<hbm>>) dst(%dma_wait3A_154 : memref<128x64xf32, #tpu.memory_space<vmem>>)
    %parallel_loop3A = arith.constant 0 : i32
    %parallel_loop3A_161 = arith.constant 512 : i32
    %parallel_loop3A_162 = arith.constant 1 : i32
    scf.for %parallel_loop3A_163 = %parallel_loop3A to %parallel_loop3A_161 step %parallel_loop3A_162  : i32 {
      %parallel_loop3A_164 = arith.index_cast %parallel_loop3A_163 : i32 to index
      %parallel_loop3A_165 = arith.constant 0 : index
      %parallel_loop3A_166 = tpu.vector_load %arg9[%parallel_loop3A_164, %parallel_loop3A_165] {strides = array<i32>} : memref<512x64xf32, #tpu.memory_space<vmem>>, vector<1x16xf32>,
      %parallel_loop3A_167 = vector.shape_cast %parallel_loop3A_166 : vector<1x16xf32> to vector<16xf32>
      %parallel_loop3A_168 = arith.index_cast %parallel_loop3A_163 : i32 to index
      %parallel_loop3A_169 = arith.constant 0 : index
      %parallel_loop3A_170 = tpu.vector_load %arg10[%parallel_loop3A_168, %parallel_loop3A_169] {strides = array<i32>} : memref<512x64xf32, #tpu.memory_space<vmem>>, vector<1x16xf32>,
      %parallel_loop3A_171 = vector.shape_cast %parallel_loop3A_170 : vector<1x16xf32> to vector<16xf32>
      %parallel_loop3A_172 = arith.addf %parallel_loop3A_167, %parallel_loop3A_171 : vector<16xf32>
      %parallel_loop3A_173 = arith.index_cast %parallel_loop3A_163 : i32 to index
      %parallel_loop3A_174 = arith.constant 0 : index
      %parallel_loop3A_175 = tpu.vector_load %arg9[%parallel_loop3A_173, %parallel_loop3A_174] {strides = array<i32>} : memref<512x64xf32, #tpu.memory_space<vmem>>, vector<1x16xf32>,
      %parallel_loop3A_176 = vector.shape_cast %parallel_loop3A_175 : vector<1x16xf32> to vector<16xf32>
      %parallel_loop3A_177 = vector.shape_cast %parallel_loop3A_172 : vector<16xf32> to vector<1x16xf32>
      tpu.vector_store %arg9[%parallel_loop3A_173, %parallel_loop3A_174], %parallel_loop3A_177 {strides = array<i32>} : memref<512x64xf32, #tpu.memory_space<vmem>>, vector<1x16xf32>,
      %parallel_loop3A_178 = arith.index_cast %parallel_loop3A_163 : i32 to index
      %parallel_loop3A_179 = arith.constant 16 : index
      %parallel_loop3A_180 = tpu.vector_load %arg9[%parallel_loop3A_178, %parallel_loop3A_179] {strides = array<i32>} : memref<512x64xf32, #tpu.memory_space<vmem>>, vector<1x16xf32>,
      %parallel_loop3A_181 = vector.shape_cast %parallel_loop3A_180 : vector<1x16xf32> to vector<16xf32>
      %parallel_loop3A_182 = arith.index_cast %parallel_loop3A_163 : i32 to index
      %parallel_loop3A_183 = arith.constant 16 : index
      %parallel_loop3A_184 = tpu.vector_load %arg10[%parallel_loop3A_182, %parallel_loop3A_183] {strides = array<i32>} : memref<512x64xf32, #tpu.memory_space<vmem>>, vector<1x16xf32>,
      %parallel_loop3A_185 = vector.shape_cast %parallel_loop3A_184 : vector<1x16xf32> to vector<16xf32>
      %parallel_loop3A_186 = arith.addf %parallel_loop3A_181, %parallel_loop3A_185 : vector<16xf32>
      %parallel_loop3A_187 = arith.index_cast %parallel_loop3A_163 : i32 to index
      %parallel_loop3A_188 = arith.constant 16 : index
      %parallel_loop3A_189 = tpu.vector_load %arg9[%parallel_loop3A_187, %parallel_loop3A_188] {strides = array<i32>} : memref<512x64xf32, #tpu.memory_space<vmem>>, vector<1x16xf32>,
      %parallel_loop3A_190 = vector.shape_cast %parallel_loop3A_189 : vector<1x16xf32> to vector<16xf32>
      %parallel_loop3A_191 = vector.shape_cast %parallel_loop3A_186 : vector<16xf32> to vector<1x16xf32>
      tpu.vector_store %arg9[%parallel_loop3A_187, %parallel_loop3A_188], %parallel_loop3A_191 {strides = array<i32>} : memref<512x64xf32, #tpu.memory_space<vmem>>, vector<1x16xf32>,
      %parallel_loop3A_192 = arith.index_cast %parallel_loop3A_163 : i32 to index
      %parallel_loop3A_193 = arith.constant 32 : index
      %parallel_loop3A_194 = tpu.vector_load %arg9[%parallel_loop3A_192, %parallel_loop3A_193] {strides = array<i32>} : memref<512x64xf32, #tpu.memory_space<vmem>>, vector<1x16xf32>,
      %parallel_loop3A_195 = vector.shape_cast %parallel_loop3A_194 : vector<1x16xf32> to vector<16xf32>
      %parallel_loop3A_196 = arith.index_cast %parallel_loop3A_163 : i32 to index
      %parallel_loop3A_197 = arith.constant 32 : index
      %parallel_loop3A_198 = tpu.vector_load %arg10[%parallel_loop3A_196, %parallel_loop3A_197] {strides = array<i32>} : memref<512x64xf32, #tpu.memory_space<vmem>>, vector<1x16xf32>,
      %parallel_loop3A_199 = vector.shape_cast %parallel_loop3A_198 : vector<1x16xf32> to vector<16xf32>
      %parallel_loop3A_200 = arith.addf %parallel_loop3A_195, %parallel_loop3A_199 : vector<16xf32>
      %parallel_loop3A_201 = arith.index_cast %parallel_loop3A_163 : i32 to index
      %parallel_loop3A_202 = arith.constant 32 : index
      %parallel_loop3A_203 = tpu.vector_load %arg9[%parallel_loop3A_201, %parallel_loop3A_202] {strides = array<i32>} : memref<512x64xf32, #tpu.memory_space<vmem>>, vector<1x16xf32>,
      %parallel_loop3A_204 = vector.shape_cast %parallel_loop3A_203 : vector<1x16xf32> to vector<16xf32>
      %parallel_loop3A_205 = vector.shape_cast %parallel_loop3A_200 : vector<16xf32> to vector<1x16xf32>
      tpu.vector_store %arg9[%parallel_loop3A_201, %parallel_loop3A_202], %parallel_loop3A_205 {strides = array<i32>} : memref<512x64xf32, #tpu.memory_space<vmem>>, vector<1x16xf32>,
      %parallel_loop3A_206 = arith.index_cast %parallel_loop3A_163 : i32 to index
      %parallel_loop3A_207 = arith.constant 48 : index
      %parallel_loop3A_208 = tpu.vector_load %arg9[%parallel_loop3A_206, %parallel_loop3A_207] {strides = array<i32>} : memref<512x64xf32, #tpu.memory_space<vmem>>, vector<1x16xf32>,
      %parallel_loop3A_209 = vector.shape_cast %parallel_loop3A_208 : vector<1x16xf32> to vector<16xf32>
      %parallel_loop3A_210 = arith.index_cast %parallel_loop3A_163 : i32 to index
      %parallel_loop3A_211 = arith.constant 48 : index
      %parallel_loop3A_212 = tpu.vector_load %arg10[%parallel_loop3A_210, %parallel_loop3A_211] {strides = array<i32>} : memref<512x64xf32, #tpu.memory_space<vmem>>, vector<1x16xf32>,
      %parallel_loop3A_213 = vector.shape_cast %parallel_loop3A_212 : vector<1x16xf32> to vector<16xf32>
      %parallel_loop3A_214 = arith.addf %parallel_loop3A_209, %parallel_loop3A_213 : vector<16xf32>
      %parallel_loop3A_215 = arith.index_cast %parallel_loop3A_163 : i32 to index
      %parallel_loop3A_216 = arith.constant 48 : index
      %parallel_loop3A_217 = tpu.vector_load %arg9[%parallel_loop3A_215, %parallel_loop3A_216] {strides = array<i32>} : memref<512x64xf32, #tpu.memory_space<vmem>>, vector<1x16xf32>,
      %parallel_loop3A_218 = vector.shape_cast %parallel_loop3A_217 : vector<1x16xf32> to vector<16xf32>
      %parallel_loop3A_219 = vector.shape_cast %parallel_loop3A_214 : vector<16xf32> to vector<1x16xf32>
      tpu.vector_store %arg9[%parallel_loop3A_215, %parallel_loop3A_216], %parallel_loop3A_219 {strides = array<i32>} : memref<512x64xf32, #tpu.memory_space<vmem>>, vector<1x16xf32>,
    } {sc.loop_unroll_factor = 2 : i64, sc.parallel_access}
    "tpu.region"() ({
      %run_scoped3A = tpu.sem_alloc : memref<!tpu.dma_semaphore, #tpu.memory_space<semaphore_mem>>
      %dma_start3A_163 = arith.constant 0 : i32
      %dma_start3A_164 = tpu.memref_slice %arg6[%mul3A_2, %dma_start3A_163] : memref<16384x64xf32, #tpu.memory_space<hbm>> -> memref<512x64xf32, #tpu.memory_space<hbm>>
      %dma_start3A_165 = arith.constant 0 : i32
      %dma_start3A_166 = tpu.memref_slice %arg6[%mul3A_2, %dma_start3A_165] : memref<16384x64xf32, #tpu.memory_space<hbm>> -> memref<512x64xf32, #tpu.memory_space<hbm>>
      tpu.enqueue_dma source(%arg9 : memref<512x64xf32, #tpu.memory_space<vmem>>) target(%dma_start3A_166 : memref<512x64xf32, #tpu.memory_space<hbm>>) target_semaphore(%run_scoped3A : memref<!tpu.dma_semaphore, #tpu.memory_space<semaphore_mem>>)
      %dma_wait3A_167 = arith.constant 0 : i32
      %dma_wait3A_168 = tpu.memref_slice %arg6[%mul3A_2, %dma_wait3A_167] : memref<16384x64xf32, #tpu.memory_space<hbm>> -> memref<512x64xf32, #tpu.memory_space<hbm>>
      %dma_wait3A_169 = arith.constant 0 : i32
      %dma_wait3A_170 = tpu.memref_slice %arg6[%mul3A_2, %dma_wait3A_169] : memref<16384x64xf32, #tpu.memory_space<hbm>> -> memref<512x64xf32, #tpu.memory_space<hbm>>
      tpu.wait_dma2 semaphore(%run_scoped3A : memref<!tpu.dma_semaphore, #tpu.memory_space<semaphore_mem>>) src(%arg9 : memref<512x64xf32, #tpu.memory_space<vmem>>) dst(%dma_wait3A_170 : memref<512x64xf32, #tpu.memory_space<hbm>>)
      tpu.yield
    }) : () -> ()
    return
  }
}

#map = affine_map<(d0, d1) -> (0)>
#map1 = affine_map<(d0, d1) -> (0, 0, 0)>
module attributes {stable_mosaic.version = 14 : i64} {
  func.func @_hist(%arg0: i32, %arg1: i32, %arg2: memref<819200xi32, #tpu.memory_space<hbm>>, %arg3: memref<2x896x128xi32, #tpu.memory_space<hbm>>, %arg4: memref<2x3200xi32, #tpu.memory_space<vmem>>, %arg5: memref<896x128xi32, #tpu.memory_space<vmem>>, %arg6: memref<7x128xi32, #tpu.memory_space<vmem>>, %arg7: memref<896x128xi32, #tpu.memory_space<vmem_shared>>, %arg8: memref<!tpu.dma_semaphore, #tpu.memory_space<semaphore_mem>>, %arg9: memref<!tpu.dma_semaphore, #tpu.memory_space<semaphore_mem>>) attributes {dimension_semantics = [#tpu.dimension_semantics<core_parallel>, #tpu.dimension_semantics<subcore_parallel>], iteration_bounds = array<i64: 2, 16>, scalar_prefetch = 0 : i64, scratch_operands = 6 : i64, tpu.core_type = #tpu.core_type<sc_vector_subcore>, window_params = [{transform_indices = #map}, {transform_indices = #map1}]} {
    %mul3A = arith.constant 2 : i32
    %mul3A_0 = arith.muli %arg1, %mul3A : i32
    %add3A = arith.addi %mul3A_0, %arg0 : i32
    %mul3A_1 = arith.constant 25600 : i32
    %mul3A_2 = arith.muli %add3A, %mul3A_1 : i32
    %dma_start3A = arith.constant 0 : i32
    %dma_start3A_3 = arith.constant 0 : i32
    %dma_start3A_4 = tpu.memref_slice %arg4[%dma_start3A, %dma_start3A_3] : memref<2x3200xi32, #tpu.memory_space<vmem>> -> memref<1x3200xi32, #tpu.memory_space<vmem>>
    %dma_start3A_5 = tpu.memref_squeeze %dma_start3A_4 : memref<1x3200xi32, #tpu.memory_space<vmem>> -> memref<3200xi32, #tpu.memory_space<vmem>>
    %dma_start3A_6 = tpu.memref_slice %arg2[%mul3A_2] : memref<819200xi32, #tpu.memory_space<hbm>> -> memref<3200xi32, #tpu.memory_space<hbm>>
    %dma_start3A_7 = arith.constant 0 : i32
    %dma_start3A_8 = tpu.memref_slice %arg4[%dma_start3A, %dma_start3A_7] : memref<2x3200xi32, #tpu.memory_space<vmem>> -> memref<1x3200xi32, #tpu.memory_space<vmem>>
    %dma_start3A_9 = tpu.memref_squeeze %dma_start3A_8 : memref<1x3200xi32, #tpu.memory_space<vmem>> -> memref<3200xi32, #tpu.memory_space<vmem>>
    %dma_start3A_10 = tpu.memref_slice %arg2[%mul3A_2] : memref<819200xi32, #tpu.memory_space<hbm>> -> memref<3200xi32, #tpu.memory_space<hbm>>
    tpu.enqueue_dma source(%dma_start3A_10 : memref<3200xi32, #tpu.memory_space<hbm>>) target(%dma_start3A_9 : memref<3200xi32, #tpu.memory_space<vmem>>) target_semaphore(%arg8 : memref<!tpu.dma_semaphore, #tpu.memory_space<semaphore_mem>>)
    %broadcast_in_dim3A = arith.constant 0 : i32
    %broadcast_in_dim3A_11 = vector.broadcast %broadcast_in_dim3A : i32 to vector<16xi32>
    %parallel_loop3A = arith.constant 0 : i32
    %parallel_loop3A_12 = arith.constant 896 : i32
    %parallel_loop3A_13 = arith.constant 1 : i32
    scf.for %parallel_loop3A_594 = %parallel_loop3A to %parallel_loop3A_12 step %parallel_loop3A_13  : i32 {
      %parallel_loop3A_595 = arith.index_cast %parallel_loop3A_594 : i32 to index
      %parallel_loop3A_596 = arith.constant 0 : index
      %parallel_loop3A_597 = tpu.vector_load %arg5[%parallel_loop3A_595, %parallel_loop3A_596] {strides = array<i32>} : memref<896x128xi32, #tpu.memory_space<vmem>>, vector<16xi32>,
      tpu.vector_store %arg5[%parallel_loop3A_595, %parallel_loop3A_596], %broadcast_in_dim3A_11 {strides = array<i32>} : memref<896x128xi32, #tpu.memory_space<vmem>>, vector<16xi32>,
      %parallel_loop3A_598 = arith.index_cast %parallel_loop3A_594 : i32 to index
      %parallel_loop3A_599 = arith.constant 16 : index
      %parallel_loop3A_600 = tpu.vector_load %arg5[%parallel_loop3A_598, %parallel_loop3A_599] {strides = array<i32>} : memref<896x128xi32, #tpu.memory_space<vmem>>, vector<16xi32>,
      tpu.vector_store %arg5[%parallel_loop3A_598, %parallel_loop3A_599], %broadcast_in_dim3A_11 {strides = array<i32>} : memref<896x128xi32, #tpu.memory_space<vmem>>, vector<16xi32>,
      %parallel_loop3A_601 = arith.index_cast %parallel_loop3A_594 : i32 to index
      %parallel_loop3A_602 = arith.constant 32 : index
      %parallel_loop3A_603 = tpu.vector_load %arg5[%parallel_loop3A_601, %parallel_loop3A_602] {strides = array<i32>} : memref<896x128xi32, #tpu.memory_space<vmem>>, vector<16xi32>,
      tpu.vector_store %arg5[%parallel_loop3A_601, %parallel_loop3A_602], %broadcast_in_dim3A_11 {strides = array<i32>} : memref<896x128xi32, #tpu.memory_space<vmem>>, vector<16xi32>,
      %parallel_loop3A_604 = arith.index_cast %parallel_loop3A_594 : i32 to index
      %parallel_loop3A_605 = arith.constant 48 : index
      %parallel_loop3A_606 = tpu.vector_load %arg5[%parallel_loop3A_604, %parallel_loop3A_605] {strides = array<i32>} : memref<896x128xi32, #tpu.memory_space<vmem>>, vector<16xi32>,
      tpu.vector_store %arg5[%parallel_loop3A_604, %parallel_loop3A_605], %broadcast_in_dim3A_11 {strides = array<i32>} : memref<896x128xi32, #tpu.memory_space<vmem>>, vector<16xi32>,
      %parallel_loop3A_607 = arith.index_cast %parallel_loop3A_594 : i32 to index
      %parallel_loop3A_608 = arith.constant 64 : index
      %parallel_loop3A_609 = tpu.vector_load %arg5[%parallel_loop3A_607, %parallel_loop3A_608] {strides = array<i32>} : memref<896x128xi32, #tpu.memory_space<vmem>>, vector<16xi32>,
      tpu.vector_store %arg5[%parallel_loop3A_607, %parallel_loop3A_608], %broadcast_in_dim3A_11 {strides = array<i32>} : memref<896x128xi32, #tpu.memory_space<vmem>>, vector<16xi32>,
      %parallel_loop3A_610 = arith.index_cast %parallel_loop3A_594 : i32 to index
      %parallel_loop3A_611 = arith.constant 80 : index
      %parallel_loop3A_612 = tpu.vector_load %arg5[%parallel_loop3A_610, %parallel_loop3A_611] {strides = array<i32>} : memref<896x128xi32, #tpu.memory_space<vmem>>, vector<16xi32>,
      tpu.vector_store %arg5[%parallel_loop3A_610, %parallel_loop3A_611], %broadcast_in_dim3A_11 {strides = array<i32>} : memref<896x128xi32, #tpu.memory_space<vmem>>, vector<16xi32>,
      %parallel_loop3A_613 = arith.index_cast %parallel_loop3A_594 : i32 to index
      %parallel_loop3A_614 = arith.constant 96 : index
      %parallel_loop3A_615 = tpu.vector_load %arg5[%parallel_loop3A_613, %parallel_loop3A_614] {strides = array<i32>} : memref<896x128xi32, #tpu.memory_space<vmem>>, vector<16xi32>,
      tpu.vector_store %arg5[%parallel_loop3A_613, %parallel_loop3A_614], %broadcast_in_dim3A_11 {strides = array<i32>} : memref<896x128xi32, #tpu.memory_space<vmem>>, vector<16xi32>,
      %parallel_loop3A_616 = arith.index_cast %parallel_loop3A_594 : i32 to index
      %parallel_loop3A_617 = arith.constant 112 : index
      %parallel_loop3A_618 = tpu.vector_load %arg5[%parallel_loop3A_616, %parallel_loop3A_617] {strides = array<i32>} : memref<896x128xi32, #tpu.memory_space<vmem>>, vector<16xi32>,
      tpu.vector_store %arg5[%parallel_loop3A_616, %parallel_loop3A_617], %broadcast_in_dim3A_11 {strides = array<i32>} : memref<896x128xi32, #tpu.memory_space<vmem>>, vector<16xi32>,
    } {sc.loop_unroll_factor = 4 : i64, sc.parallel_access}
    %iota3A = tpu.iota {dimensions = array<i32: 0>} : vector<16xi32>
    %add3A_14 = arith.constant 0 : i32
    %add3A_15 = vector.broadcast %add3A_14 : i32 to vector<16xi32>
    %add3A_16 = arith.addi %iota3A, %add3A_15 : vector<16xi32>
    %swap3A = arith.constant 0 : i32
    %swap3A_17 = arith.index_cast %swap3A : i32 to index
    %swap3A_18 = arith.constant 0 : index
    %swap3A_19 = tpu.vector_load %arg6[%swap3A_17, %swap3A_18] {strides = array<i32>} : memref<7x128xi32, #tpu.memory_space<vmem>>, vector<16xi32>,
    tpu.vector_store %arg6[%swap3A_17, %swap3A_18], %add3A_16 {strides = array<i32>} : memref<7x128xi32, #tpu.memory_space<vmem>>, vector<16xi32>,
    %add3A_20 = arith.constant 16 : i32
    %add3A_21 = vector.broadcast %add3A_20 : i32 to vector<16xi32>
    %add3A_22 = arith.addi %iota3A, %add3A_21 : vector<16xi32>
    %swap3A_23 = arith.constant 0 : i32
    %swap3A_24 = arith.index_cast %swap3A_23 : i32 to index
    %swap3A_25 = arith.constant 16 : index
    %swap3A_26 = tpu.vector_load %arg6[%swap3A_24, %swap3A_25] {strides = array<i32>} : memref<7x128xi32, #tpu.memory_space<vmem>>, vector<16xi32>,
    tpu.vector_store %arg6[%swap3A_24, %swap3A_25], %add3A_22 {strides = array<i32>} : memref<7x128xi32, #tpu.memory_space<vmem>>, vector<16xi32>,
    %add3A_27 = arith.constant 32 : i32
    %add3A_28 = vector.broadcast %add3A_27 : i32 to vector<16xi32>
    %add3A_29 = arith.addi %iota3A, %add3A_28 : vector<16xi32>
    %swap3A_30 = arith.constant 0 : i32
    %swap3A_31 = arith.index_cast %swap3A_30 : i32 to index
    %swap3A_32 = arith.constant 32 : index
    %swap3A_33 = tpu.vector_load %arg6[%swap3A_31, %swap3A_32] {strides = array<i32>} : memref<7x128xi32, #tpu.memory_space<vmem>>, vector<16xi32>,
    tpu.vector_store %arg6[%swap3A_31, %swap3A_32], %add3A_29 {strides = array<i32>} : memref<7x128xi32, #tpu.memory_space<vmem>>, vector<16xi32>,
    %add3A_34 = arith.constant 48 : i32
    %add3A_35 = vector.broadcast %add3A_34 : i32 to vector<16xi32>
    %add3A_36 = arith.addi %iota3A, %add3A_35 : vector<16xi32>
    %swap3A_37 = arith.constant 0 : i32
    %swap3A_38 = arith.index_cast %swap3A_37 : i32 to index
    %swap3A_39 = arith.constant 48 : index
    %swap3A_40 = tpu.vector_load %arg6[%swap3A_38, %swap3A_39] {strides = array<i32>} : memref<7x128xi32, #tpu.memory_space<vmem>>, vector<16xi32>,
    tpu.vector_store %arg6[%swap3A_38, %swap3A_39], %add3A_36 {strides = array<i32>} : memref<7x128xi32, #tpu.memory_space<vmem>>, vector<16xi32>,
    %add3A_41 = arith.constant 64 : i32
    %add3A_42 = vector.broadcast %add3A_41 : i32 to vector<16xi32>
    %add3A_43 = arith.addi %iota3A, %add3A_42 : vector<16xi32>
    %swap3A_44 = arith.constant 0 : i32
    %swap3A_45 = arith.index_cast %swap3A_44 : i32 to index
    %swap3A_46 = arith.constant 64 : index
    %swap3A_47 = tpu.vector_load %arg6[%swap3A_45, %swap3A_46] {strides = array<i32>} : memref<7x128xi32, #tpu.memory_space<vmem>>, vector<16xi32>,
    tpu.vector_store %arg6[%swap3A_45, %swap3A_46], %add3A_43 {strides = array<i32>} : memref<7x128xi32, #tpu.memory_space<vmem>>, vector<16xi32>,
    %add3A_48 = arith.constant 80 : i32
    %add3A_49 = vector.broadcast %add3A_48 : i32 to vector<16xi32>
    %add3A_50 = arith.addi %iota3A, %add3A_49 : vector<16xi32>
    %swap3A_51 = arith.constant 0 : i32
    %swap3A_52 = arith.index_cast %swap3A_51 : i32 to index
    %swap3A_53 = arith.constant 80 : index
    %swap3A_54 = tpu.vector_load %arg6[%swap3A_52, %swap3A_53] {strides = array<i32>} : memref<7x128xi32, #tpu.memory_space<vmem>>, vector<16xi32>,
    tpu.vector_store %arg6[%swap3A_52, %swap3A_53], %add3A_50 {strides = array<i32>} : memref<7x128xi32, #tpu.memory_space<vmem>>, vector<16xi32>,
    %add3A_55 = arith.constant 96 : i32
    %add3A_56 = vector.broadcast %add3A_55 : i32 to vector<16xi32>
    %add3A_57 = arith.addi %iota3A, %add3A_56 : vector<16xi32>
    %swap3A_58 = arith.constant 0 : i32
    %swap3A_59 = arith.index_cast %swap3A_58 : i32 to index
    %swap3A_60 = arith.constant 96 : index
    %swap3A_61 = tpu.vector_load %arg6[%swap3A_59, %swap3A_60] {strides = array<i32>} : memref<7x128xi32, #tpu.memory_space<vmem>>, vector<16xi32>,
    tpu.vector_store %arg6[%swap3A_59, %swap3A_60], %add3A_57 {strides = array<i32>} : memref<7x128xi32, #tpu.memory_space<vmem>>, vector<16xi32>,
    %add3A_62 = arith.constant 112 : i32
    %add3A_63 = vector.broadcast %add3A_62 : i32 to vector<16xi32>
    %add3A_64 = arith.addi %iota3A, %add3A_63 : vector<16xi32>
    %swap3A_65 = arith.constant 0 : i32
    %swap3A_66 = arith.index_cast %swap3A_65 : i32 to index
    %swap3A_67 = arith.constant 112 : index
    %swap3A_68 = tpu.vector_load %arg6[%swap3A_66, %swap3A_67] {strides = array<i32>} : memref<7x128xi32, #tpu.memory_space<vmem>>, vector<16xi32>,
    tpu.vector_store %arg6[%swap3A_66, %swap3A_67], %add3A_64 {strides = array<i32>} : memref<7x128xi32, #tpu.memory_space<vmem>>, vector<16xi32>,
    %add3A_69 = arith.constant 128 : i32
    %add3A_70 = vector.broadcast %add3A_69 : i32 to vector<16xi32>
    %add3A_71 = arith.addi %iota3A, %add3A_70 : vector<16xi32>
    %swap3A_72 = arith.constant 1 : i32
    %swap3A_73 = arith.index_cast %swap3A_72 : i32 to index
    %swap3A_74 = arith.constant 0 : index
    %swap3A_75 = tpu.vector_load %arg6[%swap3A_73, %swap3A_74] {strides = array<i32>} : memref<7x128xi32, #tpu.memory_space<vmem>>, vector<16xi32>,
    tpu.vector_store %arg6[%swap3A_73, %swap3A_74], %add3A_71 {strides = array<i32>} : memref<7x128xi32, #tpu.memory_space<vmem>>, vector<16xi32>,
    %add3A_76 = arith.constant 144 : i32
    %add3A_77 = vector.broadcast %add3A_76 : i32 to vector<16xi32>
    %add3A_78 = arith.addi %iota3A, %add3A_77 : vector<16xi32>
    %swap3A_79 = arith.constant 1 : i32
    %swap3A_80 = arith.index_cast %swap3A_79 : i32 to index
    %swap3A_81 = arith.constant 16 : index
    %swap3A_82 = tpu.vector_load %arg6[%swap3A_80, %swap3A_81] {strides = array<i32>} : memref<7x128xi32, #tpu.memory_space<vmem>>, vector<16xi32>,
    tpu.vector_store %arg6[%swap3A_80, %swap3A_81], %add3A_78 {strides = array<i32>} : memref<7x128xi32, #tpu.memory_space<vmem>>, vector<16xi32>,
    %add3A_83 = arith.constant 160 : i32
    %add3A_84 = vector.broadcast %add3A_83 : i32 to vector<16xi32>
    %add3A_85 = arith.addi %iota3A, %add3A_84 : vector<16xi32>
    %swap3A_86 = arith.constant 1 : i32
    %swap3A_87 = arith.index_cast %swap3A_86 : i32 to index
    %swap3A_88 = arith.constant 32 : index
    %swap3A_89 = tpu.vector_load %arg6[%swap3A_87, %swap3A_88] {strides = array<i32>} : memref<7x128xi32, #tpu.memory_space<vmem>>, vector<16xi32>,
    tpu.vector_store %arg6[%swap3A_87, %swap3A_88], %add3A_85 {strides = array<i32>} : memref<7x128xi32, #tpu.memory_space<vmem>>, vector<16xi32>,
    %add3A_90 = arith.constant 176 : i32
    %add3A_91 = vector.broadcast %add3A_90 : i32 to vector<16xi32>
    %add3A_92 = arith.addi %iota3A, %add3A_91 : vector<16xi32>
    %swap3A_93 = arith.constant 1 : i32
    %swap3A_94 = arith.index_cast %swap3A_93 : i32 to index
    %swap3A_95 = arith.constant 48 : index
    %swap3A_96 = tpu.vector_load %arg6[%swap3A_94, %swap3A_95] {strides = array<i32>} : memref<7x128xi32, #tpu.memory_space<vmem>>, vector<16xi32>,
    tpu.vector_store %arg6[%swap3A_94, %swap3A_95], %add3A_92 {strides = array<i32>} : memref<7x128xi32, #tpu.memory_space<vmem>>, vector<16xi32>,
    %add3A_97 = arith.constant 192 : i32
    %add3A_98 = vector.broadcast %add3A_97 : i32 to vector<16xi32>
    %add3A_99 = arith.addi %iota3A, %add3A_98 : vector<16xi32>
    %swap3A_100 = arith.constant 1 : i32
    %swap3A_101 = arith.index_cast %swap3A_100 : i32 to index
    %swap3A_102 = arith.constant 64 : index
    %swap3A_103 = tpu.vector_load %arg6[%swap3A_101, %swap3A_102] {strides = array<i32>} : memref<7x128xi32, #tpu.memory_space<vmem>>, vector<16xi32>,
    tpu.vector_store %arg6[%swap3A_101, %swap3A_102], %add3A_99 {strides = array<i32>} : memref<7x128xi32, #tpu.memory_space<vmem>>, vector<16xi32>,
    %add3A_104 = arith.constant 208 : i32
    %add3A_105 = vector.broadcast %add3A_104 : i32 to vector<16xi32>
    %add3A_106 = arith.addi %iota3A, %add3A_105 : vector<16xi32>
    %swap3A_107 = arith.constant 1 : i32
    %swap3A_108 = arith.index_cast %swap3A_107 : i32 to index
    %swap3A_109 = arith.constant 80 : index
    %swap3A_110 = tpu.vector_load %arg6[%swap3A_108, %swap3A_109] {strides = array<i32>} : memref<7x128xi32, #tpu.memory_space<vmem>>, vector<16xi32>,
    tpu.vector_store %arg6[%swap3A_108, %swap3A_109], %add3A_106 {strides = array<i32>} : memref<7x128xi32, #tpu.memory_space<vmem>>, vector<16xi32>,
    %add3A_111 = arith.constant 224 : i32
    %add3A_112 = vector.broadcast %add3A_111 : i32 to vector<16xi32>
    %add3A_113 = arith.addi %iota3A, %add3A_112 : vector<16xi32>
    %swap3A_114 = arith.constant 1 : i32
    %swap3A_115 = arith.index_cast %swap3A_114 : i32 to index
    %swap3A_116 = arith.constant 96 : index
    %swap3A_117 = tpu.vector_load %arg6[%swap3A_115, %swap3A_116] {strides = array<i32>} : memref<7x128xi32, #tpu.memory_space<vmem>>, vector<16xi32>,
    tpu.vector_store %arg6[%swap3A_115, %swap3A_116], %add3A_113 {strides = array<i32>} : memref<7x128xi32, #tpu.memory_space<vmem>>, vector<16xi32>,
    %add3A_118 = arith.constant 240 : i32
    %add3A_119 = vector.broadcast %add3A_118 : i32 to vector<16xi32>
    %add3A_120 = arith.addi %iota3A, %add3A_119 : vector<16xi32>
    %swap3A_121 = arith.constant 1 : i32
    %swap3A_122 = arith.index_cast %swap3A_121 : i32 to index
    %swap3A_123 = arith.constant 112 : index
    %swap3A_124 = tpu.vector_load %arg6[%swap3A_122, %swap3A_123] {strides = array<i32>} : memref<7x128xi32, #tpu.memory_space<vmem>>, vector<16xi32>,
    tpu.vector_store %arg6[%swap3A_122, %swap3A_123], %add3A_120 {strides = array<i32>} : memref<7x128xi32, #tpu.memory_space<vmem>>, vector<16xi32>,
    %add3A_125 = arith.constant 256 : i32
    %add3A_126 = vector.broadcast %add3A_125 : i32 to vector<16xi32>
    %add3A_127 = arith.addi %iota3A, %add3A_126 : vector<16xi32>
    %swap3A_128 = arith.constant 2 : i32
    %swap3A_129 = arith.index_cast %swap3A_128 : i32 to index
    %swap3A_130 = arith.constant 0 : index
    %swap3A_131 = tpu.vector_load %arg6[%swap3A_129, %swap3A_130] {strides = array<i32>} : memref<7x128xi32, #tpu.memory_space<vmem>>, vector<16xi32>,
    tpu.vector_store %arg6[%swap3A_129, %swap3A_130], %add3A_127 {strides = array<i32>} : memref<7x128xi32, #tpu.memory_space<vmem>>, vector<16xi32>,
    %add3A_132 = arith.constant 272 : i32
    %add3A_133 = vector.broadcast %add3A_132 : i32 to vector<16xi32>
    %add3A_134 = arith.addi %iota3A, %add3A_133 : vector<16xi32>
    %swap3A_135 = arith.constant 2 : i32
    %swap3A_136 = arith.index_cast %swap3A_135 : i32 to index
    %swap3A_137 = arith.constant 16 : index
    %swap3A_138 = tpu.vector_load %arg6[%swap3A_136, %swap3A_137] {strides = array<i32>} : memref<7x128xi32, #tpu.memory_space<vmem>>, vector<16xi32>,
    tpu.vector_store %arg6[%swap3A_136, %swap3A_137], %add3A_134 {strides = array<i32>} : memref<7x128xi32, #tpu.memory_space<vmem>>, vector<16xi32>,
    %add3A_139 = arith.constant 288 : i32
    %add3A_140 = vector.broadcast %add3A_139 : i32 to vector<16xi32>
    %add3A_141 = arith.addi %iota3A, %add3A_140 : vector<16xi32>
    %swap3A_142 = arith.constant 2 : i32
    %swap3A_143 = arith.index_cast %swap3A_142 : i32 to index
    %swap3A_144 = arith.constant 32 : index
    %swap3A_145 = tpu.vector_load %arg6[%swap3A_143, %swap3A_144] {strides = array<i32>} : memref<7x128xi32, #tpu.memory_space<vmem>>, vector<16xi32>,
    tpu.vector_store %arg6[%swap3A_143, %swap3A_144], %add3A_141 {strides = array<i32>} : memref<7x128xi32, #tpu.memory_space<vmem>>, vector<16xi32>,
    %add3A_146 = arith.constant 304 : i32
    %add3A_147 = vector.broadcast %add3A_146 : i32 to vector<16xi32>
    %add3A_148 = arith.addi %iota3A, %add3A_147 : vector<16xi32>
    %swap3A_149 = arith.constant 2 : i32
    %swap3A_150 = arith.index_cast %swap3A_149 : i32 to index
    %swap3A_151 = arith.constant 48 : index
    %swap3A_152 = tpu.vector_load %arg6[%swap3A_150, %swap3A_151] {strides = array<i32>} : memref<7x128xi32, #tpu.memory_space<vmem>>, vector<16xi32>,
    tpu.vector_store %arg6[%swap3A_150, %swap3A_151], %add3A_148 {strides = array<i32>} : memref<7x128xi32, #tpu.memory_space<vmem>>, vector<16xi32>,
    %add3A_153 = arith.constant 320 : i32
    %add3A_154 = vector.broadcast %add3A_153 : i32 to vector<16xi32>
    %add3A_155 = arith.addi %iota3A, %add3A_154 : vector<16xi32>
    %swap3A_156 = arith.constant 2 : i32
    %swap3A_157 = arith.index_cast %swap3A_156 : i32 to index
    %swap3A_158 = arith.constant 64 : index
    %swap3A_159 = tpu.vector_load %arg6[%swap3A_157, %swap3A_158] {strides = array<i32>} : memref<7x128xi32, #tpu.memory_space<vmem>>, vector<16xi32>,
    tpu.vector_store %arg6[%swap3A_157, %swap3A_158], %add3A_155 {strides = array<i32>} : memref<7x128xi32, #tpu.memory_space<vmem>>, vector<16xi32>,
    %add3A_160 = arith.constant 336 : i32
    %add3A_161 = vector.broadcast %add3A_160 : i32 to vector<16xi32>
    %add3A_162 = arith.addi %iota3A, %add3A_161 : vector<16xi32>
    %swap3A_163 = arith.constant 2 : i32
    %swap3A_164 = arith.index_cast %swap3A_163 : i32 to index
    %swap3A_165 = arith.constant 80 : index
    %swap3A_166 = tpu.vector_load %arg6[%swap3A_164, %swap3A_165] {strides = array<i32>} : memref<7x128xi32, #tpu.memory_space<vmem>>, vector<16xi32>,
    tpu.vector_store %arg6[%swap3A_164, %swap3A_165], %add3A_162 {strides = array<i32>} : memref<7x128xi32, #tpu.memory_space<vmem>>, vector<16xi32>,
    %add3A_167 = arith.constant 352 : i32
    %add3A_168 = vector.broadcast %add3A_167 : i32 to vector<16xi32>
    %add3A_169 = arith.addi %iota3A, %add3A_168 : vector<16xi32>
    %swap3A_170 = arith.constant 2 : i32
    %swap3A_171 = arith.index_cast %swap3A_170 : i32 to index
    %swap3A_172 = arith.constant 96 : index
    %swap3A_173 = tpu.vector_load %arg6[%swap3A_171, %swap3A_172] {strides = array<i32>} : memref<7x128xi32, #tpu.memory_space<vmem>>, vector<16xi32>,
    tpu.vector_store %arg6[%swap3A_171, %swap3A_172], %add3A_169 {strides = array<i32>} : memref<7x128xi32, #tpu.memory_space<vmem>>, vector<16xi32>,
    %add3A_174 = arith.constant 368 : i32
    %add3A_175 = vector.broadcast %add3A_174 : i32 to vector<16xi32>
    %add3A_176 = arith.addi %iota3A, %add3A_175 : vector<16xi32>
    %swap3A_177 = arith.constant 2 : i32
    %swap3A_178 = arith.index_cast %swap3A_177 : i32 to index
    %swap3A_179 = arith.constant 112 : index
    %swap3A_180 = tpu.vector_load %arg6[%swap3A_178, %swap3A_179] {strides = array<i32>} : memref<7x128xi32, #tpu.memory_space<vmem>>, vector<16xi32>,
    tpu.vector_store %arg6[%swap3A_178, %swap3A_179], %add3A_176 {strides = array<i32>} : memref<7x128xi32, #tpu.memory_space<vmem>>, vector<16xi32>,
    %add3A_181 = arith.constant 384 : i32
    %add3A_182 = vector.broadcast %add3A_181 : i32 to vector<16xi32>
    %add3A_183 = arith.addi %iota3A, %add3A_182 : vector<16xi32>
    %swap3A_184 = arith.constant 3 : i32
    %swap3A_185 = arith.index_cast %swap3A_184 : i32 to index
    %swap3A_186 = arith.constant 0 : index
    %swap3A_187 = tpu.vector_load %arg6[%swap3A_185, %swap3A_186] {strides = array<i32>} : memref<7x128xi32, #tpu.memory_space<vmem>>, vector<16xi32>,
    tpu.vector_store %arg6[%swap3A_185, %swap3A_186], %add3A_183 {strides = array<i32>} : memref<7x128xi32, #tpu.memory_space<vmem>>, vector<16xi32>,
    %add3A_188 = arith.constant 400 : i32
    %add3A_189 = vector.broadcast %add3A_188 : i32 to vector<16xi32>
    %add3A_190 = arith.addi %iota3A, %add3A_189 : vector<16xi32>
    %swap3A_191 = arith.constant 3 : i32
    %swap3A_192 = arith.index_cast %swap3A_191 : i32 to index
    %swap3A_193 = arith.constant 16 : index
    %swap3A_194 = tpu.vector_load %arg6[%swap3A_192, %swap3A_193] {strides = array<i32>} : memref<7x128xi32, #tpu.memory_space<vmem>>, vector<16xi32>,
    tpu.vector_store %arg6[%swap3A_192, %swap3A_193], %add3A_190 {strides = array<i32>} : memref<7x128xi32, #tpu.memory_space<vmem>>, vector<16xi32>,
    %add3A_195 = arith.constant 416 : i32
    %add3A_196 = vector.broadcast %add3A_195 : i32 to vector<16xi32>
    %add3A_197 = arith.addi %iota3A, %add3A_196 : vector<16xi32>
    %swap3A_198 = arith.constant 3 : i32
    %swap3A_199 = arith.index_cast %swap3A_198 : i32 to index
    %swap3A_200 = arith.constant 32 : index
    %swap3A_201 = tpu.vector_load %arg6[%swap3A_199, %swap3A_200] {strides = array<i32>} : memref<7x128xi32, #tpu.memory_space<vmem>>, vector<16xi32>,
    tpu.vector_store %arg6[%swap3A_199, %swap3A_200], %add3A_197 {strides = array<i32>} : memref<7x128xi32, #tpu.memory_space<vmem>>, vector<16xi32>,
    %add3A_202 = arith.constant 432 : i32
    %add3A_203 = vector.broadcast %add3A_202 : i32 to vector<16xi32>
    %add3A_204 = arith.addi %iota3A, %add3A_203 : vector<16xi32>
    %swap3A_205 = arith.constant 3 : i32
    %swap3A_206 = arith.index_cast %swap3A_205 : i32 to index
    %swap3A_207 = arith.constant 48 : index
    %swap3A_208 = tpu.vector_load %arg6[%swap3A_206, %swap3A_207] {strides = array<i32>} : memref<7x128xi32, #tpu.memory_space<vmem>>, vector<16xi32>,
    tpu.vector_store %arg6[%swap3A_206, %swap3A_207], %add3A_204 {strides = array<i32>} : memref<7x128xi32, #tpu.memory_space<vmem>>, vector<16xi32>,
    %add3A_209 = arith.constant 448 : i32
    %add3A_210 = vector.broadcast %add3A_209 : i32 to vector<16xi32>
    %add3A_211 = arith.addi %iota3A, %add3A_210 : vector<16xi32>
    %swap3A_212 = arith.constant 3 : i32
    %swap3A_213 = arith.index_cast %swap3A_212 : i32 to index
    %swap3A_214 = arith.constant 64 : index
    %swap3A_215 = tpu.vector_load %arg6[%swap3A_213, %swap3A_214] {strides = array<i32>} : memref<7x128xi32, #tpu.memory_space<vmem>>, vector<16xi32>,
    tpu.vector_store %arg6[%swap3A_213, %swap3A_214], %add3A_211 {strides = array<i32>} : memref<7x128xi32, #tpu.memory_space<vmem>>, vector<16xi32>,
    %add3A_216 = arith.constant 464 : i32
    %add3A_217 = vector.broadcast %add3A_216 : i32 to vector<16xi32>
    %add3A_218 = arith.addi %iota3A, %add3A_217 : vector<16xi32>
    %swap3A_219 = arith.constant 3 : i32
    %swap3A_220 = arith.index_cast %swap3A_219 : i32 to index
    %swap3A_221 = arith.constant 80 : index
    %swap3A_222 = tpu.vector_load %arg6[%swap3A_220, %swap3A_221] {strides = array<i32>} : memref<7x128xi32, #tpu.memory_space<vmem>>, vector<16xi32>,
    tpu.vector_store %arg6[%swap3A_220, %swap3A_221], %add3A_218 {strides = array<i32>} : memref<7x128xi32, #tpu.memory_space<vmem>>, vector<16xi32>,
    %add3A_223 = arith.constant 480 : i32
    %add3A_224 = vector.broadcast %add3A_223 : i32 to vector<16xi32>
    %add3A_225 = arith.addi %iota3A, %add3A_224 : vector<16xi32>
    %swap3A_226 = arith.constant 3 : i32
    %swap3A_227 = arith.index_cast %swap3A_226 : i32 to index
    %swap3A_228 = arith.constant 96 : index
    %swap3A_229 = tpu.vector_load %arg6[%swap3A_227, %swap3A_228] {strides = array<i32>} : memref<7x128xi32, #tpu.memory_space<vmem>>, vector<16xi32>,
    tpu.vector_store %arg6[%swap3A_227, %swap3A_228], %add3A_225 {strides = array<i32>} : memref<7x128xi32, #tpu.memory_space<vmem>>, vector<16xi32>,
    %add3A_230 = arith.constant 496 : i32
    %add3A_231 = vector.broadcast %add3A_230 : i32 to vector<16xi32>
    %add3A_232 = arith.addi %iota3A, %add3A_231 : vector<16xi32>
    %swap3A_233 = arith.constant 3 : i32
    %swap3A_234 = arith.index_cast %swap3A_233 : i32 to index
    %swap3A_235 = arith.constant 112 : index
    %swap3A_236 = tpu.vector_load %arg6[%swap3A_234, %swap3A_235] {strides = array<i32>} : memref<7x128xi32, #tpu.memory_space<vmem>>, vector<16xi32>,
    tpu.vector_store %arg6[%swap3A_234, %swap3A_235], %add3A_232 {strides = array<i32>} : memref<7x128xi32, #tpu.memory_space<vmem>>, vector<16xi32>,
    %add3A_237 = arith.constant 512 : i32
    %add3A_238 = vector.broadcast %add3A_237 : i32 to vector<16xi32>
    %add3A_239 = arith.addi %iota3A, %add3A_238 : vector<16xi32>
    %swap3A_240 = arith.constant 4 : i32
    %swap3A_241 = arith.index_cast %swap3A_240 : i32 to index
    %swap3A_242 = arith.constant 0 : index
    %swap3A_243 = tpu.vector_load %arg6[%swap3A_241, %swap3A_242] {strides = array<i32>} : memref<7x128xi32, #tpu.memory_space<vmem>>, vector<16xi32>,
    tpu.vector_store %arg6[%swap3A_241, %swap3A_242], %add3A_239 {strides = array<i32>} : memref<7x128xi32, #tpu.memory_space<vmem>>, vector<16xi32>,
    %add3A_244 = arith.constant 528 : i32
    %add3A_245 = vector.broadcast %add3A_244 : i32 to vector<16xi32>
    %add3A_246 = arith.addi %iota3A, %add3A_245 : vector<16xi32>
    %swap3A_247 = arith.constant 4 : i32
    %swap3A_248 = arith.index_cast %swap3A_247 : i32 to index
    %swap3A_249 = arith.constant 16 : index
    %swap3A_250 = tpu.vector_load %arg6[%swap3A_248, %swap3A_249] {strides = array<i32>} : memref<7x128xi32, #tpu.memory_space<vmem>>, vector<16xi32>,
    tpu.vector_store %arg6[%swap3A_248, %swap3A_249], %add3A_246 {strides = array<i32>} : memref<7x128xi32, #tpu.memory_space<vmem>>, vector<16xi32>,
    %add3A_251 = arith.constant 544 : i32
    %add3A_252 = vector.broadcast %add3A_251 : i32 to vector<16xi32>
    %add3A_253 = arith.addi %iota3A, %add3A_252 : vector<16xi32>
    %swap3A_254 = arith.constant 4 : i32
    %swap3A_255 = arith.index_cast %swap3A_254 : i32 to index
    %swap3A_256 = arith.constant 32 : index
    %swap3A_257 = tpu.vector_load %arg6[%swap3A_255, %swap3A_256] {strides = array<i32>} : memref<7x128xi32, #tpu.memory_space<vmem>>, vector<16xi32>,
    tpu.vector_store %arg6[%swap3A_255, %swap3A_256], %add3A_253 {strides = array<i32>} : memref<7x128xi32, #tpu.memory_space<vmem>>, vector<16xi32>,
    %add3A_258 = arith.constant 560 : i32
    %add3A_259 = vector.broadcast %add3A_258 : i32 to vector<16xi32>
    %add3A_260 = arith.addi %iota3A, %add3A_259 : vector<16xi32>
    %swap3A_261 = arith.constant 4 : i32
    %swap3A_262 = arith.index_cast %swap3A_261 : i32 to index
    %swap3A_263 = arith.constant 48 : index
    %swap3A_264 = tpu.vector_load %arg6[%swap3A_262, %swap3A_263] {strides = array<i32>} : memref<7x128xi32, #tpu.memory_space<vmem>>, vector<16xi32>,
    tpu.vector_store %arg6[%swap3A_262, %swap3A_263], %add3A_260 {strides = array<i32>} : memref<7x128xi32, #tpu.memory_space<vmem>>, vector<16xi32>,
    %add3A_265 = arith.constant 576 : i32
    %add3A_266 = vector.broadcast %add3A_265 : i32 to vector<16xi32>
    %add3A_267 = arith.addi %iota3A, %add3A_266 : vector<16xi32>
    %swap3A_268 = arith.constant 4 : i32
    %swap3A_269 = arith.index_cast %swap3A_268 : i32 to index
    %swap3A_270 = arith.constant 64 : index
    %swap3A_271 = tpu.vector_load %arg6[%swap3A_269, %swap3A_270] {strides = array<i32>} : memref<7x128xi32, #tpu.memory_space<vmem>>, vector<16xi32>,
    tpu.vector_store %arg6[%swap3A_269, %swap3A_270], %add3A_267 {strides = array<i32>} : memref<7x128xi32, #tpu.memory_space<vmem>>, vector<16xi32>,
    %add3A_272 = arith.constant 592 : i32
    %add3A_273 = vector.broadcast %add3A_272 : i32 to vector<16xi32>
    %add3A_274 = arith.addi %iota3A, %add3A_273 : vector<16xi32>
    %swap3A_275 = arith.constant 4 : i32
    %swap3A_276 = arith.index_cast %swap3A_275 : i32 to index
    %swap3A_277 = arith.constant 80 : index
    %swap3A_278 = tpu.vector_load %arg6[%swap3A_276, %swap3A_277] {strides = array<i32>} : memref<7x128xi32, #tpu.memory_space<vmem>>, vector<16xi32>,
    tpu.vector_store %arg6[%swap3A_276, %swap3A_277], %add3A_274 {strides = array<i32>} : memref<7x128xi32, #tpu.memory_space<vmem>>, vector<16xi32>,
    %add3A_279 = arith.constant 608 : i32
    %add3A_280 = vector.broadcast %add3A_279 : i32 to vector<16xi32>
    %add3A_281 = arith.addi %iota3A, %add3A_280 : vector<16xi32>
    %swap3A_282 = arith.constant 4 : i32
    %swap3A_283 = arith.index_cast %swap3A_282 : i32 to index
    %swap3A_284 = arith.constant 96 : index
    %swap3A_285 = tpu.vector_load %arg6[%swap3A_283, %swap3A_284] {strides = array<i32>} : memref<7x128xi32, #tpu.memory_space<vmem>>, vector<16xi32>,
    tpu.vector_store %arg6[%swap3A_283, %swap3A_284], %add3A_281 {strides = array<i32>} : memref<7x128xi32, #tpu.memory_space<vmem>>, vector<16xi32>,
    %add3A_286 = arith.constant 624 : i32
    %add3A_287 = vector.broadcast %add3A_286 : i32 to vector<16xi32>
    %add3A_288 = arith.addi %iota3A, %add3A_287 : vector<16xi32>
    %swap3A_289 = arith.constant 4 : i32
    %swap3A_290 = arith.index_cast %swap3A_289 : i32 to index
    %swap3A_291 = arith.constant 112 : index
    %swap3A_292 = tpu.vector_load %arg6[%swap3A_290, %swap3A_291] {strides = array<i32>} : memref<7x128xi32, #tpu.memory_space<vmem>>, vector<16xi32>,
    tpu.vector_store %arg6[%swap3A_290, %swap3A_291], %add3A_288 {strides = array<i32>} : memref<7x128xi32, #tpu.memory_space<vmem>>, vector<16xi32>,
    %add3A_293 = arith.constant 640 : i32
    %add3A_294 = vector.broadcast %add3A_293 : i32 to vector<16xi32>
    %add3A_295 = arith.addi %iota3A, %add3A_294 : vector<16xi32>
    %swap3A_296 = arith.constant 5 : i32
    %swap3A_297 = arith.index_cast %swap3A_296 : i32 to index
    %swap3A_298 = arith.constant 0 : index
    %swap3A_299 = tpu.vector_load %arg6[%swap3A_297, %swap3A_298] {strides = array<i32>} : memref<7x128xi32, #tpu.memory_space<vmem>>, vector<16xi32>,
    tpu.vector_store %arg6[%swap3A_297, %swap3A_298], %add3A_295 {strides = array<i32>} : memref<7x128xi32, #tpu.memory_space<vmem>>, vector<16xi32>,
    %add3A_300 = arith.constant 656 : i32
    %add3A_301 = vector.broadcast %add3A_300 : i32 to vector<16xi32>
    %add3A_302 = arith.addi %iota3A, %add3A_301 : vector<16xi32>
    %swap3A_303 = arith.constant 5 : i32
    %swap3A_304 = arith.index_cast %swap3A_303 : i32 to index
    %swap3A_305 = arith.constant 16 : index
    %swap3A_306 = tpu.vector_load %arg6[%swap3A_304, %swap3A_305] {strides = array<i32>} : memref<7x128xi32, #tpu.memory_space<vmem>>, vector<16xi32>,
    tpu.vector_store %arg6[%swap3A_304, %swap3A_305], %add3A_302 {strides = array<i32>} : memref<7x128xi32, #tpu.memory_space<vmem>>, vector<16xi32>,
    %add3A_307 = arith.constant 672 : i32
    %add3A_308 = vector.broadcast %add3A_307 : i32 to vector<16xi32>
    %add3A_309 = arith.addi %iota3A, %add3A_308 : vector<16xi32>
    %swap3A_310 = arith.constant 5 : i32
    %swap3A_311 = arith.index_cast %swap3A_310 : i32 to index
    %swap3A_312 = arith.constant 32 : index
    %swap3A_313 = tpu.vector_load %arg6[%swap3A_311, %swap3A_312] {strides = array<i32>} : memref<7x128xi32, #tpu.memory_space<vmem>>, vector<16xi32>,
    tpu.vector_store %arg6[%swap3A_311, %swap3A_312], %add3A_309 {strides = array<i32>} : memref<7x128xi32, #tpu.memory_space<vmem>>, vector<16xi32>,
    %add3A_314 = arith.constant 688 : i32
    %add3A_315 = vector.broadcast %add3A_314 : i32 to vector<16xi32>
    %add3A_316 = arith.addi %iota3A, %add3A_315 : vector<16xi32>
    %swap3A_317 = arith.constant 5 : i32
    %swap3A_318 = arith.index_cast %swap3A_317 : i32 to index
    %swap3A_319 = arith.constant 48 : index
    %swap3A_320 = tpu.vector_load %arg6[%swap3A_318, %swap3A_319] {strides = array<i32>} : memref<7x128xi32, #tpu.memory_space<vmem>>, vector<16xi32>,
    tpu.vector_store %arg6[%swap3A_318, %swap3A_319], %add3A_316 {strides = array<i32>} : memref<7x128xi32, #tpu.memory_space<vmem>>, vector<16xi32>,
    %add3A_321 = arith.constant 704 : i32
    %add3A_322 = vector.broadcast %add3A_321 : i32 to vector<16xi32>
    %add3A_323 = arith.addi %iota3A, %add3A_322 : vector<16xi32>
    %swap3A_324 = arith.constant 5 : i32
    %swap3A_325 = arith.index_cast %swap3A_324 : i32 to index
    %swap3A_326 = arith.constant 64 : index
    %swap3A_327 = tpu.vector_load %arg6[%swap3A_325, %swap3A_326] {strides = array<i32>} : memref<7x128xi32, #tpu.memory_space<vmem>>, vector<16xi32>,
    tpu.vector_store %arg6[%swap3A_325, %swap3A_326], %add3A_323 {strides = array<i32>} : memref<7x128xi32, #tpu.memory_space<vmem>>, vector<16xi32>,
    %add3A_328 = arith.constant 720 : i32
    %add3A_329 = vector.broadcast %add3A_328 : i32 to vector<16xi32>
    %add3A_330 = arith.addi %iota3A, %add3A_329 : vector<16xi32>
    %swap3A_331 = arith.constant 5 : i32
    %swap3A_332 = arith.index_cast %swap3A_331 : i32 to index
    %swap3A_333 = arith.constant 80 : index
    %swap3A_334 = tpu.vector_load %arg6[%swap3A_332, %swap3A_333] {strides = array<i32>} : memref<7x128xi32, #tpu.memory_space<vmem>>, vector<16xi32>,
    tpu.vector_store %arg6[%swap3A_332, %swap3A_333], %add3A_330 {strides = array<i32>} : memref<7x128xi32, #tpu.memory_space<vmem>>, vector<16xi32>,
    %add3A_335 = arith.constant 736 : i32
    %add3A_336 = vector.broadcast %add3A_335 : i32 to vector<16xi32>
    %add3A_337 = arith.addi %iota3A, %add3A_336 : vector<16xi32>
    %swap3A_338 = arith.constant 5 : i32
    %swap3A_339 = arith.index_cast %swap3A_338 : i32 to index
    %swap3A_340 = arith.constant 96 : index
    %swap3A_341 = tpu.vector_load %arg6[%swap3A_339, %swap3A_340] {strides = array<i32>} : memref<7x128xi32, #tpu.memory_space<vmem>>, vector<16xi32>,
    tpu.vector_store %arg6[%swap3A_339, %swap3A_340], %add3A_337 {strides = array<i32>} : memref<7x128xi32, #tpu.memory_space<vmem>>, vector<16xi32>,
    %add3A_342 = arith.constant 752 : i32
    %add3A_343 = vector.broadcast %add3A_342 : i32 to vector<16xi32>
    %add3A_344 = arith.addi %iota3A, %add3A_343 : vector<16xi32>
    %swap3A_345 = arith.constant 5 : i32
    %swap3A_346 = arith.index_cast %swap3A_345 : i32 to index
    %swap3A_347 = arith.constant 112 : index
    %swap3A_348 = tpu.vector_load %arg6[%swap3A_346, %swap3A_347] {strides = array<i32>} : memref<7x128xi32, #tpu.memory_space<vmem>>, vector<16xi32>,
    tpu.vector_store %arg6[%swap3A_346, %swap3A_347], %add3A_344 {strides = array<i32>} : memref<7x128xi32, #tpu.memory_space<vmem>>, vector<16xi32>,
    %add3A_349 = arith.constant 768 : i32
    %add3A_350 = vector.broadcast %add3A_349 : i32 to vector<16xi32>
    %add3A_351 = arith.addi %iota3A, %add3A_350 : vector<16xi32>
    %swap3A_352 = arith.constant 6 : i32
    %swap3A_353 = arith.index_cast %swap3A_352 : i32 to index
    %swap3A_354 = arith.constant 0 : index
    %swap3A_355 = tpu.vector_load %arg6[%swap3A_353, %swap3A_354] {strides = array<i32>} : memref<7x128xi32, #tpu.memory_space<vmem>>, vector<16xi32>,
    tpu.vector_store %arg6[%swap3A_353, %swap3A_354], %add3A_351 {strides = array<i32>} : memref<7x128xi32, #tpu.memory_space<vmem>>, vector<16xi32>,
    %add3A_356 = arith.constant 784 : i32
    %add3A_357 = vector.broadcast %add3A_356 : i32 to vector<16xi32>
    %add3A_358 = arith.addi %iota3A, %add3A_357 : vector<16xi32>
    %swap3A_359 = arith.constant 6 : i32
    %swap3A_360 = arith.index_cast %swap3A_359 : i32 to index
    %swap3A_361 = arith.constant 16 : index
    %swap3A_362 = tpu.vector_load %arg6[%swap3A_360, %swap3A_361] {strides = array<i32>} : memref<7x128xi32, #tpu.memory_space<vmem>>, vector<16xi32>,
    tpu.vector_store %arg6[%swap3A_360, %swap3A_361], %add3A_358 {strides = array<i32>} : memref<7x128xi32, #tpu.memory_space<vmem>>, vector<16xi32>,
    %add3A_363 = arith.constant 800 : i32
    %add3A_364 = vector.broadcast %add3A_363 : i32 to vector<16xi32>
    %add3A_365 = arith.addi %iota3A, %add3A_364 : vector<16xi32>
    %swap3A_366 = arith.constant 6 : i32
    %swap3A_367 = arith.index_cast %swap3A_366 : i32 to index
    %swap3A_368 = arith.constant 32 : index
    %swap3A_369 = tpu.vector_load %arg6[%swap3A_367, %swap3A_368] {strides = array<i32>} : memref<7x128xi32, #tpu.memory_space<vmem>>, vector<16xi32>,
    tpu.vector_store %arg6[%swap3A_367, %swap3A_368], %add3A_365 {strides = array<i32>} : memref<7x128xi32, #tpu.memory_space<vmem>>, vector<16xi32>,
    %add3A_370 = arith.constant 816 : i32
    %add3A_371 = vector.broadcast %add3A_370 : i32 to vector<16xi32>
    %add3A_372 = arith.addi %iota3A, %add3A_371 : vector<16xi32>
    %swap3A_373 = arith.constant 6 : i32
    %swap3A_374 = arith.index_cast %swap3A_373 : i32 to index
    %swap3A_375 = arith.constant 48 : index
    %swap3A_376 = tpu.vector_load %arg6[%swap3A_374, %swap3A_375] {strides = array<i32>} : memref<7x128xi32, #tpu.memory_space<vmem>>, vector<16xi32>,
    tpu.vector_store %arg6[%swap3A_374, %swap3A_375], %add3A_372 {strides = array<i32>} : memref<7x128xi32, #tpu.memory_space<vmem>>, vector<16xi32>,
    %add3A_377 = arith.constant 832 : i32
    %add3A_378 = vector.broadcast %add3A_377 : i32 to vector<16xi32>
    %add3A_379 = arith.addi %iota3A, %add3A_378 : vector<16xi32>
    %swap3A_380 = arith.constant 6 : i32
    %swap3A_381 = arith.index_cast %swap3A_380 : i32 to index
    %swap3A_382 = arith.constant 64 : index
    %swap3A_383 = tpu.vector_load %arg6[%swap3A_381, %swap3A_382] {strides = array<i32>} : memref<7x128xi32, #tpu.memory_space<vmem>>, vector<16xi32>,
    tpu.vector_store %arg6[%swap3A_381, %swap3A_382], %add3A_379 {strides = array<i32>} : memref<7x128xi32, #tpu.memory_space<vmem>>, vector<16xi32>,
    %add3A_384 = arith.constant 848 : i32
    %add3A_385 = vector.broadcast %add3A_384 : i32 to vector<16xi32>
    %add3A_386 = arith.addi %iota3A, %add3A_385 : vector<16xi32>
    %swap3A_387 = arith.constant 6 : i32
    %swap3A_388 = arith.index_cast %swap3A_387 : i32 to index
    %swap3A_389 = arith.constant 80 : index
    %swap3A_390 = tpu.vector_load %arg6[%swap3A_388, %swap3A_389] {strides = array<i32>} : memref<7x128xi32, #tpu.memory_space<vmem>>, vector<16xi32>,
    tpu.vector_store %arg6[%swap3A_388, %swap3A_389], %add3A_386 {strides = array<i32>} : memref<7x128xi32, #tpu.memory_space<vmem>>, vector<16xi32>,
    %add3A_391 = arith.constant 864 : i32
    %add3A_392 = vector.broadcast %add3A_391 : i32 to vector<16xi32>
    %add3A_393 = arith.addi %iota3A, %add3A_392 : vector<16xi32>
    %swap3A_394 = arith.constant 6 : i32
    %swap3A_395 = arith.index_cast %swap3A_394 : i32 to index
    %swap3A_396 = arith.constant 96 : index
    %swap3A_397 = tpu.vector_load %arg6[%swap3A_395, %swap3A_396] {strides = array<i32>} : memref<7x128xi32, #tpu.memory_space<vmem>>, vector<16xi32>,
    tpu.vector_store %arg6[%swap3A_395, %swap3A_396], %add3A_393 {strides = array<i32>} : memref<7x128xi32, #tpu.memory_space<vmem>>, vector<16xi32>,
    %add3A_398 = arith.constant 880 : i32
    %add3A_399 = vector.broadcast %add3A_398 : i32 to vector<16xi32>
    %add3A_400 = arith.addi %iota3A, %add3A_399 : vector<16xi32>
    %swap3A_401 = arith.constant 6 : i32
    %swap3A_402 = arith.index_cast %swap3A_401 : i32 to index
    %swap3A_403 = arith.constant 112 : index
    %swap3A_404 = tpu.vector_load %arg6[%swap3A_402, %swap3A_403] {strides = array<i32>} : memref<7x128xi32, #tpu.memory_space<vmem>>, vector<16xi32>,
    tpu.vector_store %arg6[%swap3A_402, %swap3A_403], %add3A_400 {strides = array<i32>} : memref<7x128xi32, #tpu.memory_space<vmem>>, vector<16xi32>,
    %mul3A_405 = arith.constant 56 : i32
    %mul3A_406 = arith.muli %arg1, %mul3A_405 : i32
    %mul3A_407 = arith.constant 56 : i32
    %mul3A_408 = arith.muli %arg1, %mul3A_407 : i32
    "tpu.region"() ({
      %run_scoped3A_594 = tpu.sem_alloc : memref<!tpu.dma_semaphore, #tpu.memory_space<semaphore_mem>>
      %dma_start3A_595 = arith.constant 0 : i32
      %dma_start3A_596 = tpu.memref_slice %arg5[%mul3A_406, %dma_start3A_595] : memref<896x128xi32, #tpu.memory_space<vmem>> -> memref<56x128xi32, #tpu.memory_space<vmem>>
      %dma_start3A_597 = arith.constant 0 : i32
      %dma_start3A_598 = tpu.memref_slice %arg7[%mul3A_408, %dma_start3A_597] : memref<896x128xi32, #tpu.memory_space<vmem_shared>> -> memref<56x128xi32, #tpu.memory_space<vmem_shared>>
      %dma_start3A_599 = arith.constant 0 : i32
      %dma_start3A_600 = tpu.memref_slice %arg7[%mul3A_408, %dma_start3A_599] : memref<896x128xi32, #tpu.memory_space<vmem_shared>> -> memref<56x128xi32, #tpu.memory_space<vmem_shared>>
      %dma_start3A_601 = arith.constant 0 : i32
      %dma_start3A_602 = tpu.memref_slice %arg5[%mul3A_406, %dma_start3A_601] : memref<896x128xi32, #tpu.memory_space<vmem>> -> memref<56x128xi32, #tpu.memory_space<vmem>>
      tpu.enqueue_dma source(%dma_start3A_602 : memref<56x128xi32, #tpu.memory_space<vmem>>) target(%dma_start3A_600 : memref<56x128xi32, #tpu.memory_space<vmem_shared>>) target_semaphore(%run_scoped3A_594 : memref<!tpu.dma_semaphore, #tpu.memory_space<semaphore_mem>>)
      %dma_wait3A_603 = arith.constant 0 : i32
      %dma_wait3A_604 = tpu.memref_slice %arg5[%mul3A_406, %dma_wait3A_603] : memref<896x128xi32, #tpu.memory_space<vmem>> -> memref<56x128xi32, #tpu.memory_space<vmem>>
      %dma_wait3A_605 = arith.constant 0 : i32
      %dma_wait3A_606 = tpu.memref_slice %arg7[%mul3A_408, %dma_wait3A_605] : memref<896x128xi32, #tpu.memory_space<vmem_shared>> -> memref<56x128xi32, #tpu.memory_space<vmem_shared>>
      %dma_wait3A_607 = arith.constant 0 : i32
      %dma_wait3A_608 = tpu.memref_slice %arg7[%mul3A_408, %dma_wait3A_607] : memref<896x128xi32, #tpu.memory_space<vmem_shared>> -> memref<56x128xi32, #tpu.memory_space<vmem_shared>>
      %dma_wait3A_609 = arith.constant 0 : i32
      %dma_wait3A_610 = tpu.memref_slice %arg5[%mul3A_406, %dma_wait3A_609] : memref<896x128xi32, #tpu.memory_space<vmem>> -> memref<56x128xi32, #tpu.memory_space<vmem>>
      tpu.wait_dma2 semaphore(%run_scoped3A_594 : memref<!tpu.dma_semaphore, #tpu.memory_space<semaphore_mem>>) src(%dma_wait3A_610 : memref<56x128xi32, #tpu.memory_space<vmem>>) dst(%dma_wait3A_608 : memref<56x128xi32, #tpu.memory_space<vmem_shared>>)
      tpu.yield
    }) : () -> ()
    %broadcast_in_dim3A_409 = arith.constant 1 : i32
    %broadcast_in_dim3A_410 = vector.broadcast %broadcast_in_dim3A_409 : i32 to vector<16xi32>
    %add3A_411 = arith.constant 3200 : i32
    %add3A_412 = arith.addi %mul3A_2, %add3A_411 : i32
    %dma_start3A_413 = arith.constant 1 : i32
    %dma_start3A_414 = arith.constant 0 : i32
    %dma_start3A_415 = tpu.memref_slice %arg4[%dma_start3A_413, %dma_start3A_414] : memref<2x3200xi32, #tpu.memory_space<vmem>> -> memref<1x3200xi32, #tpu.memory_space<vmem>>
    %dma_start3A_416 = tpu.memref_squeeze %dma_start3A_415 : memref<1x3200xi32, #tpu.memory_space<vmem>> -> memref<3200xi32, #tpu.memory_space<vmem>>
    %dma_start3A_417 = tpu.memref_slice %arg2[%add3A_412] : memref<819200xi32, #tpu.memory_space<hbm>> -> memref<3200xi32, #tpu.memory_space<hbm>>
    %dma_start3A_418 = arith.constant 0 : i32
    %dma_start3A_419 = tpu.memref_slice %arg4[%dma_start3A_413, %dma_start3A_418] : memref<2x3200xi32, #tpu.memory_space<vmem>> -> memref<1x3200xi32, #tpu.memory_space<vmem>>
    %dma_start3A_420 = tpu.memref_squeeze %dma_start3A_419 : memref<1x3200xi32, #tpu.memory_space<vmem>> -> memref<3200xi32, #tpu.memory_space<vmem>>
    %dma_start3A_421 = tpu.memref_slice %arg2[%add3A_412] : memref<819200xi32, #tpu.memory_space<hbm>> -> memref<3200xi32, #tpu.memory_space<hbm>>
    tpu.enqueue_dma source(%dma_start3A_421 : memref<3200xi32, #tpu.memory_space<hbm>>) target(%dma_start3A_420 : memref<3200xi32, #tpu.memory_space<vmem>>) target_semaphore(%arg9 : memref<!tpu.dma_semaphore, #tpu.memory_space<semaphore_mem>>)
    %dma_wait3A = arith.constant 0 : i32
    %dma_wait3A_422 = arith.constant 0 : i32
    %dma_wait3A_423 = tpu.memref_slice %arg4[%dma_wait3A, %dma_wait3A_422] : memref<2x3200xi32, #tpu.memory_space<vmem>> -> memref<1x3200xi32, #tpu.memory_space<vmem>>
    %dma_wait3A_424 = tpu.memref_squeeze %dma_wait3A_423 : memref<1x3200xi32, #tpu.memory_space<vmem>> -> memref<3200xi32, #tpu.memory_space<vmem>>
    %dma_wait3A_425 = tpu.memref_slice %arg2[%mul3A_2] : memref<819200xi32, #tpu.memory_space<hbm>> -> memref<3200xi32, #tpu.memory_space<hbm>>
    %dma_wait3A_426 = arith.constant 0 : i32
    %dma_wait3A_427 = tpu.memref_slice %arg4[%dma_wait3A, %dma_wait3A_426] : memref<2x3200xi32, #tpu.memory_space<vmem>> -> memref<1x3200xi32, #tpu.memory_space<vmem>>
    %dma_wait3A_428 = tpu.memref_squeeze %dma_wait3A_427 : memref<1x3200xi32, #tpu.memory_space<vmem>> -> memref<3200xi32, #tpu.memory_space<vmem>>
    %dma_wait3A_429 = tpu.memref_slice %arg2[%mul3A_2] : memref<819200xi32, #tpu.memory_space<hbm>> -> memref<3200xi32, #tpu.memory_space<hbm>>
    tpu.wait_dma2 semaphore(%arg8 : memref<!tpu.dma_semaphore, #tpu.memory_space<semaphore_mem>>) src(%dma_wait3A_429 : memref<3200xi32, #tpu.memory_space<hbm>>) dst(%dma_wait3A_428 : memref<3200xi32, #tpu.memory_space<vmem>>)
    %parallel_loop3A_430 = arith.constant 0 : i32
    %parallel_loop3A_431 = arith.constant 200 : i32
    %parallel_loop3A_432 = arith.constant 1 : i32
    scf.for %parallel_loop3A_594 = %parallel_loop3A_430 to %parallel_loop3A_431 step %parallel_loop3A_432  : i32 {
      %parallel_loop3A_595 = arith.constant 16 : i32
      %parallel_loop3A_596 = arith.muli %parallel_loop3A_594, %parallel_loop3A_595 : i32
      %parallel_loop3A_597 = arith.constant 0 : i32
      %parallel_loop3A_598 = arith.index_cast %parallel_loop3A_597 : i32 to index
      %parallel_loop3A_599 = arith.index_cast %parallel_loop3A_596 : i32 to index
      %parallel_loop3A_600 = tpu.vector_load %arg4[%parallel_loop3A_598, %parallel_loop3A_599] {strides = array<i32>} : memref<2x3200xi32, #tpu.memory_space<vmem>>, vector<16xi32>,
      %parallel_loop3A_601 = arith.constant 128 : i32
      %parallel_loop3A_602 = vector.broadcast %parallel_loop3A_601 : i32 to vector<16xi32>
      %parallel_loop3A_603 = arith.divsi %parallel_loop3A_600, %parallel_loop3A_602 : vector<16xi32>
      %parallel_loop3A_604 = arith.constant 0 : i32
      %parallel_loop3A_605 = vector.broadcast %parallel_loop3A_604 : i32 to vector<16xi32>
      %parallel_loop3A_606 = arith.cmpi sgt, %parallel_loop3A_600, %parallel_loop3A_605 : vector<16xi32>
      %parallel_loop3A_607 = arith.extui %parallel_loop3A_606 : vector<16xi1> to vector<16xi32>
      %parallel_loop3A_608 = arith.constant 0 : i32
      %parallel_loop3A_609 = vector.broadcast %parallel_loop3A_608 : i32 to vector<16xi32>
      %parallel_loop3A_610 = arith.cmpi slt, %parallel_loop3A_600, %parallel_loop3A_609 : vector<16xi32>
      %parallel_loop3A_611 = arith.extui %parallel_loop3A_610 : vector<16xi1> to vector<16xi32>
      %parallel_loop3A_612 = arith.subi %parallel_loop3A_607, %parallel_loop3A_611 : vector<16xi32>
      %parallel_loop3A_613 = arith.constant 0 : i32
      %parallel_loop3A_614 = arith.cmpi sgt, %parallel_loop3A_601, %parallel_loop3A_613 : i32
      %parallel_loop3A_615 = arith.extui %parallel_loop3A_614 : i1 to i32
      %parallel_loop3A_616 = arith.constant 0 : i32
      %parallel_loop3A_617 = arith.cmpi slt, %parallel_loop3A_601, %parallel_loop3A_616 : i32
      %parallel_loop3A_618 = arith.extui %parallel_loop3A_617 : i1 to i32
      %parallel_loop3A_619 = arith.subi %parallel_loop3A_615, %parallel_loop3A_618 : i32
      %parallel_loop3A_620 = vector.broadcast %parallel_loop3A_619 : i32 to vector<16xi32>
      %parallel_loop3A_621 = arith.cmpi ne, %parallel_loop3A_612, %parallel_loop3A_620 : vector<16xi32>
      %parallel_loop3A_622 = vector.broadcast %parallel_loop3A_601 : i32 to vector<16xi32>
      %parallel_loop3A_623 = arith.remsi %parallel_loop3A_600, %parallel_loop3A_622 : vector<16xi32>
      %parallel_loop3A_624 = arith.constant 0 : i32
      %parallel_loop3A_625 = vector.broadcast %parallel_loop3A_624 : i32 to vector<16xi32>
      %parallel_loop3A_626 = arith.cmpi ne, %parallel_loop3A_623, %parallel_loop3A_625 : vector<16xi32>
      %parallel_loop3A_627 = arith.andi %parallel_loop3A_621, %parallel_loop3A_626 : vector<16xi1>
      %parallel_loop3A_628 = arith.constant 1 : i32
      %parallel_loop3A_629 = vector.broadcast %parallel_loop3A_628 : i32 to vector<16xi32>
      %parallel_loop3A_630 = arith.subi %parallel_loop3A_603, %parallel_loop3A_629 : vector<16xi32>
      %parallel_loop3A_631 = arith.select %parallel_loop3A_627, %parallel_loop3A_630, %parallel_loop3A_603 : vector<16xi1>, vector<16xi32>
      %parallel_loop3A_632 = arith.constant 128 : i32
      %parallel_loop3A_633 = arith.constant 0 : i32
      %parallel_loop3A_634 = arith.cmpi eq, %parallel_loop3A_632, %parallel_loop3A_633 : i32
      %parallel_loop3A_635 = arith.constant 1 : i32
      %parallel_loop3A_636 = arith.select %parallel_loop3A_634, %parallel_loop3A_635, %parallel_loop3A_632 : i32
      %parallel_loop3A_637 = vector.broadcast %parallel_loop3A_636 : i32 to vector<16xi32>
      %parallel_loop3A_638 = arith.remsi %parallel_loop3A_600, %parallel_loop3A_637 : vector<16xi32>
      %parallel_loop3A_639 = arith.constant 0 : i32
      %parallel_loop3A_640 = vector.broadcast %parallel_loop3A_639 : i32 to vector<16xi32>
      %parallel_loop3A_641 = arith.cmpi ne, %parallel_loop3A_638, %parallel_loop3A_640 : vector<16xi32>
      %parallel_loop3A_642 = arith.constant 0 : i32
      %parallel_loop3A_643 = vector.broadcast %parallel_loop3A_642 : i32 to vector<16xi32>
      %parallel_loop3A_644 = arith.cmpi slt, %parallel_loop3A_638, %parallel_loop3A_643 : vector<16xi32>
      %parallel_loop3A_645 = arith.constant 0 : i32
      %parallel_loop3A_646 = arith.cmpi slt, %parallel_loop3A_636, %parallel_loop3A_645 : i32
      %parallel_loop3A_647 = vector.broadcast %parallel_loop3A_646 : i1 to vector<16xi1>
      %parallel_loop3A_648 = vector.broadcast %parallel_loop3A_647 : vector<16xi1> to vector<16xi1>
      %parallel_loop3A_649 = arith.xori %parallel_loop3A_644, %parallel_loop3A_648 : vector<16xi1>
      %parallel_loop3A_650 = arith.andi %parallel_loop3A_649, %parallel_loop3A_641 : vector<16xi1>
      %parallel_loop3A_651 = vector.broadcast %parallel_loop3A_636 : i32 to vector<16xi32>
      %parallel_loop3A_652 = arith.addi %parallel_loop3A_638, %parallel_loop3A_651 : vector<16xi32>
      %parallel_loop3A_653 = arith.select %parallel_loop3A_650, %parallel_loop3A_652, %parallel_loop3A_638 : vector<16xi1>, vector<16xi32>
      tpu.vector_store_idx %arg5[%parallel_loop3A_631, %parallel_loop3A_653], %broadcast_in_dim3A_410 {add = true} : memref<896x128xi32, #tpu.memory_space<vmem>>[vector<16xi32>, vector<16xi32>], vector<16xi32>,
    } {sc.loop_unroll_factor = 8 : i64, sc.parallel_access}
    %add3A_433 = arith.constant 6400 : i32
    %add3A_434 = arith.addi %mul3A_2, %add3A_433 : i32
    %dma_start3A_435 = arith.constant 0 : i32
    %dma_start3A_436 = arith.constant 0 : i32
    %dma_start3A_437 = tpu.memref_slice %arg4[%dma_start3A_435, %dma_start3A_436] : memref<2x3200xi32, #tpu.memory_space<vmem>> -> memref<1x3200xi32, #tpu.memory_space<vmem>>
    %dma_start3A_438 = tpu.memref_squeeze %dma_start3A_437 : memref<1x3200xi32, #tpu.memory_space<vmem>> -> memref<3200xi32, #tpu.memory_space<vmem>>
    %dma_start3A_439 = tpu.memref_slice %arg2[%add3A_434] : memref<819200xi32, #tpu.memory_space<hbm>> -> memref<3200xi32, #tpu.memory_space<hbm>>
    %dma_start3A_440 = arith.constant 0 : i32
    %dma_start3A_441 = tpu.memref_slice %arg4[%dma_start3A_435, %dma_start3A_440] : memref<2x3200xi32, #tpu.memory_space<vmem>> -> memref<1x3200xi32, #tpu.memory_space<vmem>>
    %dma_start3A_442 = tpu.memref_squeeze %dma_start3A_441 : memref<1x3200xi32, #tpu.memory_space<vmem>> -> memref<3200xi32, #tpu.memory_space<vmem>>
    %dma_start3A_443 = tpu.memref_slice %arg2[%add3A_434] : memref<819200xi32, #tpu.memory_space<hbm>> -> memref<3200xi32, #tpu.memory_space<hbm>>
    tpu.enqueue_dma source(%dma_start3A_443 : memref<3200xi32, #tpu.memory_space<hbm>>) target(%dma_start3A_442 : memref<3200xi32, #tpu.memory_space<vmem>>) target_semaphore(%arg8 : memref<!tpu.dma_semaphore, #tpu.memory_space<semaphore_mem>>)
    %dma_wait3A_444 = arith.constant 1 : i32
    %dma_wait3A_445 = arith.constant 0 : i32
    %dma_wait3A_446 = tpu.memref_slice %arg4[%dma_wait3A_444, %dma_wait3A_445] : memref<2x3200xi32, #tpu.memory_space<vmem>> -> memref<1x3200xi32, #tpu.memory_space<vmem>>
    %dma_wait3A_447 = tpu.memref_squeeze %dma_wait3A_446 : memref<1x3200xi32, #tpu.memory_space<vmem>> -> memref<3200xi32, #tpu.memory_space<vmem>>
    %dma_wait3A_448 = tpu.memref_slice %arg2[%add3A_412] : memref<819200xi32, #tpu.memory_space<hbm>> -> memref<3200xi32, #tpu.memory_space<hbm>>
    %dma_wait3A_449 = arith.constant 0 : i32
    %dma_wait3A_450 = tpu.memref_slice %arg4[%dma_wait3A_444, %dma_wait3A_449] : memref<2x3200xi32, #tpu.memory_space<vmem>> -> memref<1x3200xi32, #tpu.memory_space<vmem>>
    %dma_wait3A_451 = tpu.memref_squeeze %dma_wait3A_450 : memref<1x3200xi32, #tpu.memory_space<vmem>> -> memref<3200xi32, #tpu.memory_space<vmem>>
    %dma_wait3A_452 = tpu.memref_slice %arg2[%add3A_412] : memref<819200xi32, #tpu.memory_space<hbm>> -> memref<3200xi32, #tpu.memory_space<hbm>>
    tpu.wait_dma2 semaphore(%arg9 : memref<!tpu.dma_semaphore, #tpu.memory_space<semaphore_mem>>) src(%dma_wait3A_452 : memref<3200xi32, #tpu.memory_space<hbm>>) dst(%dma_wait3A_451 : memref<3200xi32, #tpu.memory_space<vmem>>)
    %parallel_loop3A_453 = arith.constant 0 : i32
    %parallel_loop3A_454 = arith.constant 200 : i32
    %parallel_loop3A_455 = arith.constant 1 : i32
    scf.for %parallel_loop3A_594 = %parallel_loop3A_453 to %parallel_loop3A_454 step %parallel_loop3A_455  : i32 {
      %parallel_loop3A_595 = arith.constant 16 : i32
      %parallel_loop3A_596 = arith.muli %parallel_loop3A_594, %parallel_loop3A_595 : i32
      %parallel_loop3A_597 = arith.constant 1 : i32
      %parallel_loop3A_598 = arith.index_cast %parallel_loop3A_597 : i32 to index
      %parallel_loop3A_599 = arith.index_cast %parallel_loop3A_596 : i32 to index
      %parallel_loop3A_600 = tpu.vector_load %arg4[%parallel_loop3A_598, %parallel_loop3A_599] {strides = array<i32>} : memref<2x3200xi32, #tpu.memory_space<vmem>>, vector<16xi32>,
      %parallel_loop3A_601 = arith.constant 128 : i32
      %parallel_loop3A_602 = vector.broadcast %parallel_loop3A_601 : i32 to vector<16xi32>
      %parallel_loop3A_603 = arith.divsi %parallel_loop3A_600, %parallel_loop3A_602 : vector<16xi32>
      %parallel_loop3A_604 = arith.constant 0 : i32
      %parallel_loop3A_605 = vector.broadcast %parallel_loop3A_604 : i32 to vector<16xi32>
      %parallel_loop3A_606 = arith.cmpi sgt, %parallel_loop3A_600, %parallel_loop3A_605 : vector<16xi32>
      %parallel_loop3A_607 = arith.extui %parallel_loop3A_606 : vector<16xi1> to vector<16xi32>
      %parallel_loop3A_608 = arith.constant 0 : i32
      %parallel_loop3A_609 = vector.broadcast %parallel_loop3A_608 : i32 to vector<16xi32>
      %parallel_loop3A_610 = arith.cmpi slt, %parallel_loop3A_600, %parallel_loop3A_609 : vector<16xi32>
      %parallel_loop3A_611 = arith.extui %parallel_loop3A_610 : vector<16xi1> to vector<16xi32>
      %parallel_loop3A_612 = arith.subi %parallel_loop3A_607, %parallel_loop3A_611 : vector<16xi32>
      %parallel_loop3A_613 = arith.constant 0 : i32
      %parallel_loop3A_614 = arith.cmpi sgt, %parallel_loop3A_601, %parallel_loop3A_613 : i32
      %parallel_loop3A_615 = arith.extui %parallel_loop3A_614 : i1 to i32
      %parallel_loop3A_616 = arith.constant 0 : i32
      %parallel_loop3A_617 = arith.cmpi slt, %parallel_loop3A_601, %parallel_loop3A_616 : i32
      %parallel_loop3A_618 = arith.extui %parallel_loop3A_617 : i1 to i32
      %parallel_loop3A_619 = arith.subi %parallel_loop3A_615, %parallel_loop3A_618 : i32
      %parallel_loop3A_620 = vector.broadcast %parallel_loop3A_619 : i32 to vector<16xi32>
      %parallel_loop3A_621 = arith.cmpi ne, %parallel_loop3A_612, %parallel_loop3A_620 : vector<16xi32>
      %parallel_loop3A_622 = vector.broadcast %parallel_loop3A_601 : i32 to vector<16xi32>
      %parallel_loop3A_623 = arith.remsi %parallel_loop3A_600, %parallel_loop3A_622 : vector<16xi32>
      %parallel_loop3A_624 = arith.constant 0 : i32
      %parallel_loop3A_625 = vector.broadcast %parallel_loop3A_624 : i32 to vector<16xi32>
      %parallel_loop3A_626 = arith.cmpi ne, %parallel_loop3A_623, %parallel_loop3A_625 : vector<16xi32>
      %parallel_loop3A_627 = arith.andi %parallel_loop3A_621, %parallel_loop3A_626 : vector<16xi1>
      %parallel_loop3A_628 = arith.constant 1 : i32
      %parallel_loop3A_629 = vector.broadcast %parallel_loop3A_628 : i32 to vector<16xi32>
      %parallel_loop3A_630 = arith.subi %parallel_loop3A_603, %parallel_loop3A_629 : vector<16xi32>
      %parallel_loop3A_631 = arith.select %parallel_loop3A_627, %parallel_loop3A_630, %parallel_loop3A_603 : vector<16xi1>, vector<16xi32>
      %parallel_loop3A_632 = arith.constant 128 : i32
      %parallel_loop3A_633 = arith.constant 0 : i32
      %parallel_loop3A_634 = arith.cmpi eq, %parallel_loop3A_632, %parallel_loop3A_633 : i32
      %parallel_loop3A_635 = arith.constant 1 : i32
      %parallel_loop3A_636 = arith.select %parallel_loop3A_634, %parallel_loop3A_635, %parallel_loop3A_632 : i32
      %parallel_loop3A_637 = vector.broadcast %parallel_loop3A_636 : i32 to vector<16xi32>
      %parallel_loop3A_638 = arith.remsi %parallel_loop3A_600, %parallel_loop3A_637 : vector<16xi32>
      %parallel_loop3A_639 = arith.constant 0 : i32
      %parallel_loop3A_640 = vector.broadcast %parallel_loop3A_639 : i32 to vector<16xi32>
      %parallel_loop3A_641 = arith.cmpi ne, %parallel_loop3A_638, %parallel_loop3A_640 : vector<16xi32>
      %parallel_loop3A_642 = arith.constant 0 : i32
      %parallel_loop3A_643 = vector.broadcast %parallel_loop3A_642 : i32 to vector<16xi32>
      %parallel_loop3A_644 = arith.cmpi slt, %parallel_loop3A_638, %parallel_loop3A_643 : vector<16xi32>
      %parallel_loop3A_645 = arith.constant 0 : i32
      %parallel_loop3A_646 = arith.cmpi slt, %parallel_loop3A_636, %parallel_loop3A_645 : i32
      %parallel_loop3A_647 = vector.broadcast %parallel_loop3A_646 : i1 to vector<16xi1>
      %parallel_loop3A_648 = vector.broadcast %parallel_loop3A_647 : vector<16xi1> to vector<16xi1>
      %parallel_loop3A_649 = arith.xori %parallel_loop3A_644, %parallel_loop3A_648 : vector<16xi1>
      %parallel_loop3A_650 = arith.andi %parallel_loop3A_649, %parallel_loop3A_641 : vector<16xi1>
      %parallel_loop3A_651 = vector.broadcast %parallel_loop3A_636 : i32 to vector<16xi32>
      %parallel_loop3A_652 = arith.addi %parallel_loop3A_638, %parallel_loop3A_651 : vector<16xi32>
      %parallel_loop3A_653 = arith.select %parallel_loop3A_650, %parallel_loop3A_652, %parallel_loop3A_638 : vector<16xi1>, vector<16xi32>
      tpu.vector_store_idx %arg5[%parallel_loop3A_631, %parallel_loop3A_653], %broadcast_in_dim3A_410 {add = true} : memref<896x128xi32, #tpu.memory_space<vmem>>[vector<16xi32>, vector<16xi32>], vector<16xi32>,
    } {sc.loop_unroll_factor = 8 : i64, sc.parallel_access}
    %add3A_456 = arith.constant 9600 : i32
    %add3A_457 = arith.addi %mul3A_2, %add3A_456 : i32
    %dma_start3A_458 = arith.constant 1 : i32
    %dma_start3A_459 = arith.constant 0 : i32
    %dma_start3A_460 = tpu.memref_slice %arg4[%dma_start3A_458, %dma_start3A_459] : memref<2x3200xi32, #tpu.memory_space<vmem>> -> memref<1x3200xi32, #tpu.memory_space<vmem>>
    %dma_start3A_461 = tpu.memref_squeeze %dma_start3A_460 : memref<1x3200xi32, #tpu.memory_space<vmem>> -> memref<3200xi32, #tpu.memory_space<vmem>>
    %dma_start3A_462 = tpu.memref_slice %arg2[%add3A_457] : memref<819200xi32, #tpu.memory_space<hbm>> -> memref<3200xi32, #tpu.memory_space<hbm>>
    %dma_start3A_463 = arith.constant 0 : i32
    %dma_start3A_464 = tpu.memref_slice %arg4[%dma_start3A_458, %dma_start3A_463] : memref<2x3200xi32, #tpu.memory_space<vmem>> -> memref<1x3200xi32, #tpu.memory_space<vmem>>
    %dma_start3A_465 = tpu.memref_squeeze %dma_start3A_464 : memref<1x3200xi32, #tpu.memory_space<vmem>> -> memref<3200xi32, #tpu.memory_space<vmem>>
    %dma_start3A_466 = tpu.memref_slice %arg2[%add3A_457] : memref<819200xi32, #tpu.memory_space<hbm>> -> memref<3200xi32, #tpu.memory_space<hbm>>
    tpu.enqueue_dma source(%dma_start3A_466 : memref<3200xi32, #tpu.memory_space<hbm>>) target(%dma_start3A_465 : memref<3200xi32, #tpu.memory_space<vmem>>) target_semaphore(%arg9 : memref<!tpu.dma_semaphore, #tpu.memory_space<semaphore_mem>>)
    %dma_wait3A_467 = arith.constant 0 : i32
    %dma_wait3A_468 = arith.constant 0 : i32
    %dma_wait3A_469 = tpu.memref_slice %arg4[%dma_wait3A_467, %dma_wait3A_468] : memref<2x3200xi32, #tpu.memory_space<vmem>> -> memref<1x3200xi32, #tpu.memory_space<vmem>>
    %dma_wait3A_470 = tpu.memref_squeeze %dma_wait3A_469 : memref<1x3200xi32, #tpu.memory_space<vmem>> -> memref<3200xi32, #tpu.memory_space<vmem>>
    %dma_wait3A_471 = tpu.memref_slice %arg2[%add3A_434] : memref<819200xi32, #tpu.memory_space<hbm>> -> memref<3200xi32, #tpu.memory_space<hbm>>
    %dma_wait3A_472 = arith.constant 0 : i32
    %dma_wait3A_473 = tpu.memref_slice %arg4[%dma_wait3A_467, %dma_wait3A_472] : memref<2x3200xi32, #tpu.memory_space<vmem>> -> memref<1x3200xi32, #tpu.memory_space<vmem>>
    %dma_wait3A_474 = tpu.memref_squeeze %dma_wait3A_473 : memref<1x3200xi32, #tpu.memory_space<vmem>> -> memref<3200xi32, #tpu.memory_space<vmem>>
    %dma_wait3A_475 = tpu.memref_slice %arg2[%add3A_434] : memref<819200xi32, #tpu.memory_space<hbm>> -> memref<3200xi32, #tpu.memory_space<hbm>>
    tpu.wait_dma2 semaphore(%arg8 : memref<!tpu.dma_semaphore, #tpu.memory_space<semaphore_mem>>) src(%dma_wait3A_475 : memref<3200xi32, #tpu.memory_space<hbm>>) dst(%dma_wait3A_474 : memref<3200xi32, #tpu.memory_space<vmem>>)
    %parallel_loop3A_476 = arith.constant 0 : i32
    %parallel_loop3A_477 = arith.constant 200 : i32
    %parallel_loop3A_478 = arith.constant 1 : i32
    scf.for %parallel_loop3A_594 = %parallel_loop3A_476 to %parallel_loop3A_477 step %parallel_loop3A_478  : i32 {
      %parallel_loop3A_595 = arith.constant 16 : i32
      %parallel_loop3A_596 = arith.muli %parallel_loop3A_594, %parallel_loop3A_595 : i32
      %parallel_loop3A_597 = arith.constant 0 : i32
      %parallel_loop3A_598 = arith.index_cast %parallel_loop3A_597 : i32 to index
      %parallel_loop3A_599 = arith.index_cast %parallel_loop3A_596 : i32 to index
      %parallel_loop3A_600 = tpu.vector_load %arg4[%parallel_loop3A_598, %parallel_loop3A_599] {strides = array<i32>} : memref<2x3200xi32, #tpu.memory_space<vmem>>, vector<16xi32>,
      %parallel_loop3A_601 = arith.constant 128 : i32
      %parallel_loop3A_602 = vector.broadcast %parallel_loop3A_601 : i32 to vector<16xi32>
      %parallel_loop3A_603 = arith.divsi %parallel_loop3A_600, %parallel_loop3A_602 : vector<16xi32>
      %parallel_loop3A_604 = arith.constant 0 : i32
      %parallel_loop3A_605 = vector.broadcast %parallel_loop3A_604 : i32 to vector<16xi32>
      %parallel_loop3A_606 = arith.cmpi sgt, %parallel_loop3A_600, %parallel_loop3A_605 : vector<16xi32>
      %parallel_loop3A_607 = arith.extui %parallel_loop3A_606 : vector<16xi1> to vector<16xi32>
      %parallel_loop3A_608 = arith.constant 0 : i32
      %parallel_loop3A_609 = vector.broadcast %parallel_loop3A_608 : i32 to vector<16xi32>
      %parallel_loop3A_610 = arith.cmpi slt, %parallel_loop3A_600, %parallel_loop3A_609 : vector<16xi32>
      %parallel_loop3A_611 = arith.extui %parallel_loop3A_610 : vector<16xi1> to vector<16xi32>
      %parallel_loop3A_612 = arith.subi %parallel_loop3A_607, %parallel_loop3A_611 : vector<16xi32>
      %parallel_loop3A_613 = arith.constant 0 : i32
      %parallel_loop3A_614 = arith.cmpi sgt, %parallel_loop3A_601, %parallel_loop3A_613 : i32
      %parallel_loop3A_615 = arith.extui %parallel_loop3A_614 : i1 to i32
      %parallel_loop3A_616 = arith.constant 0 : i32
      %parallel_loop3A_617 = arith.cmpi slt, %parallel_loop3A_601, %parallel_loop3A_616 : i32
      %parallel_loop3A_618 = arith.extui %parallel_loop3A_617 : i1 to i32
      %parallel_loop3A_619 = arith.subi %parallel_loop3A_615, %parallel_loop3A_618 : i32
      %parallel_loop3A_620 = vector.broadcast %parallel_loop3A_619 : i32 to vector<16xi32>
      %parallel_loop3A_621 = arith.cmpi ne, %parallel_loop3A_612, %parallel_loop3A_620 : vector<16xi32>
      %parallel_loop3A_622 = vector.broadcast %parallel_loop3A_601 : i32 to vector<16xi32>
      %parallel_loop3A_623 = arith.remsi %parallel_loop3A_600, %parallel_loop3A_622 : vector<16xi32>
      %parallel_loop3A_624 = arith.constant 0 : i32
      %parallel_loop3A_625 = vector.broadcast %parallel_loop3A_624 : i32 to vector<16xi32>
      %parallel_loop3A_626 = arith.cmpi ne, %parallel_loop3A_623, %parallel_loop3A_625 : vector<16xi32>
      %parallel_loop3A_627 = arith.andi %parallel_loop3A_621, %parallel_loop3A_626 : vector<16xi1>
      %parallel_loop3A_628 = arith.constant 1 : i32
      %parallel_loop3A_629 = vector.broadcast %parallel_loop3A_628 : i32 to vector<16xi32>
      %parallel_loop3A_630 = arith.subi %parallel_loop3A_603, %parallel_loop3A_629 : vector<16xi32>
      %parallel_loop3A_631 = arith.select %parallel_loop3A_627, %parallel_loop3A_630, %parallel_loop3A_603 : vector<16xi1>, vector<16xi32>
      %parallel_loop3A_632 = arith.constant 128 : i32
      %parallel_loop3A_633 = arith.constant 0 : i32
      %parallel_loop3A_634 = arith.cmpi eq, %parallel_loop3A_632, %parallel_loop3A_633 : i32
      %parallel_loop3A_635 = arith.constant 1 : i32
      %parallel_loop3A_636 = arith.select %parallel_loop3A_634, %parallel_loop3A_635, %parallel_loop3A_632 : i32
      %parallel_loop3A_637 = vector.broadcast %parallel_loop3A_636 : i32 to vector<16xi32>
      %parallel_loop3A_638 = arith.remsi %parallel_loop3A_600, %parallel_loop3A_637 : vector<16xi32>
      %parallel_loop3A_639 = arith.constant 0 : i32
      %parallel_loop3A_640 = vector.broadcast %parallel_loop3A_639 : i32 to vector<16xi32>
      %parallel_loop3A_641 = arith.cmpi ne, %parallel_loop3A_638, %parallel_loop3A_640 : vector<16xi32>
      %parallel_loop3A_642 = arith.constant 0 : i32
      %parallel_loop3A_643 = vector.broadcast %parallel_loop3A_642 : i32 to vector<16xi32>
      %parallel_loop3A_644 = arith.cmpi slt, %parallel_loop3A_638, %parallel_loop3A_643 : vector<16xi32>
      %parallel_loop3A_645 = arith.constant 0 : i32
      %parallel_loop3A_646 = arith.cmpi slt, %parallel_loop3A_636, %parallel_loop3A_645 : i32
      %parallel_loop3A_647 = vector.broadcast %parallel_loop3A_646 : i1 to vector<16xi1>
      %parallel_loop3A_648 = vector.broadcast %parallel_loop3A_647 : vector<16xi1> to vector<16xi1>
      %parallel_loop3A_649 = arith.xori %parallel_loop3A_644, %parallel_loop3A_648 : vector<16xi1>
      %parallel_loop3A_650 = arith.andi %parallel_loop3A_649, %parallel_loop3A_641 : vector<16xi1>
      %parallel_loop3A_651 = vector.broadcast %parallel_loop3A_636 : i32 to vector<16xi32>
      %parallel_loop3A_652 = arith.addi %parallel_loop3A_638, %parallel_loop3A_651 : vector<16xi32>
      %parallel_loop3A_653 = arith.select %parallel_loop3A_650, %parallel_loop3A_652, %parallel_loop3A_638 : vector<16xi1>, vector<16xi32>
      tpu.vector_store_idx %arg5[%parallel_loop3A_631, %parallel_loop3A_653], %broadcast_in_dim3A_410 {add = true} : memref<896x128xi32, #tpu.memory_space<vmem>>[vector<16xi32>, vector<16xi32>], vector<16xi32>,
    } {sc.loop_unroll_factor = 8 : i64, sc.parallel_access}
    %add3A_479 = arith.constant 12800 : i32
    %add3A_480 = arith.addi %mul3A_2, %add3A_479 : i32
    %dma_start3A_481 = arith.constant 0 : i32
    %dma_start3A_482 = arith.constant 0 : i32
    %dma_start3A_483 = tpu.memref_slice %arg4[%dma_start3A_481, %dma_start3A_482] : memref<2x3200xi32, #tpu.memory_space<vmem>> -> memref<1x3200xi32, #tpu.memory_space<vmem>>
    %dma_start3A_484 = tpu.memref_squeeze %dma_start3A_483 : memref<1x3200xi32, #tpu.memory_space<vmem>> -> memref<3200xi32, #tpu.memory_space<vmem>>
    %dma_start3A_485 = tpu.memref_slice %arg2[%add3A_480] : memref<819200xi32, #tpu.memory_space<hbm>> -> memref<3200xi32, #tpu.memory_space<hbm>>
    %dma_start3A_486 = arith.constant 0 : i32
    %dma_start3A_487 = tpu.memref_slice %arg4[%dma_start3A_481, %dma_start3A_486] : memref<2x3200xi32, #tpu.memory_space<vmem>> -> memref<1x3200xi32, #tpu.memory_space<vmem>>
    %dma_start3A_488 = tpu.memref_squeeze %dma_start3A_487 : memref<1x3200xi32, #tpu.memory_space<vmem>> -> memref<3200xi32, #tpu.memory_space<vmem>>
    %dma_start3A_489 = tpu.memref_slice %arg2[%add3A_480] : memref<819200xi32, #tpu.memory_space<hbm>> -> memref<3200xi32, #tpu.memory_space<hbm>>
    tpu.enqueue_dma source(%dma_start3A_489 : memref<3200xi32, #tpu.memory_space<hbm>>) target(%dma_start3A_488 : memref<3200xi32, #tpu.memory_space<vmem>>) target_semaphore(%arg8 : memref<!tpu.dma_semaphore, #tpu.memory_space<semaphore_mem>>)
    %dma_wait3A_490 = arith.constant 1 : i32
    %dma_wait3A_491 = arith.constant 0 : i32
    %dma_wait3A_492 = tpu.memref_slice %arg4[%dma_wait3A_490, %dma_wait3A_491] : memref<2x3200xi32, #tpu.memory_space<vmem>> -> memref<1x3200xi32, #tpu.memory_space<vmem>>
    %dma_wait3A_493 = tpu.memref_squeeze %dma_wait3A_492 : memref<1x3200xi32, #tpu.memory_space<vmem>> -> memref<3200xi32, #tpu.memory_space<vmem>>
    %dma_wait3A_494 = tpu.memref_slice %arg2[%add3A_457] : memref<819200xi32, #tpu.memory_space<hbm>> -> memref<3200xi32, #tpu.memory_space<hbm>>
    %dma_wait3A_495 = arith.constant 0 : i32
    %dma_wait3A_496 = tpu.memref_slice %arg4[%dma_wait3A_490, %dma_wait3A_495] : memref<2x3200xi32, #tpu.memory_space<vmem>> -> memref<1x3200xi32, #tpu.memory_space<vmem>>
    %dma_wait3A_497 = tpu.memref_squeeze %dma_wait3A_496 : memref<1x3200xi32, #tpu.memory_space<vmem>> -> memref<3200xi32, #tpu.memory_space<vmem>>
    %dma_wait3A_498 = tpu.memref_slice %arg2[%add3A_457] : memref<819200xi32, #tpu.memory_space<hbm>> -> memref<3200xi32, #tpu.memory_space<hbm>>
    tpu.wait_dma2 semaphore(%arg9 : memref<!tpu.dma_semaphore, #tpu.memory_space<semaphore_mem>>) src(%dma_wait3A_498 : memref<3200xi32, #tpu.memory_space<hbm>>) dst(%dma_wait3A_497 : memref<3200xi32, #tpu.memory_space<vmem>>)
    %parallel_loop3A_499 = arith.constant 0 : i32
    %parallel_loop3A_500 = arith.constant 200 : i32
    %parallel_loop3A_501 = arith.constant 1 : i32
    scf.for %parallel_loop3A_594 = %parallel_loop3A_499 to %parallel_loop3A_500 step %parallel_loop3A_501  : i32 {
      %parallel_loop3A_595 = arith.constant 16 : i32
      %parallel_loop3A_596 = arith.muli %parallel_loop3A_594, %parallel_loop3A_595 : i32
      %parallel_loop3A_597 = arith.constant 1 : i32
      %parallel_loop3A_598 = arith.index_cast %parallel_loop3A_597 : i32 to index
      %parallel_loop3A_599 = arith.index_cast %parallel_loop3A_596 : i32 to index
      %parallel_loop3A_600 = tpu.vector_load %arg4[%parallel_loop3A_598, %parallel_loop3A_599] {strides = array<i32>} : memref<2x3200xi32, #tpu.memory_space<vmem>>, vector<16xi32>,
      %parallel_loop3A_601 = arith.constant 128 : i32
      %parallel_loop3A_602 = vector.broadcast %parallel_loop3A_601 : i32 to vector<16xi32>
      %parallel_loop3A_603 = arith.divsi %parallel_loop3A_600, %parallel_loop3A_602 : vector<16xi32>
      %parallel_loop3A_604 = arith.constant 0 : i32
      %parallel_loop3A_605 = vector.broadcast %parallel_loop3A_604 : i32 to vector<16xi32>
      %parallel_loop3A_606 = arith.cmpi sgt, %parallel_loop3A_600, %parallel_loop3A_605 : vector<16xi32>
      %parallel_loop3A_607 = arith.extui %parallel_loop3A_606 : vector<16xi1> to vector<16xi32>
      %parallel_loop3A_608 = arith.constant 0 : i32
      %parallel_loop3A_609 = vector.broadcast %parallel_loop3A_608 : i32 to vector<16xi32>
      %parallel_loop3A_610 = arith.cmpi slt, %parallel_loop3A_600, %parallel_loop3A_609 : vector<16xi32>
      %parallel_loop3A_611 = arith.extui %parallel_loop3A_610 : vector<16xi1> to vector<16xi32>
      %parallel_loop3A_612 = arith.subi %parallel_loop3A_607, %parallel_loop3A_611 : vector<16xi32>
      %parallel_loop3A_613 = arith.constant 0 : i32
      %parallel_loop3A_614 = arith.cmpi sgt, %parallel_loop3A_601, %parallel_loop3A_613 : i32
      %parallel_loop3A_615 = arith.extui %parallel_loop3A_614 : i1 to i32
      %parallel_loop3A_616 = arith.constant 0 : i32
      %parallel_loop3A_617 = arith.cmpi slt, %parallel_loop3A_601, %parallel_loop3A_616 : i32
      %parallel_loop3A_618 = arith.extui %parallel_loop3A_617 : i1 to i32
      %parallel_loop3A_619 = arith.subi %parallel_loop3A_615, %parallel_loop3A_618 : i32
      %parallel_loop3A_620 = vector.broadcast %parallel_loop3A_619 : i32 to vector<16xi32>
      %parallel_loop3A_621 = arith.cmpi ne, %parallel_loop3A_612, %parallel_loop3A_620 : vector<16xi32>
      %parallel_loop3A_622 = vector.broadcast %parallel_loop3A_601 : i32 to vector<16xi32>
      %parallel_loop3A_623 = arith.remsi %parallel_loop3A_600, %parallel_loop3A_622 : vector<16xi32>
      %parallel_loop3A_624 = arith.constant 0 : i32
      %parallel_loop3A_625 = vector.broadcast %parallel_loop3A_624 : i32 to vector<16xi32>
      %parallel_loop3A_626 = arith.cmpi ne, %parallel_loop3A_623, %parallel_loop3A_625 : vector<16xi32>
      %parallel_loop3A_627 = arith.andi %parallel_loop3A_621, %parallel_loop3A_626 : vector<16xi1>
      %parallel_loop3A_628 = arith.constant 1 : i32
      %parallel_loop3A_629 = vector.broadcast %parallel_loop3A_628 : i32 to vector<16xi32>
      %parallel_loop3A_630 = arith.subi %parallel_loop3A_603, %parallel_loop3A_629 : vector<16xi32>
      %parallel_loop3A_631 = arith.select %parallel_loop3A_627, %parallel_loop3A_630, %parallel_loop3A_603 : vector<16xi1>, vector<16xi32>
      %parallel_loop3A_632 = arith.constant 128 : i32
      %parallel_loop3A_633 = arith.constant 0 : i32
      %parallel_loop3A_634 = arith.cmpi eq, %parallel_loop3A_632, %parallel_loop3A_633 : i32
      %parallel_loop3A_635 = arith.constant 1 : i32
      %parallel_loop3A_636 = arith.select %parallel_loop3A_634, %parallel_loop3A_635, %parallel_loop3A_632 : i32
      %parallel_loop3A_637 = vector.broadcast %parallel_loop3A_636 : i32 to vector<16xi32>
      %parallel_loop3A_638 = arith.remsi %parallel_loop3A_600, %parallel_loop3A_637 : vector<16xi32>
      %parallel_loop3A_639 = arith.constant 0 : i32
      %parallel_loop3A_640 = vector.broadcast %parallel_loop3A_639 : i32 to vector<16xi32>
      %parallel_loop3A_641 = arith.cmpi ne, %parallel_loop3A_638, %parallel_loop3A_640 : vector<16xi32>
      %parallel_loop3A_642 = arith.constant 0 : i32
      %parallel_loop3A_643 = vector.broadcast %parallel_loop3A_642 : i32 to vector<16xi32>
      %parallel_loop3A_644 = arith.cmpi slt, %parallel_loop3A_638, %parallel_loop3A_643 : vector<16xi32>
      %parallel_loop3A_645 = arith.constant 0 : i32
      %parallel_loop3A_646 = arith.cmpi slt, %parallel_loop3A_636, %parallel_loop3A_645 : i32
      %parallel_loop3A_647 = vector.broadcast %parallel_loop3A_646 : i1 to vector<16xi1>
      %parallel_loop3A_648 = vector.broadcast %parallel_loop3A_647 : vector<16xi1> to vector<16xi1>
      %parallel_loop3A_649 = arith.xori %parallel_loop3A_644, %parallel_loop3A_648 : vector<16xi1>
      %parallel_loop3A_650 = arith.andi %parallel_loop3A_649, %parallel_loop3A_641 : vector<16xi1>
      %parallel_loop3A_651 = vector.broadcast %parallel_loop3A_636 : i32 to vector<16xi32>
      %parallel_loop3A_652 = arith.addi %parallel_loop3A_638, %parallel_loop3A_651 : vector<16xi32>
      %parallel_loop3A_653 = arith.select %parallel_loop3A_650, %parallel_loop3A_652, %parallel_loop3A_638 : vector<16xi1>, vector<16xi32>
      tpu.vector_store_idx %arg5[%parallel_loop3A_631, %parallel_loop3A_653], %broadcast_in_dim3A_410 {add = true} : memref<896x128xi32, #tpu.memory_space<vmem>>[vector<16xi32>, vector<16xi32>], vector<16xi32>,
    } {sc.loop_unroll_factor = 8 : i64, sc.parallel_access}
    %add3A_502 = arith.constant 16000 : i32
    %add3A_503 = arith.addi %mul3A_2, %add3A_502 : i32
    %dma_start3A_504 = arith.constant 1 : i32
    %dma_start3A_505 = arith.constant 0 : i32
    %dma_start3A_506 = tpu.memref_slice %arg4[%dma_start3A_504, %dma_start3A_505] : memref<2x3200xi32, #tpu.memory_space<vmem>> -> memref<1x3200xi32, #tpu.memory_space<vmem>>
    %dma_start3A_507 = tpu.memref_squeeze %dma_start3A_506 : memref<1x3200xi32, #tpu.memory_space<vmem>> -> memref<3200xi32, #tpu.memory_space<vmem>>
    %dma_start3A_508 = tpu.memref_slice %arg2[%add3A_503] : memref<819200xi32, #tpu.memory_space<hbm>> -> memref<3200xi32, #tpu.memory_space<hbm>>
    %dma_start3A_509 = arith.constant 0 : i32
    %dma_start3A_510 = tpu.memref_slice %arg4[%dma_start3A_504, %dma_start3A_509] : memref<2x3200xi32, #tpu.memory_space<vmem>> -> memref<1x3200xi32, #tpu.memory_space<vmem>>
    %dma_start3A_511 = tpu.memref_squeeze %dma_start3A_510 : memref<1x3200xi32, #tpu.memory_space<vmem>> -> memref<3200xi32, #tpu.memory_space<vmem>>
    %dma_start3A_512 = tpu.memref_slice %arg2[%add3A_503] : memref<819200xi32, #tpu.memory_space<hbm>> -> memref<3200xi32, #tpu.memory_space<hbm>>
    tpu.enqueue_dma source(%dma_start3A_512 : memref<3200xi32, #tpu.memory_space<hbm>>) target(%dma_start3A_511 : memref<3200xi32, #tpu.memory_space<vmem>>) target_semaphore(%arg9 : memref<!tpu.dma_semaphore, #tpu.memory_space<semaphore_mem>>)
    %dma_wait3A_513 = arith.constant 0 : i32
    %dma_wait3A_514 = arith.constant 0 : i32
    %dma_wait3A_515 = tpu.memref_slice %arg4[%dma_wait3A_513, %dma_wait3A_514] : memref<2x3200xi32, #tpu.memory_space<vmem>> -> memref<1x3200xi32, #tpu.memory_space<vmem>>
    %dma_wait3A_516 = tpu.memref_squeeze %dma_wait3A_515 : memref<1x3200xi32, #tpu.memory_space<vmem>> -> memref<3200xi32, #tpu.memory_space<vmem>>
    %dma_wait3A_517 = tpu.memref_slice %arg2[%add3A_480] : memref<819200xi32, #tpu.memory_space<hbm>> -> memref<3200xi32, #tpu.memory_space<hbm>>
    %dma_wait3A_518 = arith.constant 0 : i32
    %dma_wait3A_519 = tpu.memref_slice %arg4[%dma_wait3A_513, %dma_wait3A_518] : memref<2x3200xi32, #tpu.memory_space<vmem>> -> memref<1x3200xi32, #tpu.memory_space<vmem>>
    %dma_wait3A_520 = tpu.memref_squeeze %dma_wait3A_519 : memref<1x3200xi32, #tpu.memory_space<vmem>> -> memref<3200xi32, #tpu.memory_space<vmem>>
    %dma_wait3A_521 = tpu.memref_slice %arg2[%add3A_480] : memref<819200xi32, #tpu.memory_space<hbm>> -> memref<3200xi32, #tpu.memory_space<hbm>>
    tpu.wait_dma2 semaphore(%arg8 : memref<!tpu.dma_semaphore, #tpu.memory_space<semaphore_mem>>) src(%dma_wait3A_521 : memref<3200xi32, #tpu.memory_space<hbm>>) dst(%dma_wait3A_520 : memref<3200xi32, #tpu.memory_space<vmem>>)
    %parallel_loop3A_522 = arith.constant 0 : i32
    %parallel_loop3A_523 = arith.constant 200 : i32
    %parallel_loop3A_524 = arith.constant 1 : i32
    scf.for %parallel_loop3A_594 = %parallel_loop3A_522 to %parallel_loop3A_523 step %parallel_loop3A_524  : i32 {
      %parallel_loop3A_595 = arith.constant 16 : i32
      %parallel_loop3A_596 = arith.muli %parallel_loop3A_594, %parallel_loop3A_595 : i32
      %parallel_loop3A_597 = arith.constant 0 : i32
      %parallel_loop3A_598 = arith.index_cast %parallel_loop3A_597 : i32 to index
      %parallel_loop3A_599 = arith.index_cast %parallel_loop3A_596 : i32 to index
      %parallel_loop3A_600 = tpu.vector_load %arg4[%parallel_loop3A_598, %parallel_loop3A_599] {strides = array<i32>} : memref<2x3200xi32, #tpu.memory_space<vmem>>, vector<16xi32>,
      %parallel_loop3A_601 = arith.constant 128 : i32
      %parallel_loop3A_602 = vector.broadcast %parallel_loop3A_601 : i32 to vector<16xi32>
      %parallel_loop3A_603 = arith.divsi %parallel_loop3A_600, %parallel_loop3A_602 : vector<16xi32>
      %parallel_loop3A_604 = arith.constant 0 : i32
      %parallel_loop3A_605 = vector.broadcast %parallel_loop3A_604 : i32 to vector<16xi32>
      %parallel_loop3A_606 = arith.cmpi sgt, %parallel_loop3A_600, %parallel_loop3A_605 : vector<16xi32>
      %parallel_loop3A_607 = arith.extui %parallel_loop3A_606 : vector<16xi1> to vector<16xi32>
      %parallel_loop3A_608 = arith.constant 0 : i32
      %parallel_loop3A_609 = vector.broadcast %parallel_loop3A_608 : i32 to vector<16xi32>
      %parallel_loop3A_610 = arith.cmpi slt, %parallel_loop3A_600, %parallel_loop3A_609 : vector<16xi32>
      %parallel_loop3A_611 = arith.extui %parallel_loop3A_610 : vector<16xi1> to vector<16xi32>
      %parallel_loop3A_612 = arith.subi %parallel_loop3A_607, %parallel_loop3A_611 : vector<16xi32>
      %parallel_loop3A_613 = arith.constant 0 : i32
      %parallel_loop3A_614 = arith.cmpi sgt, %parallel_loop3A_601, %parallel_loop3A_613 : i32
      %parallel_loop3A_615 = arith.extui %parallel_loop3A_614 : i1 to i32
      %parallel_loop3A_616 = arith.constant 0 : i32
      %parallel_loop3A_617 = arith.cmpi slt, %parallel_loop3A_601, %parallel_loop3A_616 : i32
      %parallel_loop3A_618 = arith.extui %parallel_loop3A_617 : i1 to i32
      %parallel_loop3A_619 = arith.subi %parallel_loop3A_615, %parallel_loop3A_618 : i32
      %parallel_loop3A_620 = vector.broadcast %parallel_loop3A_619 : i32 to vector<16xi32>
      %parallel_loop3A_621 = arith.cmpi ne, %parallel_loop3A_612, %parallel_loop3A_620 : vector<16xi32>
      %parallel_loop3A_622 = vector.broadcast %parallel_loop3A_601 : i32 to vector<16xi32>
      %parallel_loop3A_623 = arith.remsi %parallel_loop3A_600, %parallel_loop3A_622 : vector<16xi32>
      %parallel_loop3A_624 = arith.constant 0 : i32
      %parallel_loop3A_625 = vector.broadcast %parallel_loop3A_624 : i32 to vector<16xi32>
      %parallel_loop3A_626 = arith.cmpi ne, %parallel_loop3A_623, %parallel_loop3A_625 : vector<16xi32>
      %parallel_loop3A_627 = arith.andi %parallel_loop3A_621, %parallel_loop3A_626 : vector<16xi1>
      %parallel_loop3A_628 = arith.constant 1 : i32
      %parallel_loop3A_629 = vector.broadcast %parallel_loop3A_628 : i32 to vector<16xi32>
      %parallel_loop3A_630 = arith.subi %parallel_loop3A_603, %parallel_loop3A_629 : vector<16xi32>
      %parallel_loop3A_631 = arith.select %parallel_loop3A_627, %parallel_loop3A_630, %parallel_loop3A_603 : vector<16xi1>, vector<16xi32>
      %parallel_loop3A_632 = arith.constant 128 : i32
      %parallel_loop3A_633 = arith.constant 0 : i32
      %parallel_loop3A_634 = arith.cmpi eq, %parallel_loop3A_632, %parallel_loop3A_633 : i32
      %parallel_loop3A_635 = arith.constant 1 : i32
      %parallel_loop3A_636 = arith.select %parallel_loop3A_634, %parallel_loop3A_635, %parallel_loop3A_632 : i32
      %parallel_loop3A_637 = vector.broadcast %parallel_loop3A_636 : i32 to vector<16xi32>
      %parallel_loop3A_638 = arith.remsi %parallel_loop3A_600, %parallel_loop3A_637 : vector<16xi32>
      %parallel_loop3A_639 = arith.constant 0 : i32
      %parallel_loop3A_640 = vector.broadcast %parallel_loop3A_639 : i32 to vector<16xi32>
      %parallel_loop3A_641 = arith.cmpi ne, %parallel_loop3A_638, %parallel_loop3A_640 : vector<16xi32>
      %parallel_loop3A_642 = arith.constant 0 : i32
      %parallel_loop3A_643 = vector.broadcast %parallel_loop3A_642 : i32 to vector<16xi32>
      %parallel_loop3A_644 = arith.cmpi slt, %parallel_loop3A_638, %parallel_loop3A_643 : vector<16xi32>
      %parallel_loop3A_645 = arith.constant 0 : i32
      %parallel_loop3A_646 = arith.cmpi slt, %parallel_loop3A_636, %parallel_loop3A_645 : i32
      %parallel_loop3A_647 = vector.broadcast %parallel_loop3A_646 : i1 to vector<16xi1>
      %parallel_loop3A_648 = vector.broadcast %parallel_loop3A_647 : vector<16xi1> to vector<16xi1>
      %parallel_loop3A_649 = arith.xori %parallel_loop3A_644, %parallel_loop3A_648 : vector<16xi1>
      %parallel_loop3A_650 = arith.andi %parallel_loop3A_649, %parallel_loop3A_641 : vector<16xi1>
      %parallel_loop3A_651 = vector.broadcast %parallel_loop3A_636 : i32 to vector<16xi32>
      %parallel_loop3A_652 = arith.addi %parallel_loop3A_638, %parallel_loop3A_651 : vector<16xi32>
      %parallel_loop3A_653 = arith.select %parallel_loop3A_650, %parallel_loop3A_652, %parallel_loop3A_638 : vector<16xi1>, vector<16xi32>
      tpu.vector_store_idx %arg5[%parallel_loop3A_631, %parallel_loop3A_653], %broadcast_in_dim3A_410 {add = true} : memref<896x128xi32, #tpu.memory_space<vmem>>[vector<16xi32>, vector<16xi32>], vector<16xi32>,
    } {sc.loop_unroll_factor = 8 : i64, sc.parallel_access}
    %add3A_525 = arith.constant 19200 : i32
    %add3A_526 = arith.addi %mul3A_2, %add3A_525 : i32
    %dma_start3A_527 = arith.constant 0 : i32
    %dma_start3A_528 = arith.constant 0 : i32
    %dma_start3A_529 = tpu.memref_slice %arg4[%dma_start3A_527, %dma_start3A_528] : memref<2x3200xi32, #tpu.memory_space<vmem>> -> memref<1x3200xi32, #tpu.memory_space<vmem>>
    %dma_start3A_530 = tpu.memref_squeeze %dma_start3A_529 : memref<1x3200xi32, #tpu.memory_space<vmem>> -> memref<3200xi32, #tpu.memory_space<vmem>>
    %dma_start3A_531 = tpu.memref_slice %arg2[%add3A_526] : memref<819200xi32, #tpu.memory_space<hbm>> -> memref<3200xi32, #tpu.memory_space<hbm>>
    %dma_start3A_532 = arith.constant 0 : i32
    %dma_start3A_533 = tpu.memref_slice %arg4[%dma_start3A_527, %dma_start3A_532] : memref<2x3200xi32, #tpu.memory_space<vmem>> -> memref<1x3200xi32, #tpu.memory_space<vmem>>
    %dma_start3A_534 = tpu.memref_squeeze %dma_start3A_533 : memref<1x3200xi32, #tpu.memory_space<vmem>> -> memref<3200xi32, #tpu.memory_space<vmem>>
    %dma_start3A_535 = tpu.memref_slice %arg2[%add3A_526] : memref<819200xi32, #tpu.memory_space<hbm>> -> memref<3200xi32, #tpu.memory_space<hbm>>
    tpu.enqueue_dma source(%dma_start3A_535 : memref<3200xi32, #tpu.memory_space<hbm>>) target(%dma_start3A_534 : memref<3200xi32, #tpu.memory_space<vmem>>) target_semaphore(%arg8 : memref<!tpu.dma_semaphore, #tpu.memory_space<semaphore_mem>>)
    %dma_wait3A_536 = arith.constant 1 : i32
    %dma_wait3A_537 = arith.constant 0 : i32
    %dma_wait3A_538 = tpu.memref_slice %arg4[%dma_wait3A_536, %dma_wait3A_537] : memref<2x3200xi32, #tpu.memory_space<vmem>> -> memref<1x3200xi32, #tpu.memory_space<vmem>>
    %dma_wait3A_539 = tpu.memref_squeeze %dma_wait3A_538 : memref<1x3200xi32, #tpu.memory_space<vmem>> -> memref<3200xi32, #tpu.memory_space<vmem>>
    %dma_wait3A_540 = tpu.memref_slice %arg2[%add3A_503] : memref<819200xi32, #tpu.memory_space<hbm>> -> memref<3200xi32, #tpu.memory_space<hbm>>
    %dma_wait3A_541 = arith.constant 0 : i32
    %dma_wait3A_542 = tpu.memref_slice %arg4[%dma_wait3A_536, %dma_wait3A_541] : memref<2x3200xi32, #tpu.memory_space<vmem>> -> memref<1x3200xi32, #tpu.memory_space<vmem>>
    %dma_wait3A_543 = tpu.memref_squeeze %dma_wait3A_542 : memref<1x3200xi32, #tpu.memory_space<vmem>> -> memref<3200xi32, #tpu.memory_space<vmem>>
    %dma_wait3A_544 = tpu.memref_slice %arg2[%add3A_503] : memref<819200xi32, #tpu.memory_space<hbm>> -> memref<3200xi32, #tpu.memory_space<hbm>>
    tpu.wait_dma2 semaphore(%arg9 : memref<!tpu.dma_semaphore, #tpu.memory_space<semaphore_mem>>) src(%dma_wait3A_544 : memref<3200xi32, #tpu.memory_space<hbm>>) dst(%dma_wait3A_543 : memref<3200xi32, #tpu.memory_space<vmem>>)
    %parallel_loop3A_545 = arith.constant 0 : i32
    %parallel_loop3A_546 = arith.constant 200 : i32
    %parallel_loop3A_547 = arith.constant 1 : i32
    scf.for %parallel_loop3A_594 = %parallel_loop3A_545 to %parallel_loop3A_546 step %parallel_loop3A_547  : i32 {
      %parallel_loop3A_595 = arith.constant 16 : i32
      %parallel_loop3A_596 = arith.muli %parallel_loop3A_594, %parallel_loop3A_595 : i32
      %parallel_loop3A_597 = arith.constant 1 : i32
      %parallel_loop3A_598 = arith.index_cast %parallel_loop3A_597 : i32 to index
      %parallel_loop3A_599 = arith.index_cast %parallel_loop3A_596 : i32 to index
      %parallel_loop3A_600 = tpu.vector_load %arg4[%parallel_loop3A_598, %parallel_loop3A_599] {strides = array<i32>} : memref<2x3200xi32, #tpu.memory_space<vmem>>, vector<16xi32>,
      %parallel_loop3A_601 = arith.constant 128 : i32
      %parallel_loop3A_602 = vector.broadcast %parallel_loop3A_601 : i32 to vector<16xi32>
      %parallel_loop3A_603 = arith.divsi %parallel_loop3A_600, %parallel_loop3A_602 : vector<16xi32>
      %parallel_loop3A_604 = arith.constant 0 : i32
      %parallel_loop3A_605 = vector.broadcast %parallel_loop3A_604 : i32 to vector<16xi32>
      %parallel_loop3A_606 = arith.cmpi sgt, %parallel_loop3A_600, %parallel_loop3A_605 : vector<16xi32>
      %parallel_loop3A_607 = arith.extui %parallel_loop3A_606 : vector<16xi1> to vector<16xi32>
      %parallel_loop3A_608 = arith.constant 0 : i32
      %parallel_loop3A_609 = vector.broadcast %parallel_loop3A_608 : i32 to vector<16xi32>
      %parallel_loop3A_610 = arith.cmpi slt, %parallel_loop3A_600, %parallel_loop3A_609 : vector<16xi32>
      %parallel_loop3A_611 = arith.extui %parallel_loop3A_610 : vector<16xi1> to vector<16xi32>
      %parallel_loop3A_612 = arith.subi %parallel_loop3A_607, %parallel_loop3A_611 : vector<16xi32>
      %parallel_loop3A_613 = arith.constant 0 : i32
      %parallel_loop3A_614 = arith.cmpi sgt, %parallel_loop3A_601, %parallel_loop3A_613 : i32
      %parallel_loop3A_615 = arith.extui %parallel_loop3A_614 : i1 to i32
      %parallel_loop3A_616 = arith.constant 0 : i32
      %parallel_loop3A_617 = arith.cmpi slt, %parallel_loop3A_601, %parallel_loop3A_616 : i32
      %parallel_loop3A_618 = arith.extui %parallel_loop3A_617 : i1 to i32
      %parallel_loop3A_619 = arith.subi %parallel_loop3A_615, %parallel_loop3A_618 : i32
      %parallel_loop3A_620 = vector.broadcast %parallel_loop3A_619 : i32 to vector<16xi32>
      %parallel_loop3A_621 = arith.cmpi ne, %parallel_loop3A_612, %parallel_loop3A_620 : vector<16xi32>
      %parallel_loop3A_622 = vector.broadcast %parallel_loop3A_601 : i32 to vector<16xi32>
      %parallel_loop3A_623 = arith.remsi %parallel_loop3A_600, %parallel_loop3A_622 : vector<16xi32>
      %parallel_loop3A_624 = arith.constant 0 : i32
      %parallel_loop3A_625 = vector.broadcast %parallel_loop3A_624 : i32 to vector<16xi32>
      %parallel_loop3A_626 = arith.cmpi ne, %parallel_loop3A_623, %parallel_loop3A_625 : vector<16xi32>
      %parallel_loop3A_627 = arith.andi %parallel_loop3A_621, %parallel_loop3A_626 : vector<16xi1>
      %parallel_loop3A_628 = arith.constant 1 : i32
      %parallel_loop3A_629 = vector.broadcast %parallel_loop3A_628 : i32 to vector<16xi32>
      %parallel_loop3A_630 = arith.subi %parallel_loop3A_603, %parallel_loop3A_629 : vector<16xi32>
      %parallel_loop3A_631 = arith.select %parallel_loop3A_627, %parallel_loop3A_630, %parallel_loop3A_603 : vector<16xi1>, vector<16xi32>
      %parallel_loop3A_632 = arith.constant 128 : i32
      %parallel_loop3A_633 = arith.constant 0 : i32
      %parallel_loop3A_634 = arith.cmpi eq, %parallel_loop3A_632, %parallel_loop3A_633 : i32
      %parallel_loop3A_635 = arith.constant 1 : i32
      %parallel_loop3A_636 = arith.select %parallel_loop3A_634, %parallel_loop3A_635, %parallel_loop3A_632 : i32
      %parallel_loop3A_637 = vector.broadcast %parallel_loop3A_636 : i32 to vector<16xi32>
      %parallel_loop3A_638 = arith.remsi %parallel_loop3A_600, %parallel_loop3A_637 : vector<16xi32>
      %parallel_loop3A_639 = arith.constant 0 : i32
      %parallel_loop3A_640 = vector.broadcast %parallel_loop3A_639 : i32 to vector<16xi32>
      %parallel_loop3A_641 = arith.cmpi ne, %parallel_loop3A_638, %parallel_loop3A_640 : vector<16xi32>
      %parallel_loop3A_642 = arith.constant 0 : i32
      %parallel_loop3A_643 = vector.broadcast %parallel_loop3A_642 : i32 to vector<16xi32>
      %parallel_loop3A_644 = arith.cmpi slt, %parallel_loop3A_638, %parallel_loop3A_643 : vector<16xi32>
      %parallel_loop3A_645 = arith.constant 0 : i32
      %parallel_loop3A_646 = arith.cmpi slt, %parallel_loop3A_636, %parallel_loop3A_645 : i32
      %parallel_loop3A_647 = vector.broadcast %parallel_loop3A_646 : i1 to vector<16xi1>
      %parallel_loop3A_648 = vector.broadcast %parallel_loop3A_647 : vector<16xi1> to vector<16xi1>
      %parallel_loop3A_649 = arith.xori %parallel_loop3A_644, %parallel_loop3A_648 : vector<16xi1>
      %parallel_loop3A_650 = arith.andi %parallel_loop3A_649, %parallel_loop3A_641 : vector<16xi1>
      %parallel_loop3A_651 = vector.broadcast %parallel_loop3A_636 : i32 to vector<16xi32>
      %parallel_loop3A_652 = arith.addi %parallel_loop3A_638, %parallel_loop3A_651 : vector<16xi32>
      %parallel_loop3A_653 = arith.select %parallel_loop3A_650, %parallel_loop3A_652, %parallel_loop3A_638 : vector<16xi1>, vector<16xi32>
      tpu.vector_store_idx %arg5[%parallel_loop3A_631, %parallel_loop3A_653], %broadcast_in_dim3A_410 {add = true} : memref<896x128xi32, #tpu.memory_space<vmem>>[vector<16xi32>, vector<16xi32>], vector<16xi32>,
    } {sc.loop_unroll_factor = 8 : i64, sc.parallel_access}
    %add3A_548 = arith.constant 22400 : i32
    %add3A_549 = arith.addi %mul3A_2, %add3A_548 : i32
    %dma_start3A_550 = arith.constant 1 : i32
    %dma_start3A_551 = arith.constant 0 : i32
    %dma_start3A_552 = tpu.memref_slice %arg4[%dma_start3A_550, %dma_start3A_551] : memref<2x3200xi32, #tpu.memory_space<vmem>> -> memref<1x3200xi32, #tpu.memory_space<vmem>>
    %dma_start3A_553 = tpu.memref_squeeze %dma_start3A_552 : memref<1x3200xi32, #tpu.memory_space<vmem>> -> memref<3200xi32, #tpu.memory_space<vmem>>
    %dma_start3A_554 = tpu.memref_slice %arg2[%add3A_549] : memref<819200xi32, #tpu.memory_space<hbm>> -> memref<3200xi32, #tpu.memory_space<hbm>>
    %dma_start3A_555 = arith.constant 0 : i32
    %dma_start3A_556 = tpu.memref_slice %arg4[%dma_start3A_550, %dma_start3A_555] : memref<2x3200xi32, #tpu.memory_space<vmem>> -> memref<1x3200xi32, #tpu.memory_space<vmem>>
    %dma_start3A_557 = tpu.memref_squeeze %dma_start3A_556 : memref<1x3200xi32, #tpu.memory_space<vmem>> -> memref<3200xi32, #tpu.memory_space<vmem>>
    %dma_start3A_558 = tpu.memref_slice %arg2[%add3A_549] : memref<819200xi32, #tpu.memory_space<hbm>> -> memref<3200xi32, #tpu.memory_space<hbm>>
    tpu.enqueue_dma source(%dma_start3A_558 : memref<3200xi32, #tpu.memory_space<hbm>>) target(%dma_start3A_557 : memref<3200xi32, #tpu.memory_space<vmem>>) target_semaphore(%arg9 : memref<!tpu.dma_semaphore, #tpu.memory_space<semaphore_mem>>)
    %dma_wait3A_559 = arith.constant 0 : i32
    %dma_wait3A_560 = arith.constant 0 : i32
    %dma_wait3A_561 = tpu.memref_slice %arg4[%dma_wait3A_559, %dma_wait3A_560] : memref<2x3200xi32, #tpu.memory_space<vmem>> -> memref<1x3200xi32, #tpu.memory_space<vmem>>
    %dma_wait3A_562 = tpu.memref_squeeze %dma_wait3A_561 : memref<1x3200xi32, #tpu.memory_space<vmem>> -> memref<3200xi32, #tpu.memory_space<vmem>>
    %dma_wait3A_563 = tpu.memref_slice %arg2[%add3A_526] : memref<819200xi32, #tpu.memory_space<hbm>> -> memref<3200xi32, #tpu.memory_space<hbm>>
    %dma_wait3A_564 = arith.constant 0 : i32
    %dma_wait3A_565 = tpu.memref_slice %arg4[%dma_wait3A_559, %dma_wait3A_564] : memref<2x3200xi32, #tpu.memory_space<vmem>> -> memref<1x3200xi32, #tpu.memory_space<vmem>>
    %dma_wait3A_566 = tpu.memref_squeeze %dma_wait3A_565 : memref<1x3200xi32, #tpu.memory_space<vmem>> -> memref<3200xi32, #tpu.memory_space<vmem>>
    %dma_wait3A_567 = tpu.memref_slice %arg2[%add3A_526] : memref<819200xi32, #tpu.memory_space<hbm>> -> memref<3200xi32, #tpu.memory_space<hbm>>
    tpu.wait_dma2 semaphore(%arg8 : memref<!tpu.dma_semaphore, #tpu.memory_space<semaphore_mem>>) src(%dma_wait3A_567 : memref<3200xi32, #tpu.memory_space<hbm>>) dst(%dma_wait3A_566 : memref<3200xi32, #tpu.memory_space<vmem>>)
    %parallel_loop3A_568 = arith.constant 0 : i32
    %parallel_loop3A_569 = arith.constant 200 : i32
    %parallel_loop3A_570 = arith.constant 1 : i32
    scf.for %parallel_loop3A_594 = %parallel_loop3A_568 to %parallel_loop3A_569 step %parallel_loop3A_570  : i32 {
      %parallel_loop3A_595 = arith.constant 16 : i32
      %parallel_loop3A_596 = arith.muli %parallel_loop3A_594, %parallel_loop3A_595 : i32
      %parallel_loop3A_597 = arith.constant 0 : i32
      %parallel_loop3A_598 = arith.index_cast %parallel_loop3A_597 : i32 to index
      %parallel_loop3A_599 = arith.index_cast %parallel_loop3A_596 : i32 to index
      %parallel_loop3A_600 = tpu.vector_load %arg4[%parallel_loop3A_598, %parallel_loop3A_599] {strides = array<i32>} : memref<2x3200xi32, #tpu.memory_space<vmem>>, vector<16xi32>,
      %parallel_loop3A_601 = arith.constant 128 : i32
      %parallel_loop3A_602 = vector.broadcast %parallel_loop3A_601 : i32 to vector<16xi32>
      %parallel_loop3A_603 = arith.divsi %parallel_loop3A_600, %parallel_loop3A_602 : vector<16xi32>
      %parallel_loop3A_604 = arith.constant 0 : i32
      %parallel_loop3A_605 = vector.broadcast %parallel_loop3A_604 : i32 to vector<16xi32>
      %parallel_loop3A_606 = arith.cmpi sgt, %parallel_loop3A_600, %parallel_loop3A_605 : vector<16xi32>
      %parallel_loop3A_607 = arith.extui %parallel_loop3A_606 : vector<16xi1> to vector<16xi32>
      %parallel_loop3A_608 = arith.constant 0 : i32
      %parallel_loop3A_609 = vector.broadcast %parallel_loop3A_608 : i32 to vector<16xi32>
      %parallel_loop3A_610 = arith.cmpi slt, %parallel_loop3A_600, %parallel_loop3A_609 : vector<16xi32>
      %parallel_loop3A_611 = arith.extui %parallel_loop3A_610 : vector<16xi1> to vector<16xi32>
      %parallel_loop3A_612 = arith.subi %parallel_loop3A_607, %parallel_loop3A_611 : vector<16xi32>
      %parallel_loop3A_613 = arith.constant 0 : i32
      %parallel_loop3A_614 = arith.cmpi sgt, %parallel_loop3A_601, %parallel_loop3A_613 : i32
      %parallel_loop3A_615 = arith.extui %parallel_loop3A_614 : i1 to i32
      %parallel_loop3A_616 = arith.constant 0 : i32
      %parallel_loop3A_617 = arith.cmpi slt, %parallel_loop3A_601, %parallel_loop3A_616 : i32
      %parallel_loop3A_618 = arith.extui %parallel_loop3A_617 : i1 to i32
      %parallel_loop3A_619 = arith.subi %parallel_loop3A_615, %parallel_loop3A_618 : i32
      %parallel_loop3A_620 = vector.broadcast %parallel_loop3A_619 : i32 to vector<16xi32>
      %parallel_loop3A_621 = arith.cmpi ne, %parallel_loop3A_612, %parallel_loop3A_620 : vector<16xi32>
      %parallel_loop3A_622 = vector.broadcast %parallel_loop3A_601 : i32 to vector<16xi32>
      %parallel_loop3A_623 = arith.remsi %parallel_loop3A_600, %parallel_loop3A_622 : vector<16xi32>
      %parallel_loop3A_624 = arith.constant 0 : i32
      %parallel_loop3A_625 = vector.broadcast %parallel_loop3A_624 : i32 to vector<16xi32>
      %parallel_loop3A_626 = arith.cmpi ne, %parallel_loop3A_623, %parallel_loop3A_625 : vector<16xi32>
      %parallel_loop3A_627 = arith.andi %parallel_loop3A_621, %parallel_loop3A_626 : vector<16xi1>
      %parallel_loop3A_628 = arith.constant 1 : i32
      %parallel_loop3A_629 = vector.broadcast %parallel_loop3A_628 : i32 to vector<16xi32>
      %parallel_loop3A_630 = arith.subi %parallel_loop3A_603, %parallel_loop3A_629 : vector<16xi32>
      %parallel_loop3A_631 = arith.select %parallel_loop3A_627, %parallel_loop3A_630, %parallel_loop3A_603 : vector<16xi1>, vector<16xi32>
      %parallel_loop3A_632 = arith.constant 128 : i32
      %parallel_loop3A_633 = arith.constant 0 : i32
      %parallel_loop3A_634 = arith.cmpi eq, %parallel_loop3A_632, %parallel_loop3A_633 : i32
      %parallel_loop3A_635 = arith.constant 1 : i32
      %parallel_loop3A_636 = arith.select %parallel_loop3A_634, %parallel_loop3A_635, %parallel_loop3A_632 : i32
      %parallel_loop3A_637 = vector.broadcast %parallel_loop3A_636 : i32 to vector<16xi32>
      %parallel_loop3A_638 = arith.remsi %parallel_loop3A_600, %parallel_loop3A_637 : vector<16xi32>
      %parallel_loop3A_639 = arith.constant 0 : i32
      %parallel_loop3A_640 = vector.broadcast %parallel_loop3A_639 : i32 to vector<16xi32>
      %parallel_loop3A_641 = arith.cmpi ne, %parallel_loop3A_638, %parallel_loop3A_640 : vector<16xi32>
      %parallel_loop3A_642 = arith.constant 0 : i32
      %parallel_loop3A_643 = vector.broadcast %parallel_loop3A_642 : i32 to vector<16xi32>
      %parallel_loop3A_644 = arith.cmpi slt, %parallel_loop3A_638, %parallel_loop3A_643 : vector<16xi32>
      %parallel_loop3A_645 = arith.constant 0 : i32
      %parallel_loop3A_646 = arith.cmpi slt, %parallel_loop3A_636, %parallel_loop3A_645 : i32
      %parallel_loop3A_647 = vector.broadcast %parallel_loop3A_646 : i1 to vector<16xi1>
      %parallel_loop3A_648 = vector.broadcast %parallel_loop3A_647 : vector<16xi1> to vector<16xi1>
      %parallel_loop3A_649 = arith.xori %parallel_loop3A_644, %parallel_loop3A_648 : vector<16xi1>
      %parallel_loop3A_650 = arith.andi %parallel_loop3A_649, %parallel_loop3A_641 : vector<16xi1>
      %parallel_loop3A_651 = vector.broadcast %parallel_loop3A_636 : i32 to vector<16xi32>
      %parallel_loop3A_652 = arith.addi %parallel_loop3A_638, %parallel_loop3A_651 : vector<16xi32>
      %parallel_loop3A_653 = arith.select %parallel_loop3A_650, %parallel_loop3A_652, %parallel_loop3A_638 : vector<16xi1>, vector<16xi32>
      tpu.vector_store_idx %arg5[%parallel_loop3A_631, %parallel_loop3A_653], %broadcast_in_dim3A_410 {add = true} : memref<896x128xi32, #tpu.memory_space<vmem>>[vector<16xi32>, vector<16xi32>], vector<16xi32>,
    } {sc.loop_unroll_factor = 8 : i64, sc.parallel_access}
    %dma_wait3A_571 = arith.constant 1 : i32
    %dma_wait3A_572 = arith.constant 0 : i32
    %dma_wait3A_573 = tpu.memref_slice %arg4[%dma_wait3A_571, %dma_wait3A_572] : memref<2x3200xi32, #tpu.memory_space<vmem>> -> memref<1x3200xi32, #tpu.memory_space<vmem>>
    %dma_wait3A_574 = tpu.memref_squeeze %dma_wait3A_573 : memref<1x3200xi32, #tpu.memory_space<vmem>> -> memref<3200xi32, #tpu.memory_space<vmem>>
    %dma_wait3A_575 = tpu.memref_slice %arg2[%add3A_549] : memref<819200xi32, #tpu.memory_space<hbm>> -> memref<3200xi32, #tpu.memory_space<hbm>>
    %dma_wait3A_576 = arith.constant 0 : i32
    %dma_wait3A_577 = tpu.memref_slice %arg4[%dma_wait3A_571, %dma_wait3A_576] : memref<2x3200xi32, #tpu.memory_space<vmem>> -> memref<1x3200xi32, #tpu.memory_space<vmem>>
    %dma_wait3A_578 = tpu.memref_squeeze %dma_wait3A_577 : memref<1x3200xi32, #tpu.memory_space<vmem>> -> memref<3200xi32, #tpu.memory_space<vmem>>
    %dma_wait3A_579 = tpu.memref_slice %arg2[%add3A_549] : memref<819200xi32, #tpu.memory_space<hbm>> -> memref<3200xi32, #tpu.memory_space<hbm>>
    tpu.wait_dma2 semaphore(%arg9 : memref<!tpu.dma_semaphore, #tpu.memory_space<semaphore_mem>>) src(%dma_wait3A_579 : memref<3200xi32, #tpu.memory_space<hbm>>) dst(%dma_wait3A_578 : memref<3200xi32, #tpu.memory_space<vmem>>)
    %parallel_loop3A_580 = arith.constant 0 : i32
    %parallel_loop3A_581 = arith.constant 200 : i32
    %parallel_loop3A_582 = arith.constant 1 : i32
    scf.for %parallel_loop3A_594 = %parallel_loop3A_580 to %parallel_loop3A_581 step %parallel_loop3A_582  : i32 {
      %parallel_loop3A_595 = arith.constant 16 : i32
      %parallel_loop3A_596 = arith.muli %parallel_loop3A_594, %parallel_loop3A_595 : i32
      %parallel_loop3A_597 = arith.constant 1 : i32
      %parallel_loop3A_598 = arith.index_cast %parallel_loop3A_597 : i32 to index
      %parallel_loop3A_599 = arith.index_cast %parallel_loop3A_596 : i32 to index
      %parallel_loop3A_600 = tpu.vector_load %arg4[%parallel_loop3A_598, %parallel_loop3A_599] {strides = array<i32>} : memref<2x3200xi32, #tpu.memory_space<vmem>>, vector<16xi32>,
      %parallel_loop3A_601 = arith.constant 128 : i32
      %parallel_loop3A_602 = vector.broadcast %parallel_loop3A_601 : i32 to vector<16xi32>
      %parallel_loop3A_603 = arith.divsi %parallel_loop3A_600, %parallel_loop3A_602 : vector<16xi32>
      %parallel_loop3A_604 = arith.constant 0 : i32
      %parallel_loop3A_605 = vector.broadcast %parallel_loop3A_604 : i32 to vector<16xi32>
      %parallel_loop3A_606 = arith.cmpi sgt, %parallel_loop3A_600, %parallel_loop3A_605 : vector<16xi32>
      %parallel_loop3A_607 = arith.extui %parallel_loop3A_606 : vector<16xi1> to vector<16xi32>
      %parallel_loop3A_608 = arith.constant 0 : i32
      %parallel_loop3A_609 = vector.broadcast %parallel_loop3A_608 : i32 to vector<16xi32>
      %parallel_loop3A_610 = arith.cmpi slt, %parallel_loop3A_600, %parallel_loop3A_609 : vector<16xi32>
      %parallel_loop3A_611 = arith.extui %parallel_loop3A_610 : vector<16xi1> to vector<16xi32>
      %parallel_loop3A_612 = arith.subi %parallel_loop3A_607, %parallel_loop3A_611 : vector<16xi32>
      %parallel_loop3A_613 = arith.constant 0 : i32
      %parallel_loop3A_614 = arith.cmpi sgt, %parallel_loop3A_601, %parallel_loop3A_613 : i32
      %parallel_loop3A_615 = arith.extui %parallel_loop3A_614 : i1 to i32
      %parallel_loop3A_616 = arith.constant 0 : i32
      %parallel_loop3A_617 = arith.cmpi slt, %parallel_loop3A_601, %parallel_loop3A_616 : i32
      %parallel_loop3A_618 = arith.extui %parallel_loop3A_617 : i1 to i32
      %parallel_loop3A_619 = arith.subi %parallel_loop3A_615, %parallel_loop3A_618 : i32
      %parallel_loop3A_620 = vector.broadcast %parallel_loop3A_619 : i32 to vector<16xi32>
      %parallel_loop3A_621 = arith.cmpi ne, %parallel_loop3A_612, %parallel_loop3A_620 : vector<16xi32>
      %parallel_loop3A_622 = vector.broadcast %parallel_loop3A_601 : i32 to vector<16xi32>
      %parallel_loop3A_623 = arith.remsi %parallel_loop3A_600, %parallel_loop3A_622 : vector<16xi32>
      %parallel_loop3A_624 = arith.constant 0 : i32
      %parallel_loop3A_625 = vector.broadcast %parallel_loop3A_624 : i32 to vector<16xi32>
      %parallel_loop3A_626 = arith.cmpi ne, %parallel_loop3A_623, %parallel_loop3A_625 : vector<16xi32>
      %parallel_loop3A_627 = arith.andi %parallel_loop3A_621, %parallel_loop3A_626 : vector<16xi1>
      %parallel_loop3A_628 = arith.constant 1 : i32
      %parallel_loop3A_629 = vector.broadcast %parallel_loop3A_628 : i32 to vector<16xi32>
      %parallel_loop3A_630 = arith.subi %parallel_loop3A_603, %parallel_loop3A_629 : vector<16xi32>
      %parallel_loop3A_631 = arith.select %parallel_loop3A_627, %parallel_loop3A_630, %parallel_loop3A_603 : vector<16xi1>, vector<16xi32>
      %parallel_loop3A_632 = arith.constant 128 : i32
      %parallel_loop3A_633 = arith.constant 0 : i32
      %parallel_loop3A_634 = arith.cmpi eq, %parallel_loop3A_632, %parallel_loop3A_633 : i32
      %parallel_loop3A_635 = arith.constant 1 : i32
      %parallel_loop3A_636 = arith.select %parallel_loop3A_634, %parallel_loop3A_635, %parallel_loop3A_632 : i32
      %parallel_loop3A_637 = vector.broadcast %parallel_loop3A_636 : i32 to vector<16xi32>
      %parallel_loop3A_638 = arith.remsi %parallel_loop3A_600, %parallel_loop3A_637 : vector<16xi32>
      %parallel_loop3A_639 = arith.constant 0 : i32
      %parallel_loop3A_640 = vector.broadcast %parallel_loop3A_639 : i32 to vector<16xi32>
      %parallel_loop3A_641 = arith.cmpi ne, %parallel_loop3A_638, %parallel_loop3A_640 : vector<16xi32>
      %parallel_loop3A_642 = arith.constant 0 : i32
      %parallel_loop3A_643 = vector.broadcast %parallel_loop3A_642 : i32 to vector<16xi32>
      %parallel_loop3A_644 = arith.cmpi slt, %parallel_loop3A_638, %parallel_loop3A_643 : vector<16xi32>
      %parallel_loop3A_645 = arith.constant 0 : i32
      %parallel_loop3A_646 = arith.cmpi slt, %parallel_loop3A_636, %parallel_loop3A_645 : i32
      %parallel_loop3A_647 = vector.broadcast %parallel_loop3A_646 : i1 to vector<16xi1>
      %parallel_loop3A_648 = vector.broadcast %parallel_loop3A_647 : vector<16xi1> to vector<16xi1>
      %parallel_loop3A_649 = arith.xori %parallel_loop3A_644, %parallel_loop3A_648 : vector<16xi1>
      %parallel_loop3A_650 = arith.andi %parallel_loop3A_649, %parallel_loop3A_641 : vector<16xi1>
      %parallel_loop3A_651 = vector.broadcast %parallel_loop3A_636 : i32 to vector<16xi32>
      %parallel_loop3A_652 = arith.addi %parallel_loop3A_638, %parallel_loop3A_651 : vector<16xi32>
      %parallel_loop3A_653 = arith.select %parallel_loop3A_650, %parallel_loop3A_652, %parallel_loop3A_638 : vector<16xi1>, vector<16xi32>
      tpu.vector_store_idx %arg5[%parallel_loop3A_631, %parallel_loop3A_653], %broadcast_in_dim3A_410 {add = true} : memref<896x128xi32, #tpu.memory_space<vmem>>[vector<16xi32>, vector<16xi32>], vector<16xi32>,
    } {sc.loop_unroll_factor = 8 : i64, sc.parallel_access}
    %barrier3A = arith.constant 0 : index
    tpu.barrier barrier_id(%barrier3A)
    %run_scoped3A = arith.constant 0 : i32
    "tpu.region"() ({
      %run_scoped3A_594 = tpu.sem_alloc : memref<!tpu.dma_semaphore, #tpu.memory_space<semaphore_mem>>
      %dma_start3A_595 = arith.constant 0 : i32
      %dma_start3A_596 = arith.constant 0 : i32
      %dma_start3A_597 = tpu.memref_slice %arg5[%dma_start3A_595, %dma_start3A_596] : memref<896x128xi32, #tpu.memory_space<vmem>> -> memref<128x128xi32, #tpu.memory_space<vmem>>
      %dma_start3A_598 = arith.constant 0 : i32
      %dma_start3A_599 = tpu.memref_slice %arg6[%run_scoped3A, %dma_start3A_598] : memref<7x128xi32, #tpu.memory_space<vmem>> -> memref<1x128xi32, #tpu.memory_space<vmem>>
      %dma_start3A_600 = tpu.memref_squeeze %dma_start3A_599 : memref<1x128xi32, #tpu.memory_space<vmem>> -> memref<128xi32, #tpu.memory_space<vmem>>
      %dma_start3A_601 = arith.constant 0 : i32
      %dma_start3A_602 = arith.constant 0 : i32
      %dma_start3A_603 = tpu.memref_slice %arg7[%dma_start3A_601, %dma_start3A_602] : memref<896x128xi32, #tpu.memory_space<vmem_shared>> -> memref<896x128xi32, #tpu.memory_space<vmem_shared>>
      tpu.enqueue_indirect_dma source(%dma_start3A_597 : memref<128x128xi32, #tpu.memory_space<vmem>>) target(%dma_start3A_603 : memref<896x128xi32, #tpu.memory_space<vmem_shared>>) offsets(%dma_start3A_600 : memref<128xi32, #tpu.memory_space<vmem>>) semaphore(%run_scoped3A_594 : memref<!tpu.dma_semaphore, #tpu.memory_space<semaphore_mem>>) {add = true}
      %dma_wait3A_604 = arith.constant 0 : i32
      %dma_wait3A_605 = arith.constant 0 : i32
      %dma_wait3A_606 = tpu.memref_slice %arg5[%dma_wait3A_604, %dma_wait3A_605] : memref<896x128xi32, #tpu.memory_space<vmem>> -> memref<128x128xi32, #tpu.memory_space<vmem>>
      %dma_wait3A_607 = arith.constant 0 : i32
      %dma_wait3A_608 = tpu.memref_slice %arg6[%run_scoped3A, %dma_wait3A_607] : memref<7x128xi32, #tpu.memory_space<vmem>> -> memref<1x128xi32, #tpu.memory_space<vmem>>
      %dma_wait3A_609 = tpu.memref_squeeze %dma_wait3A_608 : memref<1x128xi32, #tpu.memory_space<vmem>> -> memref<128xi32, #tpu.memory_space<vmem>>
      %dma_wait3A_610 = arith.constant 0 : i32
      %dma_wait3A_611 = arith.constant 0 : i32
      %dma_wait3A_612 = tpu.memref_slice %arg7[%dma_wait3A_610, %dma_wait3A_611] : memref<896x128xi32, #tpu.memory_space<vmem_shared>> -> memref<896x128xi32, #tpu.memory_space<vmem_shared>>
      tpu.wait_indirect_dma semaphore(%run_scoped3A_594 : memref<!tpu.dma_semaphore, #tpu.memory_space<semaphore_mem>>) src(%dma_wait3A_606 : memref<128x128xi32, #tpu.memory_space<vmem>>) dst(%dma_wait3A_612 : memref<896x128xi32, #tpu.memory_space<vmem_shared>>)
      tpu.yield
    }) : () -> ()
    %run_scoped3A_583 = arith.constant 1 : i32
    "tpu.region"() ({
      %run_scoped3A_594 = tpu.sem_alloc : memref<!tpu.dma_semaphore, #tpu.memory_space<semaphore_mem>>
      %dma_start3A_595 = arith.constant 128 : i32
      %dma_start3A_596 = arith.constant 0 : i32
      %dma_start3A_597 = tpu.memref_slice %arg5[%dma_start3A_595, %dma_start3A_596] : memref<896x128xi32, #tpu.memory_space<vmem>> -> memref<128x128xi32, #tpu.memory_space<vmem>>
      %dma_start3A_598 = arith.constant 0 : i32
      %dma_start3A_599 = tpu.memref_slice %arg6[%run_scoped3A_583, %dma_start3A_598] : memref<7x128xi32, #tpu.memory_space<vmem>> -> memref<1x128xi32, #tpu.memory_space<vmem>>
      %dma_start3A_600 = tpu.memref_squeeze %dma_start3A_599 : memref<1x128xi32, #tpu.memory_space<vmem>> -> memref<128xi32, #tpu.memory_space<vmem>>
      %dma_start3A_601 = arith.constant 0 : i32
      %dma_start3A_602 = arith.constant 0 : i32
      %dma_start3A_603 = tpu.memref_slice %arg7[%dma_start3A_601, %dma_start3A_602] : memref<896x128xi32, #tpu.memory_space<vmem_shared>> -> memref<896x128xi32, #tpu.memory_space<vmem_shared>>
      tpu.enqueue_indirect_dma source(%dma_start3A_597 : memref<128x128xi32, #tpu.memory_space<vmem>>) target(%dma_start3A_603 : memref<896x128xi32, #tpu.memory_space<vmem_shared>>) offsets(%dma_start3A_600 : memref<128xi32, #tpu.memory_space<vmem>>) semaphore(%run_scoped3A_594 : memref<!tpu.dma_semaphore, #tpu.memory_space<semaphore_mem>>) {add = true}
      %dma_wait3A_604 = arith.constant 128 : i32
      %dma_wait3A_605 = arith.constant 0 : i32
      %dma_wait3A_606 = tpu.memref_slice %arg5[%dma_wait3A_604, %dma_wait3A_605] : memref<896x128xi32, #tpu.memory_space<vmem>> -> memref<128x128xi32, #tpu.memory_space<vmem>>
      %dma_wait3A_607 = arith.constant 0 : i32
      %dma_wait3A_608 = tpu.memref_slice %arg6[%run_scoped3A_583, %dma_wait3A_607] : memref<7x128xi32, #tpu.memory_space<vmem>> -> memref<1x128xi32, #tpu.memory_space<vmem>>
      %dma_wait3A_609 = tpu.memref_squeeze %dma_wait3A_608 : memref<1x128xi32, #tpu.memory_space<vmem>> -> memref<128xi32, #tpu.memory_space<vmem>>
      %dma_wait3A_610 = arith.constant 0 : i32
      %dma_wait3A_611 = arith.constant 0 : i32
      %dma_wait3A_612 = tpu.memref_slice %arg7[%dma_wait3A_610, %dma_wait3A_611] : memref<896x128xi32, #tpu.memory_space<vmem_shared>> -> memref<896x128xi32, #tpu.memory_space<vmem_shared>>
      tpu.wait_indirect_dma semaphore(%run_scoped3A_594 : memref<!tpu.dma_semaphore, #tpu.memory_space<semaphore_mem>>) src(%dma_wait3A_606 : memref<128x128xi32, #tpu.memory_space<vmem>>) dst(%dma_wait3A_612 : memref<896x128xi32, #tpu.memory_space<vmem_shared>>)
      tpu.yield
    }) : () -> ()
    %run_scoped3A_584 = arith.constant 2 : i32
    "tpu.region"() ({
      %run_scoped3A_594 = tpu.sem_alloc : memref<!tpu.dma_semaphore, #tpu.memory_space<semaphore_mem>>
      %dma_start3A_595 = arith.constant 256 : i32
      %dma_start3A_596 = arith.constant 0 : i32
      %dma_start3A_597 = tpu.memref_slice %arg5[%dma_start3A_595, %dma_start3A_596] : memref<896x128xi32, #tpu.memory_space<vmem>> -> memref<128x128xi32, #tpu.memory_space<vmem>>
      %dma_start3A_598 = arith.constant 0 : i32
      %dma_start3A_599 = tpu.memref_slice %arg6[%run_scoped3A_584, %dma_start3A_598] : memref<7x128xi32, #tpu.memory_space<vmem>> -> memref<1x128xi32, #tpu.memory_space<vmem>>
      %dma_start3A_600 = tpu.memref_squeeze %dma_start3A_599 : memref<1x128xi32, #tpu.memory_space<vmem>> -> memref<128xi32, #tpu.memory_space<vmem>>
      %dma_start3A_601 = arith.constant 0 : i32
      %dma_start3A_602 = arith.constant 0 : i32
      %dma_start3A_603 = tpu.memref_slice %arg7[%dma_start3A_601, %dma_start3A_602] : memref<896x128xi32, #tpu.memory_space<vmem_shared>> -> memref<896x128xi32, #tpu.memory_space<vmem_shared>>
      tpu.enqueue_indirect_dma source(%dma_start3A_597 : memref<128x128xi32, #tpu.memory_space<vmem>>) target(%dma_start3A_603 : memref<896x128xi32, #tpu.memory_space<vmem_shared>>) offsets(%dma_start3A_600 : memref<128xi32, #tpu.memory_space<vmem>>) semaphore(%run_scoped3A_594 : memref<!tpu.dma_semaphore, #tpu.memory_space<semaphore_mem>>) {add = true}
      %dma_wait3A_604 = arith.constant 256 : i32
      %dma_wait3A_605 = arith.constant 0 : i32
      %dma_wait3A_606 = tpu.memref_slice %arg5[%dma_wait3A_604, %dma_wait3A_605] : memref<896x128xi32, #tpu.memory_space<vmem>> -> memref<128x128xi32, #tpu.memory_space<vmem>>
      %dma_wait3A_607 = arith.constant 0 : i32
      %dma_wait3A_608 = tpu.memref_slice %arg6[%run_scoped3A_584, %dma_wait3A_607] : memref<7x128xi32, #tpu.memory_space<vmem>> -> memref<1x128xi32, #tpu.memory_space<vmem>>
      %dma_wait3A_609 = tpu.memref_squeeze %dma_wait3A_608 : memref<1x128xi32, #tpu.memory_space<vmem>> -> memref<128xi32, #tpu.memory_space<vmem>>
      %dma_wait3A_610 = arith.constant 0 : i32
      %dma_wait3A_611 = arith.constant 0 : i32
      %dma_wait3A_612 = tpu.memref_slice %arg7[%dma_wait3A_610, %dma_wait3A_611] : memref<896x128xi32, #tpu.memory_space<vmem_shared>> -> memref<896x128xi32, #tpu.memory_space<vmem_shared>>
      tpu.wait_indirect_dma semaphore(%run_scoped3A_594 : memref<!tpu.dma_semaphore, #tpu.memory_space<semaphore_mem>>) src(%dma_wait3A_606 : memref<128x128xi32, #tpu.memory_space<vmem>>) dst(%dma_wait3A_612 : memref<896x128xi32, #tpu.memory_space<vmem_shared>>)
      tpu.yield
    }) : () -> ()
    %run_scoped3A_585 = arith.constant 3 : i32
    "tpu.region"() ({
      %run_scoped3A_594 = tpu.sem_alloc : memref<!tpu.dma_semaphore, #tpu.memory_space<semaphore_mem>>
      %dma_start3A_595 = arith.constant 384 : i32
      %dma_start3A_596 = arith.constant 0 : i32
      %dma_start3A_597 = tpu.memref_slice %arg5[%dma_start3A_595, %dma_start3A_596] : memref<896x128xi32, #tpu.memory_space<vmem>> -> memref<128x128xi32, #tpu.memory_space<vmem>>
      %dma_start3A_598 = arith.constant 0 : i32
      %dma_start3A_599 = tpu.memref_slice %arg6[%run_scoped3A_585, %dma_start3A_598] : memref<7x128xi32, #tpu.memory_space<vmem>> -> memref<1x128xi32, #tpu.memory_space<vmem>>
      %dma_start3A_600 = tpu.memref_squeeze %dma_start3A_599 : memref<1x128xi32, #tpu.memory_space<vmem>> -> memref<128xi32, #tpu.memory_space<vmem>>
      %dma_start3A_601 = arith.constant 0 : i32
      %dma_start3A_602 = arith.constant 0 : i32
      %dma_start3A_603 = tpu.memref_slice %arg7[%dma_start3A_601, %dma_start3A_602] : memref<896x128xi32, #tpu.memory_space<vmem_shared>> -> memref<896x128xi32, #tpu.memory_space<vmem_shared>>
      tpu.enqueue_indirect_dma source(%dma_start3A_597 : memref<128x128xi32, #tpu.memory_space<vmem>>) target(%dma_start3A_603 : memref<896x128xi32, #tpu.memory_space<vmem_shared>>) offsets(%dma_start3A_600 : memref<128xi32, #tpu.memory_space<vmem>>) semaphore(%run_scoped3A_594 : memref<!tpu.dma_semaphore, #tpu.memory_space<semaphore_mem>>) {add = true}
      %dma_wait3A_604 = arith.constant 384 : i32
      %dma_wait3A_605 = arith.constant 0 : i32
      %dma_wait3A_606 = tpu.memref_slice %arg5[%dma_wait3A_604, %dma_wait3A_605] : memref<896x128xi32, #tpu.memory_space<vmem>> -> memref<128x128xi32, #tpu.memory_space<vmem>>
      %dma_wait3A_607 = arith.constant 0 : i32
      %dma_wait3A_608 = tpu.memref_slice %arg6[%run_scoped3A_585, %dma_wait3A_607] : memref<7x128xi32, #tpu.memory_space<vmem>> -> memref<1x128xi32, #tpu.memory_space<vmem>>
      %dma_wait3A_609 = tpu.memref_squeeze %dma_wait3A_608 : memref<1x128xi32, #tpu.memory_space<vmem>> -> memref<128xi32, #tpu.memory_space<vmem>>
      %dma_wait3A_610 = arith.constant 0 : i32
      %dma_wait3A_611 = arith.constant 0 : i32
      %dma_wait3A_612 = tpu.memref_slice %arg7[%dma_wait3A_610, %dma_wait3A_611] : memref<896x128xi32, #tpu.memory_space<vmem_shared>> -> memref<896x128xi32, #tpu.memory_space<vmem_shared>>
      tpu.wait_indirect_dma semaphore(%run_scoped3A_594 : memref<!tpu.dma_semaphore, #tpu.memory_space<semaphore_mem>>) src(%dma_wait3A_606 : memref<128x128xi32, #tpu.memory_space<vmem>>) dst(%dma_wait3A_612 : memref<896x128xi32, #tpu.memory_space<vmem_shared>>)
      tpu.yield
    }) : () -> ()
    %run_scoped3A_586 = arith.constant 4 : i32
    "tpu.region"() ({
      %run_scoped3A_594 = tpu.sem_alloc : memref<!tpu.dma_semaphore, #tpu.memory_space<semaphore_mem>>
      %dma_start3A_595 = arith.constant 512 : i32
      %dma_start3A_596 = arith.constant 0 : i32
      %dma_start3A_597 = tpu.memref_slice %arg5[%dma_start3A_595, %dma_start3A_596] : memref<896x128xi32, #tpu.memory_space<vmem>> -> memref<128x128xi32, #tpu.memory_space<vmem>>
      %dma_start3A_598 = arith.constant 0 : i32
      %dma_start3A_599 = tpu.memref_slice %arg6[%run_scoped3A_586, %dma_start3A_598] : memref<7x128xi32, #tpu.memory_space<vmem>> -> memref<1x128xi32, #tpu.memory_space<vmem>>
      %dma_start3A_600 = tpu.memref_squeeze %dma_start3A_599 : memref<1x128xi32, #tpu.memory_space<vmem>> -> memref<128xi32, #tpu.memory_space<vmem>>
      %dma_start3A_601 = arith.constant 0 : i32
      %dma_start3A_602 = arith.constant 0 : i32
      %dma_start3A_603 = tpu.memref_slice %arg7[%dma_start3A_601, %dma_start3A_602] : memref<896x128xi32, #tpu.memory_space<vmem_shared>> -> memref<896x128xi32, #tpu.memory_space<vmem_shared>>
      tpu.enqueue_indirect_dma source(%dma_start3A_597 : memref<128x128xi32, #tpu.memory_space<vmem>>) target(%dma_start3A_603 : memref<896x128xi32, #tpu.memory_space<vmem_shared>>) offsets(%dma_start3A_600 : memref<128xi32, #tpu.memory_space<vmem>>) semaphore(%run_scoped3A_594 : memref<!tpu.dma_semaphore, #tpu.memory_space<semaphore_mem>>) {add = true}
      %dma_wait3A_604 = arith.constant 512 : i32
      %dma_wait3A_605 = arith.constant 0 : i32
      %dma_wait3A_606 = tpu.memref_slice %arg5[%dma_wait3A_604, %dma_wait3A_605] : memref<896x128xi32, #tpu.memory_space<vmem>> -> memref<128x128xi32, #tpu.memory_space<vmem>>
      %dma_wait3A_607 = arith.constant 0 : i32
      %dma_wait3A_608 = tpu.memref_slice %arg6[%run_scoped3A_586, %dma_wait3A_607] : memref<7x128xi32, #tpu.memory_space<vmem>> -> memref<1x128xi32, #tpu.memory_space<vmem>>
      %dma_wait3A_609 = tpu.memref_squeeze %dma_wait3A_608 : memref<1x128xi32, #tpu.memory_space<vmem>> -> memref<128xi32, #tpu.memory_space<vmem>>
      %dma_wait3A_610 = arith.constant 0 : i32
      %dma_wait3A_611 = arith.constant 0 : i32
      %dma_wait3A_612 = tpu.memref_slice %arg7[%dma_wait3A_610, %dma_wait3A_611] : memref<896x128xi32, #tpu.memory_space<vmem_shared>> -> memref<896x128xi32, #tpu.memory_space<vmem_shared>>
      tpu.wait_indirect_dma semaphore(%run_scoped3A_594 : memref<!tpu.dma_semaphore, #tpu.memory_space<semaphore_mem>>) src(%dma_wait3A_606 : memref<128x128xi32, #tpu.memory_space<vmem>>) dst(%dma_wait3A_612 : memref<896x128xi32, #tpu.memory_space<vmem_shared>>)
      tpu.yield
    }) : () -> ()
    %run_scoped3A_587 = arith.constant 5 : i32
    "tpu.region"() ({
      %run_scoped3A_594 = tpu.sem_alloc : memref<!tpu.dma_semaphore, #tpu.memory_space<semaphore_mem>>
      %dma_start3A_595 = arith.constant 640 : i32
      %dma_start3A_596 = arith.constant 0 : i32
      %dma_start3A_597 = tpu.memref_slice %arg5[%dma_start3A_595, %dma_start3A_596] : memref<896x128xi32, #tpu.memory_space<vmem>> -> memref<128x128xi32, #tpu.memory_space<vmem>>
      %dma_start3A_598 = arith.constant 0 : i32
      %dma_start3A_599 = tpu.memref_slice %arg6[%run_scoped3A_587, %dma_start3A_598] : memref<7x128xi32, #tpu.memory_space<vmem>> -> memref<1x128xi32, #tpu.memory_space<vmem>>
      %dma_start3A_600 = tpu.memref_squeeze %dma_start3A_599 : memref<1x128xi32, #tpu.memory_space<vmem>> -> memref<128xi32, #tpu.memory_space<vmem>>
      %dma_start3A_601 = arith.constant 0 : i32
      %dma_start3A_602 = arith.constant 0 : i32
      %dma_start3A_603 = tpu.memref_slice %arg7[%dma_start3A_601, %dma_start3A_602] : memref<896x128xi32, #tpu.memory_space<vmem_shared>> -> memref<896x128xi32, #tpu.memory_space<vmem_shared>>
      tpu.enqueue_indirect_dma source(%dma_start3A_597 : memref<128x128xi32, #tpu.memory_space<vmem>>) target(%dma_start3A_603 : memref<896x128xi32, #tpu.memory_space<vmem_shared>>) offsets(%dma_start3A_600 : memref<128xi32, #tpu.memory_space<vmem>>) semaphore(%run_scoped3A_594 : memref<!tpu.dma_semaphore, #tpu.memory_space<semaphore_mem>>) {add = true}
      %dma_wait3A_604 = arith.constant 640 : i32
      %dma_wait3A_605 = arith.constant 0 : i32
      %dma_wait3A_606 = tpu.memref_slice %arg5[%dma_wait3A_604, %dma_wait3A_605] : memref<896x128xi32, #tpu.memory_space<vmem>> -> memref<128x128xi32, #tpu.memory_space<vmem>>
      %dma_wait3A_607 = arith.constant 0 : i32
      %dma_wait3A_608 = tpu.memref_slice %arg6[%run_scoped3A_587, %dma_wait3A_607] : memref<7x128xi32, #tpu.memory_space<vmem>> -> memref<1x128xi32, #tpu.memory_space<vmem>>
      %dma_wait3A_609 = tpu.memref_squeeze %dma_wait3A_608 : memref<1x128xi32, #tpu.memory_space<vmem>> -> memref<128xi32, #tpu.memory_space<vmem>>
      %dma_wait3A_610 = arith.constant 0 : i32
      %dma_wait3A_611 = arith.constant 0 : i32
      %dma_wait3A_612 = tpu.memref_slice %arg7[%dma_wait3A_610, %dma_wait3A_611] : memref<896x128xi32, #tpu.memory_space<vmem_shared>> -> memref<896x128xi32, #tpu.memory_space<vmem_shared>>
      tpu.wait_indirect_dma semaphore(%run_scoped3A_594 : memref<!tpu.dma_semaphore, #tpu.memory_space<semaphore_mem>>) src(%dma_wait3A_606 : memref<128x128xi32, #tpu.memory_space<vmem>>) dst(%dma_wait3A_612 : memref<896x128xi32, #tpu.memory_space<vmem_shared>>)
      tpu.yield
    }) : () -> ()
    %run_scoped3A_588 = arith.constant 6 : i32
    "tpu.region"() ({
      %run_scoped3A_594 = tpu.sem_alloc : memref<!tpu.dma_semaphore, #tpu.memory_space<semaphore_mem>>
      %dma_start3A_595 = arith.constant 768 : i32
      %dma_start3A_596 = arith.constant 0 : i32
      %dma_start3A_597 = tpu.memref_slice %arg5[%dma_start3A_595, %dma_start3A_596] : memref<896x128xi32, #tpu.memory_space<vmem>> -> memref<128x128xi32, #tpu.memory_space<vmem>>
      %dma_start3A_598 = arith.constant 0 : i32
      %dma_start3A_599 = tpu.memref_slice %arg6[%run_scoped3A_588, %dma_start3A_598] : memref<7x128xi32, #tpu.memory_space<vmem>> -> memref<1x128xi32, #tpu.memory_space<vmem>>
      %dma_start3A_600 = tpu.memref_squeeze %dma_start3A_599 : memref<1x128xi32, #tpu.memory_space<vmem>> -> memref<128xi32, #tpu.memory_space<vmem>>
      %dma_start3A_601 = arith.constant 0 : i32
      %dma_start3A_602 = arith.constant 0 : i32
      %dma_start3A_603 = tpu.memref_slice %arg7[%dma_start3A_601, %dma_start3A_602] : memref<896x128xi32, #tpu.memory_space<vmem_shared>> -> memref<896x128xi32, #tpu.memory_space<vmem_shared>>
      tpu.enqueue_indirect_dma source(%dma_start3A_597 : memref<128x128xi32, #tpu.memory_space<vmem>>) target(%dma_start3A_603 : memref<896x128xi32, #tpu.memory_space<vmem_shared>>) offsets(%dma_start3A_600 : memref<128xi32, #tpu.memory_space<vmem>>) semaphore(%run_scoped3A_594 : memref<!tpu.dma_semaphore, #tpu.memory_space<semaphore_mem>>) {add = true}
      %dma_wait3A_604 = arith.constant 768 : i32
      %dma_wait3A_605 = arith.constant 0 : i32
      %dma_wait3A_606 = tpu.memref_slice %arg5[%dma_wait3A_604, %dma_wait3A_605] : memref<896x128xi32, #tpu.memory_space<vmem>> -> memref<128x128xi32, #tpu.memory_space<vmem>>
      %dma_wait3A_607 = arith.constant 0 : i32
      %dma_wait3A_608 = tpu.memref_slice %arg6[%run_scoped3A_588, %dma_wait3A_607] : memref<7x128xi32, #tpu.memory_space<vmem>> -> memref<1x128xi32, #tpu.memory_space<vmem>>
      %dma_wait3A_609 = tpu.memref_squeeze %dma_wait3A_608 : memref<1x128xi32, #tpu.memory_space<vmem>> -> memref<128xi32, #tpu.memory_space<vmem>>
      %dma_wait3A_610 = arith.constant 0 : i32
      %dma_wait3A_611 = arith.constant 0 : i32
      %dma_wait3A_612 = tpu.memref_slice %arg7[%dma_wait3A_610, %dma_wait3A_611] : memref<896x128xi32, #tpu.memory_space<vmem_shared>> -> memref<896x128xi32, #tpu.memory_space<vmem_shared>>
      tpu.wait_indirect_dma semaphore(%run_scoped3A_594 : memref<!tpu.dma_semaphore, #tpu.memory_space<semaphore_mem>>) src(%dma_wait3A_606 : memref<128x128xi32, #tpu.memory_space<vmem>>) dst(%dma_wait3A_612 : memref<896x128xi32, #tpu.memory_space<vmem_shared>>)
      tpu.yield
    }) : () -> ()
    %barrier3A_589 = arith.constant 0 : index
    tpu.barrier barrier_id(%barrier3A_589)
    %mul3A_590 = arith.constant 56 : i32
    %mul3A_591 = arith.muli %arg1, %mul3A_590 : i32
    "tpu.region"() ({
      %run_scoped3A_594 = tpu.sem_alloc : memref<!tpu.dma_semaphore, #tpu.memory_space<semaphore_mem>>
      %dma_start3A_595 = arith.constant 0 : i32
      %dma_start3A_596 = arith.constant 0 : i32
      %dma_start3A_597 = tpu.memref_slice %arg5[%dma_start3A_595, %dma_start3A_596] : memref<896x128xi32, #tpu.memory_space<vmem>> -> memref<56x128xi32, #tpu.memory_space<vmem>>
      %dma_start3A_598 = arith.constant 0 : i32
      %dma_start3A_599 = tpu.memref_slice %arg7[%mul3A_591, %dma_start3A_598] : memref<896x128xi32, #tpu.memory_space<vmem_shared>> -> memref<56x128xi32, #tpu.memory_space<vmem_shared>>
      %dma_start3A_600 = arith.constant 0 : i32
      %dma_start3A_601 = arith.constant 0 : i32
      %dma_start3A_602 = tpu.memref_slice %arg5[%dma_start3A_600, %dma_start3A_601] : memref<896x128xi32, #tpu.memory_space<vmem>> -> memref<56x128xi32, #tpu.memory_space<vmem>>
      %dma_start3A_603 = arith.constant 0 : i32
      %dma_start3A_604 = tpu.memref_slice %arg7[%mul3A_591, %dma_start3A_603] : memref<896x128xi32, #tpu.memory_space<vmem_shared>> -> memref<56x128xi32, #tpu.memory_space<vmem_shared>>
      tpu.enqueue_dma source(%dma_start3A_604 : memref<56x128xi32, #tpu.memory_space<vmem_shared>>) target(%dma_start3A_602 : memref<56x128xi32, #tpu.memory_space<vmem>>) target_semaphore(%run_scoped3A_594 : memref<!tpu.dma_semaphore, #tpu.memory_space<semaphore_mem>>)
      %dma_wait3A_605 = arith.constant 0 : i32
      %dma_wait3A_606 = arith.constant 0 : i32
      %dma_wait3A_607 = tpu.memref_slice %arg5[%dma_wait3A_605, %dma_wait3A_606] : memref<896x128xi32, #tpu.memory_space<vmem>> -> memref<56x128xi32, #tpu.memory_space<vmem>>
      %dma_wait3A_608 = arith.constant 0 : i32
      %dma_wait3A_609 = tpu.memref_slice %arg7[%mul3A_591, %dma_wait3A_608] : memref<896x128xi32, #tpu.memory_space<vmem_shared>> -> memref<56x128xi32, #tpu.memory_space<vmem_shared>>
      %dma_wait3A_610 = arith.constant 0 : i32
      %dma_wait3A_611 = arith.constant 0 : i32
      %dma_wait3A_612 = tpu.memref_slice %arg5[%dma_wait3A_610, %dma_wait3A_611] : memref<896x128xi32, #tpu.memory_space<vmem>> -> memref<56x128xi32, #tpu.memory_space<vmem>>
      %dma_wait3A_613 = arith.constant 0 : i32
      %dma_wait3A_614 = tpu.memref_slice %arg7[%mul3A_591, %dma_wait3A_613] : memref<896x128xi32, #tpu.memory_space<vmem_shared>> -> memref<56x128xi32, #tpu.memory_space<vmem_shared>>
      tpu.wait_dma2 semaphore(%run_scoped3A_594 : memref<!tpu.dma_semaphore, #tpu.memory_space<semaphore_mem>>) src(%dma_wait3A_614 : memref<56x128xi32, #tpu.memory_space<vmem_shared>>) dst(%dma_wait3A_612 : memref<56x128xi32, #tpu.memory_space<vmem>>)
      tpu.yield
    }) : () -> ()
    %mul3A_592 = arith.constant 56 : i32
    %mul3A_593 = arith.muli %arg1, %mul3A_592 : i32
    "tpu.region"() ({
      %run_scoped3A_594 = tpu.sem_alloc : memref<!tpu.dma_semaphore, #tpu.memory_space<semaphore_mem>>
      %dma_start3A_595 = arith.constant 0 : i32
      %dma_start3A_596 = arith.constant 0 : i32
      %dma_start3A_597 = tpu.memref_slice %arg5[%dma_start3A_595, %dma_start3A_596] : memref<896x128xi32, #tpu.memory_space<vmem>> -> memref<56x128xi32, #tpu.memory_space<vmem>>
      %dma_start3A_598 = arith.constant 0 : i32
      %dma_start3A_599 = arith.constant 0 : i32
      %dma_start3A_600 = tpu.memref_slice %arg3[%arg0, %dma_start3A_598, %dma_start3A_599] : memref<2x896x128xi32, #tpu.memory_space<hbm>> -> memref<1x896x128xi32, #tpu.memory_space<hbm>>
      %dma_start3A_601 = tpu.memref_squeeze %dma_start3A_600 : memref<1x896x128xi32, #tpu.memory_space<hbm>> -> memref<896x128xi32, #tpu.memory_space<hbm>>
      %dma_start3A_602 = arith.constant 0 : i32
      %dma_start3A_603 = tpu.memref_slice %dma_start3A_601[%mul3A_593, %dma_start3A_602] : memref<896x128xi32, #tpu.memory_space<hbm>> -> memref<56x128xi32, #tpu.memory_space<hbm>>
      %dma_start3A_604 = arith.constant 0 : i32
      %dma_start3A_605 = arith.constant 0 : i32
      %dma_start3A_606 = tpu.memref_slice %arg3[%arg0, %dma_start3A_604, %dma_start3A_605] : memref<2x896x128xi32, #tpu.memory_space<hbm>> -> memref<1x896x128xi32, #tpu.memory_space<hbm>>
      %dma_start3A_607 = tpu.memref_squeeze %dma_start3A_606 : memref<1x896x128xi32, #tpu.memory_space<hbm>> -> memref<896x128xi32, #tpu.memory_space<hbm>>
      %dma_start3A_608 = arith.constant 0 : i32
      %dma_start3A_609 = tpu.memref_slice %dma_start3A_607[%mul3A_593, %dma_start3A_608] : memref<896x128xi32, #tpu.memory_space<hbm>> -> memref<56x128xi32, #tpu.memory_space<hbm>>
      %dma_start3A_610 = arith.constant 0 : i32
      %dma_start3A_611 = arith.constant 0 : i32
      %dma_start3A_612 = tpu.memref_slice %arg5[%dma_start3A_610, %dma_start3A_611] : memref<896x128xi32, #tpu.memory_space<vmem>> -> memref<56x128xi32, #tpu.memory_space<vmem>>
      tpu.enqueue_dma source(%dma_start3A_612 : memref<56x128xi32, #tpu.memory_space<vmem>>) target(%dma_start3A_609 : memref<56x128xi32, #tpu.memory_space<hbm>>) target_semaphore(%run_scoped3A_594 : memref<!tpu.dma_semaphore, #tpu.memory_space<semaphore_mem>>)
      %dma_wait3A_613 = arith.constant 0 : i32
      %dma_wait3A_614 = arith.constant 0 : i32
      %dma_wait3A_615 = tpu.memref_slice %arg5[%dma_wait3A_613, %dma_wait3A_614] : memref<896x128xi32, #tpu.memory_space<vmem>> -> memref<56x128xi32, #tpu.memory_space<vmem>>
      %dma_wait3A_616 = arith.constant 0 : i32
      %dma_wait3A_617 = arith.constant 0 : i32
      %dma_wait3A_618 = tpu.memref_slice %arg3[%arg0, %dma_wait3A_616, %dma_wait3A_617] : memref<2x896x128xi32, #tpu.memory_space<hbm>> -> memref<1x896x128xi32, #tpu.memory_space<hbm>>
      %dma_wait3A_619 = tpu.memref_squeeze %dma_wait3A_618 : memref<1x896x128xi32, #tpu.memory_space<hbm>> -> memref<896x128xi32, #tpu.memory_space<hbm>>
      %dma_wait3A_620 = arith.constant 0 : i32
      %dma_wait3A_621 = tpu.memref_slice %dma_wait3A_619[%mul3A_593, %dma_wait3A_620] : memref<896x128xi32, #tpu.memory_space<hbm>> -> memref<56x128xi32, #tpu.memory_space<hbm>>
      %dma_wait3A_622 = arith.constant 0 : i32
      %dma_wait3A_623 = arith.constant 0 : i32
      %dma_wait3A_624 = tpu.memref_slice %arg3[%arg0, %dma_wait3A_622, %dma_wait3A_623] : memref<2x896x128xi32, #tpu.memory_space<hbm>> -> memref<1x896x128xi32, #tpu.memory_space<hbm>>
      %dma_wait3A_625 = tpu.memref_squeeze %dma_wait3A_624 : memref<1x896x128xi32, #tpu.memory_space<hbm>> -> memref<896x128xi32, #tpu.memory_space<hbm>>
      %dma_wait3A_626 = arith.constant 0 : i32
      %dma_wait3A_627 = tpu.memref_slice %dma_wait3A_625[%mul3A_593, %dma_wait3A_626] : memref<896x128xi32, #tpu.memory_space<hbm>> -> memref<56x128xi32, #tpu.memory_space<hbm>>
      %dma_wait3A_628 = arith.constant 0 : i32
      %dma_wait3A_629 = arith.constant 0 : i32
      %dma_wait3A_630 = tpu.memref_slice %arg5[%dma_wait3A_628, %dma_wait3A_629] : memref<896x128xi32, #tpu.memory_space<vmem>> -> memref<56x128xi32, #tpu.memory_space<vmem>>
      tpu.wait_dma2 semaphore(%run_scoped3A_594 : memref<!tpu.dma_semaphore, #tpu.memory_space<semaphore_mem>>) src(%dma_wait3A_630 : memref<56x128xi32, #tpu.memory_space<vmem>>) dst(%dma_wait3A_627 : memref<56x128xi32, #tpu.memory_space<hbm>>)
      tpu.yield
    }) : () -> ()
    return
  }
}

module attributes {stable_mosaic.version = 14 : i64} {
  func.func @_matvec_body(%arg0: i32, %arg1: memref<2x56x128xi32, #tpu.memory_space<vmem>>, %arg2: memref<64x7168xf32, #tpu.memory_space<vmem>>, %arg3: memref<1x64xf32, #tpu.memory_space<vmem>>) attributes {dimension_semantics = [#tpu.dimension_semantics<arbitrary>], iteration_bounds = array<i64: 14>, scalar_prefetch = 0 : i64, scratch_operands = 0 : i64, tpu.core_type = #tpu.core_type<tc>, window_params = [{transform_indices = @transform_0, window_bounds = array<i64: 2, 56, 128>}, {transform_indices = @transform_1, window_bounds = array<i64: 64, 7168>}, {pipeline_mode = #tpu.pipeline_mode<synchronous>, transform_indices = @transform_2, window_bounds = array<i64: 1, 64>}]} {
    %get3A = arith.constant 0 : index
    %get3A_0 = arith.constant 0 : index
    %get3A_1 = arith.constant 0 : index
    %get3A_2 = vector.load %arg1[%get3A, %get3A_0, %get3A_1] : memref<2x56x128xi32, #tpu.memory_space<vmem>>, vector<2x56x128xi32>
    %get3A_3 = arith.constant 0 : index
    %get3A_4 = arith.constant 0 : index
    %get3A_5 = vector.load %arg2[%get3A_3, %get3A_4] : memref<64x7168xf32, #tpu.memory_space<vmem>>, vector<64x7168xf32>
    %mul3A = arith.constant 7168 : i32
    %mul3A_6 = arith.muli %arg0, %mul3A : i32
    %iota3A = tpu.iota {dimensions = array<i32: 1>} : vector<1x7168xi32>
    %add3A = vector.broadcast %mul3A_6 : i32 to vector<1x7168xi32>
    %add3A_7 = arith.addi %add3A, %iota3A : vector<1x7168xi32>
    %lt3A = arith.constant 100001 : i32
    %lt3A_8 = vector.broadcast %lt3A : i32 to vector<1x7168xi32>
    %lt3A_9 = arith.cmpi slt, %add3A_7, %lt3A_8 : vector<1x7168xi32>
    %jit3A = arith.constant 0.000000e+00 : f32
    %broadcast_in_dim3A = vector.shape_cast %lt3A_9 : vector<1x7168xi1> to vector<1x7168xi1>
    %broadcast_in_dim3A_10 = vector.broadcast %broadcast_in_dim3A : vector<1x7168xi1> to vector<64x7168xi1>
    %broadcast_in_dim3A_11 = vector.broadcast %jit3A : f32 to vector<64x7168xf32>
    %select_n3A = arith.select %broadcast_in_dim3A_10, %get3A_5, %broadcast_in_dim3A_11 : vector<64x7168xi1>, vector<64x7168xf32>
    %slice3A = vector.extract_strided_slice %get3A_2 {offsets = [0, 0, 0], sizes = [1, 56, 128], strides = [1, 1, 1]} : vector<2x56x128xi32> to vector<1x56x128xi32>
    %squeeze3A = vector.shape_cast %slice3A : vector<1x56x128xi32> to vector<56x128xi32>
    %slice3A_12 = vector.extract_strided_slice %get3A_2 {offsets = [1, 0, 0], sizes = [1, 56, 128], strides = [1, 1, 1]} : vector<2x56x128xi32> to vector<1x56x128xi32>
    %squeeze3A_13 = vector.shape_cast %slice3A_12 : vector<1x56x128xi32> to vector<56x128xi32>
    %add3A_14 = arith.addi %squeeze3A, %squeeze3A_13 : vector<56x128xi32>
    %convert_element_type3A = arith.sitofp %add3A_14 : vector<56x128xi32> to vector<56x128xf32>
    %broadcast_in_dim3A_15 = arith.constant 0.000000e+00 : f32
    %broadcast_in_dim3A_16 = vector.broadcast %broadcast_in_dim3A_15 : f32 to vector<1x64xf32>
    %slice3A_17 = vector.extract_strided_slice %convert_element_type3A {offsets = [0, 0], sizes = [1, 128], strides = [1, 1]} : vector<56x128xf32> to vector<1x128xf32>
    %slice3A_18 = vector.extract_strided_slice %select_n3A {offsets = [0, 0], sizes = [64, 128], strides = [1, 1]} : vector<64x7168xf32> to vector<64x128xf32>
    %dot_general3A = arith.constant dense<0.000000e+00> : vector<1x64xf32>
    %dot_general3A_19 = tpu.matmul %slice3A_17, %slice3A_18, %dot_general3A {dimension_numbers = #tpu.dot_dimension_numbers<[1], [1], [0], [0], [0, 0, 1, 0], [], []>, transpose_lhs_hint = false} : vector<1x128xf32>, vector<64x128xf32>, vector<1x64xf32> -> vector<1x64xf32>
    %add3A_20 = arith.addf %broadcast_in_dim3A_16, %dot_general3A_19 : vector<1x64xf32>
    %slice3A_21 = vector.extract_strided_slice %convert_element_type3A {offsets = [1, 0], sizes = [1, 128], strides = [1, 1]} : vector<56x128xf32> to vector<1x128xf32>
    %slice3A_22 = vector.extract_strided_slice %select_n3A {offsets = [0, 128], sizes = [64, 128], strides = [1, 1]} : vector<64x7168xf32> to vector<64x128xf32>
    %dot_general3A_23 = arith.constant dense<0.000000e+00> : vector<1x64xf32>
    %dot_general3A_24 = tpu.matmul %slice3A_21, %slice3A_22, %dot_general3A_23 {dimension_numbers = #tpu.dot_dimension_numbers<[1], [1], [0], [0], [0, 0, 1, 0], [], []>, transpose_lhs_hint = false} : vector<1x128xf32>, vector<64x128xf32>, vector<1x64xf32> -> vector<1x64xf32>
    %add3A_25 = arith.addf %add3A_20, %dot_general3A_24 : vector<1x64xf32>
    %slice3A_26 = vector.extract_strided_slice %convert_element_type3A {offsets = [2, 0], sizes = [1, 128], strides = [1, 1]} : vector<56x128xf32> to vector<1x128xf32>
    %slice3A_27 = vector.extract_strided_slice %select_n3A {offsets = [0, 256], sizes = [64, 128], strides = [1, 1]} : vector<64x7168xf32> to vector<64x128xf32>
    %dot_general3A_28 = arith.constant dense<0.000000e+00> : vector<1x64xf32>
    %dot_general3A_29 = tpu.matmul %slice3A_26, %slice3A_27, %dot_general3A_28 {dimension_numbers = #tpu.dot_dimension_numbers<[1], [1], [0], [0], [0, 0, 1, 0], [], []>, transpose_lhs_hint = false} : vector<1x128xf32>, vector<64x128xf32>, vector<1x64xf32> -> vector<1x64xf32>
    %add3A_30 = arith.addf %add3A_25, %dot_general3A_29 : vector<1x64xf32>
    %slice3A_31 = vector.extract_strided_slice %convert_element_type3A {offsets = [3, 0], sizes = [1, 128], strides = [1, 1]} : vector<56x128xf32> to vector<1x128xf32>
    %slice3A_32 = vector.extract_strided_slice %select_n3A {offsets = [0, 384], sizes = [64, 128], strides = [1, 1]} : vector<64x7168xf32> to vector<64x128xf32>
    %dot_general3A_33 = arith.constant dense<0.000000e+00> : vector<1x64xf32>
    %dot_general3A_34 = tpu.matmul %slice3A_31, %slice3A_32, %dot_general3A_33 {dimension_numbers = #tpu.dot_dimension_numbers<[1], [1], [0], [0], [0, 0, 1, 0], [], []>, transpose_lhs_hint = false} : vector<1x128xf32>, vector<64x128xf32>, vector<1x64xf32> -> vector<1x64xf32>
    %add3A_35 = arith.addf %add3A_30, %dot_general3A_34 : vector<1x64xf32>
    %slice3A_36 = vector.extract_strided_slice %convert_element_type3A {offsets = [4, 0], sizes = [1, 128], strides = [1, 1]} : vector<56x128xf32> to vector<1x128xf32>
    %slice3A_37 = vector.extract_strided_slice %select_n3A {offsets = [0, 512], sizes = [64, 128], strides = [1, 1]} : vector<64x7168xf32> to vector<64x128xf32>
    %dot_general3A_38 = arith.constant dense<0.000000e+00> : vector<1x64xf32>
    %dot_general3A_39 = tpu.matmul %slice3A_36, %slice3A_37, %dot_general3A_38 {dimension_numbers = #tpu.dot_dimension_numbers<[1], [1], [0], [0], [0, 0, 1, 0], [], []>, transpose_lhs_hint = false} : vector<1x128xf32>, vector<64x128xf32>, vector<1x64xf32> -> vector<1x64xf32>
    %add3A_40 = arith.addf %add3A_35, %dot_general3A_39 : vector<1x64xf32>
    %slice3A_41 = vector.extract_strided_slice %convert_element_type3A {offsets = [5, 0], sizes = [1, 128], strides = [1, 1]} : vector<56x128xf32> to vector<1x128xf32>
    %slice3A_42 = vector.extract_strided_slice %select_n3A {offsets = [0, 640], sizes = [64, 128], strides = [1, 1]} : vector<64x7168xf32> to vector<64x128xf32>
    %dot_general3A_43 = arith.constant dense<0.000000e+00> : vector<1x64xf32>
    %dot_general3A_44 = tpu.matmul %slice3A_41, %slice3A_42, %dot_general3A_43 {dimension_numbers = #tpu.dot_dimension_numbers<[1], [1], [0], [0], [0, 0, 1, 0], [], []>, transpose_lhs_hint = false} : vector<1x128xf32>, vector<64x128xf32>, vector<1x64xf32> -> vector<1x64xf32>
    %add3A_45 = arith.addf %add3A_40, %dot_general3A_44 : vector<1x64xf32>
    %slice3A_46 = vector.extract_strided_slice %convert_element_type3A {offsets = [6, 0], sizes = [1, 128], strides = [1, 1]} : vector<56x128xf32> to vector<1x128xf32>
    %slice3A_47 = vector.extract_strided_slice %select_n3A {offsets = [0, 768], sizes = [64, 128], strides = [1, 1]} : vector<64x7168xf32> to vector<64x128xf32>
    %dot_general3A_48 = arith.constant dense<0.000000e+00> : vector<1x64xf32>
    %dot_general3A_49 = tpu.matmul %slice3A_46, %slice3A_47, %dot_general3A_48 {dimension_numbers = #tpu.dot_dimension_numbers<[1], [1], [0], [0], [0, 0, 1, 0], [], []>, transpose_lhs_hint = false} : vector<1x128xf32>, vector<64x128xf32>, vector<1x64xf32> -> vector<1x64xf32>
    %add3A_50 = arith.addf %add3A_45, %dot_general3A_49 : vector<1x64xf32>
    %slice3A_51 = vector.extract_strided_slice %convert_element_type3A {offsets = [7, 0], sizes = [1, 128], strides = [1, 1]} : vector<56x128xf32> to vector<1x128xf32>
    %slice3A_52 = vector.extract_strided_slice %select_n3A {offsets = [0, 896], sizes = [64, 128], strides = [1, 1]} : vector<64x7168xf32> to vector<64x128xf32>
    %dot_general3A_53 = arith.constant dense<0.000000e+00> : vector<1x64xf32>
    %dot_general3A_54 = tpu.matmul %slice3A_51, %slice3A_52, %dot_general3A_53 {dimension_numbers = #tpu.dot_dimension_numbers<[1], [1], [0], [0], [0, 0, 1, 0], [], []>, transpose_lhs_hint = false} : vector<1x128xf32>, vector<64x128xf32>, vector<1x64xf32> -> vector<1x64xf32>
    %add3A_55 = arith.addf %add3A_50, %dot_general3A_54 : vector<1x64xf32>
    %slice3A_56 = vector.extract_strided_slice %convert_element_type3A {offsets = [8, 0], sizes = [1, 128], strides = [1, 1]} : vector<56x128xf32> to vector<1x128xf32>
    %slice3A_57 = vector.extract_strided_slice %select_n3A {offsets = [0, 1024], sizes = [64, 128], strides = [1, 1]} : vector<64x7168xf32> to vector<64x128xf32>
    %dot_general3A_58 = arith.constant dense<0.000000e+00> : vector<1x64xf32>
    %dot_general3A_59 = tpu.matmul %slice3A_56, %slice3A_57, %dot_general3A_58 {dimension_numbers = #tpu.dot_dimension_numbers<[1], [1], [0], [0], [0, 0, 1, 0], [], []>, transpose_lhs_hint = false} : vector<1x128xf32>, vector<64x128xf32>, vector<1x64xf32> -> vector<1x64xf32>
    %add3A_60 = arith.addf %add3A_55, %dot_general3A_59 : vector<1x64xf32>
    %slice3A_61 = vector.extract_strided_slice %convert_element_type3A {offsets = [9, 0], sizes = [1, 128], strides = [1, 1]} : vector<56x128xf32> to vector<1x128xf32>
    %slice3A_62 = vector.extract_strided_slice %select_n3A {offsets = [0, 1152], sizes = [64, 128], strides = [1, 1]} : vector<64x7168xf32> to vector<64x128xf32>
    %dot_general3A_63 = arith.constant dense<0.000000e+00> : vector<1x64xf32>
    %dot_general3A_64 = tpu.matmul %slice3A_61, %slice3A_62, %dot_general3A_63 {dimension_numbers = #tpu.dot_dimension_numbers<[1], [1], [0], [0], [0, 0, 1, 0], [], []>, transpose_lhs_hint = false} : vector<1x128xf32>, vector<64x128xf32>, vector<1x64xf32> -> vector<1x64xf32>
    %add3A_65 = arith.addf %add3A_60, %dot_general3A_64 : vector<1x64xf32>
    %slice3A_66 = vector.extract_strided_slice %convert_element_type3A {offsets = [10, 0], sizes = [1, 128], strides = [1, 1]} : vector<56x128xf32> to vector<1x128xf32>
    %slice3A_67 = vector.extract_strided_slice %select_n3A {offsets = [0, 1280], sizes = [64, 128], strides = [1, 1]} : vector<64x7168xf32> to vector<64x128xf32>
    %dot_general3A_68 = arith.constant dense<0.000000e+00> : vector<1x64xf32>
    %dot_general3A_69 = tpu.matmul %slice3A_66, %slice3A_67, %dot_general3A_68 {dimension_numbers = #tpu.dot_dimension_numbers<[1], [1], [0], [0], [0, 0, 1, 0], [], []>, transpose_lhs_hint = false} : vector<1x128xf32>, vector<64x128xf32>, vector<1x64xf32> -> vector<1x64xf32>
    %add3A_70 = arith.addf %add3A_65, %dot_general3A_69 : vector<1x64xf32>
    %slice3A_71 = vector.extract_strided_slice %convert_element_type3A {offsets = [11, 0], sizes = [1, 128], strides = [1, 1]} : vector<56x128xf32> to vector<1x128xf32>
    %slice3A_72 = vector.extract_strided_slice %select_n3A {offsets = [0, 1408], sizes = [64, 128], strides = [1, 1]} : vector<64x7168xf32> to vector<64x128xf32>
    %dot_general3A_73 = arith.constant dense<0.000000e+00> : vector<1x64xf32>
    %dot_general3A_74 = tpu.matmul %slice3A_71, %slice3A_72, %dot_general3A_73 {dimension_numbers = #tpu.dot_dimension_numbers<[1], [1], [0], [0], [0, 0, 1, 0], [], []>, transpose_lhs_hint = false} : vector<1x128xf32>, vector<64x128xf32>, vector<1x64xf32> -> vector<1x64xf32>
    %add3A_75 = arith.addf %add3A_70, %dot_general3A_74 : vector<1x64xf32>
    %slice3A_76 = vector.extract_strided_slice %convert_element_type3A {offsets = [12, 0], sizes = [1, 128], strides = [1, 1]} : vector<56x128xf32> to vector<1x128xf32>
    %slice3A_77 = vector.extract_strided_slice %select_n3A {offsets = [0, 1536], sizes = [64, 128], strides = [1, 1]} : vector<64x7168xf32> to vector<64x128xf32>
    %dot_general3A_78 = arith.constant dense<0.000000e+00> : vector<1x64xf32>
    %dot_general3A_79 = tpu.matmul %slice3A_76, %slice3A_77, %dot_general3A_78 {dimension_numbers = #tpu.dot_dimension_numbers<[1], [1], [0], [0], [0, 0, 1, 0], [], []>, transpose_lhs_hint = false} : vector<1x128xf32>, vector<64x128xf32>, vector<1x64xf32> -> vector<1x64xf32>
    %add3A_80 = arith.addf %add3A_75, %dot_general3A_79 : vector<1x64xf32>
    %slice3A_81 = vector.extract_strided_slice %convert_element_type3A {offsets = [13, 0], sizes = [1, 128], strides = [1, 1]} : vector<56x128xf32> to vector<1x128xf32>
    %slice3A_82 = vector.extract_strided_slice %select_n3A {offsets = [0, 1664], sizes = [64, 128], strides = [1, 1]} : vector<64x7168xf32> to vector<64x128xf32>
    %dot_general3A_83 = arith.constant dense<0.000000e+00> : vector<1x64xf32>
    %dot_general3A_84 = tpu.matmul %slice3A_81, %slice3A_82, %dot_general3A_83 {dimension_numbers = #tpu.dot_dimension_numbers<[1], [1], [0], [0], [0, 0, 1, 0], [], []>, transpose_lhs_hint = false} : vector<1x128xf32>, vector<64x128xf32>, vector<1x64xf32> -> vector<1x64xf32>
    %add3A_85 = arith.addf %add3A_80, %dot_general3A_84 : vector<1x64xf32>
    %slice3A_86 = vector.extract_strided_slice %convert_element_type3A {offsets = [14, 0], sizes = [1, 128], strides = [1, 1]} : vector<56x128xf32> to vector<1x128xf32>
    %slice3A_87 = vector.extract_strided_slice %select_n3A {offsets = [0, 1792], sizes = [64, 128], strides = [1, 1]} : vector<64x7168xf32> to vector<64x128xf32>
    %dot_general3A_88 = arith.constant dense<0.000000e+00> : vector<1x64xf32>
    %dot_general3A_89 = tpu.matmul %slice3A_86, %slice3A_87, %dot_general3A_88 {dimension_numbers = #tpu.dot_dimension_numbers<[1], [1], [0], [0], [0, 0, 1, 0], [], []>, transpose_lhs_hint = false} : vector<1x128xf32>, vector<64x128xf32>, vector<1x64xf32> -> vector<1x64xf32>
    %add3A_90 = arith.addf %add3A_85, %dot_general3A_89 : vector<1x64xf32>
    %slice3A_91 = vector.extract_strided_slice %convert_element_type3A {offsets = [15, 0], sizes = [1, 128], strides = [1, 1]} : vector<56x128xf32> to vector<1x128xf32>
    %slice3A_92 = vector.extract_strided_slice %select_n3A {offsets = [0, 1920], sizes = [64, 128], strides = [1, 1]} : vector<64x7168xf32> to vector<64x128xf32>
    %dot_general3A_93 = arith.constant dense<0.000000e+00> : vector<1x64xf32>
    %dot_general3A_94 = tpu.matmul %slice3A_91, %slice3A_92, %dot_general3A_93 {dimension_numbers = #tpu.dot_dimension_numbers<[1], [1], [0], [0], [0, 0, 1, 0], [], []>, transpose_lhs_hint = false} : vector<1x128xf32>, vector<64x128xf32>, vector<1x64xf32> -> vector<1x64xf32>
    %add3A_95 = arith.addf %add3A_90, %dot_general3A_94 : vector<1x64xf32>
    %slice3A_96 = vector.extract_strided_slice %convert_element_type3A {offsets = [16, 0], sizes = [1, 128], strides = [1, 1]} : vector<56x128xf32> to vector<1x128xf32>
    %slice3A_97 = vector.extract_strided_slice %select_n3A {offsets = [0, 2048], sizes = [64, 128], strides = [1, 1]} : vector<64x7168xf32> to vector<64x128xf32>
    %dot_general3A_98 = arith.constant dense<0.000000e+00> : vector<1x64xf32>
    %dot_general3A_99 = tpu.matmul %slice3A_96, %slice3A_97, %dot_general3A_98 {dimension_numbers = #tpu.dot_dimension_numbers<[1], [1], [0], [0], [0, 0, 1, 0], [], []>, transpose_lhs_hint = false} : vector<1x128xf32>, vector<64x128xf32>, vector<1x64xf32> -> vector<1x64xf32>
    %add3A_100 = arith.addf %add3A_95, %dot_general3A_99 : vector<1x64xf32>
    %slice3A_101 = vector.extract_strided_slice %convert_element_type3A {offsets = [17, 0], sizes = [1, 128], strides = [1, 1]} : vector<56x128xf32> to vector<1x128xf32>
    %slice3A_102 = vector.extract_strided_slice %select_n3A {offsets = [0, 2176], sizes = [64, 128], strides = [1, 1]} : vector<64x7168xf32> to vector<64x128xf32>
    %dot_general3A_103 = arith.constant dense<0.000000e+00> : vector<1x64xf32>
    %dot_general3A_104 = tpu.matmul %slice3A_101, %slice3A_102, %dot_general3A_103 {dimension_numbers = #tpu.dot_dimension_numbers<[1], [1], [0], [0], [0, 0, 1, 0], [], []>, transpose_lhs_hint = false} : vector<1x128xf32>, vector<64x128xf32>, vector<1x64xf32> -> vector<1x64xf32>
    %add3A_105 = arith.addf %add3A_100, %dot_general3A_104 : vector<1x64xf32>
    %slice3A_106 = vector.extract_strided_slice %convert_element_type3A {offsets = [18, 0], sizes = [1, 128], strides = [1, 1]} : vector<56x128xf32> to vector<1x128xf32>
    %slice3A_107 = vector.extract_strided_slice %select_n3A {offsets = [0, 2304], sizes = [64, 128], strides = [1, 1]} : vector<64x7168xf32> to vector<64x128xf32>
    %dot_general3A_108 = arith.constant dense<0.000000e+00> : vector<1x64xf32>
    %dot_general3A_109 = tpu.matmul %slice3A_106, %slice3A_107, %dot_general3A_108 {dimension_numbers = #tpu.dot_dimension_numbers<[1], [1], [0], [0], [0, 0, 1, 0], [], []>, transpose_lhs_hint = false} : vector<1x128xf32>, vector<64x128xf32>, vector<1x64xf32> -> vector<1x64xf32>
    %add3A_110 = arith.addf %add3A_105, %dot_general3A_109 : vector<1x64xf32>
    %slice3A_111 = vector.extract_strided_slice %convert_element_type3A {offsets = [19, 0], sizes = [1, 128], strides = [1, 1]} : vector<56x128xf32> to vector<1x128xf32>
    %slice3A_112 = vector.extract_strided_slice %select_n3A {offsets = [0, 2432], sizes = [64, 128], strides = [1, 1]} : vector<64x7168xf32> to vector<64x128xf32>
    %dot_general3A_113 = arith.constant dense<0.000000e+00> : vector<1x64xf32>
    %dot_general3A_114 = tpu.matmul %slice3A_111, %slice3A_112, %dot_general3A_113 {dimension_numbers = #tpu.dot_dimension_numbers<[1], [1], [0], [0], [0, 0, 1, 0], [], []>, transpose_lhs_hint = false} : vector<1x128xf32>, vector<64x128xf32>, vector<1x64xf32> -> vector<1x64xf32>
    %add3A_115 = arith.addf %add3A_110, %dot_general3A_114 : vector<1x64xf32>
    %slice3A_116 = vector.extract_strided_slice %convert_element_type3A {offsets = [20, 0], sizes = [1, 128], strides = [1, 1]} : vector<56x128xf32> to vector<1x128xf32>
    %slice3A_117 = vector.extract_strided_slice %select_n3A {offsets = [0, 2560], sizes = [64, 128], strides = [1, 1]} : vector<64x7168xf32> to vector<64x128xf32>
    %dot_general3A_118 = arith.constant dense<0.000000e+00> : vector<1x64xf32>
    %dot_general3A_119 = tpu.matmul %slice3A_116, %slice3A_117, %dot_general3A_118 {dimension_numbers = #tpu.dot_dimension_numbers<[1], [1], [0], [0], [0, 0, 1, 0], [], []>, transpose_lhs_hint = false} : vector<1x128xf32>, vector<64x128xf32>, vector<1x64xf32> -> vector<1x64xf32>
    %add3A_120 = arith.addf %add3A_115, %dot_general3A_119 : vector<1x64xf32>
    %slice3A_121 = vector.extract_strided_slice %convert_element_type3A {offsets = [21, 0], sizes = [1, 128], strides = [1, 1]} : vector<56x128xf32> to vector<1x128xf32>
    %slice3A_122 = vector.extract_strided_slice %select_n3A {offsets = [0, 2688], sizes = [64, 128], strides = [1, 1]} : vector<64x7168xf32> to vector<64x128xf32>
    %dot_general3A_123 = arith.constant dense<0.000000e+00> : vector<1x64xf32>
    %dot_general3A_124 = tpu.matmul %slice3A_121, %slice3A_122, %dot_general3A_123 {dimension_numbers = #tpu.dot_dimension_numbers<[1], [1], [0], [0], [0, 0, 1, 0], [], []>, transpose_lhs_hint = false} : vector<1x128xf32>, vector<64x128xf32>, vector<1x64xf32> -> vector<1x64xf32>
    %add3A_125 = arith.addf %add3A_120, %dot_general3A_124 : vector<1x64xf32>
    %slice3A_126 = vector.extract_strided_slice %convert_element_type3A {offsets = [22, 0], sizes = [1, 128], strides = [1, 1]} : vector<56x128xf32> to vector<1x128xf32>
    %slice3A_127 = vector.extract_strided_slice %select_n3A {offsets = [0, 2816], sizes = [64, 128], strides = [1, 1]} : vector<64x7168xf32> to vector<64x128xf32>
    %dot_general3A_128 = arith.constant dense<0.000000e+00> : vector<1x64xf32>
    %dot_general3A_129 = tpu.matmul %slice3A_126, %slice3A_127, %dot_general3A_128 {dimension_numbers = #tpu.dot_dimension_numbers<[1], [1], [0], [0], [0, 0, 1, 0], [], []>, transpose_lhs_hint = false} : vector<1x128xf32>, vector<64x128xf32>, vector<1x64xf32> -> vector<1x64xf32>
    %add3A_130 = arith.addf %add3A_125, %dot_general3A_129 : vector<1x64xf32>
    %slice3A_131 = vector.extract_strided_slice %convert_element_type3A {offsets = [23, 0], sizes = [1, 128], strides = [1, 1]} : vector<56x128xf32> to vector<1x128xf32>
    %slice3A_132 = vector.extract_strided_slice %select_n3A {offsets = [0, 2944], sizes = [64, 128], strides = [1, 1]} : vector<64x7168xf32> to vector<64x128xf32>
    %dot_general3A_133 = arith.constant dense<0.000000e+00> : vector<1x64xf32>
    %dot_general3A_134 = tpu.matmul %slice3A_131, %slice3A_132, %dot_general3A_133 {dimension_numbers = #tpu.dot_dimension_numbers<[1], [1], [0], [0], [0, 0, 1, 0], [], []>, transpose_lhs_hint = false} : vector<1x128xf32>, vector<64x128xf32>, vector<1x64xf32> -> vector<1x64xf32>
    %add3A_135 = arith.addf %add3A_130, %dot_general3A_134 : vector<1x64xf32>
    %slice3A_136 = vector.extract_strided_slice %convert_element_type3A {offsets = [24, 0], sizes = [1, 128], strides = [1, 1]} : vector<56x128xf32> to vector<1x128xf32>
    %slice3A_137 = vector.extract_strided_slice %select_n3A {offsets = [0, 3072], sizes = [64, 128], strides = [1, 1]} : vector<64x7168xf32> to vector<64x128xf32>
    %dot_general3A_138 = arith.constant dense<0.000000e+00> : vector<1x64xf32>
    %dot_general3A_139 = tpu.matmul %slice3A_136, %slice3A_137, %dot_general3A_138 {dimension_numbers = #tpu.dot_dimension_numbers<[1], [1], [0], [0], [0, 0, 1, 0], [], []>, transpose_lhs_hint = false} : vector<1x128xf32>, vector<64x128xf32>, vector<1x64xf32> -> vector<1x64xf32>
    %add3A_140 = arith.addf %add3A_135, %dot_general3A_139 : vector<1x64xf32>
    %slice3A_141 = vector.extract_strided_slice %convert_element_type3A {offsets = [25, 0], sizes = [1, 128], strides = [1, 1]} : vector<56x128xf32> to vector<1x128xf32>
    %slice3A_142 = vector.extract_strided_slice %select_n3A {offsets = [0, 3200], sizes = [64, 128], strides = [1, 1]} : vector<64x7168xf32> to vector<64x128xf32>
    %dot_general3A_143 = arith.constant dense<0.000000e+00> : vector<1x64xf32>
    %dot_general3A_144 = tpu.matmul %slice3A_141, %slice3A_142, %dot_general3A_143 {dimension_numbers = #tpu.dot_dimension_numbers<[1], [1], [0], [0], [0, 0, 1, 0], [], []>, transpose_lhs_hint = false} : vector<1x128xf32>, vector<64x128xf32>, vector<1x64xf32> -> vector<1x64xf32>
    %add3A_145 = arith.addf %add3A_140, %dot_general3A_144 : vector<1x64xf32>
    %slice3A_146 = vector.extract_strided_slice %convert_element_type3A {offsets = [26, 0], sizes = [1, 128], strides = [1, 1]} : vector<56x128xf32> to vector<1x128xf32>
    %slice3A_147 = vector.extract_strided_slice %select_n3A {offsets = [0, 3328], sizes = [64, 128], strides = [1, 1]} : vector<64x7168xf32> to vector<64x128xf32>
    %dot_general3A_148 = arith.constant dense<0.000000e+00> : vector<1x64xf32>
    %dot_general3A_149 = tpu.matmul %slice3A_146, %slice3A_147, %dot_general3A_148 {dimension_numbers = #tpu.dot_dimension_numbers<[1], [1], [0], [0], [0, 0, 1, 0], [], []>, transpose_lhs_hint = false} : vector<1x128xf32>, vector<64x128xf32>, vector<1x64xf32> -> vector<1x64xf32>
    %add3A_150 = arith.addf %add3A_145, %dot_general3A_149 : vector<1x64xf32>
    %slice3A_151 = vector.extract_strided_slice %convert_element_type3A {offsets = [27, 0], sizes = [1, 128], strides = [1, 1]} : vector<56x128xf32> to vector<1x128xf32>
    %slice3A_152 = vector.extract_strided_slice %select_n3A {offsets = [0, 3456], sizes = [64, 128], strides = [1, 1]} : vector<64x7168xf32> to vector<64x128xf32>
    %dot_general3A_153 = arith.constant dense<0.000000e+00> : vector<1x64xf32>
    %dot_general3A_154 = tpu.matmul %slice3A_151, %slice3A_152, %dot_general3A_153 {dimension_numbers = #tpu.dot_dimension_numbers<[1], [1], [0], [0], [0, 0, 1, 0], [], []>, transpose_lhs_hint = false} : vector<1x128xf32>, vector<64x128xf32>, vector<1x64xf32> -> vector<1x64xf32>
    %add3A_155 = arith.addf %add3A_150, %dot_general3A_154 : vector<1x64xf32>
    %slice3A_156 = vector.extract_strided_slice %convert_element_type3A {offsets = [28, 0], sizes = [1, 128], strides = [1, 1]} : vector<56x128xf32> to vector<1x128xf32>
    %slice3A_157 = vector.extract_strided_slice %select_n3A {offsets = [0, 3584], sizes = [64, 128], strides = [1, 1]} : vector<64x7168xf32> to vector<64x128xf32>
    %dot_general3A_158 = arith.constant dense<0.000000e+00> : vector<1x64xf32>
    %dot_general3A_159 = tpu.matmul %slice3A_156, %slice3A_157, %dot_general3A_158 {dimension_numbers = #tpu.dot_dimension_numbers<[1], [1], [0], [0], [0, 0, 1, 0], [], []>, transpose_lhs_hint = false} : vector<1x128xf32>, vector<64x128xf32>, vector<1x64xf32> -> vector<1x64xf32>
    %add3A_160 = arith.addf %add3A_155, %dot_general3A_159 : vector<1x64xf32>
    %slice3A_161 = vector.extract_strided_slice %convert_element_type3A {offsets = [29, 0], sizes = [1, 128], strides = [1, 1]} : vector<56x128xf32> to vector<1x128xf32>
    %slice3A_162 = vector.extract_strided_slice %select_n3A {offsets = [0, 3712], sizes = [64, 128], strides = [1, 1]} : vector<64x7168xf32> to vector<64x128xf32>
    %dot_general3A_163 = arith.constant dense<0.000000e+00> : vector<1x64xf32>
    %dot_general3A_164 = tpu.matmul %slice3A_161, %slice3A_162, %dot_general3A_163 {dimension_numbers = #tpu.dot_dimension_numbers<[1], [1], [0], [0], [0, 0, 1, 0], [], []>, transpose_lhs_hint = false} : vector<1x128xf32>, vector<64x128xf32>, vector<1x64xf32> -> vector<1x64xf32>
    %add3A_165 = arith.addf %add3A_160, %dot_general3A_164 : vector<1x64xf32>
    %slice3A_166 = vector.extract_strided_slice %convert_element_type3A {offsets = [30, 0], sizes = [1, 128], strides = [1, 1]} : vector<56x128xf32> to vector<1x128xf32>
    %slice3A_167 = vector.extract_strided_slice %select_n3A {offsets = [0, 3840], sizes = [64, 128], strides = [1, 1]} : vector<64x7168xf32> to vector<64x128xf32>
    %dot_general3A_168 = arith.constant dense<0.000000e+00> : vector<1x64xf32>
    %dot_general3A_169 = tpu.matmul %slice3A_166, %slice3A_167, %dot_general3A_168 {dimension_numbers = #tpu.dot_dimension_numbers<[1], [1], [0], [0], [0, 0, 1, 0], [], []>, transpose_lhs_hint = false} : vector<1x128xf32>, vector<64x128xf32>, vector<1x64xf32> -> vector<1x64xf32>
    %add3A_170 = arith.addf %add3A_165, %dot_general3A_169 : vector<1x64xf32>
    %slice3A_171 = vector.extract_strided_slice %convert_element_type3A {offsets = [31, 0], sizes = [1, 128], strides = [1, 1]} : vector<56x128xf32> to vector<1x128xf32>
    %slice3A_172 = vector.extract_strided_slice %select_n3A {offsets = [0, 3968], sizes = [64, 128], strides = [1, 1]} : vector<64x7168xf32> to vector<64x128xf32>
    %dot_general3A_173 = arith.constant dense<0.000000e+00> : vector<1x64xf32>
    %dot_general3A_174 = tpu.matmul %slice3A_171, %slice3A_172, %dot_general3A_173 {dimension_numbers = #tpu.dot_dimension_numbers<[1], [1], [0], [0], [0, 0, 1, 0], [], []>, transpose_lhs_hint = false} : vector<1x128xf32>, vector<64x128xf32>, vector<1x64xf32> -> vector<1x64xf32>
    %add3A_175 = arith.addf %add3A_170, %dot_general3A_174 : vector<1x64xf32>
    %slice3A_176 = vector.extract_strided_slice %convert_element_type3A {offsets = [32, 0], sizes = [1, 128], strides = [1, 1]} : vector<56x128xf32> to vector<1x128xf32>
    %slice3A_177 = vector.extract_strided_slice %select_n3A {offsets = [0, 4096], sizes = [64, 128], strides = [1, 1]} : vector<64x7168xf32> to vector<64x128xf32>
    %dot_general3A_178 = arith.constant dense<0.000000e+00> : vector<1x64xf32>
    %dot_general3A_179 = tpu.matmul %slice3A_176, %slice3A_177, %dot_general3A_178 {dimension_numbers = #tpu.dot_dimension_numbers<[1], [1], [0], [0], [0, 0, 1, 0], [], []>, transpose_lhs_hint = false} : vector<1x128xf32>, vector<64x128xf32>, vector<1x64xf32> -> vector<1x64xf32>
    %add3A_180 = arith.addf %add3A_175, %dot_general3A_179 : vector<1x64xf32>
    %slice3A_181 = vector.extract_strided_slice %convert_element_type3A {offsets = [33, 0], sizes = [1, 128], strides = [1, 1]} : vector<56x128xf32> to vector<1x128xf32>
    %slice3A_182 = vector.extract_strided_slice %select_n3A {offsets = [0, 4224], sizes = [64, 128], strides = [1, 1]} : vector<64x7168xf32> to vector<64x128xf32>
    %dot_general3A_183 = arith.constant dense<0.000000e+00> : vector<1x64xf32>
    %dot_general3A_184 = tpu.matmul %slice3A_181, %slice3A_182, %dot_general3A_183 {dimension_numbers = #tpu.dot_dimension_numbers<[1], [1], [0], [0], [0, 0, 1, 0], [], []>, transpose_lhs_hint = false} : vector<1x128xf32>, vector<64x128xf32>, vector<1x64xf32> -> vector<1x64xf32>
    %add3A_185 = arith.addf %add3A_180, %dot_general3A_184 : vector<1x64xf32>
    %slice3A_186 = vector.extract_strided_slice %convert_element_type3A {offsets = [34, 0], sizes = [1, 128], strides = [1, 1]} : vector<56x128xf32> to vector<1x128xf32>
    %slice3A_187 = vector.extract_strided_slice %select_n3A {offsets = [0, 4352], sizes = [64, 128], strides = [1, 1]} : vector<64x7168xf32> to vector<64x128xf32>
    %dot_general3A_188 = arith.constant dense<0.000000e+00> : vector<1x64xf32>
    %dot_general3A_189 = tpu.matmul %slice3A_186, %slice3A_187, %dot_general3A_188 {dimension_numbers = #tpu.dot_dimension_numbers<[1], [1], [0], [0], [0, 0, 1, 0], [], []>, transpose_lhs_hint = false} : vector<1x128xf32>, vector<64x128xf32>, vector<1x64xf32> -> vector<1x64xf32>
    %add3A_190 = arith.addf %add3A_185, %dot_general3A_189 : vector<1x64xf32>
    %slice3A_191 = vector.extract_strided_slice %convert_element_type3A {offsets = [35, 0], sizes = [1, 128], strides = [1, 1]} : vector<56x128xf32> to vector<1x128xf32>
    %slice3A_192 = vector.extract_strided_slice %select_n3A {offsets = [0, 4480], sizes = [64, 128], strides = [1, 1]} : vector<64x7168xf32> to vector<64x128xf32>
    %dot_general3A_193 = arith.constant dense<0.000000e+00> : vector<1x64xf32>
    %dot_general3A_194 = tpu.matmul %slice3A_191, %slice3A_192, %dot_general3A_193 {dimension_numbers = #tpu.dot_dimension_numbers<[1], [1], [0], [0], [0, 0, 1, 0], [], []>, transpose_lhs_hint = false} : vector<1x128xf32>, vector<64x128xf32>, vector<1x64xf32> -> vector<1x64xf32>
    %add3A_195 = arith.addf %add3A_190, %dot_general3A_194 : vector<1x64xf32>
    %slice3A_196 = vector.extract_strided_slice %convert_element_type3A {offsets = [36, 0], sizes = [1, 128], strides = [1, 1]} : vector<56x128xf32> to vector<1x128xf32>
    %slice3A_197 = vector.extract_strided_slice %select_n3A {offsets = [0, 4608], sizes = [64, 128], strides = [1, 1]} : vector<64x7168xf32> to vector<64x128xf32>
    %dot_general3A_198 = arith.constant dense<0.000000e+00> : vector<1x64xf32>
    %dot_general3A_199 = tpu.matmul %slice3A_196, %slice3A_197, %dot_general3A_198 {dimension_numbers = #tpu.dot_dimension_numbers<[1], [1], [0], [0], [0, 0, 1, 0], [], []>, transpose_lhs_hint = false} : vector<1x128xf32>, vector<64x128xf32>, vector<1x64xf32> -> vector<1x64xf32>
    %add3A_200 = arith.addf %add3A_195, %dot_general3A_199 : vector<1x64xf32>
    %slice3A_201 = vector.extract_strided_slice %convert_element_type3A {offsets = [37, 0], sizes = [1, 128], strides = [1, 1]} : vector<56x128xf32> to vector<1x128xf32>
    %slice3A_202 = vector.extract_strided_slice %select_n3A {offsets = [0, 4736], sizes = [64, 128], strides = [1, 1]} : vector<64x7168xf32> to vector<64x128xf32>
    %dot_general3A_203 = arith.constant dense<0.000000e+00> : vector<1x64xf32>
    %dot_general3A_204 = tpu.matmul %slice3A_201, %slice3A_202, %dot_general3A_203 {dimension_numbers = #tpu.dot_dimension_numbers<[1], [1], [0], [0], [0, 0, 1, 0], [], []>, transpose_lhs_hint = false} : vector<1x128xf32>, vector<64x128xf32>, vector<1x64xf32> -> vector<1x64xf32>
    %add3A_205 = arith.addf %add3A_200, %dot_general3A_204 : vector<1x64xf32>
    %slice3A_206 = vector.extract_strided_slice %convert_element_type3A {offsets = [38, 0], sizes = [1, 128], strides = [1, 1]} : vector<56x128xf32> to vector<1x128xf32>
    %slice3A_207 = vector.extract_strided_slice %select_n3A {offsets = [0, 4864], sizes = [64, 128], strides = [1, 1]} : vector<64x7168xf32> to vector<64x128xf32>
    %dot_general3A_208 = arith.constant dense<0.000000e+00> : vector<1x64xf32>
    %dot_general3A_209 = tpu.matmul %slice3A_206, %slice3A_207, %dot_general3A_208 {dimension_numbers = #tpu.dot_dimension_numbers<[1], [1], [0], [0], [0, 0, 1, 0], [], []>, transpose_lhs_hint = false} : vector<1x128xf32>, vector<64x128xf32>, vector<1x64xf32> -> vector<1x64xf32>
    %add3A_210 = arith.addf %add3A_205, %dot_general3A_209 : vector<1x64xf32>
    %slice3A_211 = vector.extract_strided_slice %convert_element_type3A {offsets = [39, 0], sizes = [1, 128], strides = [1, 1]} : vector<56x128xf32> to vector<1x128xf32>
    %slice3A_212 = vector.extract_strided_slice %select_n3A {offsets = [0, 4992], sizes = [64, 128], strides = [1, 1]} : vector<64x7168xf32> to vector<64x128xf32>
    %dot_general3A_213 = arith.constant dense<0.000000e+00> : vector<1x64xf32>
    %dot_general3A_214 = tpu.matmul %slice3A_211, %slice3A_212, %dot_general3A_213 {dimension_numbers = #tpu.dot_dimension_numbers<[1], [1], [0], [0], [0, 0, 1, 0], [], []>, transpose_lhs_hint = false} : vector<1x128xf32>, vector<64x128xf32>, vector<1x64xf32> -> vector<1x64xf32>
    %add3A_215 = arith.addf %add3A_210, %dot_general3A_214 : vector<1x64xf32>
    %slice3A_216 = vector.extract_strided_slice %convert_element_type3A {offsets = [40, 0], sizes = [1, 128], strides = [1, 1]} : vector<56x128xf32> to vector<1x128xf32>
    %slice3A_217 = vector.extract_strided_slice %select_n3A {offsets = [0, 5120], sizes = [64, 128], strides = [1, 1]} : vector<64x7168xf32> to vector<64x128xf32>
    %dot_general3A_218 = arith.constant dense<0.000000e+00> : vector<1x64xf32>
    %dot_general3A_219 = tpu.matmul %slice3A_216, %slice3A_217, %dot_general3A_218 {dimension_numbers = #tpu.dot_dimension_numbers<[1], [1], [0], [0], [0, 0, 1, 0], [], []>, transpose_lhs_hint = false} : vector<1x128xf32>, vector<64x128xf32>, vector<1x64xf32> -> vector<1x64xf32>
    %add3A_220 = arith.addf %add3A_215, %dot_general3A_219 : vector<1x64xf32>
    %slice3A_221 = vector.extract_strided_slice %convert_element_type3A {offsets = [41, 0], sizes = [1, 128], strides = [1, 1]} : vector<56x128xf32> to vector<1x128xf32>
    %slice3A_222 = vector.extract_strided_slice %select_n3A {offsets = [0, 5248], sizes = [64, 128], strides = [1, 1]} : vector<64x7168xf32> to vector<64x128xf32>
    %dot_general3A_223 = arith.constant dense<0.000000e+00> : vector<1x64xf32>
    %dot_general3A_224 = tpu.matmul %slice3A_221, %slice3A_222, %dot_general3A_223 {dimension_numbers = #tpu.dot_dimension_numbers<[1], [1], [0], [0], [0, 0, 1, 0], [], []>, transpose_lhs_hint = false} : vector<1x128xf32>, vector<64x128xf32>, vector<1x64xf32> -> vector<1x64xf32>
    %add3A_225 = arith.addf %add3A_220, %dot_general3A_224 : vector<1x64xf32>
    %slice3A_226 = vector.extract_strided_slice %convert_element_type3A {offsets = [42, 0], sizes = [1, 128], strides = [1, 1]} : vector<56x128xf32> to vector<1x128xf32>
    %slice3A_227 = vector.extract_strided_slice %select_n3A {offsets = [0, 5376], sizes = [64, 128], strides = [1, 1]} : vector<64x7168xf32> to vector<64x128xf32>
    %dot_general3A_228 = arith.constant dense<0.000000e+00> : vector<1x64xf32>
    %dot_general3A_229 = tpu.matmul %slice3A_226, %slice3A_227, %dot_general3A_228 {dimension_numbers = #tpu.dot_dimension_numbers<[1], [1], [0], [0], [0, 0, 1, 0], [], []>, transpose_lhs_hint = false} : vector<1x128xf32>, vector<64x128xf32>, vector<1x64xf32> -> vector<1x64xf32>
    %add3A_230 = arith.addf %add3A_225, %dot_general3A_229 : vector<1x64xf32>
    %slice3A_231 = vector.extract_strided_slice %convert_element_type3A {offsets = [43, 0], sizes = [1, 128], strides = [1, 1]} : vector<56x128xf32> to vector<1x128xf32>
    %slice3A_232 = vector.extract_strided_slice %select_n3A {offsets = [0, 5504], sizes = [64, 128], strides = [1, 1]} : vector<64x7168xf32> to vector<64x128xf32>
    %dot_general3A_233 = arith.constant dense<0.000000e+00> : vector<1x64xf32>
    %dot_general3A_234 = tpu.matmul %slice3A_231, %slice3A_232, %dot_general3A_233 {dimension_numbers = #tpu.dot_dimension_numbers<[1], [1], [0], [0], [0, 0, 1, 0], [], []>, transpose_lhs_hint = false} : vector<1x128xf32>, vector<64x128xf32>, vector<1x64xf32> -> vector<1x64xf32>
    %add3A_235 = arith.addf %add3A_230, %dot_general3A_234 : vector<1x64xf32>
    %slice3A_236 = vector.extract_strided_slice %convert_element_type3A {offsets = [44, 0], sizes = [1, 128], strides = [1, 1]} : vector<56x128xf32> to vector<1x128xf32>
    %slice3A_237 = vector.extract_strided_slice %select_n3A {offsets = [0, 5632], sizes = [64, 128], strides = [1, 1]} : vector<64x7168xf32> to vector<64x128xf32>
    %dot_general3A_238 = arith.constant dense<0.000000e+00> : vector<1x64xf32>
    %dot_general3A_239 = tpu.matmul %slice3A_236, %slice3A_237, %dot_general3A_238 {dimension_numbers = #tpu.dot_dimension_numbers<[1], [1], [0], [0], [0, 0, 1, 0], [], []>, transpose_lhs_hint = false} : vector<1x128xf32>, vector<64x128xf32>, vector<1x64xf32> -> vector<1x64xf32>
    %add3A_240 = arith.addf %add3A_235, %dot_general3A_239 : vector<1x64xf32>
    %slice3A_241 = vector.extract_strided_slice %convert_element_type3A {offsets = [45, 0], sizes = [1, 128], strides = [1, 1]} : vector<56x128xf32> to vector<1x128xf32>
    %slice3A_242 = vector.extract_strided_slice %select_n3A {offsets = [0, 5760], sizes = [64, 128], strides = [1, 1]} : vector<64x7168xf32> to vector<64x128xf32>
    %dot_general3A_243 = arith.constant dense<0.000000e+00> : vector<1x64xf32>
    %dot_general3A_244 = tpu.matmul %slice3A_241, %slice3A_242, %dot_general3A_243 {dimension_numbers = #tpu.dot_dimension_numbers<[1], [1], [0], [0], [0, 0, 1, 0], [], []>, transpose_lhs_hint = false} : vector<1x128xf32>, vector<64x128xf32>, vector<1x64xf32> -> vector<1x64xf32>
    %add3A_245 = arith.addf %add3A_240, %dot_general3A_244 : vector<1x64xf32>
    %slice3A_246 = vector.extract_strided_slice %convert_element_type3A {offsets = [46, 0], sizes = [1, 128], strides = [1, 1]} : vector<56x128xf32> to vector<1x128xf32>
    %slice3A_247 = vector.extract_strided_slice %select_n3A {offsets = [0, 5888], sizes = [64, 128], strides = [1, 1]} : vector<64x7168xf32> to vector<64x128xf32>
    %dot_general3A_248 = arith.constant dense<0.000000e+00> : vector<1x64xf32>
    %dot_general3A_249 = tpu.matmul %slice3A_246, %slice3A_247, %dot_general3A_248 {dimension_numbers = #tpu.dot_dimension_numbers<[1], [1], [0], [0], [0, 0, 1, 0], [], []>, transpose_lhs_hint = false} : vector<1x128xf32>, vector<64x128xf32>, vector<1x64xf32> -> vector<1x64xf32>
    %add3A_250 = arith.addf %add3A_245, %dot_general3A_249 : vector<1x64xf32>
    %slice3A_251 = vector.extract_strided_slice %convert_element_type3A {offsets = [47, 0], sizes = [1, 128], strides = [1, 1]} : vector<56x128xf32> to vector<1x128xf32>
    %slice3A_252 = vector.extract_strided_slice %select_n3A {offsets = [0, 6016], sizes = [64, 128], strides = [1, 1]} : vector<64x7168xf32> to vector<64x128xf32>
    %dot_general3A_253 = arith.constant dense<0.000000e+00> : vector<1x64xf32>
    %dot_general3A_254 = tpu.matmul %slice3A_251, %slice3A_252, %dot_general3A_253 {dimension_numbers = #tpu.dot_dimension_numbers<[1], [1], [0], [0], [0, 0, 1, 0], [], []>, transpose_lhs_hint = false} : vector<1x128xf32>, vector<64x128xf32>, vector<1x64xf32> -> vector<1x64xf32>
    %add3A_255 = arith.addf %add3A_250, %dot_general3A_254 : vector<1x64xf32>
    %slice3A_256 = vector.extract_strided_slice %convert_element_type3A {offsets = [48, 0], sizes = [1, 128], strides = [1, 1]} : vector<56x128xf32> to vector<1x128xf32>
    %slice3A_257 = vector.extract_strided_slice %select_n3A {offsets = [0, 6144], sizes = [64, 128], strides = [1, 1]} : vector<64x7168xf32> to vector<64x128xf32>
    %dot_general3A_258 = arith.constant dense<0.000000e+00> : vector<1x64xf32>
    %dot_general3A_259 = tpu.matmul %slice3A_256, %slice3A_257, %dot_general3A_258 {dimension_numbers = #tpu.dot_dimension_numbers<[1], [1], [0], [0], [0, 0, 1, 0], [], []>, transpose_lhs_hint = false} : vector<1x128xf32>, vector<64x128xf32>, vector<1x64xf32> -> vector<1x64xf32>
    %add3A_260 = arith.addf %add3A_255, %dot_general3A_259 : vector<1x64xf32>
    %slice3A_261 = vector.extract_strided_slice %convert_element_type3A {offsets = [49, 0], sizes = [1, 128], strides = [1, 1]} : vector<56x128xf32> to vector<1x128xf32>
    %slice3A_262 = vector.extract_strided_slice %select_n3A {offsets = [0, 6272], sizes = [64, 128], strides = [1, 1]} : vector<64x7168xf32> to vector<64x128xf32>
    %dot_general3A_263 = arith.constant dense<0.000000e+00> : vector<1x64xf32>
    %dot_general3A_264 = tpu.matmul %slice3A_261, %slice3A_262, %dot_general3A_263 {dimension_numbers = #tpu.dot_dimension_numbers<[1], [1], [0], [0], [0, 0, 1, 0], [], []>, transpose_lhs_hint = false} : vector<1x128xf32>, vector<64x128xf32>, vector<1x64xf32> -> vector<1x64xf32>
    %add3A_265 = arith.addf %add3A_260, %dot_general3A_264 : vector<1x64xf32>
    %slice3A_266 = vector.extract_strided_slice %convert_element_type3A {offsets = [50, 0], sizes = [1, 128], strides = [1, 1]} : vector<56x128xf32> to vector<1x128xf32>
    %slice3A_267 = vector.extract_strided_slice %select_n3A {offsets = [0, 6400], sizes = [64, 128], strides = [1, 1]} : vector<64x7168xf32> to vector<64x128xf32>
    %dot_general3A_268 = arith.constant dense<0.000000e+00> : vector<1x64xf32>
    %dot_general3A_269 = tpu.matmul %slice3A_266, %slice3A_267, %dot_general3A_268 {dimension_numbers = #tpu.dot_dimension_numbers<[1], [1], [0], [0], [0, 0, 1, 0], [], []>, transpose_lhs_hint = false} : vector<1x128xf32>, vector<64x128xf32>, vector<1x64xf32> -> vector<1x64xf32>
    %add3A_270 = arith.addf %add3A_265, %dot_general3A_269 : vector<1x64xf32>
    %slice3A_271 = vector.extract_strided_slice %convert_element_type3A {offsets = [51, 0], sizes = [1, 128], strides = [1, 1]} : vector<56x128xf32> to vector<1x128xf32>
    %slice3A_272 = vector.extract_strided_slice %select_n3A {offsets = [0, 6528], sizes = [64, 128], strides = [1, 1]} : vector<64x7168xf32> to vector<64x128xf32>
    %dot_general3A_273 = arith.constant dense<0.000000e+00> : vector<1x64xf32>
    %dot_general3A_274 = tpu.matmul %slice3A_271, %slice3A_272, %dot_general3A_273 {dimension_numbers = #tpu.dot_dimension_numbers<[1], [1], [0], [0], [0, 0, 1, 0], [], []>, transpose_lhs_hint = false} : vector<1x128xf32>, vector<64x128xf32>, vector<1x64xf32> -> vector<1x64xf32>
    %add3A_275 = arith.addf %add3A_270, %dot_general3A_274 : vector<1x64xf32>
    %slice3A_276 = vector.extract_strided_slice %convert_element_type3A {offsets = [52, 0], sizes = [1, 128], strides = [1, 1]} : vector<56x128xf32> to vector<1x128xf32>
    %slice3A_277 = vector.extract_strided_slice %select_n3A {offsets = [0, 6656], sizes = [64, 128], strides = [1, 1]} : vector<64x7168xf32> to vector<64x128xf32>
    %dot_general3A_278 = arith.constant dense<0.000000e+00> : vector<1x64xf32>
    %dot_general3A_279 = tpu.matmul %slice3A_276, %slice3A_277, %dot_general3A_278 {dimension_numbers = #tpu.dot_dimension_numbers<[1], [1], [0], [0], [0, 0, 1, 0], [], []>, transpose_lhs_hint = false} : vector<1x128xf32>, vector<64x128xf32>, vector<1x64xf32> -> vector<1x64xf32>
    %add3A_280 = arith.addf %add3A_275, %dot_general3A_279 : vector<1x64xf32>
    %slice3A_281 = vector.extract_strided_slice %convert_element_type3A {offsets = [53, 0], sizes = [1, 128], strides = [1, 1]} : vector<56x128xf32> to vector<1x128xf32>
    %slice3A_282 = vector.extract_strided_slice %select_n3A {offsets = [0, 6784], sizes = [64, 128], strides = [1, 1]} : vector<64x7168xf32> to vector<64x128xf32>
    %dot_general3A_283 = arith.constant dense<0.000000e+00> : vector<1x64xf32>
    %dot_general3A_284 = tpu.matmul %slice3A_281, %slice3A_282, %dot_general3A_283 {dimension_numbers = #tpu.dot_dimension_numbers<[1], [1], [0], [0], [0, 0, 1, 0], [], []>, transpose_lhs_hint = false} : vector<1x128xf32>, vector<64x128xf32>, vector<1x64xf32> -> vector<1x64xf32>
    %add3A_285 = arith.addf %add3A_280, %dot_general3A_284 : vector<1x64xf32>
    %slice3A_286 = vector.extract_strided_slice %convert_element_type3A {offsets = [54, 0], sizes = [1, 128], strides = [1, 1]} : vector<56x128xf32> to vector<1x128xf32>
    %slice3A_287 = vector.extract_strided_slice %select_n3A {offsets = [0, 6912], sizes = [64, 128], strides = [1, 1]} : vector<64x7168xf32> to vector<64x128xf32>
    %dot_general3A_288 = arith.constant dense<0.000000e+00> : vector<1x64xf32>
    %dot_general3A_289 = tpu.matmul %slice3A_286, %slice3A_287, %dot_general3A_288 {dimension_numbers = #tpu.dot_dimension_numbers<[1], [1], [0], [0], [0, 0, 1, 0], [], []>, transpose_lhs_hint = false} : vector<1x128xf32>, vector<64x128xf32>, vector<1x64xf32> -> vector<1x64xf32>
    %add3A_290 = arith.addf %add3A_285, %dot_general3A_289 : vector<1x64xf32>
    %slice3A_291 = vector.extract_strided_slice %convert_element_type3A {offsets = [55, 0], sizes = [1, 128], strides = [1, 1]} : vector<56x128xf32> to vector<1x128xf32>
    %slice3A_292 = vector.extract_strided_slice %select_n3A {offsets = [0, 7040], sizes = [64, 128], strides = [1, 1]} : vector<64x7168xf32> to vector<64x128xf32>
    %dot_general3A_293 = arith.constant dense<0.000000e+00> : vector<1x64xf32>
    %dot_general3A_294 = tpu.matmul %slice3A_291, %slice3A_292, %dot_general3A_293 {dimension_numbers = #tpu.dot_dimension_numbers<[1], [1], [0], [0], [0, 0, 1, 0], [], []>, transpose_lhs_hint = false} : vector<1x128xf32>, vector<64x128xf32>, vector<1x64xf32> -> vector<1x64xf32>
    %add3A_295 = arith.addf %add3A_290, %dot_general3A_294 : vector<1x64xf32>
    %eq3A = arith.constant 0 : i32
    %eq3A_296 = arith.cmpi eq, %arg0, %eq3A : i32
    %convert_element_type3A_297 = arith.extui %eq3A_296 : i1 to i32
    %cond3A = arith.constant 0 : i32
    %cond3A_298 = arith.cmpi ne, %convert_element_type3A_297, %cond3A : i32
    scf.if %cond3A_298 {
      %broadcast_in_dim3A_305 = arith.constant 0.000000e+00 : f32
      %broadcast_in_dim3A_306 = vector.broadcast %broadcast_in_dim3A_305 : f32 to vector<1x64xf32>
      %swap3A_307 = arith.constant 0 : index
      %swap3A_308 = arith.constant 0 : index
      %swap3A_309 = vector.load %arg3[%swap3A_307, %swap3A_308] : memref<1x64xf32, #tpu.memory_space<vmem>>, vector<1x64xf32>
      tpu.vector_store %arg3[%swap3A_307, %swap3A_308], %broadcast_in_dim3A_306 {strides = array<i32>} : memref<1x64xf32, #tpu.memory_space<vmem>>, vector<1x64xf32>,
    } else {
    }
    %get3A_299 = arith.constant 0 : index
    %get3A_300 = arith.constant 0 : index
    %get3A_301 = vector.load %arg3[%get3A_299, %get3A_300] : memref<1x64xf32, #tpu.memory_space<vmem>>, vector<1x64xf32>
    %add3A_302 = arith.addf %get3A_301, %add3A_295 : vector<1x64xf32>
    %swap3A = arith.constant 0 : index
    %swap3A_303 = arith.constant 0 : index
    %swap3A_304 = vector.load %arg3[%swap3A, %swap3A_303] : memref<1x64xf32, #tpu.memory_space<vmem>>, vector<1x64xf32>
    tpu.vector_store %arg3[%swap3A, %swap3A_303], %add3A_302 {strides = array<i32>} : memref<1x64xf32, #tpu.memory_space<vmem>>, vector<1x64xf32>,
    return
  }
  func.func @transform_0(%arg0: i32) -> (i32, i32, i32) {
    %c0_i32 = arith.constant 0 : i32
    %c0_i32_0 = arith.constant 0 : i32
    %c0_i32_1 = arith.constant 0 : i32
    return %c0_i32, %arg0, %c0_i32_0 : i32, i32, i32
  }
  func.func @transform_1(%arg0: i32) -> (i32, i32) {
    %c0_i32 = arith.constant 0 : i32
    %c0_i32_0 = arith.constant 0 : i32
    return %c0_i32, %arg0 : i32, i32
  }
  func.func @transform_2(%arg0: i32) -> (i32, i32) {
    %c0_i32 = arith.constant 0 : i32
    %c0_i32_0 = arith.constant 0 : i32
    %c0_i32_1 = arith.constant 0 : i32
    return %c0_i32, %c0_i32_0 : i32, i32
  }
}

</mosaic_0001>

<sc_bundles>
// kernel: kernel.5.cloned.1.call-start
scs
__scs_entry_jumppad:
0x0: {  	(pc) =	sbr.rel $0x88, $3  }
0x1: {  	(tag) =	ssettag $0x0;
	lr =	simm.s32 $0x1  }
0x2: {  	[smem:$0x3F9B] =	sst lr;
	_ =	strace $0xD0000000  }
0x3: {  	_ = 	snop  }
0x4: {  	_ = 	snop  }
0x5: {  	_ = 	snop  }
0x6: {  	_ = 	snop  }
0x7: {  	_ = 	snop  }
__scs_overlays_trampoline_lowered:
0x8: {  	[smem:$0x3FAA] =	sst s0  }
0x9: {  	[smem:$0x3FAB] =	sst s1  }
0xa: {  	[smem:$0x3FAC] =	sst s2  }
0xb: {  	[smem:$0x3FAD] =	sst s3  }
0xc: {  	[smem:$0x3FAE] =	sst s4  }
0xd: {  	[smem:$0x3FAF] =	sst s5  }
0xe: {  	[smem:$0x3FB0] =	sst s6  }
0xf: {  	[smem:$0x3FB1] =	sst s7  }
0x10: {  	[smem:$0x3FB2] =	sst s8  }
0x11: {  	[smem:$0x3FB3] =	sst s9;
	s0 =	simm.s32 @!p0 $0x0  }
0x12: {  	s1 =	sld [smem:$0x3F99];
	s0 =	simm.s32 @p0 $0x1  }
0x13: {  	[smem:$0x3FB4] =	sst s0;
	s0 =	simm.s32 @!p1 $0x0  }
0x14: {  	s2 =	sld [smem:$0x3F98];
	s0 =	simm.s32 @p1 $0x1  }
0x15: {  	[smem:$0x3FB5] =	sst s0;
	s0 =	simm.s32 @!p2 $0x0  }
0x16: {  	s3 =	sld [smem:$0x3FDB];
	s0 =	simm.s32 @p2 $0x1  }
0x17: {  	s4 =	simm.s32 $0x1BF5;
	[smem:$0x3FB7] =	sst s0  }
0x18: {  	s0 =	sld [smem:$0x3F9A];
	_ =	swait.ge [sflag:s4], $0x0  }
0x19: {  	s7 =	sld [smem:$0x3F9B]  }
0x1a: {  	s8 =	sadd.s32 $0xFFFFE003, lr  }
0x1b: {  	s9 =	sadd.s32 $0xFFFFFEF7, lr;
	s5 =	simm.s32 $0xFFFFFFFF;
	p2 =	slt.u32 s8, $0xFFFFF086  }
0x1c: {  	p1 =	slt.u32 s9, $0xF7A;
	s5 =	simm.s32 @!p2 $0x0  }
0x1d: {  	s5 =	simm.s32 @p1 $0x1;
	p0 =	seq.s32 s7, s2  }
0x1e: {  	s7 =	smul.u32 @!p0 $0xF7A, s2;
	p2 =	seq.s32 @!p0 s5, $0x0  }
0x1f: {  	s9 =	smul.u32 $0xF7A, s1;
	s8 =	simm.s32 @!p0 $0x1BF5;
	p2 =	por !p2, p0  }
0x20: {  	[sflag:s8] =	ssyncset.s32 @!p0 $0xFFFFF086;
	s6 =	sadd.s32 @!p0 s3, s7;
	s7 =	simm.s32 @!p0 $0x108  }
0x21: {  	s3 =	sadd.s32 s3, s9;
	s6 =	sadd.s32 @!p0 $0x88, s6;
	s7 =	simm.s32 @p2 $0x1082  }
0x22: {  	[simem:s7], [sflag:s8] =	dma.local @!p0 [hbm:s6], $0xF7A  }
0x23: {  	s9 =	sor.u32 $0xD0000000, s2;
	s6 =	simm.s32 $0x108;
	_ =	swait.ge @!p0 [sflag:s8], $0x0  }
0x24: {  	s3 =	sadd.s32 $0x88, s3;
	s6 =	simm.s32 @!p1 $0x1082;
	[sflag:s4] =	ssyncset.s32 $0xFFFFF086  }
0x25: {  	[simem:s6], [sflag:s4] =	dma.local [hbm:s3], $0xF7A  }
0x26: {  	[smem:$0x3F9B] =	sst s1;
	(tag) =	ssettag s2;
	_ =	strace s9  }
0x27: {  	s1 =	sld [smem:$0x3FAB]  }
0x28: {  	s2 =	sld [smem:$0x3FAC]  }
0x29: {  	s4 =	sld [smem:$0x3FAE]  }
0x2a: {  	p0 =	seq.s32 s5, $0x0;
	s5 =	sld [smem:$0x3FAF]  }
0x2b: {  	s6 =	sld [smem:$0x3FB0]  }
0x2c: {  	s7 =	sld [smem:$0x3FB1]  }
0x2d: {  	s3 =	simm.s32 $0x108;
	s8 =	sld [smem:$0x3FB2]  }
0x2e: {  	s3 =	simm.s32 @!p0 $0x1082;
	s9 =	sld [smem:$0x3FB3]  }
0x2f: {  	lr =	sadd.s32 s0, s3;
	s0 =	sld [smem:$0x3FAA]  }
0x30: {  	s3 =	sld [smem:$0x3FAD]  }
0x31: {  	[smem:$0x3FB6] =	sst s10  }
0x32: {  	s10 =	sld [smem:$0x3FB4];
	_ =	sdelay $0x3  }
0x33: {  	p0 =	seq.s32 s10, $0x1;
	s10 =	sld [smem:$0x3FB6];
	_ =	sdelay $0x3  }
0x34: {  	[smem:$0x3FB6] =	sst s10  }
0x35: {  	s10 =	sld [smem:$0x3FB5];
	_ =	sdelay $0x3  }
0x36: {  	p1 =	seq.s32 s10, $0x1;
	s10 =	sld [smem:$0x3FB6];
	_ =	sdelay $0x3  }
0x37: {  	[smem:$0x3FB6] =	sst s10  }
0x38: {  	s10 =	sld [smem:$0x3FB7]  }
0x39: {  	_ = 	snop;
	(pc) =	sbr.ind lr, $3  }
0x3a: {  	_ = 	snop  }
0x3b: {  	_ = 	snop  }
0x3c: {  	p2 =	seq.s32 s10, $0x1;
	s10 =	sld [smem:$0x3FB6]  }
0x3d: {  	_ =	shalt  }
0x3e: {  	_ =	shalt  }
0x3f: {  	_ =	shalt  }
0x40: {  	_ =	shalt  }
0x41: {  	_ =	shalt  }
0x42: {  	_ =	shalt  }
0x43: {  	_ =	shalt  }
0x44: {  	_ =	shalt  }
0x45: {  	_ =	shalt  }
0x46: {  	_ =	shalt  }
0x47: {  	_ =	shalt  }
0x48: {  	_ =	shalt  }
0x49: {  	_ =	shalt  }
0x4a: {  	_ =	shalt  }
0x4b: {  	_ =	shalt  }
0x4c: {  	_ =	shalt  }
0x4d: {  	_ =	shalt  }
0x4e: {  	_ =	shalt  }
0x4f: {  	_ =	shalt  }
0x50: {  	_ =	shalt  }
0x51: {  	_ =	shalt  }
0x52: {  	_ =	shalt  }
0x53: {  	_ =	shalt  }
0x54: {  	_ =	shalt  }
0x55: {  	_ =	shalt  }
0x56: {  	_ =	shalt  }
0x57: {  	_ =	shalt  }
0x58: {  	_ =	shalt  }
0x59: {  	_ =	shalt  }
0x5a: {  	_ =	shalt  }
0x5b: {  	_ =	shalt  }
0x5c: {  	_ =	shalt  }
0x5d: {  	_ =	shalt  }
0x5e: {  	_ =	shalt  }
0x5f: {  	_ =	shalt  }
0x60: {  	_ =	shalt  }
0x61: {  	_ =	shalt  }
0x62: {  	_ =	shalt  }
0x63: {  	_ =	shalt  }
0x64: {  	_ =	shalt  }
0x65: {  	_ =	shalt  }
0x66: {  	_ =	shalt  }
0x67: {  	_ =	shalt  }
0x68: {  	_ =	shalt  }
0x69: {  	_ =	shalt  }
0x6a: {  	_ =	shalt  }
0x6b: {  	_ =	shalt  }
0x6c: {  	_ =	shalt  }
0x6d: {  	_ =	shalt  }
0x6e: {  	_ =	shalt  }
0x6f: {  	_ =	shalt  }
0x70: {  	_ =	shalt  }
0x71: {  	_ =	shalt  }
0x72: {  	_ =	shalt  }
0x73: {  	_ =	shalt  }
0x74: {  	_ =	shalt  }
0x75: {  	_ =	shalt  }
0x76: {  	_ =	shalt  }
0x77: {  	_ =	shalt  }
0x78: {  	_ =	shalt  }
0x79: {  	_ =	shalt  }
0x7a: {  	_ =	shalt  }
0x7b: {  	_ =	shalt  }
0x7c: {  	_ =	shalt  }
0x7d: {  	_ =	shalt  }
0x7e: {  	_ =	shalt  }
0x7f: {  	_ =	shalt  }
0x80: {  	_ =	shalt  }
0x81: {  	_ =	shalt  }
0x82: {  	_ =	shalt  }
0x83: {  	_ =	shalt  }
0x84: {  	_ =	shalt  }
0x85: {  	_ =	shalt  }
0x86: {  	_ =	shalt  }
0x87: {  	_ =	shalt  }
.Lfunc_end0:
.L_simem_size_0:
called_computation_lowered:
.L_overlay_start_0:
0x88: {  	s2 =	sld [smem:$0x3FD9]  }
0x89: {  	s3 =	sld [smem:$0x3FFE];
	_ =	sdelay $0x1  }
0x8a: {  	s1 =	srdreg.scid  }
0x8b: {  	s0 =	sand.u32 $0x1, s1  }
0x8c: {  	s17 =	sshll.u32 s0, $0xA;
	s2 =	sadd.s32 s3, s2  }
0x8d: {  	s2 =	sadd.s32 s2, s17  }
0x8e: {  	[smem:$0x3FC2] =	sst s2  }
0x8f: {  	_ = 	snop  }
0x90: {  	s18 =	sld [smem:$0x3FC9];
	(tm) =	ssettm $0x1  }
0x91: {  	s19 =	sld [smem:$0x3FFB];
	_ =	sdelay $0x3  }
0x92: {  	_ =	strace s19  }
0x93: {  	s2 =	sld [smem:$0x3FFC];
	_ =	sdelay $0x3  }
0x94: {  	_ =	strace s2  }
0x95: {  	s2 =	sld [smem:$0x3FFD];
	_ =	sdelay $0x3  }
0x96: {  	_ =	strace s2  }
0x97: {  	_ =	strace $0x8FFFFFFF  }
0x98: {  	s20 =	sld [smem:$0x3FDB];
	_ =	sdelay $0x1  }
0x99: {  	s4 =	simm.s32 $_scs_section_size  }
0x9a: {  	s5 =	simm.s32 $_size__tile_overlayer_lowered;
	s6 =	simm.s32 $_tile_overlayer_lowered  }
0x9b: {  	s7 =	simm.s32 $0x1BFF;
	s21 =	sshll.u32 s6, $0x1;
	s4 =	sadd.s32 s4, s20  }
0x9c: {  	s22 =	simm.s32 $0x0;
	s5 =	sshll.u32 s5, $0x1;
	s6 =	sadd.s32 s21, s4  }
0x9d: {  	[timem:s22], [sflag:s7] =	dma.local [hbm:s6], s5  }
0x9e: {  	_ =	swait.ge [sflag:s7], s5  }
0x9f: {  	s5 =	ssub.s32 $0x0, s5;
	[sflag:s7] =	ssyncset.done $0x0  }
0xa0: {  	[sflag:s7] =	ssyncadd.s32 s5;
	_ =	sdelay $0x1  }
0xa1: {  	s23 =	simm.s32 $0x1B8B  }
0xa2: {  	_ =	swait.ge [sflag:s23], $0x1  }
0xa3: {  	[sflag:s23] =	ssyncset.done $0x0  }
0xa4: {  	[sflag:s23] =	ssyncadd.s32 $0xFFFFFFFF  }
0xa5: {  	s5 =	sld [smem:$0x0]  }
0xa6: {  	s6 =	sand.u32 $0xFFFFFFFE, s1  }
0xa7: {  	p0 =	sne.s32 s1, s6  }
0xa8: {  	s6 =	sshll.u32 @p0 s6, $0xE  }
0xa9: {  	s6 =	sadd.s32 @p0 $0x11B8D, s6;
	s7 =	sshll.u32 @p0 s5, $0x11  }
0xaa: {  	s6 =	sor.u32 @p0 s7, s6  }
0xab: {  	[sflag:s6] =	ssyncadd.remote.s32 @p0 $0x1;
	_ =	sdelay $0x1  }
0xac: {  	s6 =	simm.s32 @p0 $0x1B8D  }
0xad: {  	_ =	swait.eq @p0 [sflag:s6], $0x1  }
0xae: {  	[sflag:s6] =	ssyncadd.s32 @p0 $0xFFFFFFFF  }
0xaf: {  	s7 =	sshll.u32 @!p0 s1, $0xE  }
0xb0: {  	s7 =	sor.u32 @!p0 $0x4000, s7;
	s6 =	simm.s32 @!p0 $0x1B8D  }
0xb1: {  	s5 =	sshll.u32 @!p0 s5, $0x11;
	s7 =	sadd.s32 @!p0 $0x11B8D, s7;
	_ =	swait.eq @!p0 [sflag:s6], $0x1  }
0xb2: {  	s5 =	sor.u32 @!p0 s5, s7;
	[sflag:s6] =	ssyncadd.s32 @!p0 $0xFFFFFFFF  }
0xb3: {  	s25 =	simm.s32 $0x1B8E;
	s24 =	sld [smem:$0x3FFE];
	[sflag:s5] =	ssyncadd.remote.s32 @!p0 $0x1  }
0xb4: {  	s26 =	simm.s32 $execute0_lowered;
	[smem:$0x3FD2] =	sst s25  }
0xb5: {  	s6 =	sshll.u32 s26, $0x1;
	_ =	strace $0x80000049;
	[dreg:$0x1] =	wrdreg $0xFFFFFFFF  }
0xb6: {  	s28 =	simm.s32 $_size_execute0_lowered;
	s4 =	sadd.s32 s4, s6;
	[dreg:$0x0] =	wrdreg $0x0  }
0xb7: {  	s6 =	sshll.u32 s28, $0x1;
	[dreg:$0x2] =	wrdreg s4  }
0xb8: {  	[dreg:$0x3] =	wrdreg s6  }
0xb9: {  	[dreg:$0x4] =	wrdreg $0xC0  }
0xba: {  	_ =	task [dreg:s22], $0x5FFFF  }
0xbb: {  	[dreg:$0x1] =	wrdreg $0xFFFFFFFF  }
0xbc: {  	[dreg:$0x0] =	wrdreg $0x60  }
0xbd: {  	[dreg:$0x2] =	wrdreg s18  }
0xbe: {  	[dreg:$0x3] =	wrdreg s24  }
0xbf: {  	[dreg:$0x4] =	wrdreg $0x1DD000  }
0xc0: {  	[dreg:$0x5] =	wrdreg $0x9  }
0xc1: {  	_ =	task.clear_ibuf [dreg:s22], $0x6FFFF;
	_ =	strace $0x90000049  }
0xc2: {  	s29 =	simm.s32 $0x9;
	_ =	strace $0x8000004B  }
0xc3: {  	_ =	swait.ge [sflag:s29], $0x1  }
0xc4: {  	[sflag:s29] =	ssyncadd.s32 $0xFFFFFFFF  }
0xc5: {  	_ =	strace $0x9000004B  }
0xc6: {  	_ =	sfence  }
0xc7: {  	s30 =	sld [smem:$0x0];
	_ =	sdelay $0x2  }
0xc8: {  	s31 =	sshll.u32 s1, $0xD;
	s1 =	sshrl.u32 s1, $0x2  }
0xc9: {  	s4 =	sand.u32 $0x4000, s31;
	s1 =	sadd.s32 s1, s30  }
0xca: {  	s0 =	sor.u32 s4, s0;
	s1 =	sshll.u32 s1, $0x11  }
0xcb: {  	s0 =	sor.u32 s1, s0  }
0xcc: {  	s0 =	sadd.s32 $0x8F2B, s0  }
0xcd: {  	[sflag:s0] =	ssyncadd.remote.s32 $0x1  }
0xce: {  	_ =	sfence.sel $0xFFFF  }
0xcf: {  	[dreg:$0x0] =	wrdreg $0xFFFFFFFF;
	(pc) =	sbr.abs _section_cstart, $3  }
0xd0: {  	[dreg:$0x1] =	wrdreg $0xFFFFFFFF  }
0xd1: {  	_ =	task.clear_ibuf [dreg:s22], $0x2FFFF;
	_ =	strace $0x9FFFFFFF  }
0xd2: {  	(tm) =	ssettm $0x7FFFFFFF  }
0xd3: {  	_ =	shalt  }
tec
execute0_lowered:
.L_overlay_start_1:
0x0: {  	(tag) =	ssettag $0x1  }
0x1: {  	v0 =	vlaneseq.u32  }
0x2: {  	v2 =	vor.u32 $0x10, v0;
	v17 =	vor.u32 $0x100, v0;
	v18 =	vor.u32 $0x110, v0  }
0x3: {  	v19 =	vor.u32 $0x120, v0;
	v20 =	vor.u32 $0x130, v0;
	v21 =	vor.u32 $0x140, v0  }
0x4: {  	s1 =	rddreg [dreg:$0x0];
	v22 =	vor.u32 $0x150, v0;
	v23 =	vor.u32 $0x160, v0;
	v24 =	vor.u32 $0x170, v0  }
0x5: {  	s2 =	rddreg [dreg:$0x1];
	v25 =	vor.u32 $0x180, v0;
	v26 =	vor.u32 $0x190, v0;
	[tilespmem:$0x1FF10] =	vst v2;
	v2 =	vor.u32 $0x20, v0  }
0x6: {  	s0 =	rddreg [dreg:$0x2];
	s3 =	srdreg.scid;
	v27 =	vor.u32 $0x1A0, v0;
	v28 =	vor.u32 $0x1B0, v0;
	[tilespmem:$0x1FF20] =	vst v2;
	v2 =	vor.u32 $0x30, v0  }
0x7: {  	s15 =	stileid.u32;
	s16 =	simm.s32 $0x1;
	s17 =	simm.s32 $0x1900;
	v29 =	vor.u32 $0x1C0, v0;
	v30 =	vor.u32 $0x1D0, v0;
	[tilespmem:$0x1FF30] =	vst v2;
	v2 =	vor.u32 $0x40, v0  }
0x8: {  	s18 =	simm.s32 $0x2;
	s28 =	simm.s32 $0xD900;
	s29 =	simm.s32 $0x1DB00;
	v31 =	vor.u32 $0x1E0, v0;
	v32 =	vor.u32 $0x1F0, v0;
	[tilespmem:$0x1FF40] =	vst v2;
	v2 =	vor.u32 $0x50, v0  }
0x9: {  	s19 =	simm.s32 $0x80;
	s30 =	simm.s32 $0x11900;
	s31 =	simm.s32 $0x1DB80;
	v33 =	vor.u32 $0x200, v0;
	v34 =	vor.u32 $0x210, v0;
	[tilespmem:$0x1FF50] =	vst v2;
	v2 =	vor.u32 $0x60, v0  }
0xa: {  	s20 =	simm.s32 $0x19900;
	s21 =	simm.s32 $0x0;
	s8 =	smul.u32 $0x1C00, s15;
	v35 =	vor.u32 $0x220, v0;
	v36 =	vor.u32 $0x230, v0;
	[tilespmem:$0x1FF60] =	vst v2;
	v2 =	vor.u32 $0x70, v0  }
0xb: {  	s4 =	sand.u32 $0x1, s3;
	s5 =	sshll.u32 s15, $0x1;
	s26 =	smul.u32 $0x380, s15;
	v37 =	vor.u32 $0x240, v0;
	v38 =	vor.u32 $0x250, v0;
	[tilespmem:$0x1FF70] =	vst v2;
	v2 =	vor.u32 $0x80, v0  }
0xc: {  	s3 =	simm.s32 $0x0;
	v39 =	vor.u32 $0x260, v0;
	v40 =	vor.u32 $0x270, v0;
	s6 =	smul.u32 $0x3800, s4;
	s5 =	sor.u32 s4, s5;
	[tilespmem:$0x1FF80] =	vst v2;
	v2 =	vor.u32 $0x90, v0  }
0xd: {  	s15 =	simm.s32 $0x3;
	v41 =	vor.u32 $0x280, v0;
	v42 =	vor.u32 $0x290, v0;
	s4 =	ssub.s32 $0x2, s4;
	s5 =	smul.u32 $0x6400, s5;
	[tilespmem:$0x1FF90] =	vst v2;
	v2 =	vor.u32 $0xA0, v0  }
0xe: {  	v43 =	vor.u32 $0x2A0, v0;
	v44 =	vor.u32 $0x2B0, v0;
	[smem:$0x7FF] =	sst s3;
	s7 =	sshrl.u32 s4, $0x1;
	s2 =	sadd.s32 s6, s2;
	[tilespmem:$0x1FFA0] =	vst v2;
	v2 =	vor.u32 $0xB0, v0  }
0xf: {  	v45 =	vor.u32 $0x2C0, v0;
	v46 =	vor.u32 $0x2D0, v0;
	s14 =	ssub.s32 s4, s7;
	s6 =	sadd.s32 $0x1900, s8;
	s24 =	sshrl.u32 s5, $0x3;
	[tilespmem:$0x1FFB0] =	vst v2;
	v2 =	vor.u32 $0xC0, v0  }
0x10: {  	v47 =	vor.u32 $0x2E0, v0;
	v48 =	vor.u32 $0x2F0, v0;
	s5 =	sadd.s32 s8, s0;
	s25 =	sadd.s32 $0x2600, s2;
	s14 =	smax.u32 s14, $0x1;
	[tilespmem:$0x1FFC0] =	vst v2;
	v2 =	vor.u32 $0xD0, v0  }
0x11: {  	v49 =	vor.u32 $0x300, v0;
	v50 =	vor.u32 $0x310, v0;
	s2 =	simm.s32 $0x15900;
	s4 =	sadd.s32 s1, s24;
	s24 =	sadd.s32 s26, s25;
	[tilespmem:$0x1FFD0] =	vst v2;
	v2 =	vor.u32 $0xE0, v0  }
0x12: {  	v51 =	vor.u32 $0x320, v0;
	v52 =	vor.u32 $0x330, v0;
	s1 =	simm.s32 $0x1DC00;
	s7 =	sadd.s32 $0x190, s4;
	s8 =	sadd.s32 $0x320, s4;
	[tilespmem:$0x1FFE0] =	vst v2;
	v2 =	vor.u32 $0xF0, v0  }
0x13: {  	v1 =	vimm.s32 $0x0;
	v53 =	vor.u32 $0x340, v0;
	v54 =	vor.u32 $0x350, v0;
	s9 =	sadd.s32 $0x4B0, s4;
	s10 =	sadd.s32 $0x640, s4;
	s11 =	sadd.s32 $0x7D0, s4;
	[tilespmem:$0x1FFF0] =	vst v2  }
0x14: {  	v57 =	vimm.s32 $0x1;
	v55 =	vor.u32 $0x360, v0;
	v56 =	vor.u32 $0x370, v0;
	s12 =	sadd.s32 $0x960, s4;
	s13 =	sadd.s32 $0xAF0, s4;
	_ =	strace $0x8000004A  }
.LBB2_1:
0x15: {  	s22 =	simm.s32 $0x0;
	s23 =	simm.s32 $0x0  }
.LBB2_2:
0x16: {  	p0 =	sne.s32 s23, $0x180  }
.Ltmp0:
0x17: {  	_ = 	snop;
	(pc) =	sbr.rel @p0 .LBB2_2-.Ltmp0, $4  }
0x18: {  	_ = 	snop  }
0x19: {  	s25 =	sadd.s32 s23, s4  }
0x1a: {  	[tilespmem:s22], [sflag:$0x1] =	stream.linear.gather [hbm4b:s25+s3], $0x80, $0x38;
	[tilespmem:$0x1F900] =	vst v63  }
0x1b: {  	s23 =	sadd.s32 $0x10, s23;
	s22 =	sadd.s32 $0x100, s22  }
0x1c: {  	s22 =	simm.s32 $0x1A00  }
0x1d: {  	[tilespmem:s22+$0xFFFFFF00] =	vst v1  }
0x1e: {  	[tilespmem:s22+$0xF0] =	vst v1  }
0x1f: {  	[tilespmem:s22+$0xE0] =	vst v1  }
0x20: {  	[tilespmem:s22+$0xD0] =	vst v1  }
0x21: {  	[tilespmem:s22+$0xC0] =	vst v1  }
0x22: {  	[tilespmem:s22+$0xB0] =	vst v1  }
0x23: {  	[tilespmem:s22+$0xA0] =	vst v1  }
0x24: {  	[tilespmem:s22+$0x90] =	vst v1  }
0x25: {  	[tilespmem:s22+$0x80] =	vst v1  }
0x26: {  	[tilespmem:s22+$0x70] =	vst v1  }
0x27: {  	[tilespmem:s22+$0x60] =	vst v1  }
0x28: {  	[tilespmem:s22+$0x50] =	vst v1  }
0x29: {  	[tilespmem:s22+$0x40] =	vst v1  }
0x2a: {  	[tilespmem:s22+$0x30] =	vst v1  }
0x2b: {  	[tilespmem:s22+$0x20] =	vst v1  }
0x2c: {  	[tilespmem:s22+$0x10] =	vst v1  }
0x2d: {  	[tilespmem:s22+$0x0] =	vst v1  }
0x2e: {  	[tilespmem:s22+$0xFFFFFFF0] =	vst v1  }
0x2f: {  	[tilespmem:s22+$0xFFFFFFE0] =	vst v1  }
0x30: {  	[tilespmem:s22+$0xFFFFFFD0] =	vst v1  }
0x31: {  	[tilespmem:s22+$0xFFFFFFC0] =	vst v1  }
0x32: {  	[tilespmem:s22+$0xFFFFFFB0] =	vst v1  }
0x33: {  	[tilespmem:s22+$0xFFFFFFA0] =	vst v1  }
0x34: {  	[tilespmem:s22+$0xFFFFFF90] =	vst v1  }
0x35: {  	[tilespmem:s22+$0xFFFFFF80] =	vst v1  }
0x36: {  	[tilespmem:s22+$0xFFFFFF70] =	vst v1  }
0x37: {  	[tilespmem:s22+$0xFFFFFF60] =	vst v1  }
0x38: {  	[tilespmem:s22+$0xFFFFFF50] =	vst v1  }
0x39: {  	[tilespmem:s22+$0xFFFFFF40] =	vst v1  }
0x3a: {  	[tilespmem:s22+$0xFFFFFF30] =	vst v1  }
0x3b: {  	s23 =	simm.s32 $0x0;
	[tilespmem:s22+$0xFFFFFF20] =	vst v1  }
.LBB2_4:
0x3c: {  	s23 =	sadd.s32 $0x4, s23;
	[tilespmem:s22+$0xFFFFFF10] =	vst v1;
	s22 =	sadd.s32 $0x200, s22  }
0x3d: {  	[tilespmem:s22+$0xFFFFFF00] =	vst v1;
	p0 =	slt.u32 s23, $0x37C  }
0x3e: {  	[tilespmem:s22+$0xF0] =	vst v1  }
0x3f: {  	[tilespmem:s22+$0xE0] =	vst v1  }
0x40: {  	[tilespmem:s22+$0xD0] =	vst v1  }
0x41: {  	[tilespmem:s22+$0xC0] =	vst v1  }
0x42: {  	[tilespmem:s22+$0xB0] =	vst v1  }
0x43: {  	[tilespmem:s22+$0xA0] =	vst v1  }
0x44: {  	[tilespmem:s22+$0x90] =	vst v1  }
0x45: {  	[tilespmem:s22+$0x80] =	vst v1  }
0x46: {  	[tilespmem:s22+$0x70] =	vst v1  }
0x47: {  	[tilespmem:s22+$0x60] =	vst v1  }
0x48: {  	[tilespmem:s22+$0x50] =	vst v1  }
0x49: {  	[tilespmem:s22+$0x40] =	vst v1  }
0x4a: {  	[tilespmem:s22+$0x30] =	vst v1  }
0x4b: {  	[tilespmem:s22+$0x20] =	vst v1  }
0x4c: {  	[tilespmem:s22+$0x10] =	vst v1  }
0x4d: {  	[tilespmem:s22+$0x0] =	vst v1  }
0x4e: {  	[tilespmem:s22+$0xFFFFFFF0] =	vst v1  }
0x4f: {  	[tilespmem:s22+$0xFFFFFFE0] =	vst v1  }
0x50: {  	[tilespmem:s22+$0xFFFFFFD0] =	vst v1  }
0x51: {  	[tilespmem:s22+$0xFFFFFFC0] =	vst v1  }
0x52: {  	[tilespmem:s22+$0xFFFFFFB0] =	vst v1  }
0x53: {  	[tilespmem:s22+$0xFFFFFFA0] =	vst v1  }
0x54: {  	[tilespmem:s22+$0xFFFFFF90] =	vst v1  }
0x55: {  	[tilespmem:s22+$0xFFFFFF80] =	vst v1  }
0x56: {  	[tilespmem:s22+$0xFFFFFF70] =	vst v1  }
.Ltmp1:
0x57: {  	[tilespmem:s22+$0xFFFFFF60] =	vst v1;
	(pc) =	sbr.rel @p0 .LBB2_4-.Ltmp1, $4  }
0x58: {  	[tilespmem:s22+$0xFFFFFF50] =	vst v1  }
0x59: {  	[tilespmem:s22+$0xFFFFFF40] =	vst v1  }
0x5a: {  	[tilespmem:s22+$0xFFFFFF30] =	vst v1  }
0x5b: {  	[tilespmem:s22+$0xFFFFFF20] =	vst v1  }
0x5c: {  	[tilespmem:s22+$0xFFFFFF10] =	vst v1  }
0x5d: {  	v2 =	vld [tilespmem:$0x1FF10];
	_ =	sdelay $0x4  }
0x5e: {  	[tilespmem:$0x1D910] =	vst v2;
	v2 =	vld [tilespmem:$0x1FF20];
	_ =	sdelay $0x4  }
0x5f: {  	[tilespmem:$0x1D920] =	vst v2;
	v2 =	vld [tilespmem:$0x1FF30];
	_ =	sdelay $0x4  }
0x60: {  	[tilespmem:$0x1D930] =	vst v2;
	v2 =	vld [tilespmem:$0x1FF40];
	_ =	sdelay $0x4  }
0x61: {  	[tilespmem:$0x1D940] =	vst v2;
	v2 =	vld [tilespmem:$0x1FF50];
	_ =	sdelay $0x3  }
0x62: {  	[tilespmem:$0x1D900] =	vst v0  }
0x63: {  	[tilespmem:$0x1D950] =	vst v2;
	v2 =	vld [tilespmem:$0x1FF60]  }
0x64: {  	[tilespmem:$0x1DA00] =	vst v17  }
0x65: {  	[tilespmem:$0x1DA10] =	vst v18  }
0x66: {  	[tilespmem:$0x1DA20] =	vst v19  }
0x67: {  	[tilespmem:$0x1DA30] =	vst v20  }
0x68: {  	[tilespmem:$0x1D960] =	vst v2;
	v2 =	vld [tilespmem:$0x1FF70]  }
0x69: {  	[tilespmem:$0x1DA40] =	vst v21  }
0x6a: {  	[tilespmem:$0x1DA50] =	vst v22  }
0x6b: {  	[tilespmem:$0x1DA60] =	vst v23  }
0x6c: {  	[tilespmem:$0x1DA70] =	vst v24  }
0x6d: {  	[tilespmem:$0x1D970] =	vst v2;
	v2 =	vld [tilespmem:$0x1FF80]  }
0x6e: {  	[tilespmem:$0x1DA80] =	vst v25  }
0x6f: {  	[tilespmem:$0x1DA90] =	vst v26  }
0x70: {  	[tilespmem:$0x1DAA0] =	vst v27  }
0x71: {  	[tilespmem:$0x1DAB0] =	vst v28  }
0x72: {  	[tilespmem:$0x1D980] =	vst v2;
	v2 =	vld [tilespmem:$0x1FF90]  }
0x73: {  	[tilespmem:$0x1DAC0] =	vst v29  }
0x74: {  	[tilespmem:$0x1DAD0] =	vst v30  }
0x75: {  	[tilespmem:$0x1DAE0] =	vst v31  }
0x76: {  	[tilespmem:$0x1DAF0] =	vst v32  }
0x77: {  	[tilespmem:$0x1D990] =	vst v2;
	v2 =	vld [tilespmem:$0x1FFA0]  }
0x78: {  	[tilespmem:$0x1DB00] =	vst v33  }
0x79: {  	[tilespmem:$0x1DB10] =	vst v34  }
0x7a: {  	[tilespmem:$0x1DB20] =	vst v35  }
0x7b: {  	[tilespmem:$0x1DB30] =	vst v36  }
0x7c: {  	[tilespmem:$0x1D9A0] =	vst v2;
	v2 =	vld [tilespmem:$0x1FFB0]  }
0x7d: {  	[tilespmem:$0x1DB40] =	vst v37  }
0x7e: {  	[tilespmem:$0x1DB50] =	vst v38  }
0x7f: {  	[tilespmem:$0x1DB60] =	vst v39  }
0x80: {  	[tilespmem:$0x1DB70] =	vst v40  }
0x81: {  	[tilespmem:$0x1D9B0] =	vst v2;
	v2 =	vld [tilespmem:$0x1FFC0]  }
0x82: {  	[tilespmem:$0x1DB80] =	vst v41  }
0x83: {  	[tilespmem:$0x1DB90] =	vst v42  }
0x84: {  	[tilespmem:$0x1DBA0] =	vst v43  }
0x85: {  	[tilespmem:$0x1DBB0] =	vst v44  }
0x86: {  	[tilespmem:$0x1D9C0] =	vst v2;
	v2 =	vld [tilespmem:$0x1FFD0]  }
0x87: {  	[tilespmem:$0x1DBC0] =	vst v45  }
0x88: {  	[tilespmem:$0x1DBD0] =	vst v46  }
0x89: {  	[tilespmem:$0x1DBE0] =	vst v47  }
0x8a: {  	[tilespmem:$0x1DBF0] =	vst v48  }
0x8b: {  	[tilespmem:$0x1D9D0] =	vst v2;
	v2 =	vld [tilespmem:$0x1FFE0]  }
0x8c: {  	[tilespmem:$0x1DC00] =	vst v49  }
0x8d: {  	[tilespmem:$0x1DC10] =	vst v50  }
0x8e: {  	[tilespmem:$0x1DC20] =	vst v51  }
0x8f: {  	[tilespmem:$0x1DC30] =	vst v52  }
0x90: {  	[tilespmem:$0x1D9E0] =	vst v2;
	v2 =	vld [tilespmem:$0x1FFF0]  }
0x91: {  	[tilespmem:$0x1DC40] =	vst v53  }
0x92: {  	[tilespmem:$0x1DC50] =	vst v54  }
0x93: {  	[tilespmem:$0x1DC60] =	vst v55  }
0x94: {  	[tilespmem:$0x1DC70] =	vst v56  }
0x95: {  	[tilespmem:$0x1D9F0] =	vst v2  }
0x96: {  	[spmem:s5] =	stream.linear.scatter [tilespmem:s6], [sflag:$0x3], $0x1C00, $0x38;
	[tilespmem:$0x1F900] =	vst v63  }
0x97: {  	_ =	swait.ge [sflag:s15], $0x1C00  }
0x98: {  	s22 =	simm.s32 $0x80;
	s23 =	simm.s32 $0x10;
	[sflag:s15] =	ssyncset.done $0x0  }
0x99: {  	s26 =	sadd.s32 $0x0, s7;
	s25 =	simm.s32 $0x180;
	[sflag:s15] =	ssyncadd.s32 $0xFFFFE400  }
.LBB2_6:
0x9a: {  	[tilespmem:s22], [sflag:$0x2] =	stream.linear.gather [hbm4b:s26+s3], $0x80, $0x38;
	[tilespmem:$0x1F900] =	vst v63  }
0x9b: {  	s26 =	smov.u32 s23;
	s22 =	smov.u32 s25;
	p0 =	sne.s32 s23, $0x180  }
.Ltmp2:
0x9c: {  	s23 =	sadd.s32 $0x10, s23;
	(pc) =	sbr.rel @p0 .LBB2_6-.Ltmp2, $2  }
0x9d: {  	_ =	sdelay $0x2  }
0x9e: {  	s25 =	sadd.s32 $0x100, s25;
	s26 =	sadd.s32 s26, s7  }
0x9f: {  	[tilespmem:s22], [sflag:$0x2] =	stream.linear.gather [hbm4b:s26+s3], $0x80, $0x38;
	[tilespmem:$0x1F900] =	vst v63  }
0xa0: {  	_ =	swait.ge [sflag:s16], $0xC80  }
0xa1: {  	[sflag:s16] =	ssyncset.done $0x0  }
0xa2: {  	s26 =	simm.s32 $0x40;
	[sflag:s16] =	ssyncadd.s32 $0xFFFFF380  }
0xa3: {  	v3 =	vld [tilespmem:s26+$0xFFFFFFC0]  }
0xa4: {  	v58 =	vld [tilespmem:s26+$0xFFFFFFD0]  }
0xa5: {  	v59 =	vld [tilespmem:s26+$0xFFFFFFE0]  }
0xa6: {  	v60 =	vld [tilespmem:s26+$0xFFFFFFF0]  }
0xa7: {  	v61 =	vld [tilespmem:s26+$0x0]  }
0xa8: {  	v63 =	vld [tilespmem:s26+$0x20]  }
0xa9: {  	v62 =	vld [tilespmem:s26+$0x10]  }
0xaa: {  	v2 =	vshra.s32 v3, $0x1F  }
0xab: {  	v4 =	vshra.s32 v58, $0x1F;
	vm0 =	vlt.s32 v58, $0x1;
	v6 =	vshra.s32 v59, $0x1F  }
0xac: {  	v7 =	vshra.s32 v60, $0x1F;
	v9 =	vshra.s32 v61, $0x1F;
	vm1 =	vlt.s32 v3, $0x1  }
0xad: {  	v10 =	vshra.s32 v63, $0x1F;
	vm8 =	vlt.s32 v60, $0x1;
	vm9 =	vlt.s32 v61, $0x1  }
0xae: {  	vm11 =	vlt.s32 v62, $0x1;
	vm12 =	vlt.s32 v63, $0x1;
	v2 =	vshrl.u32 v2, $0x19  }
0xaf: {  	v4 =	vshrl.u32 v4, $0x19;
	v6 =	vshrl.u32 v6, $0x19;
	v5 =	vadd.s32 v2, v3;
	v2 =	vld [tilespmem:s26+$0x30]  }
0xb0: {  	v7 =	vshrl.u32 v7, $0x19;
	v9 =	vshrl.u32 v9, $0x19;
	v5 =	vshra.s32 v5, $0x7  }
0xb1: {  	v10 =	vshrl.u32 v10, $0x19;
	v4 =	vadd.s32 v4, v58;
	v8 =	vshll.u32 v5, $0x7  }
0xb2: {  	vm2 =	vne.s32 v3, v8;
	v8 =	vshra.s32 v62, $0x1F;
	v3 =	vand.u32 $0x7F, v3  }
0xb3: {  	vm1 =	vmand vm1, vm2;
	v8 =	vshrl.u32 v8, $0x19;
	vm2 =	vlt.s32 v59, $0x1  }
0xb4: {  	v11 =	vsel vm1, $0xFFFFFFFF, v1;
	v12 =	vshra.s32 v2, $0x1F;
	v8 =	vadd.s32 v8, v62  }
0xb5: {  	vm15 =	vlt.s32 v2, $0x1;
	v5 =	vadd.s32 v11, v5;
	v11 =	vshrl.u32 v12, $0x19  }
0xb6: {  	v15 =	vand.u32 $0xFFFFFF80, v8;
	v8 =	vshrl.u32 v8, $0x7;
	v5 =	vshll.u32 v5, $0x7  }
0xb7: {  	v11 =	vadd.s32 v11, v2;
	vm6 =	vne.s32 v62, v15;
	v3 =	vor.u32 v3, v5  }
0xb8: {  	v5 =	vadd.s32 v6, v59;
	v6 =	vadd.s32 v7, v60;
	v7 =	vadd.s32 v9, v61  }
0xb9: {  	v9 =	vadd.s32 v10, v63;
	v10 =	vand.u32 $0xFFFFFF80, v4;
	v16 =	vand.u32 $0xFFFFFF80, v11  }
0xba: {  	vm13 =	vmand vm11, vm6;
	v4 =	vshrl.u32 v4, $0x7;
	v11 =	vshrl.u32 v11, $0x7  }
0xbb: {  	v12 =	vand.u32 $0xFFFFFF80, v5;
	v13 =	vand.u32 $0xFFFFFF80, v6;
	v14 =	vand.u32 $0xFFFFFF80, v7  }
0xbc: {  	vm1 =	vne.s32 v58, v10;
	v10 =	vand.u32 $0xFFFFFF80, v9;
	vm10 =	vne.s32 v2, v16  }
0xbd: {  	v15 =	vsel vm13, $0xFFFFFFFF, v1;
	v5 =	vshrl.u32 v5, $0x7;
	v6 =	vshrl.u32 v6, $0x7  }
0xbe: {  	v7 =	vshrl.u32 v7, $0x7;
	v9 =	vshrl.u32 v9, $0x7;
	vm3 =	vne.s32 v59, v12  }
0xbf: {  	vm4 =	vne.s32 v60, v13;
	vm5 =	vne.s32 v61, v14;
	vm7 =	vne.s32 v63, v10  }
0xc0: {  	vm0 =	vmand vm0, vm1;
	vm15 =	vmand vm15, vm10;
	vm2 =	vmand vm2, vm3  }
0xc1: {  	vm3 =	vmand vm8, vm4;
	vm9 =	vmand vm9, vm5;
	vm14 =	vmand vm12, vm7  }
0xc2: {  	v10 =	vsel vm0, $0xFFFFFFFF, v1;
	v12 =	vsel vm2, $0xFFFFFFFF, v1;
	v13 =	vsel vm3, $0xFFFFFFFF, v1  }
0xc3: {  	v14 =	vsel vm9, $0xFFFFFFFF, v1;
	v16 =	vsel vm14, $0xFFFFFFFF, v1;
	v4 =	vadd.s32 v10, v4  }
0xc4: {  	v10 =	vsel vm15, $0xFFFFFFFF, v1;
	v12 =	vadd.s32 v12, v5;
	v6 =	vadd.s32 v13, v6  }
0xc5: {  	v13 =	vadd.s32 v14, v7;
	v14 =	vadd.s32 v15, v8;
	v8 =	vadd.s32 v16, v9  }
0xc6: {  	v5 =	vshll.u32 v4, $0x7;
	v9 =	vadd.s32 v10, v11;
	v4 =	vshll.u32 v12, $0x7  }
0xc7: {  	s22 =	simm.s32 $0x0;
	s23 =	simm.s32 $0x140;
	[tilespmem:v3+s17+$0x0] =	vst.idx.add.s32.msk $0xffff, v57;
	v7 =	vshll.u32 v6, $0x7;
	v6 =	vshll.u32 v13, $0x7;
	v3 =	vshll.u32 v14, $0x7  }
.LBB2_8:
0xc8: {  	v10 =	vld [tilespmem:s23+$0xFFFFFFC0];
	s22 =	sadd.s32 $0x8, s22;
	v11 =	vand.u32 $0x7F, v58;
	v8 =	vshll.u32 v8, $0x7;
	v9 =	vshll.u32 v9, $0x7  }
0xc9: {  	v12 =	vand.u32 $0x7F, v59;
	v13 =	vand.u32 $0x7F, v60;
	v14 =	vand.u32 $0x7F, v61;
	v58 =	vld [tilespmem:s23+$0xFFFFFFD0];
	p0 =	slt.u32 s22, $0xC0  }
0xca: {  	v15 =	vand.u32 $0x7F, v62;
	v16 =	vand.u32 $0x7F, v63;
	v2 =	vand.u32 $0x7F, v2;
	v59 =	vld [tilespmem:s23+$0xFFFFFFE0]  }
0xcb: {  	v5 =	vor.u32 v11, v5;
	v4 =	vor.u32 v12, v4;
	v7 =	vor.u32 v13, v7;
	v60 =	vld [tilespmem:s23+$0xFFFFFFF0]  }
0xcc: {  	v6 =	vor.u32 v14, v6;
	v3 =	vor.u32 v15, v3;
	v8 =	vor.u32 v16, v8;
	v61 =	vld [tilespmem:s23+$0x0]  }
0xcd: {  	v9 =	vor.u32 v2, v9;
	v11 =	vshra.s32 v10, $0x1F;
	v62 =	vld [tilespmem:s23+$0x10]  }
0xce: {  	v2 =	vshrl.u32 v11, $0x19;
	v11 =	vshra.s32 v58, $0x1F;
	vm0 =	vlt.s32 v58, $0x1;
	v63 =	vld [tilespmem:s23+$0x20]  }
0xcf: {  	v12 =	vadd.s32 v2, v10;
	v11 =	vshrl.u32 v11, $0x19;
	v13 =	vshra.s32 v59, $0x1F;
	v2 =	vld [tilespmem:s23+$0x30]  }
0xd0: {  	v12 =	vshra.s32 v12, $0x7;
	v13 =	vshrl.u32 v13, $0x19;
	v14 =	vshra.s32 v60, $0x1F;
	[tilespmem:v5+s17+$0x0] =	vst.idx.add.s32.msk $0xffff, v57  }
0xd1: {  	v5 =	vshll.u32 v12, $0x7;
	v14 =	vshrl.u32 v14, $0x19;
	v15 =	vshra.s32 v61, $0x1F;
	[tilespmem:v4+s17+$0x0] =	vst.idx.add.s32.msk $0xffff, v57  }
0xd2: {  	vm1 =	vlt.s32 v10, $0x1;
	vm2 =	vne.s32 v10, v5;
	v4 =	vshra.s32 v62, $0x1F;
	[tilespmem:v7+s17+$0x0] =	vst.idx.add.s32.msk $0xffff, v57  }
0xd3: {  	v5 =	vshrl.u32 v15, $0x19;
	vm1 =	vmand vm1, vm2;
	v7 =	vshra.s32 v63, $0x1F;
	[tilespmem:v6+s17+$0x0] =	vst.idx.add.s32.msk $0xffff, v57  }
0xd4: {  	v4 =	vshrl.u32 v4, $0x19;
	v6 =	vsel vm1, $0xFFFFFFFF, v1;
	v15 =	vshra.s32 v2, $0x1F;
	[tilespmem:v3+s17+$0x0] =	vst.idx.add.s32.msk $0xffff, v57  }
0xd5: {  	v3 =	vadd.s32 v6, v12;
	v6 =	vshrl.u32 v7, $0x19;
	v7 =	vshrl.u32 v15, $0x19;
	[tilespmem:v8+s17+$0x0] =	vst.idx.add.s32.msk $0xffff, v57  }
0xd6: {  	v8 =	vand.u32 $0x7F, v10;
	v10 =	vadd.s32 v11, v58;
	v3 =	vshll.u32 v3, $0x7;
	[tilespmem:v9+s17+$0x0] =	vst.idx.add.s32.msk $0xffff, v57  }
0xd7: {  	v9 =	vadd.s32 v14, v60;
	v3 =	vor.u32 v8, v3;
	v8 =	vadd.s32 v13, v59  }
0xd8: {  	v5 =	vadd.s32 v5, v61;
	v4 =	vadd.s32 v4, v62;
	v6 =	vadd.s32 v6, v63  }
0xd9: {  	v11 =	vand.u32 $0xFFFFFF80, v10;
	v7 =	vadd.s32 v7, v2;
	v12 =	vand.u32 $0xFFFFFF80, v8  }
0xda: {  	v15 =	vand.u32 $0xFFFFFF80, v4;
	v14 =	vand.u32 $0xFFFFFF80, v5;
	v13 =	vand.u32 $0xFFFFFF80, v9  }
0xdb: {  	vm1 =	vne.s32 v58, v11;
	v11 =	vand.u32 $0xFFFFFF80, v6;
	v16 =	vand.u32 $0xFFFFFF80, v7  }
0xdc: {  	vm2 =	vlt.s32 v59, $0x1;
	vm4 =	vne.s32 v60, v13;
	vm3 =	vne.s32 v59, v12;
	[tilespmem:v3+s17+$0x0] =	vst.idx.add.s32.msk $0xffff, v57  }
0xdd: {  	vm6 =	vne.s32 v62, v15;
	vm5 =	vne.s32 v61, v14;
	vm7 =	vne.s32 v63, v11  }
0xde: {  	vm8 =	vlt.s32 v60, $0x1;
	vm9 =	vlt.s32 v61, $0x1;
	vm10 =	vne.s32 v2, v16  }
0xdf: {  	vm11 =	vlt.s32 v62, $0x1;
	vm12 =	vlt.s32 v63, $0x1;
	vm13 =	vlt.s32 v2, $0x1  }
0xe0: {  	vm0 =	vmand vm0, vm1;
	vm1 =	vmand vm2, vm3;
	vm2 =	vmand vm8, vm4  }
0xe1: {  	vm3 =	vmand vm9, vm5;
	vm4 =	vmand vm11, vm6;
	vm5 =	vmand vm12, vm7  }
0xe2: {  	v11 =	vsel vm1, $0xFFFFFFFF, v1;
	v3 =	vsel vm0, $0xFFFFFFFF, v1;
	vm0 =	vmand vm13, vm10  }
0xe3: {  	v12 =	vsel vm2, $0xFFFFFFFF, v1;
	v13 =	vsel vm3, $0xFFFFFFFF, v1;
	v14 =	vsel vm4, $0xFFFFFFFF, v1  }
0xe4: {  	v10 =	vshrl.u32 v10, $0x7;
	v15 =	vsel vm5, $0xFFFFFFFF, v1;
	v16 =	vsel vm0, $0xFFFFFFFF, v1  }
0xe5: {  	v5 =	vshrl.u32 v5, $0x7;
	v9 =	vshrl.u32 v9, $0x7;
	v8 =	vshrl.u32 v8, $0x7  }
.Ltmp3:
0xe6: {  	v4 =	vshrl.u32 v4, $0x7;
	v6 =	vshrl.u32 v6, $0x7;
	v7 =	vshrl.u32 v7, $0x7;
	(pc) =	sbr.rel @p0 .LBB2_8-.Ltmp3, $4  }
0xe7: {  	v3 =	vadd.s32 v3, v10;
	v10 =	vadd.s32 v11, v8;
	v11 =	vadd.s32 v12, v9  }
0xe8: {  	v12 =	vadd.s32 v13, v5;
	v13 =	vadd.s32 v14, v4;
	v8 =	vadd.s32 v15, v6  }
0xe9: {  	v5 =	vshll.u32 v3, $0x7;
	v4 =	vshll.u32 v10, $0x7;
	v9 =	vadd.s32 v16, v7  }
0xea: {  	s23 =	sadd.s32 $0x100, s23;
	v7 =	vshll.u32 v11, $0x7;
	v6 =	vshll.u32 v12, $0x7;
	v3 =	vshll.u32 v13, $0x7  }
0xeb: {  	v10 =	vand.u32 $0x7F, v58  }
0xec: {  	v11 =	vand.u32 $0x7F, v59;
	v5 =	vor.u32 v10, v5  }
0xed: {  	v60 =	vand.u32 $0x7F, v60;
	v4 =	vor.u32 v11, v4  }
0xee: {  	v61 =	vand.u32 $0x7F, v61;
	v7 =	vor.u32 v60, v7  }
0xef: {  	v62 =	vand.u32 $0x7F, v62;
	v6 =	vor.u32 v61, v6  }
0xf0: {  	v8 =	vshll.u32 v8, $0x7;
	v63 =	vand.u32 $0x7F, v63;
	v3 =	vor.u32 v62, v3  }
0xf1: {  	v9 =	vshll.u32 v9, $0x7;
	v2 =	vand.u32 $0x7F, v2;
	v8 =	vor.u32 v63, v8;
	[tilespmem:v5+s17+$0x0] =	vst.idx.add.s32.msk $0xffff, v57  }
0xf2: {  	v2 =	vor.u32 v2, v9;
	[tilespmem:v4+s17+$0x0] =	vst.idx.add.s32.msk $0xffff, v57  }
0xf3: {  	[tilespmem:v7+s17+$0x0] =	vst.idx.add.s32.msk $0xffff, v57  }
0xf4: {  	[tilespmem:v6+s17+$0x0] =	vst.idx.add.s32.msk $0xffff, v57  }
0xf5: {  	[tilespmem:v3+s17+$0x0] =	vst.idx.add.s32.msk $0xffff, v57  }
0xf6: {  	s22 =	simm.s32 $0x0;
	[tilespmem:v8+s17+$0x0] =	vst.idx.add.s32.msk $0xffff, v57  }
0xf7: {  	s23 =	simm.s32 $0x10;
	s26 =	sadd.s32 $0x0, s8;
	s25 =	simm.s32 $0x100;
	[tilespmem:v2+s17+$0x0] =	vst.idx.add.s32.msk $0xffff, v57  }
.LBB2_10:
0xf8: {  	[tilespmem:s22], [sflag:$0x1] =	stream.linear.gather [hbm4b:s26+s3], $0x80, $0x38;
	[tilespmem:$0x1F900] =	vst v63  }
0xf9: {  	s26 =	smov.u32 s23;
	s22 =	smov.u32 s25;
	p0 =	sne.s32 s23, $0x180  }
.Ltmp4:
0xfa: {  	s23 =	sadd.s32 $0x10, s23;
	(pc) =	sbr.rel @p0 .LBB2_10-.Ltmp4, $2  }
0xfb: {  	_ =	sdelay $0x2  }
0xfc: {  	s25 =	sadd.s32 $0x100, s25;
	s26 =	sadd.s32 s26, s8  }
0xfd: {  	[tilespmem:s22], [sflag:$0x1] =	stream.linear.gather [hbm4b:s26+s3], $0x80, $0x38;
	[tilespmem:$0x1F900] =	vst v63  }
0xfe: {  	_ =	swait.ge [sflag:s18], $0xC80  }
0xff: {  	[sflag:s18] =	ssyncset.done $0x0  }
0x100: {  	s26 =	simm.s32 $0xF0;
	[sflag:s18] =	ssyncadd.s32 $0xFFFFF380  }
0x101: {  	v3 =	vld [tilespmem:s26+$0xFFFFFF90]  }
0x102: {  	v58 =	vld [tilespmem:s26+$0xFFFFFFA0]  }
0x103: {  	v59 =	vld [tilespmem:s26+$0xFFFFFFB0]  }
0x104: {  	v60 =	vld [tilespmem:s26+$0xFFFFFFC0]  }
0x105: {  	v61 =	vld [tilespmem:s26+$0xFFFFFFD0]  }
0x106: {  	v63 =	vld [tilespmem:s26+$0xFFFFFFF0]  }
0x107: {  	v62 =	vld [tilespmem:s26+$0xFFFFFFE0]  }
0x108: {  	v2 =	vshra.s32 v3, $0x1F  }
0x109: {  	v4 =	vshra.s32 v58, $0x1F;
	vm0 =	vlt.s32 v58, $0x1;
	v6 =	vshra.s32 v59, $0x1F  }
0x10a: {  	v7 =	vshra.s32 v60, $0x1F;
	v9 =	vshra.s32 v61, $0x1F;
	vm1 =	vlt.s32 v3, $0x1  }
0x10b: {  	v10 =	vshra.s32 v63, $0x1F;
	vm8 =	vlt.s32 v60, $0x1;
	vm9 =	vlt.s32 v61, $0x1  }
0x10c: {  	vm11 =	vlt.s32 v62, $0x1;
	vm12 =	vlt.s32 v63, $0x1;
	v2 =	vshrl.u32 v2, $0x19  }
0x10d: {  	v4 =	vshrl.u32 v4, $0x19;
	v6 =	vshrl.u32 v6, $0x19;
	v5 =	vadd.s32 v2, v3;
	v2 =	vld [tilespmem:s26+$0x0]  }
0x10e: {  	v7 =	vshrl.u32 v7, $0x19;
	v9 =	vshrl.u32 v9, $0x19;
	v5 =	vshra.s32 v5, $0x7  }
0x10f: {  	v10 =	vshrl.u32 v10, $0x19;
	v4 =	vadd.s32 v4, v58;
	v8 =	vshll.u32 v5, $0x7  }
0x110: {  	vm2 =	vne.s32 v3, v8;
	v8 =	vshra.s32 v62, $0x1F;
	v3 =	vand.u32 $0x7F, v3  }
0x111: {  	vm1 =	vmand vm1, vm2;
	v8 =	vshrl.u32 v8, $0x19;
	vm2 =	vlt.s32 v59, $0x1  }
0x112: {  	v11 =	vsel vm1, $0xFFFFFFFF, v1;
	v12 =	vshra.s32 v2, $0x1F;
	v8 =	vadd.s32 v8, v62  }
0x113: {  	vm15 =	vlt.s32 v2, $0x1;
	v5 =	vadd.s32 v11, v5;
	v11 =	vshrl.u32 v12, $0x19  }
0x114: {  	v15 =	vand.u32 $0xFFFFFF80, v8;
	v8 =	vshrl.u32 v8, $0x7;
	v5 =	vshll.u32 v5, $0x7  }
0x115: {  	v11 =	vadd.s32 v11, v2;
	vm6 =	vne.s32 v62, v15;
	v3 =	vor.u32 v3, v5  }
0x116: {  	v5 =	vadd.s32 v6, v59;
	v6 =	vadd.s32 v7, v60;
	v7 =	vadd.s32 v9, v61  }
0x117: {  	v9 =	vadd.s32 v10, v63;
	v10 =	vand.u32 $0xFFFFFF80, v4;
	v16 =	vand.u32 $0xFFFFFF80, v11  }
0x118: {  	vm13 =	vmand vm11, vm6;
	v4 =	vshrl.u32 v4, $0x7;
	v11 =	vshrl.u32 v11, $0x7  }
0x119: {  	v12 =	vand.u32 $0xFFFFFF80, v5;
	v13 =	vand.u32 $0xFFFFFF80, v6;
	v14 =	vand.u32 $0xFFFFFF80, v7  }
0x11a: {  	vm1 =	vne.s32 v58, v10;
	v10 =	vand.u32 $0xFFFFFF80, v9;
	vm10 =	vne.s32 v2, v16  }
0x11b: {  	v15 =	vsel vm13, $0xFFFFFFFF, v1;
	v5 =	vshrl.u32 v5, $0x7;
	v6 =	vshrl.u32 v6, $0x7  }
0x11c: {  	v7 =	vshrl.u32 v7, $0x7;
	v9 =	vshrl.u32 v9, $0x7;
	vm3 =	vne.s32 v59, v12  }
0x11d: {  	vm4 =	vne.s32 v60, v13;
	vm5 =	vne.s32 v61, v14;
	vm7 =	vne.s32 v63, v10  }
0x11e: {  	vm0 =	vmand vm0, vm1;
	vm15 =	vmand vm15, vm10;
	vm2 =	vmand vm2, vm3  }
0x11f: {  	vm3 =	vmand vm8, vm4;
	vm9 =	vmand vm9, vm5;
	vm14 =	vmand vm12, vm7  }
0x120: {  	v10 =	vsel vm0, $0xFFFFFFFF, v1;
	v12 =	vsel vm2, $0xFFFFFFFF, v1;
	v13 =	vsel vm3, $0xFFFFFFFF, v1  }
0x121: {  	v14 =	vsel vm9, $0xFFFFFFFF, v1;
	v16 =	vsel vm14, $0xFFFFFFFF, v1;
	v4 =	vadd.s32 v10, v4  }
0x122: {  	v10 =	vsel vm15, $0xFFFFFFFF, v1;
	v12 =	vadd.s32 v12, v5;
	v6 =	vadd.s32 v13, v6  }
0x123: {  	v13 =	vadd.s32 v14, v7;
	v14 =	vadd.s32 v15, v8;
	v8 =	vadd.s32 v16, v9  }
0x124: {  	v5 =	vshll.u32 v4, $0x7;
	v9 =	vadd.s32 v10, v11;
	v4 =	vshll.u32 v12, $0x7  }
0x125: {  	s22 =	simm.s32 $0x0;
	s23 =	simm.s32 $0x1F0;
	[tilespmem:v3+s17+$0x0] =	vst.idx.add.s32.msk $0xffff, v57;
	v7 =	vshll.u32 v6, $0x7;
	v6 =	vshll.u32 v13, $0x7;
	v3 =	vshll.u32 v14, $0x7  }
.LBB2_12:
0x126: {  	v10 =	vld [tilespmem:s23+$0xFFFFFF90];
	s22 =	sadd.s32 $0x8, s22;
	v11 =	vand.u32 $0x7F, v58;
	v8 =	vshll.u32 v8, $0x7;
	v9 =	vshll.u32 v9, $0x7  }
0x127: {  	v12 =	vand.u32 $0x7F, v59;
	v13 =	vand.u32 $0x7F, v60;
	v14 =	vand.u32 $0x7F, v61;
	v58 =	vld [tilespmem:s23+$0xFFFFFFA0];
	p0 =	slt.u32 s22, $0xC0  }
0x128: {  	v15 =	vand.u32 $0x7F, v62;
	v16 =	vand.u32 $0x7F, v63;
	v2 =	vand.u32 $0x7F, v2;
	v59 =	vld [tilespmem:s23+$0xFFFFFFB0]  }
0x129: {  	v5 =	vor.u32 v11, v5;
	v4 =	vor.u32 v12, v4;
	v7 =	vor.u32 v13, v7;
	v60 =	vld [tilespmem:s23+$0xFFFFFFC0]  }
0x12a: {  	v6 =	vor.u32 v14, v6;
	v3 =	vor.u32 v15, v3;
	v8 =	vor.u32 v16, v8;
	v61 =	vld [tilespmem:s23+$0xFFFFFFD0]  }
0x12b: {  	v9 =	vor.u32 v2, v9;
	v11 =	vshra.s32 v10, $0x1F;
	v62 =	vld [tilespmem:s23+$0xFFFFFFE0]  }
0x12c: {  	v2 =	vshrl.u32 v11, $0x19;
	v11 =	vshra.s32 v58, $0x1F;
	vm0 =	vlt.s32 v58, $0x1;
	v63 =	vld [tilespmem:s23+$0xFFFFFFF0]  }
0x12d: {  	v12 =	vadd.s32 v2, v10;
	v11 =	vshrl.u32 v11, $0x19;
	v13 =	vshra.s32 v59, $0x1F;
	v2 =	vld [tilespmem:s23+$0x0]  }
0x12e: {  	v12 =	vshra.s32 v12, $0x7;
	v13 =	vshrl.u32 v13, $0x19;
	v14 =	vshra.s32 v60, $0x1F;
	[tilespmem:v5+s17+$0x0] =	vst.idx.add.s32.msk $0xffff, v57  }
0x12f: {  	v5 =	vshll.u32 v12, $0x7;
	v14 =	vshrl.u32 v14, $0x19;
	v15 =	vshra.s32 v61, $0x1F;
	[tilespmem:v4+s17+$0x0] =	vst.idx.add.s32.msk $0xffff, v57  }
0x130: {  	vm1 =	vlt.s32 v10, $0x1;
	vm2 =	vne.s32 v10, v5;
	v4 =	vshra.s32 v62, $0x1F;
	[tilespmem:v7+s17+$0x0] =	vst.idx.add.s32.msk $0xffff, v57  }
0x131: {  	v5 =	vshrl.u32 v15, $0x19;
	vm1 =	vmand vm1, vm2;
	v7 =	vshra.s32 v63, $0x1F;
	[tilespmem:v6+s17+$0x0] =	vst.idx.add.s32.msk $0xffff, v57  }
0x132: {  	v4 =	vshrl.u32 v4, $0x19;
	v6 =	vsel vm1, $0xFFFFFFFF, v1;
	v15 =	vshra.s32 v2, $0x1F;
	[tilespmem:v3+s17+$0x0] =	vst.idx.add.s32.msk $0xffff, v57  }
0x133: {  	v3 =	vadd.s32 v6, v12;
	v6 =	vshrl.u32 v7, $0x19;
	v7 =	vshrl.u32 v15, $0x19;
	[tilespmem:v8+s17+$0x0] =	vst.idx.add.s32.msk $0xffff, v57  }
0x134: {  	v8 =	vand.u32 $0x7F, v10;
	v10 =	vadd.s32 v11, v58;
	v3 =	vshll.u32 v3, $0x7;
	[tilespmem:v9+s17+$0x0] =	vst.idx.add.s32.msk $0xffff, v57  }
0x135: {  	v9 =	vadd.s32 v14, v60;
	v3 =	vor.u32 v8, v3;
	v8 =	vadd.s32 v13, v59  }
0x136: {  	v5 =	vadd.s32 v5, v61;
	v4 =	vadd.s32 v4, v62;
	v6 =	vadd.s32 v6, v63  }
0x137: {  	v11 =	vand.u32 $0xFFFFFF80, v10;
	v7 =	vadd.s32 v7, v2;
	v12 =	vand.u32 $0xFFFFFF80, v8  }
0x138: {  	v15 =	vand.u32 $0xFFFFFF80, v4;
	v14 =	vand.u32 $0xFFFFFF80, v5;
	v13 =	vand.u32 $0xFFFFFF80, v9  }
0x139: {  	vm1 =	vne.s32 v58, v11;
	v11 =	vand.u32 $0xFFFFFF80, v6;
	v16 =	vand.u32 $0xFFFFFF80, v7  }
0x13a: {  	vm2 =	vlt.s32 v59, $0x1;
	vm4 =	vne.s32 v60, v13;
	vm3 =	vne.s32 v59, v12;
	[tilespmem:v3+s17+$0x0] =	vst.idx.add.s32.msk $0xffff, v57  }
0x13b: {  	vm6 =	vne.s32 v62, v15;
	vm5 =	vne.s32 v61, v14;
	vm7 =	vne.s32 v63, v11  }
0x13c: {  	vm8 =	vlt.s32 v60, $0x1;
	vm9 =	vlt.s32 v61, $0x1;
	vm10 =	vne.s32 v2, v16  }
0x13d: {  	vm11 =	vlt.s32 v62, $0x1;
	vm12 =	vlt.s32 v63, $0x1;
	vm13 =	vlt.s32 v2, $0x1  }
0x13e: {  	vm0 =	vmand vm0, vm1;
	vm1 =	vmand vm2, vm3;
	vm2 =	vmand vm8, vm4  }
0x13f: {  	vm3 =	vmand vm9, vm5;
	vm4 =	vmand vm11, vm6;
	vm5 =	vmand vm12, vm7  }
0x140: {  	v11 =	vsel vm1, $0xFFFFFFFF, v1;
	v3 =	vsel vm0, $0xFFFFFFFF, v1;
	vm0 =	vmand vm13, vm10  }
0x141: {  	v12 =	vsel vm2, $0xFFFFFFFF, v1;
	v13 =	vsel vm3, $0xFFFFFFFF, v1;
	v14 =	vsel vm4, $0xFFFFFFFF, v1  }
0x142: {  	v10 =	vshrl.u32 v10, $0x7;
	v15 =	vsel vm5, $0xFFFFFFFF, v1;
	v16 =	vsel vm0, $0xFFFFFFFF, v1  }
0x143: {  	v5 =	vshrl.u32 v5, $0x7;
	v9 =	vshrl.u32 v9, $0x7;
	v8 =	vshrl.u32 v8, $0x7  }
.Ltmp5:
0x144: {  	v4 =	vshrl.u32 v4, $0x7;
	v6 =	vshrl.u32 v6, $0x7;
	v7 =	vshrl.u32 v7, $0x7;
	(pc) =	sbr.rel @p0 .LBB2_12-.Ltmp5, $4  }
0x145: {  	v3 =	vadd.s32 v3, v10;
	v10 =	vadd.s32 v11, v8;
	v11 =	vadd.s32 v12, v9  }
0x146: {  	v12 =	vadd.s32 v13, v5;
	v13 =	vadd.s32 v14, v4;
	v8 =	vadd.s32 v15, v6  }
0x147: {  	v5 =	vshll.u32 v3, $0x7;
	v4 =	vshll.u32 v10, $0x7;
	v9 =	vadd.s32 v16, v7  }
0x148: {  	s23 =	sadd.s32 $0x100, s23;
	v7 =	vshll.u32 v11, $0x7;
	v6 =	vshll.u32 v12, $0x7;
	v3 =	vshll.u32 v13, $0x7  }
0x149: {  	v10 =	vand.u32 $0x7F, v58  }
0x14a: {  	v11 =	vand.u32 $0x7F, v59;
	v5 =	vor.u32 v10, v5  }
0x14b: {  	v60 =	vand.u32 $0x7F, v60;
	v4 =	vor.u32 v11, v4  }
0x14c: {  	v61 =	vand.u32 $0x7F, v61;
	v7 =	vor.u32 v60, v7  }
0x14d: {  	v62 =	vand.u32 $0x7F, v62;
	v6 =	vor.u32 v61, v6  }
0x14e: {  	v8 =	vshll.u32 v8, $0x7;
	v63 =	vand.u32 $0x7F, v63;
	v3 =	vor.u32 v62, v3  }
0x14f: {  	v9 =	vshll.u32 v9, $0x7;
	v2 =	vand.u32 $0x7F, v2;
	v8 =	vor.u32 v63, v8;
	[tilespmem:v5+s17+$0x0] =	vst.idx.add.s32.msk $0xffff, v57  }
0x150: {  	v2 =	vor.u32 v2, v9;
	[tilespmem:v4+s17+$0x0] =	vst.idx.add.s32.msk $0xffff, v57  }
0x151: {  	[tilespmem:v7+s17+$0x0] =	vst.idx.add.s32.msk $0xffff, v57  }
0x152: {  	[tilespmem:v6+s17+$0x0] =	vst.idx.add.s32.msk $0xffff, v57  }
0x153: {  	[tilespmem:v3+s17+$0x0] =	vst.idx.add.s32.msk $0xffff, v57  }
0x154: {  	s22 =	simm.s32 $0x80;
	[tilespmem:v8+s17+$0x0] =	vst.idx.add.s32.msk $0xffff, v57  }
0x155: {  	s23 =	simm.s32 $0x10;
	s26 =	sadd.s32 $0x0, s9;
	s25 =	simm.s32 $0x180;
	[tilespmem:v2+s17+$0x0] =	vst.idx.add.s32.msk $0xffff, v57  }
.LBB2_14:
0x156: {  	[tilespmem:s22], [sflag:$0x2] =	stream.linear.gather [hbm4b:s26+s3], $0x80, $0x38;
	[tilespmem:$0x1F900] =	vst v63  }
0x157: {  	s26 =	smov.u32 s23;
	s22 =	smov.u32 s25;
	p0 =	sne.s32 s23, $0x180  }
.Ltmp6:
0x158: {  	s23 =	sadd.s32 $0x10, s23;
	(pc) =	sbr.rel @p0 .LBB2_14-.Ltmp6, $2  }
0x159: {  	_ =	sdelay $0x2  }
0x15a: {  	s25 =	sadd.s32 $0x100, s25;
	s26 =	sadd.s32 s26, s9  }
0x15b: {  	[tilespmem:s22], [sflag:$0x2] =	stream.linear.gather [hbm4b:s26+s3], $0x80, $0x38;
	[tilespmem:$0x1F900] =	vst v63  }
0x15c: {  	_ =	swait.ge [sflag:s16], $0xC80  }
0x15d: {  	[sflag:s16] =	ssyncset.done $0x0  }
0x15e: {  	s26 =	simm.s32 $0x40;
	[sflag:s16] =	ssyncadd.s32 $0xFFFFF380  }
0x15f: {  	v3 =	vld [tilespmem:s26+$0xFFFFFFC0]  }
0x160: {  	v58 =	vld [tilespmem:s26+$0xFFFFFFD0]  }
0x161: {  	v59 =	vld [tilespmem:s26+$0xFFFFFFE0]  }
0x162: {  	v60 =	vld [tilespmem:s26+$0xFFFFFFF0]  }
0x163: {  	v61 =	vld [tilespmem:s26+$0x0]  }
0x164: {  	v63 =	vld [tilespmem:s26+$0x20]  }
0x165: {  	v62 =	vld [tilespmem:s26+$0x10]  }
0x166: {  	v2 =	vshra.s32 v3, $0x1F  }
0x167: {  	v4 =	vshra.s32 v58, $0x1F;
	vm0 =	vlt.s32 v58, $0x1;
	v6 =	vshra.s32 v59, $0x1F  }
0x168: {  	v7 =	vshra.s32 v60, $0x1F;
	v9 =	vshra.s32 v61, $0x1F;
	vm1 =	vlt.s32 v3, $0x1  }
0x169: {  	v10 =	vshra.s32 v63, $0x1F;
	vm8 =	vlt.s32 v60, $0x1;
	vm9 =	vlt.s32 v61, $0x1  }
0x16a: {  	vm11 =	vlt.s32 v62, $0x1;
	vm12 =	vlt.s32 v63, $0x1;
	v2 =	vshrl.u32 v2, $0x19  }
0x16b: {  	v4 =	vshrl.u32 v4, $0x19;
	v6 =	vshrl.u32 v6, $0x19;
	v5 =	vadd.s32 v2, v3;
	v2 =	vld [tilespmem:s26+$0x30]  }
0x16c: {  	v7 =	vshrl.u32 v7, $0x19;
	v9 =	vshrl.u32 v9, $0x19;
	v5 =	vshra.s32 v5, $0x7  }
0x16d: {  	v10 =	vshrl.u32 v10, $0x19;
	v4 =	vadd.s32 v4, v58;
	v8 =	vshll.u32 v5, $0x7  }
0x16e: {  	vm2 =	vne.s32 v3, v8;
	v8 =	vshra.s32 v62, $0x1F;
	v3 =	vand.u32 $0x7F, v3  }
0x16f: {  	vm1 =	vmand vm1, vm2;
	v8 =	vshrl.u32 v8, $0x19;
	vm2 =	vlt.s32 v59, $0x1  }
0x170: {  	v11 =	vsel vm1, $0xFFFFFFFF, v1;
	v12 =	vshra.s32 v2, $0x1F;
	v8 =	vadd.s32 v8, v62  }
0x171: {  	vm15 =	vlt.s32 v2, $0x1;
	v5 =	vadd.s32 v11, v5;
	v11 =	vshrl.u32 v12, $0x19  }
0x172: {  	v15 =	vand.u32 $0xFFFFFF80, v8;
	v8 =	vshrl.u32 v8, $0x7;
	v5 =	vshll.u32 v5, $0x7  }
0x173: {  	v11 =	vadd.s32 v11, v2;
	vm6 =	vne.s32 v62, v15;
	v3 =	vor.u32 v3, v5  }
0x174: {  	v5 =	vadd.s32 v6, v59;
	v6 =	vadd.s32 v7, v60;
	v7 =	vadd.s32 v9, v61  }
0x175: {  	v9 =	vadd.s32 v10, v63;
	v10 =	vand.u32 $0xFFFFFF80, v4;
	v16 =	vand.u32 $0xFFFFFF80, v11  }
0x176: {  	vm13 =	vmand vm11, vm6;
	v4 =	vshrl.u32 v4, $0x7;
	v11 =	vshrl.u32 v11, $0x7  }
0x177: {  	v12 =	vand.u32 $0xFFFFFF80, v5;
	v13 =	vand.u32 $0xFFFFFF80, v6;
	v14 =	vand.u32 $0xFFFFFF80, v7  }
0x178: {  	vm1 =	vne.s32 v58, v10;
	v10 =	vand.u32 $0xFFFFFF80, v9;
	vm10 =	vne.s32 v2, v16  }
0x179: {  	v15 =	vsel vm13, $0xFFFFFFFF, v1;
	v5 =	vshrl.u32 v5, $0x7;
	v6 =	vshrl.u32 v6, $0x7  }
0x17a: {  	v7 =	vshrl.u32 v7, $0x7;
	v9 =	vshrl.u32 v9, $0x7;
	vm3 =	vne.s32 v59, v12  }
0x17b: {  	vm4 =	vne.s32 v60, v13;
	vm5 =	vne.s32 v61, v14;
	vm7 =	vne.s32 v63, v10  }
0x17c: {  	vm0 =	vmand vm0, vm1;
	vm15 =	vmand vm15, vm10;
	vm2 =	vmand vm2, vm3  }
0x17d: {  	vm3 =	vmand vm8, vm4;
	vm9 =	vmand vm9, vm5;
	vm14 =	vmand vm12, vm7  }
0x17e: {  	v10 =	vsel vm0, $0xFFFFFFFF, v1;
	v12 =	vsel vm2, $0xFFFFFFFF, v1;
	v13 =	vsel vm3, $0xFFFFFFFF, v1  }
0x17f: {  	v14 =	vsel vm9, $0xFFFFFFFF, v1;
	v16 =	vsel vm14, $0xFFFFFFFF, v1;
	v4 =	vadd.s32 v10, v4  }
0x180: {  	v10 =	vsel vm15, $0xFFFFFFFF, v1;
	v12 =	vadd.s32 v12, v5;
	v6 =	vadd.s32 v13, v6  }
0x181: {  	v13 =	vadd.s32 v14, v7;
	v14 =	vadd.s32 v15, v8;
	v8 =	vadd.s32 v16, v9  }
0x182: {  	v5 =	vshll.u32 v4, $0x7;
	v9 =	vadd.s32 v10, v11;
	v4 =	vshll.u32 v12, $0x7  }
0x183: {  	s22 =	simm.s32 $0x0;
	s23 =	simm.s32 $0x140;
	[tilespmem:v3+s17+$0x0] =	vst.idx.add.s32.msk $0xffff, v57;
	v7 =	vshll.u32 v6, $0x7;
	v6 =	vshll.u32 v13, $0x7;
	v3 =	vshll.u32 v14, $0x7  }
.LBB2_16:
0x184: {  	v10 =	vld [tilespmem:s23+$0xFFFFFFC0];
	s22 =	sadd.s32 $0x8, s22;
	v11 =	vand.u32 $0x7F, v58;
	v8 =	vshll.u32 v8, $0x7;
	v9 =	vshll.u32 v9, $0x7  }
0x185: {  	v12 =	vand.u32 $0x7F, v59;
	v13 =	vand.u32 $0x7F, v60;
	v14 =	vand.u32 $0x7F, v61;
	v58 =	vld [tilespmem:s23+$0xFFFFFFD0];
	p0 =	slt.u32 s22, $0xC0  }
0x186: {  	v15 =	vand.u32 $0x7F, v62;
	v16 =	vand.u32 $0x7F, v63;
	v2 =	vand.u32 $0x7F, v2;
	v59 =	vld [tilespmem:s23+$0xFFFFFFE0]  }
0x187: {  	v5 =	vor.u32 v11, v5;
	v4 =	vor.u32 v12, v4;
	v7 =	vor.u32 v13, v7;
	v60 =	vld [tilespmem:s23+$0xFFFFFFF0]  }
0x188: {  	v6 =	vor.u32 v14, v6;
	v3 =	vor.u32 v15, v3;
	v8 =	vor.u32 v16, v8;
	v61 =	vld [tilespmem:s23+$0x0]  }
0x189: {  	v9 =	vor.u32 v2, v9;
	v11 =	vshra.s32 v10, $0x1F;
	v62 =	vld [tilespmem:s23+$0x10]  }
0x18a: {  	v2 =	vshrl.u32 v11, $0x19;
	v11 =	vshra.s32 v58, $0x1F;
	vm0 =	vlt.s32 v58, $0x1;
	v63 =	vld [tilespmem:s23+$0x20]  }
0x18b: {  	v12 =	vadd.s32 v2, v10;
	v11 =	vshrl.u32 v11, $0x19;
	v13 =	vshra.s32 v59, $0x1F;
	v2 =	vld [tilespmem:s23+$0x30]  }
0x18c: {  	v12 =	vshra.s32 v12, $0x7;
	v13 =	vshrl.u32 v13, $0x19;
	v14 =	vshra.s32 v60, $0x1F;
	[tilespmem:v5+s17+$0x0] =	vst.idx.add.s32.msk $0xffff, v57  }
0x18d: {  	v5 =	vshll.u32 v12, $0x7;
	v14 =	vshrl.u32 v14, $0x19;
	v15 =	vshra.s32 v61, $0x1F;
	[tilespmem:v4+s17+$0x0] =	vst.idx.add.s32.msk $0xffff, v57  }
0x18e: {  	vm1 =	vlt.s32 v10, $0x1;
	vm2 =	vne.s32 v10, v5;
	v4 =	vshra.s32 v62, $0x1F;
	[tilespmem:v7+s17+$0x0] =	vst.idx.add.s32.msk $0xffff, v57  }
0x18f: {  	v5 =	vshrl.u32 v15, $0x19;
	vm1 =	vmand vm1, vm2;
	v7 =	vshra.s32 v63, $0x1F;
	[tilespmem:v6+s17+$0x0] =	vst.idx.add.s32.msk $0xffff, v57  }
0x190: {  	v4 =	vshrl.u32 v4, $0x19;
	v6 =	vsel vm1, $0xFFFFFFFF, v1;
	v15 =	vshra.s32 v2, $0x1F;
	[tilespmem:v3+s17+$0x0] =	vst.idx.add.s32.msk $0xffff, v57  }
0x191: {  	v3 =	vadd.s32 v6, v12;
	v6 =	vshrl.u32 v7, $0x19;
	v7 =	vshrl.u32 v15, $0x19;
	[tilespmem:v8+s17+$0x0] =	vst.idx.add.s32.msk $0xffff, v57  }
0x192: {  	v8 =	vand.u32 $0x7F, v10;
	v10 =	vadd.s32 v11, v58;
	v3 =	vshll.u32 v3, $0x7;
	[tilespmem:v9+s17+$0x0] =	vst.idx.add.s32.msk $0xffff, v57  }
0x193: {  	v9 =	vadd.s32 v14, v60;
	v3 =	vor.u32 v8, v3;
	v8 =	vadd.s32 v13, v59  }
0x194: {  	v5 =	vadd.s32 v5, v61;
	v4 =	vadd.s32 v4, v62;
	v6 =	vadd.s32 v6, v63  }
0x195: {  	v11 =	vand.u32 $0xFFFFFF80, v10;
	v7 =	vadd.s32 v7, v2;
	v12 =	vand.u32 $0xFFFFFF80, v8  }
0x196: {  	v15 =	vand.u32 $0xFFFFFF80, v4;
	v14 =	vand.u32 $0xFFFFFF80, v5;
	v13 =	vand.u32 $0xFFFFFF80, v9  }
0x197: {  	vm1 =	vne.s32 v58, v11;
	v11 =	vand.u32 $0xFFFFFF80, v6;
	v16 =	vand.u32 $0xFFFFFF80, v7  }
0x198: {  	vm2 =	vlt.s32 v59, $0x1;
	vm4 =	vne.s32 v60, v13;
	vm3 =	vne.s32 v59, v12;
	[tilespmem:v3+s17+$0x0] =	vst.idx.add.s32.msk $0xffff, v57  }
0x199: {  	vm6 =	vne.s32 v62, v15;
	vm5 =	vne.s32 v61, v14;
	vm7 =	vne.s32 v63, v11  }
0x19a: {  	vm8 =	vlt.s32 v60, $0x1;
	vm9 =	vlt.s32 v61, $0x1;
	vm10 =	vne.s32 v2, v16  }
0x19b: {  	vm11 =	vlt.s32 v62, $0x1;
	vm12 =	vlt.s32 v63, $0x1;
	vm13 =	vlt.s32 v2, $0x1  }
0x19c: {  	vm0 =	vmand vm0, vm1;
	vm1 =	vmand vm2, vm3;
	vm2 =	vmand vm8, vm4  }
0x19d: {  	vm3 =	vmand vm9, vm5;
	vm4 =	vmand vm11, vm6;
	vm5 =	vmand vm12, vm7  }
0x19e: {  	v11 =	vsel vm1, $0xFFFFFFFF, v1;
	v3 =	vsel vm0, $0xFFFFFFFF, v1;
	vm0 =	vmand vm13, vm10  }
0x19f: {  	v12 =	vsel vm2, $0xFFFFFFFF, v1;
	v13 =	vsel vm3, $0xFFFFFFFF, v1;
	v14 =	vsel vm4, $0xFFFFFFFF, v1  }
0x1a0: {  	v10 =	vshrl.u32 v10, $0x7;
	v15 =	vsel vm5, $0xFFFFFFFF, v1;
	v16 =	vsel vm0, $0xFFFFFFFF, v1  }
0x1a1: {  	v5 =	vshrl.u32 v5, $0x7;
	v9 =	vshrl.u32 v9, $0x7;
	v8 =	vshrl.u32 v8, $0x7  }
.Ltmp7:
0x1a2: {  	v4 =	vshrl.u32 v4, $0x7;
	v6 =	vshrl.u32 v6, $0x7;
	v7 =	vshrl.u32 v7, $0x7;
	(pc) =	sbr.rel @p0 .LBB2_16-.Ltmp7, $4  }
0x1a3: {  	v3 =	vadd.s32 v3, v10;
	v10 =	vadd.s32 v11, v8;
	v11 =	vadd.s32 v12, v9  }
0x1a4: {  	v12 =	vadd.s32 v13, v5;
	v13 =	vadd.s32 v14, v4;
	v8 =	vadd.s32 v15, v6  }
0x1a5: {  	v5 =	vshll.u32 v3, $0x7;
	v4 =	vshll.u32 v10, $0x7;
	v9 =	vadd.s32 v16, v7  }
0x1a6: {  	s23 =	sadd.s32 $0x100, s23;
	v7 =	vshll.u32 v11, $0x7;
	v6 =	vshll.u32 v12, $0x7;
	v3 =	vshll.u32 v13, $0x7  }
0x1a7: {  	v10 =	vand.u32 $0x7F, v58  }
0x1a8: {  	v11 =	vand.u32 $0x7F, v59;
	v5 =	vor.u32 v10, v5  }
0x1a9: {  	v60 =	vand.u32 $0x7F, v60;
	v4 =	vor.u32 v11, v4  }
0x1aa: {  	v61 =	vand.u32 $0x7F, v61;
	v7 =	vor.u32 v60, v7  }
0x1ab: {  	v62 =	vand.u32 $0x7F, v62;
	v6 =	vor.u32 v61, v6  }
0x1ac: {  	v8 =	vshll.u32 v8, $0x7;
	v63 =	vand.u32 $0x7F, v63;
	v3 =	vor.u32 v62, v3  }
0x1ad: {  	v9 =	vshll.u32 v9, $0x7;
	v2 =	vand.u32 $0x7F, v2;
	v8 =	vor.u32 v63, v8;
	[tilespmem:v5+s17+$0x0] =	vst.idx.add.s32.msk $0xffff, v57  }
0x1ae: {  	v2 =	vor.u32 v2, v9;
	[tilespmem:v4+s17+$0x0] =	vst.idx.add.s32.msk $0xffff, v57  }
0x1af: {  	[tilespmem:v7+s17+$0x0] =	vst.idx.add.s32.msk $0xffff, v57  }
0x1b0: {  	[tilespmem:v6+s17+$0x0] =	vst.idx.add.s32.msk $0xffff, v57  }
0x1b1: {  	[tilespmem:v3+s17+$0x0] =	vst.idx.add.s32.msk $0xffff, v57  }
0x1b2: {  	s22 =	simm.s32 $0x0;
	[tilespmem:v8+s17+$0x0] =	vst.idx.add.s32.msk $0xffff, v57  }
0x1b3: {  	s23 =	simm.s32 $0x10;
	s26 =	sadd.s32 $0x0, s10;
	s25 =	simm.s32 $0x100;
	[tilespmem:v2+s17+$0x0] =	vst.idx.add.s32.msk $0xffff, v57  }
.LBB2_18:
0x1b4: {  	[tilespmem:s22], [sflag:$0x1] =	stream.linear.gather [hbm4b:s26+s3], $0x80, $0x38;
	[tilespmem:$0x1F900] =	vst v63  }
0x1b5: {  	s26 =	smov.u32 s23;
	s22 =	smov.u32 s25;
	p0 =	sne.s32 s23, $0x180  }
.Ltmp8:
0x1b6: {  	s23 =	sadd.s32 $0x10, s23;
	(pc) =	sbr.rel @p0 .LBB2_18-.Ltmp8, $2  }
0x1b7: {  	_ =	sdelay $0x2  }
0x1b8: {  	s25 =	sadd.s32 $0x100, s25;
	s26 =	sadd.s32 s26, s10  }
0x1b9: {  	[tilespmem:s22], [sflag:$0x1] =	stream.linear.gather [hbm4b:s26+s3], $0x80, $0x38;
	[tilespmem:$0x1F900] =	vst v63  }
0x1ba: {  	_ =	swait.ge [sflag:s18], $0xC80  }
0x1bb: {  	[sflag:s18] =	ssyncset.done $0x0  }
0x1bc: {  	s26 =	simm.s32 $0xF0;
	[sflag:s18] =	ssyncadd.s32 $0xFFFFF380  }
0x1bd: {  	v3 =	vld [tilespmem:s26+$0xFFFFFF90]  }
0x1be: {  	v58 =	vld [tilespmem:s26+$0xFFFFFFA0]  }
0x1bf: {  	v59 =	vld [tilespmem:s26+$0xFFFFFFB0]  }
0x1c0: {  	v60 =	vld [tilespmem:s26+$0xFFFFFFC0]  }
0x1c1: {  	v61 =	vld [tilespmem:s26+$0xFFFFFFD0]  }
0x1c2: {  	v63 =	vld [tilespmem:s26+$0xFFFFFFF0]  }
0x1c3: {  	v62 =	vld [tilespmem:s26+$0xFFFFFFE0]  }
0x1c4: {  	v2 =	vshra.s32 v3, $0x1F  }
0x1c5: {  	v4 =	vshra.s32 v58, $0x1F;
	vm0 =	vlt.s32 v58, $0x1;
	v6 =	vshra.s32 v59, $0x1F  }
0x1c6: {  	v7 =	vshra.s32 v60, $0x1F;
	v9 =	vshra.s32 v61, $0x1F;
	vm1 =	vlt.s32 v3, $0x1  }
0x1c7: {  	v10 =	vshra.s32 v63, $0x1F;
	vm8 =	vlt.s32 v60, $0x1;
	vm9 =	vlt.s32 v61, $0x1  }
0x1c8: {  	vm11 =	vlt.s32 v62, $0x1;
	vm12 =	vlt.s32 v63, $0x1;
	v2 =	vshrl.u32 v2, $0x19  }
0x1c9: {  	v4 =	vshrl.u32 v4, $0x19;
	v6 =	vshrl.u32 v6, $0x19;
	v5 =	vadd.s32 v2, v3;
	v2 =	vld [tilespmem:s26+$0x0]  }
0x1ca: {  	v7 =	vshrl.u32 v7, $0x19;
	v9 =	vshrl.u32 v9, $0x19;
	v5 =	vshra.s32 v5, $0x7  }
0x1cb: {  	v10 =	vshrl.u32 v10, $0x19;
	v4 =	vadd.s32 v4, v58;
	v8 =	vshll.u32 v5, $0x7  }
0x1cc: {  	vm2 =	vne.s32 v3, v8;
	v8 =	vshra.s32 v62, $0x1F;
	v3 =	vand.u32 $0x7F, v3  }
0x1cd: {  	vm1 =	vmand vm1, vm2;
	v8 =	vshrl.u32 v8, $0x19;
	vm2 =	vlt.s32 v59, $0x1  }
0x1ce: {  	v11 =	vsel vm1, $0xFFFFFFFF, v1;
	v12 =	vshra.s32 v2, $0x1F;
	v8 =	vadd.s32 v8, v62  }
0x1cf: {  	vm15 =	vlt.s32 v2, $0x1;
	v5 =	vadd.s32 v11, v5;
	v11 =	vshrl.u32 v12, $0x19  }
0x1d0: {  	v15 =	vand.u32 $0xFFFFFF80, v8;
	v8 =	vshrl.u32 v8, $0x7;
	v5 =	vshll.u32 v5, $0x7  }
0x1d1: {  	v11 =	vadd.s32 v11, v2;
	vm6 =	vne.s32 v62, v15;
	v3 =	vor.u32 v3, v5  }
0x1d2: {  	v5 =	vadd.s32 v6, v59;
	v6 =	vadd.s32 v7, v60;
	v7 =	vadd.s32 v9, v61  }
0x1d3: {  	v9 =	vadd.s32 v10, v63;
	v10 =	vand.u32 $0xFFFFFF80, v4;
	v16 =	vand.u32 $0xFFFFFF80, v11  }
0x1d4: {  	vm13 =	vmand vm11, vm6;
	v4 =	vshrl.u32 v4, $0x7;
	v11 =	vshrl.u32 v11, $0x7  }
0x1d5: {  	v12 =	vand.u32 $0xFFFFFF80, v5;
	v13 =	vand.u32 $0xFFFFFF80, v6;
	v14 =	vand.u32 $0xFFFFFF80, v7  }
0x1d6: {  	vm1 =	vne.s32 v58, v10;
	v10 =	vand.u32 $0xFFFFFF80, v9;
	vm10 =	vne.s32 v2, v16  }
0x1d7: {  	v15 =	vsel vm13, $0xFFFFFFFF, v1;
	v5 =	vshrl.u32 v5, $0x7;
	v6 =	vshrl.u32 v6, $0x7  }
0x1d8: {  	v7 =	vshrl.u32 v7, $0x7;
	v9 =	vshrl.u32 v9, $0x7;
	vm3 =	vne.s32 v59, v12  }
0x1d9: {  	vm4 =	vne.s32 v60, v13;
	vm5 =	vne.s32 v61, v14;
	vm7 =	vne.s32 v63, v10  }
0x1da: {  	vm0 =	vmand vm0, vm1;
	vm15 =	vmand vm15, vm10;
	vm2 =	vmand vm2, vm3  }
0x1db: {  	vm3 =	vmand vm8, vm4;
	vm9 =	vmand vm9, vm5;
	vm14 =	vmand vm12, vm7  }
0x1dc: {  	v10 =	vsel vm0, $0xFFFFFFFF, v1;
	v12 =	vsel vm2, $0xFFFFFFFF, v1;
	v13 =	vsel vm3, $0xFFFFFFFF, v1  }
0x1dd: {  	v14 =	vsel vm9, $0xFFFFFFFF, v1;
	v16 =	vsel vm14, $0xFFFFFFFF, v1;
	v4 =	vadd.s32 v10, v4  }
0x1de: {  	v10 =	vsel vm15, $0xFFFFFFFF, v1;
	v12 =	vadd.s32 v12, v5;
	v6 =	vadd.s32 v13, v6  }
0x1df: {  	v13 =	vadd.s32 v14, v7;
	v14 =	vadd.s32 v15, v8;
	v8 =	vadd.s32 v16, v9  }
0x1e0: {  	v5 =	vshll.u32 v4, $0x7;
	v9 =	vadd.s32 v10, v11;
	v4 =	vshll.u32 v12, $0x7  }
0x1e1: {  	s22 =	simm.s32 $0x0;
	s23 =	simm.s32 $0x1F0;
	[tilespmem:v3+s17+$0x0] =	vst.idx.add.s32.msk $0xffff, v57;
	v7 =	vshll.u32 v6, $0x7;
	v6 =	vshll.u32 v13, $0x7;
	v3 =	vshll.u32 v14, $0x7  }
.LBB2_20:
0x1e2: {  	v10 =	vld [tilespmem:s23+$0xFFFFFF90];
	s22 =	sadd.s32 $0x8, s22;
	v11 =	vand.u32 $0x7F, v58;
	v8 =	vshll.u32 v8, $0x7;
	v9 =	vshll.u32 v9, $0x7  }
0x1e3: {  	v12 =	vand.u32 $0x7F, v59;
	v13 =	vand.u32 $0x7F, v60;
	v14 =	vand.u32 $0x7F, v61;
	v58 =	vld [tilespmem:s23+$0xFFFFFFA0];
	p0 =	slt.u32 s22, $0xC0  }
0x1e4: {  	v15 =	vand.u32 $0x7F, v62;
	v16 =	vand.u32 $0x7F, v63;
	v2 =	vand.u32 $0x7F, v2;
	v59 =	vld [tilespmem:s23+$0xFFFFFFB0]  }
0x1e5: {  	v5 =	vor.u32 v11, v5;
	v4 =	vor.u32 v12, v4;
	v7 =	vor.u32 v13, v7;
	v60 =	vld [tilespmem:s23+$0xFFFFFFC0]  }
0x1e6: {  	v6 =	vor.u32 v14, v6;
	v3 =	vor.u32 v15, v3;
	v8 =	vor.u32 v16, v8;
	v61 =	vld [tilespmem:s23+$0xFFFFFFD0]  }
0x1e7: {  	v9 =	vor.u32 v2, v9;
	v11 =	vshra.s32 v10, $0x1F;
	v62 =	vld [tilespmem:s23+$0xFFFFFFE0]  }
0x1e8: {  	v2 =	vshrl.u32 v11, $0x19;
	v11 =	vshra.s32 v58, $0x1F;
	vm0 =	vlt.s32 v58, $0x1;
	v63 =	vld [tilespmem:s23+$0xFFFFFFF0]  }
0x1e9: {  	v12 =	vadd.s32 v2, v10;
	v11 =	vshrl.u32 v11, $0x19;
	v13 =	vshra.s32 v59, $0x1F;
	v2 =	vld [tilespmem:s23+$0x0]  }
0x1ea: {  	v12 =	vshra.s32 v12, $0x7;
	v13 =	vshrl.u32 v13, $0x19;
	v14 =	vshra.s32 v60, $0x1F;
	[tilespmem:v5+s17+$0x0] =	vst.idx.add.s32.msk $0xffff, v57  }
0x1eb: {  	v5 =	vshll.u32 v12, $0x7;
	v14 =	vshrl.u32 v14, $0x19;
	v15 =	vshra.s32 v61, $0x1F;
	[tilespmem:v4+s17+$0x0] =	vst.idx.add.s32.msk $0xffff, v57  }
0x1ec: {  	vm1 =	vlt.s32 v10, $0x1;
	vm2 =	vne.s32 v10, v5;
	v4 =	vshra.s32 v62, $0x1F;
	[tilespmem:v7+s17+$0x0] =	vst.idx.add.s32.msk $0xffff, v57  }
0x1ed: {  	v5 =	vshrl.u32 v15, $0x19;
	vm1 =	vmand vm1, vm2;
	v7 =	vshra.s32 v63, $0x1F;
	[tilespmem:v6+s17+$0x0] =	vst.idx.add.s32.msk $0xffff, v57  }
0x1ee: {  	v4 =	vshrl.u32 v4, $0x19;
	v6 =	vsel vm1, $0xFFFFFFFF, v1;
	v15 =	vshra.s32 v2, $0x1F;
	[tilespmem:v3+s17+$0x0] =	vst.idx.add.s32.msk $0xffff, v57  }
0x1ef: {  	v3 =	vadd.s32 v6, v12;
	v6 =	vshrl.u32 v7, $0x19;
	v7 =	vshrl.u32 v15, $0x19;
	[tilespmem:v8+s17+$0x0] =	vst.idx.add.s32.msk $0xffff, v57  }
0x1f0: {  	v8 =	vand.u32 $0x7F, v10;
	v10 =	vadd.s32 v11, v58;
	v3 =	vshll.u32 v3, $0x7;
	[tilespmem:v9+s17+$0x0] =	vst.idx.add.s32.msk $0xffff, v57  }
0x1f1: {  	v9 =	vadd.s32 v14, v60;
	v3 =	vor.u32 v8, v3;
	v8 =	vadd.s32 v13, v59  }
0x1f2: {  	v5 =	vadd.s32 v5, v61;
	v4 =	vadd.s32 v4, v62;
	v6 =	vadd.s32 v6, v63  }
0x1f3: {  	v11 =	vand.u32 $0xFFFFFF80, v10;
	v7 =	vadd.s32 v7, v2;
	v12 =	vand.u32 $0xFFFFFF80, v8  }
0x1f4: {  	v15 =	vand.u32 $0xFFFFFF80, v4;
	v14 =	vand.u32 $0xFFFFFF80, v5;
	v13 =	vand.u32 $0xFFFFFF80, v9  }
0x1f5: {  	vm1 =	vne.s32 v58, v11;
	v11 =	vand.u32 $0xFFFFFF80, v6;
	v16 =	vand.u32 $0xFFFFFF80, v7  }
0x1f6: {  	vm2 =	vlt.s32 v59, $0x1;
	vm4 =	vne.s32 v60, v13;
	vm3 =	vne.s32 v59, v12;
	[tilespmem:v3+s17+$0x0] =	vst.idx.add.s32.msk $0xffff, v57  }
0x1f7: {  	vm6 =	vne.s32 v62, v15;
	vm5 =	vne.s32 v61, v14;
	vm7 =	vne.s32 v63, v11  }
0x1f8: {  	vm8 =	vlt.s32 v60, $0x1;
	vm9 =	vlt.s32 v61, $0x1;
	vm10 =	vne.s32 v2, v16  }
0x1f9: {  	vm11 =	vlt.s32 v62, $0x1;
	vm12 =	vlt.s32 v63, $0x1;
	vm13 =	vlt.s32 v2, $0x1  }
0x1fa: {  	vm0 =	vmand vm0, vm1;
	vm1 =	vmand vm2, vm3;
	vm2 =	vmand vm8, vm4  }
0x1fb: {  	vm3 =	vmand vm9, vm5;
	vm4 =	vmand vm11, vm6;
	vm5 =	vmand vm12, vm7  }
0x1fc: {  	v11 =	vsel vm1, $0xFFFFFFFF, v1;
	v3 =	vsel vm0, $0xFFFFFFFF, v1;
	vm0 =	vmand vm13, vm10  }
0x1fd: {  	v12 =	vsel vm2, $0xFFFFFFFF, v1;
	v13 =	vsel vm3, $0xFFFFFFFF, v1;
	v14 =	vsel vm4, $0xFFFFFFFF, v1  }
0x1fe: {  	v10 =	vshrl.u32 v10, $0x7;
	v15 =	vsel vm5, $0xFFFFFFFF, v1;
	v16 =	vsel vm0, $0xFFFFFFFF, v1  }
0x1ff: {  	v5 =	vshrl.u32 v5, $0x7;
	v9 =	vshrl.u32 v9, $0x7;
	v8 =	vshrl.u32 v8, $0x7  }
.Ltmp9:
0x200: {  	v4 =	vshrl.u32 v4, $0x7;
	v6 =	vshrl.u32 v6, $0x7;
	v7 =	vshrl.u32 v7, $0x7;
	(pc) =	sbr.rel @p0 .LBB2_20-.Ltmp9, $4  }
0x201: {  	v3 =	vadd.s32 v3, v10;
	v10 =	vadd.s32 v11, v8;
	v11 =	vadd.s32 v12, v9  }
0x202: {  	v12 =	vadd.s32 v13, v5;
	v13 =	vadd.s32 v14, v4;
	v8 =	vadd.s32 v15, v6  }
0x203: {  	v5 =	vshll.u32 v3, $0x7;
	v4 =	vshll.u32 v10, $0x7;
	v9 =	vadd.s32 v16, v7  }
0x204: {  	s23 =	sadd.s32 $0x100, s23;
	v7 =	vshll.u32 v11, $0x7;
	v6 =	vshll.u32 v12, $0x7;
	v3 =	vshll.u32 v13, $0x7  }
0x205: {  	v10 =	vand.u32 $0x7F, v58  }
0x206: {  	v11 =	vand.u32 $0x7F, v59;
	v5 =	vor.u32 v10, v5  }
0x207: {  	v60 =	vand.u32 $0x7F, v60;
	v4 =	vor.u32 v11, v4  }
0x208: {  	v61 =	vand.u32 $0x7F, v61;
	v7 =	vor.u32 v60, v7  }
0x209: {  	v62 =	vand.u32 $0x7F, v62;
	v6 =	vor.u32 v61, v6  }
0x20a: {  	v8 =	vshll.u32 v8, $0x7;
	v63 =	vand.u32 $0x7F, v63;
	v3 =	vor.u32 v62, v3  }
0x20b: {  	v9 =	vshll.u32 v9, $0x7;
	v2 =	vand.u32 $0x7F, v2;
	v8 =	vor.u32 v63, v8;
	[tilespmem:v5+s17+$0x0] =	vst.idx.add.s32.msk $0xffff, v57  }
0x20c: {  	v2 =	vor.u32 v2, v9;
	[tilespmem:v4+s17+$0x0] =	vst.idx.add.s32.msk $0xffff, v57  }
0x20d: {  	[tilespmem:v7+s17+$0x0] =	vst.idx.add.s32.msk $0xffff, v57  }
0x20e: {  	[tilespmem:v6+s17+$0x0] =	vst.idx.add.s32.msk $0xffff, v57  }
0x20f: {  	[tilespmem:v3+s17+$0x0] =	vst.idx.add.s32.msk $0xffff, v57  }
0x210: {  	s22 =	simm.s32 $0x80;
	[tilespmem:v8+s17+$0x0] =	vst.idx.add.s32.msk $0xffff, v57  }
0x211: {  	s23 =	simm.s32 $0x10;
	s26 =	sadd.s32 $0x0, s11;
	s25 =	simm.s32 $0x180;
	[tilespmem:v2+s17+$0x0] =	vst.idx.add.s32.msk $0xffff, v57  }
.LBB2_22:
0x212: {  	[tilespmem:s22], [sflag:$0x2] =	stream.linear.gather [hbm4b:s26+s3], $0x80, $0x38;
	[tilespmem:$0x1F900] =	vst v63  }
0x213: {  	s26 =	smov.u32 s23;
	s22 =	smov.u32 s25;
	p0 =	sne.s32 s23, $0x180  }
.Ltmp10:
0x214: {  	s23 =	sadd.s32 $0x10, s23;
	(pc) =	sbr.rel @p0 .LBB2_22-.Ltmp10, $2  }
0x215: {  	_ =	sdelay $0x2  }
0x216: {  	s25 =	sadd.s32 $0x100, s25;
	s26 =	sadd.s32 s26, s11  }
0x217: {  	[tilespmem:s22], [sflag:$0x2] =	stream.linear.gather [hbm4b:s26+s3], $0x80, $0x38;
	[tilespmem:$0x1F900] =	vst v63  }
0x218: {  	_ =	swait.ge [sflag:s16], $0xC80  }
0x219: {  	[sflag:s16] =	ssyncset.done $0x0  }
0x21a: {  	s26 =	simm.s32 $0x40;
	[sflag:s16] =	ssyncadd.s32 $0xFFFFF380  }
0x21b: {  	v3 =	vld [tilespmem:s26+$0xFFFFFFC0]  }
0x21c: {  	v58 =	vld [tilespmem:s26+$0xFFFFFFD0]  }
0x21d: {  	v59 =	vld [tilespmem:s26+$0xFFFFFFE0]  }
0x21e: {  	v60 =	vld [tilespmem:s26+$0xFFFFFFF0]  }
0x21f: {  	v61 =	vld [tilespmem:s26+$0x0]  }
0x220: {  	v63 =	vld [tilespmem:s26+$0x20]  }
0x221: {  	v62 =	vld [tilespmem:s26+$0x10]  }
0x222: {  	v2 =	vshra.s32 v3, $0x1F  }
0x223: {  	v4 =	vshra.s32 v58, $0x1F;
	vm0 =	vlt.s32 v58, $0x1;
	v6 =	vshra.s32 v59, $0x1F  }
0x224: {  	v7 =	vshra.s32 v60, $0x1F;
	v9 =	vshra.s32 v61, $0x1F;
	vm1 =	vlt.s32 v3, $0x1  }
0x225: {  	v10 =	vshra.s32 v63, $0x1F;
	vm8 =	vlt.s32 v60, $0x1;
	vm9 =	vlt.s32 v61, $0x1  }
0x226: {  	vm11 =	vlt.s32 v62, $0x1;
	vm12 =	vlt.s32 v63, $0x1;
	v2 =	vshrl.u32 v2, $0x19  }
0x227: {  	v4 =	vshrl.u32 v4, $0x19;
	v6 =	vshrl.u32 v6, $0x19;
	v5 =	vadd.s32 v2, v3;
	v2 =	vld [tilespmem:s26+$0x30]  }
0x228: {  	v7 =	vshrl.u32 v7, $0x19;
	v9 =	vshrl.u32 v9, $0x19;
	v5 =	vshra.s32 v5, $0x7  }
0x229: {  	v10 =	vshrl.u32 v10, $0x19;
	v4 =	vadd.s32 v4, v58;
	v8 =	vshll.u32 v5, $0x7  }
0x22a: {  	vm2 =	vne.s32 v3, v8;
	v8 =	vshra.s32 v62, $0x1F;
	v3 =	vand.u32 $0x7F, v3  }
0x22b: {  	vm1 =	vmand vm1, vm2;
	v8 =	vshrl.u32 v8, $0x19;
	vm2 =	vlt.s32 v59, $0x1  }
0x22c: {  	v11 =	vsel vm1, $0xFFFFFFFF, v1;
	v12 =	vshra.s32 v2, $0x1F;
	v8 =	vadd.s32 v8, v62  }
0x22d: {  	vm15 =	vlt.s32 v2, $0x1;
	v5 =	vadd.s32 v11, v5;
	v11 =	vshrl.u32 v12, $0x19  }
0x22e: {  	v15 =	vand.u32 $0xFFFFFF80, v8;
	v8 =	vshrl.u32 v8, $0x7;
	v5 =	vshll.u32 v5, $0x7  }
0x22f: {  	v11 =	vadd.s32 v11, v2;
	vm6 =	vne.s32 v62, v15;
	v3 =	vor.u32 v3, v5  }
0x230: {  	v5 =	vadd.s32 v6, v59;
	v6 =	vadd.s32 v7, v60;
	v7 =	vadd.s32 v9, v61  }
0x231: {  	v9 =	vadd.s32 v10, v63;
	v10 =	vand.u32 $0xFFFFFF80, v4;
	v16 =	vand.u32 $0xFFFFFF80, v11  }
0x232: {  	vm13 =	vmand vm11, vm6;
	v4 =	vshrl.u32 v4, $0x7;
	v11 =	vshrl.u32 v11, $0x7  }
0x233: {  	v12 =	vand.u32 $0xFFFFFF80, v5;
	v13 =	vand.u32 $0xFFFFFF80, v6;
	v14 =	vand.u32 $0xFFFFFF80, v7  }
0x234: {  	vm1 =	vne.s32 v58, v10;
	v10 =	vand.u32 $0xFFFFFF80, v9;
	vm10 =	vne.s32 v2, v16  }
0x235: {  	v15 =	vsel vm13, $0xFFFFFFFF, v1;
	v5 =	vshrl.u32 v5, $0x7;
	v6 =	vshrl.u32 v6, $0x7  }
0x236: {  	v7 =	vshrl.u32 v7, $0x7;
	v9 =	vshrl.u32 v9, $0x7;
	vm3 =	vne.s32 v59, v12  }
0x237: {  	vm4 =	vne.s32 v60, v13;
	vm5 =	vne.s32 v61, v14;
	vm7 =	vne.s32 v63, v10  }
0x238: {  	vm0 =	vmand vm0, vm1;
	vm15 =	vmand vm15, vm10;
	vm2 =	vmand vm2, vm3  }
0x239: {  	vm3 =	vmand vm8, vm4;
	vm9 =	vmand vm9, vm5;
	vm14 =	vmand vm12, vm7  }
0x23a: {  	v10 =	vsel vm0, $0xFFFFFFFF, v1;
	v12 =	vsel vm2, $0xFFFFFFFF, v1;
	v13 =	vsel vm3, $0xFFFFFFFF, v1  }
0x23b: {  	v14 =	vsel vm9, $0xFFFFFFFF, v1;
	v16 =	vsel vm14, $0xFFFFFFFF, v1;
	v4 =	vadd.s32 v10, v4  }
0x23c: {  	v10 =	vsel vm15, $0xFFFFFFFF, v1;
	v12 =	vadd.s32 v12, v5;
	v6 =	vadd.s32 v13, v6  }
0x23d: {  	v13 =	vadd.s32 v14, v7;
	v14 =	vadd.s32 v15, v8;
	v8 =	vadd.s32 v16, v9  }
0x23e: {  	v5 =	vshll.u32 v4, $0x7;
	v9 =	vadd.s32 v10, v11;
	v4 =	vshll.u32 v12, $0x7  }
0x23f: {  	s22 =	simm.s32 $0x0;
	s23 =	simm.s32 $0x140;
	[tilespmem:v3+s17+$0x0] =	vst.idx.add.s32.msk $0xffff, v57;
	v7 =	vshll.u32 v6, $0x7;
	v6 =	vshll.u32 v13, $0x7;
	v3 =	vshll.u32 v14, $0x7  }
.LBB2_24:
0x240: {  	v10 =	vld [tilespmem:s23+$0xFFFFFFC0];
	s22 =	sadd.s32 $0x8, s22;
	v11 =	vand.u32 $0x7F, v58;
	v8 =	vshll.u32 v8, $0x7;
	v9 =	vshll.u32 v9, $0x7  }
0x241: {  	v12 =	vand.u32 $0x7F, v59;
	v13 =	vand.u32 $0x7F, v60;
	v14 =	vand.u32 $0x7F, v61;
	v58 =	vld [tilespmem:s23+$0xFFFFFFD0];
	p0 =	slt.u32 s22, $0xC0  }
0x242: {  	v15 =	vand.u32 $0x7F, v62;
	v16 =	vand.u32 $0x7F, v63;
	v2 =	vand.u32 $0x7F, v2;
	v59 =	vld [tilespmem:s23+$0xFFFFFFE0]  }
0x243: {  	v5 =	vor.u32 v11, v5;
	v4 =	vor.u32 v12, v4;
	v7 =	vor.u32 v13, v7;
	v60 =	vld [tilespmem:s23+$0xFFFFFFF0]  }
0x244: {  	v6 =	vor.u32 v14, v6;
	v3 =	vor.u32 v15, v3;
	v8 =	vor.u32 v16, v8;
	v61 =	vld [tilespmem:s23+$0x0]  }
0x245: {  	v9 =	vor.u32 v2, v9;
	v11 =	vshra.s32 v10, $0x1F;
	v62 =	vld [tilespmem:s23+$0x10]  }
0x246: {  	v2 =	vshrl.u32 v11, $0x19;
	v11 =	vshra.s32 v58, $0x1F;
	vm0 =	vlt.s32 v58, $0x1;
	v63 =	vld [tilespmem:s23+$0x20]  }
0x247: {  	v12 =	vadd.s32 v2, v10;
	v11 =	vshrl.u32 v11, $0x19;
	v13 =	vshra.s32 v59, $0x1F;
	v2 =	vld [tilespmem:s23+$0x30]  }
0x248: {  	v12 =	vshra.s32 v12, $0x7;
	v13 =	vshrl.u32 v13, $0x19;
	v14 =	vshra.s32 v60, $0x1F;
	[tilespmem:v5+s17+$0x0] =	vst.idx.add.s32.msk $0xffff, v57  }
0x249: {  	v5 =	vshll.u32 v12, $0x7;
	v14 =	vshrl.u32 v14, $0x19;
	v15 =	vshra.s32 v61, $0x1F;
	[tilespmem:v4+s17+$0x0] =	vst.idx.add.s32.msk $0xffff, v57  }
0x24a: {  	vm1 =	vlt.s32 v10, $0x1;
	vm2 =	vne.s32 v10, v5;
	v4 =	vshra.s32 v62, $0x1F;
	[tilespmem:v7+s17+$0x0] =	vst.idx.add.s32.msk $0xffff, v57  }
0x24b: {  	v5 =	vshrl.u32 v15, $0x19;
	vm1 =	vmand vm1, vm2;
	v7 =	vshra.s32 v63, $0x1F;
	[tilespmem:v6+s17+$0x0] =	vst.idx.add.s32.msk $0xffff, v57  }
0x24c: {  	v4 =	vshrl.u32 v4, $0x19;
	v6 =	vsel vm1, $0xFFFFFFFF, v1;
	v15 =	vshra.s32 v2, $0x1F;
	[tilespmem:v3+s17+$0x0] =	vst.idx.add.s32.msk $0xffff, v57  }
0x24d: {  	v3 =	vadd.s32 v6, v12;
	v6 =	vshrl.u32 v7, $0x19;
	v7 =	vshrl.u32 v15, $0x19;
	[tilespmem:v8+s17+$0x0] =	vst.idx.add.s32.msk $0xffff, v57  }
0x24e: {  	v8 =	vand.u32 $0x7F, v10;
	v10 =	vadd.s32 v11, v58;
	v3 =	vshll.u32 v3, $0x7;
	[tilespmem:v9+s17+$0x0] =	vst.idx.add.s32.msk $0xffff, v57  }
0x24f: {  	v9 =	vadd.s32 v14, v60;
	v3 =	vor.u32 v8, v3;
	v8 =	vadd.s32 v13, v59  }
0x250: {  	v5 =	vadd.s32 v5, v61;
	v4 =	vadd.s32 v4, v62;
	v6 =	vadd.s32 v6, v63  }
0x251: {  	v11 =	vand.u32 $0xFFFFFF80, v10;
	v7 =	vadd.s32 v7, v2;
	v12 =	vand.u32 $0xFFFFFF80, v8  }
0x252: {  	v15 =	vand.u32 $0xFFFFFF80, v4;
	v14 =	vand.u32 $0xFFFFFF80, v5;
	v13 =	vand.u32 $0xFFFFFF80, v9  }
0x253: {  	vm1 =	vne.s32 v58, v11;
	v11 =	vand.u32 $0xFFFFFF80, v6;
	v16 =	vand.u32 $0xFFFFFF80, v7  }
0x254: {  	vm2 =	vlt.s32 v59, $0x1;
	vm4 =	vne.s32 v60, v13;
	vm3 =	vne.s32 v59, v12;
	[tilespmem:v3+s17+$0x0] =	vst.idx.add.s32.msk $0xffff, v57  }
0x255: {  	vm6 =	vne.s32 v62, v15;
	vm5 =	vne.s32 v61, v14;
	vm7 =	vne.s32 v63, v11  }
0x256: {  	vm8 =	vlt.s32 v60, $0x1;
	vm9 =	vlt.s32 v61, $0x1;
	vm10 =	vne.s32 v2, v16  }
0x257: {  	vm11 =	vlt.s32 v62, $0x1;
	vm12 =	vlt.s32 v63, $0x1;
	vm13 =	vlt.s32 v2, $0x1  }
0x258: {  	vm0 =	vmand vm0, vm1;
	vm1 =	vmand vm2, vm3;
	vm2 =	vmand vm8, vm4  }
0x259: {  	vm3 =	vmand vm9, vm5;
	vm4 =	vmand vm11, vm6;
	vm5 =	vmand vm12, vm7  }
0x25a: {  	v11 =	vsel vm1, $0xFFFFFFFF, v1;
	v3 =	vsel vm0, $0xFFFFFFFF, v1;
	vm0 =	vmand vm13, vm10  }
0x25b: {  	v12 =	vsel vm2, $0xFFFFFFFF, v1;
	v13 =	vsel vm3, $0xFFFFFFFF, v1;
	v14 =	vsel vm4, $0xFFFFFFFF, v1  }
0x25c: {  	v10 =	vshrl.u32 v10, $0x7;
	v15 =	vsel vm5, $0xFFFFFFFF, v1;
	v16 =	vsel vm0, $0xFFFFFFFF, v1  }
0x25d: {  	v5 =	vshrl.u32 v5, $0x7;
	v9 =	vshrl.u32 v9, $0x7;
	v8 =	vshrl.u32 v8, $0x7  }
.Ltmp11:
0x25e: {  	v4 =	vshrl.u32 v4, $0x7;
	v6 =	vshrl.u32 v6, $0x7;
	v7 =	vshrl.u32 v7, $0x7;
	(pc) =	sbr.rel @p0 .LBB2_24-.Ltmp11, $4  }
0x25f: {  	v3 =	vadd.s32 v3, v10;
	v10 =	vadd.s32 v11, v8;
	v11 =	vadd.s32 v12, v9  }
0x260: {  	v12 =	vadd.s32 v13, v5;
	v13 =	vadd.s32 v14, v4;
	v8 =	vadd.s32 v15, v6  }
0x261: {  	v5 =	vshll.u32 v3, $0x7;
	v4 =	vshll.u32 v10, $0x7;
	v9 =	vadd.s32 v16, v7  }
0x262: {  	s23 =	sadd.s32 $0x100, s23;
	v7 =	vshll.u32 v11, $0x7;
	v6 =	vshll.u32 v12, $0x7;
	v3 =	vshll.u32 v13, $0x7  }
0x263: {  	v10 =	vand.u32 $0x7F, v58  }
0x264: {  	v11 =	vand.u32 $0x7F, v59;
	v5 =	vor.u32 v10, v5  }
0x265: {  	v60 =	vand.u32 $0x7F, v60;
	v4 =	vor.u32 v11, v4  }
0x266: {  	v61 =	vand.u32 $0x7F, v61;
	v7 =	vor.u32 v60, v7  }
0x267: {  	v62 =	vand.u32 $0x7F, v62;
	v6 =	vor.u32 v61, v6  }
0x268: {  	v8 =	vshll.u32 v8, $0x7;
	v63 =	vand.u32 $0x7F, v63;
	v3 =	vor.u32 v62, v3  }
0x269: {  	v9 =	vshll.u32 v9, $0x7;
	v2 =	vand.u32 $0x7F, v2;
	v8 =	vor.u32 v63, v8;
	[tilespmem:v5+s17+$0x0] =	vst.idx.add.s32.msk $0xffff, v57  }
0x26a: {  	v2 =	vor.u32 v2, v9;
	[tilespmem:v4+s17+$0x0] =	vst.idx.add.s32.msk $0xffff, v57  }
0x26b: {  	[tilespmem:v7+s17+$0x0] =	vst.idx.add.s32.msk $0xffff, v57  }
0x26c: {  	[tilespmem:v6+s17+$0x0] =	vst.idx.add.s32.msk $0xffff, v57  }
0x26d: {  	[tilespmem:v3+s17+$0x0] =	vst.idx.add.s32.msk $0xffff, v57  }
0x26e: {  	s22 =	simm.s32 $0x0;
	[tilespmem:v8+s17+$0x0] =	vst.idx.add.s32.msk $0xffff, v57  }
0x26f: {  	s23 =	simm.s32 $0x10;
	s26 =	sadd.s32 $0x0, s12;
	s25 =	simm.s32 $0x100;
	[tilespmem:v2+s17+$0x0] =	vst.idx.add.s32.msk $0xffff, v57  }
.LBB2_26:
0x270: {  	[tilespmem:s22], [sflag:$0x1] =	stream.linear.gather [hbm4b:s26+s3], $0x80, $0x38;
	[tilespmem:$0x1F900] =	vst v63  }
0x271: {  	s26 =	smov.u32 s23;
	s22 =	smov.u32 s25;
	p0 =	sne.s32 s23, $0x180  }
.Ltmp12:
0x272: {  	s23 =	sadd.s32 $0x10, s23;
	(pc) =	sbr.rel @p0 .LBB2_26-.Ltmp12, $2  }
0x273: {  	_ =	sdelay $0x2  }
0x274: {  	s25 =	sadd.s32 $0x100, s25;
	s26 =	sadd.s32 s26, s12  }
0x275: {  	[tilespmem:s22], [sflag:$0x1] =	stream.linear.gather [hbm4b:s26+s3], $0x80, $0x38;
	[tilespmem:$0x1F900] =	vst v63  }
0x276: {  	_ =	swait.ge [sflag:s18], $0xC80  }
0x277: {  	[sflag:s18] =	ssyncset.done $0x0  }
0x278: {  	s26 =	simm.s32 $0xF0;
	[sflag:s18] =	ssyncadd.s32 $0xFFFFF380  }
0x279: {  	v3 =	vld [tilespmem:s26+$0xFFFFFF90]  }
0x27a: {  	v58 =	vld [tilespmem:s26+$0xFFFFFFA0]  }
0x27b: {  	v59 =	vld [tilespmem:s26+$0xFFFFFFB0]  }
0x27c: {  	v60 =	vld [tilespmem:s26+$0xFFFFFFC0]  }
0x27d: {  	v61 =	vld [tilespmem:s26+$0xFFFFFFD0]  }
0x27e: {  	v63 =	vld [tilespmem:s26+$0xFFFFFFF0]  }
0x27f: {  	v62 =	vld [tilespmem:s26+$0xFFFFFFE0]  }
0x280: {  	v2 =	vshra.s32 v3, $0x1F  }
0x281: {  	v4 =	vshra.s32 v58, $0x1F;
	vm0 =	vlt.s32 v58, $0x1;
	v6 =	vshra.s32 v59, $0x1F  }
0x282: {  	v7 =	vshra.s32 v60, $0x1F;
	v9 =	vshra.s32 v61, $0x1F;
	vm1 =	vlt.s32 v3, $0x1  }
0x283: {  	v10 =	vshra.s32 v63, $0x1F;
	vm8 =	vlt.s32 v60, $0x1;
	vm9 =	vlt.s32 v61, $0x1  }
0x284: {  	vm11 =	vlt.s32 v62, $0x1;
	vm12 =	vlt.s32 v63, $0x1;
	v2 =	vshrl.u32 v2, $0x19  }
0x285: {  	v4 =	vshrl.u32 v4, $0x19;
	v6 =	vshrl.u32 v6, $0x19;
	v5 =	vadd.s32 v2, v3;
	v2 =	vld [tilespmem:s26+$0x0]  }
0x286: {  	v7 =	vshrl.u32 v7, $0x19;
	v9 =	vshrl.u32 v9, $0x19;
	v5 =	vshra.s32 v5, $0x7  }
0x287: {  	v10 =	vshrl.u32 v10, $0x19;
	v4 =	vadd.s32 v4, v58;
	v8 =	vshll.u32 v5, $0x7  }
0x288: {  	vm2 =	vne.s32 v3, v8;
	v8 =	vshra.s32 v62, $0x1F;
	v3 =	vand.u32 $0x7F, v3  }
0x289: {  	vm1 =	vmand vm1, vm2;
	v8 =	vshrl.u32 v8, $0x19;
	vm2 =	vlt.s32 v59, $0x1  }
0x28a: {  	v11 =	vsel vm1, $0xFFFFFFFF, v1;
	v12 =	vshra.s32 v2, $0x1F;
	v8 =	vadd.s32 v8, v62  }
0x28b: {  	vm15 =	vlt.s32 v2, $0x1;
	v5 =	vadd.s32 v11, v5;
	v11 =	vshrl.u32 v12, $0x19  }
0x28c: {  	v15 =	vand.u32 $0xFFFFFF80, v8;
	v8 =	vshrl.u32 v8, $0x7;
	v5 =	vshll.u32 v5, $0x7  }
0x28d: {  	v11 =	vadd.s32 v11, v2;
	vm6 =	vne.s32 v62, v15;
	v3 =	vor.u32 v3, v5  }
0x28e: {  	v5 =	vadd.s32 v6, v59;
	v6 =	vadd.s32 v7, v60;
	v7 =	vadd.s32 v9, v61  }
0x28f: {  	v9 =	vadd.s32 v10, v63;
	v10 =	vand.u32 $0xFFFFFF80, v4;
	v16 =	vand.u32 $0xFFFFFF80, v11  }
0x290: {  	vm13 =	vmand vm11, vm6;
	v4 =	vshrl.u32 v4, $0x7;
	v11 =	vshrl.u32 v11, $0x7  }
0x291: {  	v12 =	vand.u32 $0xFFFFFF80, v5;
	v13 =	vand.u32 $0xFFFFFF80, v6;
	v14 =	vand.u32 $0xFFFFFF80, v7  }
0x292: {  	vm1 =	vne.s32 v58, v10;
	v10 =	vand.u32 $0xFFFFFF80, v9;
	vm10 =	vne.s32 v2, v16  }
0x293: {  	v15 =	vsel vm13, $0xFFFFFFFF, v1;
	v5 =	vshrl.u32 v5, $0x7;
	v6 =	vshrl.u32 v6, $0x7  }
0x294: {  	v7 =	vshrl.u32 v7, $0x7;
	v9 =	vshrl.u32 v9, $0x7;
	vm3 =	vne.s32 v59, v12  }
0x295: {  	vm4 =	vne.s32 v60, v13;
	vm5 =	vne.s32 v61, v14;
	vm7 =	vne.s32 v63, v10  }
0x296: {  	vm0 =	vmand vm0, vm1;
	vm15 =	vmand vm15, vm10;
	vm2 =	vmand vm2, vm3  }
0x297: {  	vm3 =	vmand vm8, vm4;
	vm9 =	vmand vm9, vm5;
	vm14 =	vmand vm12, vm7  }
0x298: {  	v10 =	vsel vm0, $0xFFFFFFFF, v1;
	v12 =	vsel vm2, $0xFFFFFFFF, v1;
	v13 =	vsel vm3, $0xFFFFFFFF, v1  }
0x299: {  	v14 =	vsel vm9, $0xFFFFFFFF, v1;
	v16 =	vsel vm14, $0xFFFFFFFF, v1;
	v4 =	vadd.s32 v10, v4  }
0x29a: {  	v10 =	vsel vm15, $0xFFFFFFFF, v1;
	v12 =	vadd.s32 v12, v5;
	v6 =	vadd.s32 v13, v6  }
0x29b: {  	v13 =	vadd.s32 v14, v7;
	v14 =	vadd.s32 v15, v8;
	v8 =	vadd.s32 v16, v9  }
0x29c: {  	v5 =	vshll.u32 v4, $0x7;
	v9 =	vadd.s32 v10, v11;
	v4 =	vshll.u32 v12, $0x7  }
0x29d: {  	s22 =	simm.s32 $0x0;
	s23 =	simm.s32 $0x1F0;
	[tilespmem:v3+s17+$0x0] =	vst.idx.add.s32.msk $0xffff, v57;
	v7 =	vshll.u32 v6, $0x7;
	v6 =	vshll.u32 v13, $0x7;
	v3 =	vshll.u32 v14, $0x7  }
.LBB2_28:
0x29e: {  	v10 =	vld [tilespmem:s23+$0xFFFFFF90];
	s22 =	sadd.s32 $0x8, s22;
	v11 =	vand.u32 $0x7F, v58;
	v8 =	vshll.u32 v8, $0x7;
	v9 =	vshll.u32 v9, $0x7  }
0x29f: {  	v12 =	vand.u32 $0x7F, v59;
	v13 =	vand.u32 $0x7F, v60;
	v14 =	vand.u32 $0x7F, v61;
	v58 =	vld [tilespmem:s23+$0xFFFFFFA0];
	p0 =	slt.u32 s22, $0xC0  }
0x2a0: {  	v15 =	vand.u32 $0x7F, v62;
	v16 =	vand.u32 $0x7F, v63;
	v2 =	vand.u32 $0x7F, v2;
	v59 =	vld [tilespmem:s23+$0xFFFFFFB0]  }
0x2a1: {  	v5 =	vor.u32 v11, v5;
	v4 =	vor.u32 v12, v4;
	v7 =	vor.u32 v13, v7;
	v60 =	vld [tilespmem:s23+$0xFFFFFFC0]  }
0x2a2: {  	v6 =	vor.u32 v14, v6;
	v3 =	vor.u32 v15, v3;
	v8 =	vor.u32 v16, v8;
	v61 =	vld [tilespmem:s23+$0xFFFFFFD0]  }
0x2a3: {  	v9 =	vor.u32 v2, v9;
	v11 =	vshra.s32 v10, $0x1F;
	v62 =	vld [tilespmem:s23+$0xFFFFFFE0]  }
0x2a4: {  	v2 =	vshrl.u32 v11, $0x19;
	v11 =	vshra.s32 v58, $0x1F;
	vm0 =	vlt.s32 v58, $0x1;
	v63 =	vld [tilespmem:s23+$0xFFFFFFF0]  }
0x2a5: {  	v12 =	vadd.s32 v2, v10;
	v11 =	vshrl.u32 v11, $0x19;
	v13 =	vshra.s32 v59, $0x1F;
	v2 =	vld [tilespmem:s23+$0x0]  }
0x2a6: {  	v12 =	vshra.s32 v12, $0x7;
	v13 =	vshrl.u32 v13, $0x19;
	v14 =	vshra.s32 v60, $0x1F;
	[tilespmem:v5+s17+$0x0] =	vst.idx.add.s32.msk $0xffff, v57  }
0x2a7: {  	v5 =	vshll.u32 v12, $0x7;
	v14 =	vshrl.u32 v14, $0x19;
	v15 =	vshra.s32 v61, $0x1F;
	[tilespmem:v4+s17+$0x0] =	vst.idx.add.s32.msk $0xffff, v57  }
0x2a8: {  	vm1 =	vlt.s32 v10, $0x1;
	vm2 =	vne.s32 v10, v5;
	v4 =	vshra.s32 v62, $0x1F;
	[tilespmem:v7+s17+$0x0] =	vst.idx.add.s32.msk $0xffff, v57  }
0x2a9: {  	v5 =	vshrl.u32 v15, $0x19;
	vm1 =	vmand vm1, vm2;
	v7 =	vshra.s32 v63, $0x1F;
	[tilespmem:v6+s17+$0x0] =	vst.idx.add.s32.msk $0xffff, v57  }
0x2aa: {  	v4 =	vshrl.u32 v4, $0x19;
	v6 =	vsel vm1, $0xFFFFFFFF, v1;
	v15 =	vshra.s32 v2, $0x1F;
	[tilespmem:v3+s17+$0x0] =	vst.idx.add.s32.msk $0xffff, v57  }
0x2ab: {  	v3 =	vadd.s32 v6, v12;
	v6 =	vshrl.u32 v7, $0x19;
	v7 =	vshrl.u32 v15, $0x19;
	[tilespmem:v8+s17+$0x0] =	vst.idx.add.s32.msk $0xffff, v57  }
0x2ac: {  	v8 =	vand.u32 $0x7F, v10;
	v10 =	vadd.s32 v11, v58;
	v3 =	vshll.u32 v3, $0x7;
	[tilespmem:v9+s17+$0x0] =	vst.idx.add.s32.msk $0xffff, v57  }
0x2ad: {  	v9 =	vadd.s32 v14, v60;
	v3 =	vor.u32 v8, v3;
	v8 =	vadd.s32 v13, v59  }
0x2ae: {  	v5 =	vadd.s32 v5, v61;
	v4 =	vadd.s32 v4, v62;
	v6 =	vadd.s32 v6, v63  }
0x2af: {  	v11 =	vand.u32 $0xFFFFFF80, v10;
	v7 =	vadd.s32 v7, v2;
	v12 =	vand.u32 $0xFFFFFF80, v8  }
0x2b0: {  	v15 =	vand.u32 $0xFFFFFF80, v4;
	v14 =	vand.u32 $0xFFFFFF80, v5;
	v13 =	vand.u32 $0xFFFFFF80, v9  }
0x2b1: {  	vm1 =	vne.s32 v58, v11;
	v11 =	vand.u32 $0xFFFFFF80, v6;
	v16 =	vand.u32 $0xFFFFFF80, v7  }
0x2b2: {  	vm2 =	vlt.s32 v59, $0x1;
	vm4 =	vne.s32 v60, v13;
	vm3 =	vne.s32 v59, v12;
	[tilespmem:v3+s17+$0x0] =	vst.idx.add.s32.msk $0xffff, v57  }
0x2b3: {  	vm6 =	vne.s32 v62, v15;
	vm5 =	vne.s32 v61, v14;
	vm7 =	vne.s32 v63, v11  }
0x2b4: {  	vm8 =	vlt.s32 v60, $0x1;
	vm9 =	vlt.s32 v61, $0x1;
	vm10 =	vne.s32 v2, v16  }
0x2b5: {  	vm11 =	vlt.s32 v62, $0x1;
	vm12 =	vlt.s32 v63, $0x1;
	vm13 =	vlt.s32 v2, $0x1  }
0x2b6: {  	vm0 =	vmand vm0, vm1;
	vm1 =	vmand vm2, vm3;
	vm2 =	vmand vm8, vm4  }
0x2b7: {  	vm3 =	vmand vm9, vm5;
	vm4 =	vmand vm11, vm6;
	vm5 =	vmand vm12, vm7  }
0x2b8: {  	v11 =	vsel vm1, $0xFFFFFFFF, v1;
	v3 =	vsel vm0, $0xFFFFFFFF, v1;
	vm0 =	vmand vm13, vm10  }
0x2b9: {  	v12 =	vsel vm2, $0xFFFFFFFF, v1;
	v13 =	vsel vm3, $0xFFFFFFFF, v1;
	v14 =	vsel vm4, $0xFFFFFFFF, v1  }
0x2ba: {  	v10 =	vshrl.u32 v10, $0x7;
	v15 =	vsel vm5, $0xFFFFFFFF, v1;
	v16 =	vsel vm0, $0xFFFFFFFF, v1  }
0x2bb: {  	v5 =	vshrl.u32 v5, $0x7;
	v9 =	vshrl.u32 v9, $0x7;
	v8 =	vshrl.u32 v8, $0x7  }
.Ltmp13:
0x2bc: {  	v4 =	vshrl.u32 v4, $0x7;
	v6 =	vshrl.u32 v6, $0x7;
	v7 =	vshrl.u32 v7, $0x7;
	(pc) =	sbr.rel @p0 .LBB2_28-.Ltmp13, $4  }
0x2bd: {  	v3 =	vadd.s32 v3, v10;
	v10 =	vadd.s32 v11, v8;
	v11 =	vadd.s32 v12, v9  }
0x2be: {  	v12 =	vadd.s32 v13, v5;
	v13 =	vadd.s32 v14, v4;
	v8 =	vadd.s32 v15, v6  }
0x2bf: {  	v5 =	vshll.u32 v3, $0x7;
	v4 =	vshll.u32 v10, $0x7;
	v9 =	vadd.s32 v16, v7  }
0x2c0: {  	s23 =	sadd.s32 $0x100, s23;
	v7 =	vshll.u32 v11, $0x7;
	v6 =	vshll.u32 v12, $0x7;
	v3 =	vshll.u32 v13, $0x7  }
0x2c1: {  	v10 =	vand.u32 $0x7F, v58  }
0x2c2: {  	v11 =	vand.u32 $0x7F, v59;
	v5 =	vor.u32 v10, v5  }
0x2c3: {  	v60 =	vand.u32 $0x7F, v60;
	v4 =	vor.u32 v11, v4  }
0x2c4: {  	v61 =	vand.u32 $0x7F, v61;
	v7 =	vor.u32 v60, v7  }
0x2c5: {  	v62 =	vand.u32 $0x7F, v62;
	v6 =	vor.u32 v61, v6  }
0x2c6: {  	v8 =	vshll.u32 v8, $0x7;
	v63 =	vand.u32 $0x7F, v63;
	v3 =	vor.u32 v62, v3  }
0x2c7: {  	v9 =	vshll.u32 v9, $0x7;
	v2 =	vand.u32 $0x7F, v2;
	v8 =	vor.u32 v63, v8;
	[tilespmem:v5+s17+$0x0] =	vst.idx.add.s32.msk $0xffff, v57  }
0x2c8: {  	v2 =	vor.u32 v2, v9;
	[tilespmem:v4+s17+$0x0] =	vst.idx.add.s32.msk $0xffff, v57  }
0x2c9: {  	[tilespmem:v7+s17+$0x0] =	vst.idx.add.s32.msk $0xffff, v57  }
0x2ca: {  	[tilespmem:v6+s17+$0x0] =	vst.idx.add.s32.msk $0xffff, v57  }
0x2cb: {  	[tilespmem:v3+s17+$0x0] =	vst.idx.add.s32.msk $0xffff, v57  }
0x2cc: {  	s22 =	simm.s32 $0x80;
	[tilespmem:v8+s17+$0x0] =	vst.idx.add.s32.msk $0xffff, v57  }
0x2cd: {  	s23 =	simm.s32 $0x10;
	s26 =	sadd.s32 $0x0, s13;
	s25 =	simm.s32 $0x180;
	[tilespmem:v2+s17+$0x0] =	vst.idx.add.s32.msk $0xffff, v57  }
.LBB2_30:
0x2ce: {  	[tilespmem:s22], [sflag:$0x2] =	stream.linear.gather [hbm4b:s26+s3], $0x80, $0x38;
	[tilespmem:$0x1F900] =	vst v63  }
0x2cf: {  	s26 =	smov.u32 s23;
	s22 =	smov.u32 s25;
	p0 =	sne.s32 s23, $0x180  }
.Ltmp14:
0x2d0: {  	s23 =	sadd.s32 $0x10, s23;
	(pc) =	sbr.rel @p0 .LBB2_30-.Ltmp14, $2  }
0x2d1: {  	_ =	sdelay $0x2  }
0x2d2: {  	s25 =	sadd.s32 $0x100, s25;
	s26 =	sadd.s32 s26, s13  }
0x2d3: {  	[tilespmem:s22], [sflag:$0x2] =	stream.linear.gather [hbm4b:s26+s3], $0x80, $0x38;
	[tilespmem:$0x1F900] =	vst v63  }
0x2d4: {  	_ =	swait.ge [sflag:s16], $0xC80  }
0x2d5: {  	[sflag:s16] =	ssyncset.done $0x0  }
0x2d6: {  	s26 =	simm.s32 $0x40;
	[sflag:s16] =	ssyncadd.s32 $0xFFFFF380  }
0x2d7: {  	v3 =	vld [tilespmem:s26+$0xFFFFFFC0]  }
0x2d8: {  	v58 =	vld [tilespmem:s26+$0xFFFFFFD0]  }
0x2d9: {  	v59 =	vld [tilespmem:s26+$0xFFFFFFE0]  }
0x2da: {  	v60 =	vld [tilespmem:s26+$0xFFFFFFF0]  }
0x2db: {  	v61 =	vld [tilespmem:s26+$0x0]  }
0x2dc: {  	v63 =	vld [tilespmem:s26+$0x20]  }
0x2dd: {  	v62 =	vld [tilespmem:s26+$0x10]  }
0x2de: {  	v2 =	vshra.s32 v3, $0x1F  }
0x2df: {  	v4 =	vshra.s32 v58, $0x1F;
	vm0 =	vlt.s32 v58, $0x1;
	v6 =	vshra.s32 v59, $0x1F  }
0x2e0: {  	v7 =	vshra.s32 v60, $0x1F;
	v9 =	vshra.s32 v61, $0x1F;
	vm1 =	vlt.s32 v3, $0x1  }
0x2e1: {  	v10 =	vshra.s32 v63, $0x1F;
	vm8 =	vlt.s32 v60, $0x1;
	vm9 =	vlt.s32 v61, $0x1  }
0x2e2: {  	vm11 =	vlt.s32 v62, $0x1;
	vm12 =	vlt.s32 v63, $0x1;
	v2 =	vshrl.u32 v2, $0x19  }
0x2e3: {  	v4 =	vshrl.u32 v4, $0x19;
	v6 =	vshrl.u32 v6, $0x19;
	v5 =	vadd.s32 v2, v3;
	v2 =	vld [tilespmem:s26+$0x30]  }
0x2e4: {  	v7 =	vshrl.u32 v7, $0x19;
	v9 =	vshrl.u32 v9, $0x19;
	v5 =	vshra.s32 v5, $0x7  }
0x2e5: {  	v10 =	vshrl.u32 v10, $0x19;
	v4 =	vadd.s32 v4, v58;
	v8 =	vshll.u32 v5, $0x7  }
0x2e6: {  	vm2 =	vne.s32 v3, v8;
	v8 =	vshra.s32 v62, $0x1F;
	v3 =	vand.u32 $0x7F, v3  }
0x2e7: {  	vm1 =	vmand vm1, vm2;
	v8 =	vshrl.u32 v8, $0x19;
	vm2 =	vlt.s32 v59, $0x1  }
0x2e8: {  	v11 =	vsel vm1, $0xFFFFFFFF, v1;
	v12 =	vshra.s32 v2, $0x1F;
	v8 =	vadd.s32 v8, v62  }
0x2e9: {  	vm15 =	vlt.s32 v2, $0x1;
	v5 =	vadd.s32 v11, v5;
	v11 =	vshrl.u32 v12, $0x19  }
0x2ea: {  	v15 =	vand.u32 $0xFFFFFF80, v8;
	v8 =	vshrl.u32 v8, $0x7;
	v5 =	vshll.u32 v5, $0x7  }
0x2eb: {  	v11 =	vadd.s32 v11, v2;
	vm6 =	vne.s32 v62, v15;
	v3 =	vor.u32 v3, v5  }
0x2ec: {  	v5 =	vadd.s32 v6, v59;
	v6 =	vadd.s32 v7, v60;
	v7 =	vadd.s32 v9, v61  }
0x2ed: {  	v9 =	vadd.s32 v10, v63;
	v10 =	vand.u32 $0xFFFFFF80, v4;
	v16 =	vand.u32 $0xFFFFFF80, v11  }
0x2ee: {  	vm13 =	vmand vm11, vm6;
	v4 =	vshrl.u32 v4, $0x7;
	v11 =	vshrl.u32 v11, $0x7  }
0x2ef: {  	v12 =	vand.u32 $0xFFFFFF80, v5;
	v13 =	vand.u32 $0xFFFFFF80, v6;
	v14 =	vand.u32 $0xFFFFFF80, v7  }
0x2f0: {  	vm1 =	vne.s32 v58, v10;
	v10 =	vand.u32 $0xFFFFFF80, v9;
	vm10 =	vne.s32 v2, v16  }
0x2f1: {  	v15 =	vsel vm13, $0xFFFFFFFF, v1;
	v5 =	vshrl.u32 v5, $0x7;
	v6 =	vshrl.u32 v6, $0x7  }
0x2f2: {  	v7 =	vshrl.u32 v7, $0x7;
	v9 =	vshrl.u32 v9, $0x7;
	vm3 =	vne.s32 v59, v12  }
0x2f3: {  	vm4 =	vne.s32 v60, v13;
	vm5 =	vne.s32 v61, v14;
	vm7 =	vne.s32 v63, v10  }
0x2f4: {  	vm0 =	vmand vm0, vm1;
	vm15 =	vmand vm15, vm10;
	vm2 =	vmand vm2, vm3  }
0x2f5: {  	vm3 =	vmand vm8, vm4;
	vm9 =	vmand vm9, vm5;
	vm14 =	vmand vm12, vm7  }
0x2f6: {  	v10 =	vsel vm0, $0xFFFFFFFF, v1;
	v12 =	vsel vm2, $0xFFFFFFFF, v1;
	v13 =	vsel vm3, $0xFFFFFFFF, v1  }
0x2f7: {  	v14 =	vsel vm9, $0xFFFFFFFF, v1;
	v16 =	vsel vm14, $0xFFFFFFFF, v1;
	v4 =	vadd.s32 v10, v4  }
0x2f8: {  	v10 =	vsel vm15, $0xFFFFFFFF, v1;
	v12 =	vadd.s32 v12, v5;
	v6 =	vadd.s32 v13, v6  }
0x2f9: {  	v13 =	vadd.s32 v14, v7;
	v14 =	vadd.s32 v15, v8;
	v8 =	vadd.s32 v16, v9  }
0x2fa: {  	v5 =	vshll.u32 v4, $0x7;
	v9 =	vadd.s32 v10, v11;
	v4 =	vshll.u32 v12, $0x7  }
0x2fb: {  	s22 =	simm.s32 $0x0;
	s23 =	simm.s32 $0x140;
	[tilespmem:v3+s17+$0x0] =	vst.idx.add.s32.msk $0xffff, v57;
	v7 =	vshll.u32 v6, $0x7;
	v6 =	vshll.u32 v13, $0x7;
	v3 =	vshll.u32 v14, $0x7  }
.LBB2_32:
0x2fc: {  	v10 =	vld [tilespmem:s23+$0xFFFFFFC0];
	s22 =	sadd.s32 $0x8, s22;
	v11 =	vand.u32 $0x7F, v58;
	v8 =	vshll.u32 v8, $0x7;
	v9 =	vshll.u32 v9, $0x7  }
0x2fd: {  	v12 =	vand.u32 $0x7F, v59;
	v13 =	vand.u32 $0x7F, v60;
	v14 =	vand.u32 $0x7F, v61;
	v58 =	vld [tilespmem:s23+$0xFFFFFFD0];
	p0 =	slt.u32 s22, $0xC0  }
0x2fe: {  	v15 =	vand.u32 $0x7F, v62;
	v16 =	vand.u32 $0x7F, v63;
	v2 =	vand.u32 $0x7F, v2;
	v59 =	vld [tilespmem:s23+$0xFFFFFFE0]  }
0x2ff: {  	v5 =	vor.u32 v11, v5;
	v4 =	vor.u32 v12, v4;
	v7 =	vor.u32 v13, v7;
	v60 =	vld [tilespmem:s23+$0xFFFFFFF0]  }
0x300: {  	v6 =	vor.u32 v14, v6;
	v3 =	vor.u32 v15, v3;
	v8 =	vor.u32 v16, v8;
	v61 =	vld [tilespmem:s23+$0x0]  }
0x301: {  	v9 =	vor.u32 v2, v9;
	v11 =	vshra.s32 v10, $0x1F;
	v62 =	vld [tilespmem:s23+$0x10]  }
0x302: {  	v2 =	vshrl.u32 v11, $0x19;
	v11 =	vshra.s32 v58, $0x1F;
	vm0 =	vlt.s32 v58, $0x1;
	v63 =	vld [tilespmem:s23+$0x20]  }
0x303: {  	v12 =	vadd.s32 v2, v10;
	v11 =	vshrl.u32 v11, $0x19;
	v13 =	vshra.s32 v59, $0x1F;
	v2 =	vld [tilespmem:s23+$0x30]  }
0x304: {  	v12 =	vshra.s32 v12, $0x7;
	v13 =	vshrl.u32 v13, $0x19;
	v14 =	vshra.s32 v60, $0x1F;
	[tilespmem:v5+s17+$0x0] =	vst.idx.add.s32.msk $0xffff, v57  }
0x305: {  	v5 =	vshll.u32 v12, $0x7;
	v14 =	vshrl.u32 v14, $0x19;
	v15 =	vshra.s32 v61, $0x1F;
	[tilespmem:v4+s17+$0x0] =	vst.idx.add.s32.msk $0xffff, v57  }
0x306: {  	vm1 =	vlt.s32 v10, $0x1;
	vm2 =	vne.s32 v10, v5;
	v4 =	vshra.s32 v62, $0x1F;
	[tilespmem:v7+s17+$0x0] =	vst.idx.add.s32.msk $0xffff, v57  }
0x307: {  	v5 =	vshrl.u32 v15, $0x19;
	vm1 =	vmand vm1, vm2;
	v7 =	vshra.s32 v63, $0x1F;
	[tilespmem:v6+s17+$0x0] =	vst.idx.add.s32.msk $0xffff, v57  }
0x308: {  	v4 =	vshrl.u32 v4, $0x19;
	v6 =	vsel vm1, $0xFFFFFFFF, v1;
	v15 =	vshra.s32 v2, $0x1F;
	[tilespmem:v3+s17+$0x0] =	vst.idx.add.s32.msk $0xffff, v57  }
0x309: {  	v3 =	vadd.s32 v6, v12;
	v6 =	vshrl.u32 v7, $0x19;
	v7 =	vshrl.u32 v15, $0x19;
	[tilespmem:v8+s17+$0x0] =	vst.idx.add.s32.msk $0xffff, v57  }
0x30a: {  	v8 =	vand.u32 $0x7F, v10;
	v10 =	vadd.s32 v11, v58;
	v3 =	vshll.u32 v3, $0x7;
	[tilespmem:v9+s17+$0x0] =	vst.idx.add.s32.msk $0xffff, v57  }
0x30b: {  	v9 =	vadd.s32 v14, v60;
	v3 =	vor.u32 v8, v3;
	v8 =	vadd.s32 v13, v59  }
0x30c: {  	v5 =	vadd.s32 v5, v61;
	v4 =	vadd.s32 v4, v62;
	v6 =	vadd.s32 v6, v63  }
0x30d: {  	v11 =	vand.u32 $0xFFFFFF80, v10;
	v7 =	vadd.s32 v7, v2;
	v12 =	vand.u32 $0xFFFFFF80, v8  }
0x30e: {  	v15 =	vand.u32 $0xFFFFFF80, v4;
	v14 =	vand.u32 $0xFFFFFF80, v5;
	v13 =	vand.u32 $0xFFFFFF80, v9  }
0x30f: {  	vm1 =	vne.s32 v58, v11;
	v11 =	vand.u32 $0xFFFFFF80, v6;
	v16 =	vand.u32 $0xFFFFFF80, v7  }
0x310: {  	vm2 =	vlt.s32 v59, $0x1;
	vm4 =	vne.s32 v60, v13;
	vm3 =	vne.s32 v59, v12;
	[tilespmem:v3+s17+$0x0] =	vst.idx.add.s32.msk $0xffff, v57  }
0x311: {  	vm6 =	vne.s32 v62, v15;
	vm5 =	vne.s32 v61, v14;
	vm7 =	vne.s32 v63, v11  }
0x312: {  	vm8 =	vlt.s32 v60, $0x1;
	vm9 =	vlt.s32 v61, $0x1;
	vm10 =	vne.s32 v2, v16  }
0x313: {  	vm11 =	vlt.s32 v62, $0x1;
	vm12 =	vlt.s32 v63, $0x1;
	vm13 =	vlt.s32 v2, $0x1  }
0x314: {  	vm0 =	vmand vm0, vm1;
	vm1 =	vmand vm2, vm3;
	vm2 =	vmand vm8, vm4  }
0x315: {  	vm3 =	vmand vm9, vm5;
	vm4 =	vmand vm11, vm6;
	vm5 =	vmand vm12, vm7  }
0x316: {  	v11 =	vsel vm1, $0xFFFFFFFF, v1;
	v3 =	vsel vm0, $0xFFFFFFFF, v1;
	vm0 =	vmand vm13, vm10  }
0x317: {  	v12 =	vsel vm2, $0xFFFFFFFF, v1;
	v13 =	vsel vm3, $0xFFFFFFFF, v1;
	v14 =	vsel vm4, $0xFFFFFFFF, v1  }
0x318: {  	v10 =	vshrl.u32 v10, $0x7;
	v15 =	vsel vm5, $0xFFFFFFFF, v1;
	v16 =	vsel vm0, $0xFFFFFFFF, v1  }
0x319: {  	v5 =	vshrl.u32 v5, $0x7;
	v9 =	vshrl.u32 v9, $0x7;
	v8 =	vshrl.u32 v8, $0x7  }
.Ltmp15:
0x31a: {  	v4 =	vshrl.u32 v4, $0x7;
	v6 =	vshrl.u32 v6, $0x7;
	v7 =	vshrl.u32 v7, $0x7;
	(pc) =	sbr.rel @p0 .LBB2_32-.Ltmp15, $4  }
0x31b: {  	v3 =	vadd.s32 v3, v10;
	v10 =	vadd.s32 v11, v8;
	v11 =	vadd.s32 v12, v9  }
0x31c: {  	v12 =	vadd.s32 v13, v5;
	v13 =	vadd.s32 v14, v4;
	v8 =	vadd.s32 v15, v6  }
0x31d: {  	v5 =	vshll.u32 v3, $0x7;
	v4 =	vshll.u32 v10, $0x7;
	v9 =	vadd.s32 v16, v7  }
0x31e: {  	s23 =	sadd.s32 $0x100, s23;
	v7 =	vshll.u32 v11, $0x7;
	v6 =	vshll.u32 v12, $0x7;
	v3 =	vshll.u32 v13, $0x7  }
0x31f: {  	v10 =	vand.u32 $0x7F, v58  }
0x320: {  	v11 =	vand.u32 $0x7F, v59;
	v5 =	vor.u32 v10, v5  }
0x321: {  	v9 =	vshll.u32 v9, $0x7;
	v2 =	vand.u32 $0x7F, v2;
	v4 =	vor.u32 v11, v4  }
0x322: {  	v10 =	vand.u32 $0x7F, v60;
	v2 =	vor.u32 v2, v9  }
0x323: {  	v11 =	vand.u32 $0x7F, v61;
	v7 =	vor.u32 v10, v7  }
0x324: {  	v10 =	vand.u32 $0x7F, v62;
	v6 =	vor.u32 v11, v6  }
0x325: {  	v8 =	vshll.u32 v8, $0x7;
	v11 =	vand.u32 $0x7F, v63;
	v3 =	vor.u32 v10, v3;
	[tilespmem:v5+s17+$0x0] =	vst.idx.add.s32.msk $0xffff, v57  }
0x326: {  	v8 =	vor.u32 v11, v8;
	[tilespmem:v4+s17+$0x0] =	vst.idx.add.s32.msk $0xffff, v57  }
0x327: {  	[tilespmem:v2+s17+$0x0] =	vst.idx.add.s32.msk $0xffff, v57  }
0x328: {  	[tilespmem:v7+s17+$0x0] =	vst.idx.add.s32.msk $0xffff, v57  }
0x329: {  	[tilespmem:v6+s17+$0x0] =	vst.idx.add.s32.msk $0xffff, v57  }
0x32a: {  	[tilespmem:v3+s17+$0x0] =	vst.idx.add.s32.msk $0xffff, v57  }
0x32b: {  	[tilespmem:v8+s17+$0x0] =	vst.idx.add.s32.msk $0xffff, v57  }
0x32c: {  	_ =	swait.ge [sflag:s18], $0xC80  }
0x32d: {  	[sflag:s18] =	ssyncset.done $0x0  }
0x32e: {  	s22 =	simm.s32 $0xF0;
	[sflag:s18] =	ssyncadd.s32 $0xFFFFF380  }
0x32f: {  	v3 =	vld [tilespmem:s22+$0xFFFFFF90]  }
0x330: {  	v58 =	vld [tilespmem:s22+$0xFFFFFFA0]  }
0x331: {  	v59 =	vld [tilespmem:s22+$0xFFFFFFB0]  }
0x332: {  	v60 =	vld [tilespmem:s22+$0xFFFFFFC0]  }
0x333: {  	v61 =	vld [tilespmem:s22+$0xFFFFFFD0]  }
0x334: {  	v63 =	vld [tilespmem:s22+$0xFFFFFFF0]  }
0x335: {  	v62 =	vld [tilespmem:s22+$0xFFFFFFE0]  }
0x336: {  	v2 =	vshra.s32 v3, $0x1F  }
0x337: {  	v4 =	vshra.s32 v58, $0x1F;
	vm0 =	vlt.s32 v58, $0x1;
	v6 =	vshra.s32 v59, $0x1F  }
0x338: {  	v7 =	vshra.s32 v60, $0x1F;
	v9 =	vshra.s32 v61, $0x1F;
	vm1 =	vlt.s32 v3, $0x1  }
0x339: {  	v10 =	vshra.s32 v63, $0x1F;
	vm8 =	vlt.s32 v60, $0x1;
	vm9 =	vlt.s32 v61, $0x1  }
0x33a: {  	vm11 =	vlt.s32 v62, $0x1;
	vm12 =	vlt.s32 v63, $0x1;
	v2 =	vshrl.u32 v2, $0x19  }
0x33b: {  	v4 =	vshrl.u32 v4, $0x19;
	v6 =	vshrl.u32 v6, $0x19;
	v5 =	vadd.s32 v2, v3;
	v2 =	vld [tilespmem:s22+$0x0]  }
0x33c: {  	v7 =	vshrl.u32 v7, $0x19;
	v9 =	vshrl.u32 v9, $0x19;
	v5 =	vshra.s32 v5, $0x7  }
0x33d: {  	v10 =	vshrl.u32 v10, $0x19;
	v4 =	vadd.s32 v4, v58;
	v8 =	vshll.u32 v5, $0x7  }
0x33e: {  	vm2 =	vne.s32 v3, v8;
	v8 =	vshra.s32 v62, $0x1F;
	v3 =	vand.u32 $0x7F, v3  }
0x33f: {  	vm1 =	vmand vm1, vm2;
	v8 =	vshrl.u32 v8, $0x19;
	vm2 =	vlt.s32 v59, $0x1  }
0x340: {  	v11 =	vsel vm1, $0xFFFFFFFF, v1;
	v12 =	vshra.s32 v2, $0x1F;
	v8 =	vadd.s32 v8, v62  }
0x341: {  	vm15 =	vlt.s32 v2, $0x1;
	v5 =	vadd.s32 v11, v5;
	v11 =	vshrl.u32 v12, $0x19  }
0x342: {  	v15 =	vand.u32 $0xFFFFFF80, v8;
	v8 =	vshrl.u32 v8, $0x7;
	v5 =	vshll.u32 v5, $0x7  }
0x343: {  	v11 =	vadd.s32 v11, v2;
	vm6 =	vne.s32 v62, v15;
	v3 =	vor.u32 v3, v5  }
0x344: {  	v5 =	vadd.s32 v6, v59;
	v6 =	vadd.s32 v7, v60;
	v7 =	vadd.s32 v9, v61  }
0x345: {  	v9 =	vadd.s32 v10, v63;
	v10 =	vand.u32 $0xFFFFFF80, v4;
	v16 =	vand.u32 $0xFFFFFF80, v11  }
0x346: {  	vm13 =	vmand vm11, vm6;
	v4 =	vshrl.u32 v4, $0x7;
	v11 =	vshrl.u32 v11, $0x7  }
0x347: {  	v12 =	vand.u32 $0xFFFFFF80, v5;
	v13 =	vand.u32 $0xFFFFFF80, v6;
	v14 =	vand.u32 $0xFFFFFF80, v7  }
0x348: {  	vm1 =	vne.s32 v58, v10;
	v10 =	vand.u32 $0xFFFFFF80, v9;
	vm10 =	vne.s32 v2, v16  }
0x349: {  	v15 =	vsel vm13, $0xFFFFFFFF, v1;
	v5 =	vshrl.u32 v5, $0x7;
	v6 =	vshrl.u32 v6, $0x7  }
0x34a: {  	v7 =	vshrl.u32 v7, $0x7;
	v9 =	vshrl.u32 v9, $0x7;
	vm3 =	vne.s32 v59, v12  }
0x34b: {  	vm4 =	vne.s32 v60, v13;
	vm5 =	vne.s32 v61, v14;
	vm7 =	vne.s32 v63, v10  }
0x34c: {  	vm0 =	vmand vm0, vm1;
	vm15 =	vmand vm15, vm10;
	vm2 =	vmand vm2, vm3  }
0x34d: {  	vm3 =	vmand vm8, vm4;
	vm9 =	vmand vm9, vm5;
	vm14 =	vmand vm12, vm7  }
0x34e: {  	v10 =	vsel vm0, $0xFFFFFFFF, v1;
	v12 =	vsel vm2, $0xFFFFFFFF, v1;
	v13 =	vsel vm3, $0xFFFFFFFF, v1  }
0x34f: {  	v14 =	vsel vm9, $0xFFFFFFFF, v1;
	v16 =	vsel vm14, $0xFFFFFFFF, v1;
	v4 =	vadd.s32 v10, v4  }
0x350: {  	v10 =	vsel vm15, $0xFFFFFFFF, v1;
	v12 =	vadd.s32 v12, v5;
	v6 =	vadd.s32 v13, v6  }
0x351: {  	v13 =	vadd.s32 v14, v7;
	v14 =	vadd.s32 v15, v8;
	v8 =	vadd.s32 v16, v9  }
0x352: {  	v5 =	vshll.u32 v4, $0x7;
	v9 =	vadd.s32 v10, v11;
	v4 =	vshll.u32 v12, $0x7  }
0x353: {  	s23 =	simm.s32 $0x1F0;
	s22 =	simm.s32 $0x0;
	[tilespmem:v3+s17+$0x0] =	vst.idx.add.s32.msk $0xffff, v57;
	v7 =	vshll.u32 v6, $0x7;
	v6 =	vshll.u32 v13, $0x7;
	v3 =	vshll.u32 v14, $0x7  }
.LBB2_34:
0x354: {  	v10 =	vld [tilespmem:s23+$0xFFFFFF90];
	s22 =	sadd.s32 $0x8, s22;
	v11 =	vand.u32 $0x7F, v58;
	v8 =	vshll.u32 v8, $0x7;
	v9 =	vshll.u32 v9, $0x7  }
0x355: {  	v12 =	vand.u32 $0x7F, v59;
	v13 =	vand.u32 $0x7F, v60;
	v14 =	vand.u32 $0x7F, v61;
	v58 =	vld [tilespmem:s23+$0xFFFFFFA0];
	p0 =	slt.u32 s22, $0xC0  }
0x356: {  	v15 =	vand.u32 $0x7F, v62;
	v16 =	vand.u32 $0x7F, v63;
	v2 =	vand.u32 $0x7F, v2;
	v59 =	vld [tilespmem:s23+$0xFFFFFFB0]  }
0x357: {  	v5 =	vor.u32 v11, v5;
	v4 =	vor.u32 v12, v4;
	v7 =	vor.u32 v13, v7;
	v60 =	vld [tilespmem:s23+$0xFFFFFFC0]  }
0x358: {  	v6 =	vor.u32 v14, v6;
	v3 =	vor.u32 v15, v3;
	v8 =	vor.u32 v16, v8;
	v61 =	vld [tilespmem:s23+$0xFFFFFFD0]  }
0x359: {  	v9 =	vor.u32 v2, v9;
	v11 =	vshra.s32 v10, $0x1F;
	v62 =	vld [tilespmem:s23+$0xFFFFFFE0]  }
0x35a: {  	v2 =	vshrl.u32 v11, $0x19;
	v11 =	vshra.s32 v58, $0x1F;
	vm0 =	vlt.s32 v58, $0x1;
	v63 =	vld [tilespmem:s23+$0xFFFFFFF0]  }
0x35b: {  	v12 =	vadd.s32 v2, v10;
	v11 =	vshrl.u32 v11, $0x19;
	v13 =	vshra.s32 v59, $0x1F;
	v2 =	vld [tilespmem:s23+$0x0]  }
0x35c: {  	v12 =	vshra.s32 v12, $0x7;
	v13 =	vshrl.u32 v13, $0x19;
	v14 =	vshra.s32 v60, $0x1F;
	[tilespmem:v5+s17+$0x0] =	vst.idx.add.s32.msk $0xffff, v57  }
0x35d: {  	v5 =	vshll.u32 v12, $0x7;
	v14 =	vshrl.u32 v14, $0x19;
	v15 =	vshra.s32 v61, $0x1F;
	[tilespmem:v4+s17+$0x0] =	vst.idx.add.s32.msk $0xffff, v57  }
0x35e: {  	vm1 =	vlt.s32 v10, $0x1;
	vm2 =	vne.s32 v10, v5;
	v4 =	vshra.s32 v62, $0x1F;
	[tilespmem:v7+s17+$0x0] =	vst.idx.add.s32.msk $0xffff, v57  }
0x35f: {  	v5 =	vshrl.u32 v15, $0x19;
	vm1 =	vmand vm1, vm2;
	v7 =	vshra.s32 v63, $0x1F;
	[tilespmem:v6+s17+$0x0] =	vst.idx.add.s32.msk $0xffff, v57  }
0x360: {  	v4 =	vshrl.u32 v4, $0x19;
	v6 =	vsel vm1, $0xFFFFFFFF, v1;
	v15 =	vshra.s32 v2, $0x1F;
	[tilespmem:v3+s17+$0x0] =	vst.idx.add.s32.msk $0xffff, v57  }
0x361: {  	v3 =	vadd.s32 v6, v12;
	v6 =	vshrl.u32 v7, $0x19;
	v7 =	vshrl.u32 v15, $0x19;
	[tilespmem:v8+s17+$0x0] =	vst.idx.add.s32.msk $0xffff, v57  }
0x362: {  	v8 =	vand.u32 $0x7F, v10;
	v10 =	vadd.s32 v11, v58;
	v3 =	vshll.u32 v3, $0x7;
	[tilespmem:v9+s17+$0x0] =	vst.idx.add.s32.msk $0xffff, v57  }
0x363: {  	v9 =	vadd.s32 v14, v60;
	v3 =	vor.u32 v8, v3;
	v8 =	vadd.s32 v13, v59  }
0x364: {  	v5 =	vadd.s32 v5, v61;
	v4 =	vadd.s32 v4, v62;
	v6 =	vadd.s32 v6, v63  }
0x365: {  	v11 =	vand.u32 $0xFFFFFF80, v10;
	v7 =	vadd.s32 v7, v2;
	v12 =	vand.u32 $0xFFFFFF80, v8  }
0x366: {  	v15 =	vand.u32 $0xFFFFFF80, v4;
	v14 =	vand.u32 $0xFFFFFF80, v5;
	v13 =	vand.u32 $0xFFFFFF80, v9  }
0x367: {  	vm1 =	vne.s32 v58, v11;
	v11 =	vand.u32 $0xFFFFFF80, v6;
	v16 =	vand.u32 $0xFFFFFF80, v7  }
0x368: {  	vm2 =	vlt.s32 v59, $0x1;
	vm4 =	vne.s32 v60, v13;
	vm3 =	vne.s32 v59, v12;
	[tilespmem:v3+s17+$0x0] =	vst.idx.add.s32.msk $0xffff, v57  }
0x369: {  	vm6 =	vne.s32 v62, v15;
	vm5 =	vne.s32 v61, v14;
	vm7 =	vne.s32 v63, v11  }
0x36a: {  	vm8 =	vlt.s32 v60, $0x1;
	vm9 =	vlt.s32 v61, $0x1;
	vm10 =	vne.s32 v2, v16  }
0x36b: {  	vm11 =	vlt.s32 v62, $0x1;
	vm12 =	vlt.s32 v63, $0x1;
	vm13 =	vlt.s32 v2, $0x1  }
0x36c: {  	vm0 =	vmand vm0, vm1;
	vm1 =	vmand vm2, vm3;
	vm2 =	vmand vm8, vm4  }
0x36d: {  	vm3 =	vmand vm9, vm5;
	vm4 =	vmand vm11, vm6;
	vm5 =	vmand vm12, vm7  }
0x36e: {  	v11 =	vsel vm1, $0xFFFFFFFF, v1;
	v3 =	vsel vm0, $0xFFFFFFFF, v1;
	vm0 =	vmand vm13, vm10  }
0x36f: {  	v12 =	vsel vm2, $0xFFFFFFFF, v1;
	v13 =	vsel vm3, $0xFFFFFFFF, v1;
	v14 =	vsel vm4, $0xFFFFFFFF, v1  }
0x370: {  	v10 =	vshrl.u32 v10, $0x7;
	v15 =	vsel vm5, $0xFFFFFFFF, v1;
	v16 =	vsel vm0, $0xFFFFFFFF, v1  }
0x371: {  	v5 =	vshrl.u32 v5, $0x7;
	v9 =	vshrl.u32 v9, $0x7;
	v8 =	vshrl.u32 v8, $0x7  }
.Ltmp16:
0x372: {  	v4 =	vshrl.u32 v4, $0x7;
	v6 =	vshrl.u32 v6, $0x7;
	v7 =	vshrl.u32 v7, $0x7;
	(pc) =	sbr.rel @p0 .LBB2_34-.Ltmp16, $4  }
0x373: {  	v3 =	vadd.s32 v3, v10;
	v10 =	vadd.s32 v11, v8;
	v11 =	vadd.s32 v12, v9  }
0x374: {  	v12 =	vadd.s32 v13, v5;
	v13 =	vadd.s32 v14, v4;
	v8 =	vadd.s32 v15, v6  }
0x375: {  	v5 =	vshll.u32 v3, $0x7;
	v4 =	vshll.u32 v10, $0x7;
	v9 =	vadd.s32 v16, v7  }
0x376: {  	s23 =	sadd.s32 $0x100, s23;
	v7 =	vshll.u32 v11, $0x7;
	v6 =	vshll.u32 v12, $0x7;
	v3 =	vshll.u32 v13, $0x7  }
0x377: {  	v10 =	vand.u32 $0x7F, v58  }
0x378: {  	v11 =	vand.u32 $0x7F, v59;
	v5 =	vor.u32 v10, v5  }
0x379: {  	v60 =	vand.u32 $0x7F, v60;
	v4 =	vor.u32 v11, v4  }
0x37a: {  	v61 =	vand.u32 $0x7F, v61;
	v7 =	vor.u32 v60, v7  }
0x37b: {  	v62 =	vand.u32 $0x7F, v62;
	v6 =	vor.u32 v61, v6  }
0x37c: {  	v8 =	vshll.u32 v8, $0x7;
	v63 =	vand.u32 $0x7F, v63;
	v3 =	vor.u32 v62, v3  }
0x37d: {  	v9 =	vshll.u32 v9, $0x7;
	v2 =	vand.u32 $0x7F, v2;
	v8 =	vor.u32 v63, v8;
	[tilespmem:v5+s17+$0x0] =	vst.idx.add.s32.msk $0xffff, v57  }
0x37e: {  	v2 =	vor.u32 v2, v9;
	[tilespmem:v4+s17+$0x0] =	vst.idx.add.s32.msk $0xffff, v57  }
0x37f: {  	[tilespmem:v7+s17+$0x0] =	vst.idx.add.s32.msk $0xffff, v57  }
0x380: {  	[tilespmem:v6+s17+$0x0] =	vst.idx.add.s32.msk $0xffff, v57  }
0x381: {  	[tilespmem:v3+s17+$0x0] =	vst.idx.add.s32.msk $0xffff, v57  }
0x382: {  	[tilespmem:v8+s17+$0x0] =	vst.idx.add.s32.msk $0xffff, v57  }
0x383: {  	[tilespmem:v2+s17+$0x0] =	vst.idx.add.s32.msk $0xffff, v57  }
0x384: {  	s22 =	simm.s32 $0x1D900;
	[bflag:$0x0] =	sbarrier.arrive $0xFFFF  }
0x385: {  	[spmem:s0] =	stream.indirect.scatter.add.s32 [tilespmem:s17], [sflag:$0x3], $0x80, s22, s19, $0xb8;
	[tilespmem:$0x1F900] =	vst v63  }
0x386: {  	_ =	swait.ge [sflag:s15], $0x4000  }
0x387: {  	[sflag:s15] =	ssyncset.done $0x0  }
0x388: {  	s26 =	simm.s32 $0x1D980;
	s23 =	simm.s32 $0x5900;
	[sflag:s15] =	ssyncadd.s32 $0xFFFFC000  }
0x389: {  	[spmem:s0] =	stream.indirect.scatter.add.s32 [tilespmem:s23], [sflag:$0x3], $0x80, s26, s19, $0xb8;
	[tilespmem:$0x1F900] =	vst v63  }
0x38a: {  	_ =	swait.ge [sflag:s15], $0x4000  }
0x38b: {  	[sflag:s15] =	ssyncset.done $0x0  }
0x38c: {  	s25 =	simm.s32 $0x9900;
	s23 =	simm.s32 $0x1DA00;
	[sflag:s15] =	ssyncadd.s32 $0xFFFFC000  }
0x38d: {  	[spmem:s0] =	stream.indirect.scatter.add.s32 [tilespmem:s25], [sflag:$0x3], $0x80, s23, s19, $0xb8;
	[tilespmem:$0x1F900] =	vst v63  }
0x38e: {  	_ =	swait.ge [sflag:s15], $0x4000  }
0x38f: {  	[sflag:s15] =	ssyncset.done $0x0  }
0x390: {  	s26 =	simm.s32 $0x1DA80;
	[sflag:s15] =	ssyncadd.s32 $0xFFFFC000  }
0x391: {  	[spmem:s0] =	stream.indirect.scatter.add.s32 [tilespmem:s28], [sflag:$0x3], $0x80, s26, s19, $0xb8;
	[tilespmem:$0x1F900] =	vst v63  }
0x392: {  	_ =	swait.ge [sflag:s15], $0x4000  }
0x393: {  	[sflag:s15] =	ssyncset.done $0x0  }
0x394: {  	[sflag:s15] =	ssyncadd.s32 $0xFFFFC000  }
0x395: {  	[spmem:s0] =	stream.indirect.scatter.add.s32 [tilespmem:s30], [sflag:$0x3], $0x80, s29, s19, $0xb8;
	[tilespmem:$0x1F900] =	vst v63  }
0x396: {  	_ =	swait.ge [sflag:s15], $0x4000  }
0x397: {  	[sflag:s15] =	ssyncset.done $0x0  }
0x398: {  	[sflag:s15] =	ssyncadd.s32 $0xFFFFC000  }
0x399: {  	[spmem:s0] =	stream.indirect.scatter.add.s32 [tilespmem:s2], [sflag:$0x3], $0x80, s31, s19, $0xb8;
	[tilespmem:$0x1F900] =	vst v63  }
0x39a: {  	_ =	swait.ge [sflag:s15], $0x4000  }
0x39b: {  	[sflag:s15] =	ssyncset.done $0x0  }
0x39c: {  	[sflag:s15] =	ssyncadd.s32 $0xFFFFC000  }
0x39d: {  	[spmem:s0] =	stream.indirect.scatter.add.s32 [tilespmem:s20], [sflag:$0x3], $0x80, s1, s19, $0xb8;
	[tilespmem:$0x1F900] =	vst v63  }
0x39e: {  	_ =	swait.ge [sflag:s15], $0x4000  }
0x39f: {  	[sflag:s15] =	ssyncset.done $0x0  }
0x3a0: {  	[sflag:s15] =	ssyncadd.s32 $0xFFFFC000  }
0x3a1: {  	[bflag:$0x0] =	sbarrier.arrive $0xFFFF  }
0x3a2: {  	[tilespmem:s17], [sflag:$0x3] =	stream.linear.gather [spmem:s5], $0x1C00, $0x38;
	[tilespmem:$0x1F900] =	vst v63  }
0x3a3: {  	s21 =	sadd.s32 $0x1, s21;
	_ =	swait.ge [sflag:s15], $0x1C00  }
0x3a4: {  	p0 =	sne.s32 s21, s14;
	[sflag:s15] =	ssyncset.done $0x0  }
.Ltmp17:
0x3a5: {  	[sflag:s15] =	ssyncadd.s32 $0xFFFFE400;
	(pc) =	sbr.rel @p0 .LBB2_1-.Ltmp17, $4  }
0x3a6: {  	[hbm4b:s24+s3] =	stream.linear.scatter [tilespmem:s17], [sflag:$0x3], $0x1C00, $0x38;
	[tilespmem:$0x1F900] =	vst v63  }
0x3a7: {  	_ =	swait.ge [sflag:s15], $0x1C00  }
0x3a8: {  	[sflag:s15] =	ssyncset.done $0x0  }
0x3a9: {  	[sflag:s15] =	ssyncadd.s32 $0xFFFFE400  }
0x3aa: {  	_ =	sfence.sel $0x180000  }
0x3ab: {  	[bflag:$0x0] =	sbarrier.arrive $0xFFFF  }
0x3ac: {  	_ =	strace $0x9000004A  }
0x3ad: {  	s0 =	stileid.u32;
	[bflag:$0x2] =	sbarrier.arrive $0xFFFF  }
0x3ae: {  	p0 =	sne.s32 s0, $0x0;
	s0 =	rddreg [dreg:$0x3]  }
0x3af: {  	s0 =	sadd.s32 @!p0 $0x100000, s0  }
0x3b0: {  	[sflag:s0] =	ssyncadd.tile.s32 @!p0 $0x1;
	_ =	shalt  }
.Lfunc_end2:
_tile_overlayer_lowered:
.L_overlay_start_2:
0x3b1: {  	(tag) =	ssettag $0x2  }
0x3b2: {  	s0 =	rddreg [dreg:$0x0];
	s2 =	stileid.u32  }
0x3b3: {  	s1 =	rddreg [dreg:$0x1];
	p0 =	sne.s32 s2, $0x0  }
0x3b4: {  	s3 =	rddreg [dreg:$0x2];
	[bflag:$0x3] =	sbarrier.arrive $0xFFFF;
	s2 =	simm.s32 @!p0 $0x1C03  }
0x3b5: {  	[timem:s3], [sflag:s2] =	dma.local @!p0 [hbm:s0], s1  }
0x3b6: {  	s0 =	simm.s32 @!p0 $0x3  }
0x3b7: {  	_ =	swait.ge @!p0 [sflag:s0], s1  }
0x3b8: {  	s1 =	ssub.s32 @!p0 $0x0, s1;
	[sflag:s0] =	ssyncset.done @!p0 $0x0  }
0x3b9: {  	[sflag:s0] =	ssyncadd.s32 @!p0 s1  }
0x3ba: {  	[bflag:$0x3] =	sbarrier.arrive $0xFFFF  }
0x3bb: {  	_ =	shalt  }

// kernel: kernel.8.cloned.1.call-start
scs
__scs_entry_jumppad:
0x0: {  	(pc) =	sbr.rel $0x88, $3  }
0x1: {  	(tag) =	ssettag $0x0;
	lr =	simm.s32 $0x1  }
0x2: {  	[smem:$0x3F9B] =	sst lr;
	_ =	strace $0xD0000000  }
0x3: {  	_ = 	snop  }
0x4: {  	_ = 	snop  }
0x5: {  	_ = 	snop  }
0x6: {  	_ = 	snop  }
0x7: {  	_ = 	snop  }
__scs_overlays_trampoline_lowered:
0x8: {  	[smem:$0x3FAA] =	sst s0  }
0x9: {  	[smem:$0x3FAB] =	sst s1  }
0xa: {  	[smem:$0x3FAC] =	sst s2  }
0xb: {  	[smem:$0x3FAD] =	sst s3  }
0xc: {  	[smem:$0x3FAE] =	sst s4  }
0xd: {  	[smem:$0x3FAF] =	sst s5  }
0xe: {  	[smem:$0x3FB0] =	sst s6  }
0xf: {  	[smem:$0x3FB1] =	sst s7  }
0x10: {  	[smem:$0x3FB2] =	sst s8  }
0x11: {  	[smem:$0x3FB3] =	sst s9;
	s0 =	simm.s32 @!p0 $0x0  }
0x12: {  	s1 =	sld [smem:$0x3F99];
	s0 =	simm.s32 @p0 $0x1  }
0x13: {  	[smem:$0x3FB4] =	sst s0;
	s0 =	simm.s32 @!p1 $0x0  }
0x14: {  	s2 =	sld [smem:$0x3F98];
	s0 =	simm.s32 @p1 $0x1  }
0x15: {  	[smem:$0x3FB5] =	sst s0;
	s0 =	simm.s32 @!p2 $0x0  }
0x16: {  	s3 =	sld [smem:$0x3FDB];
	s0 =	simm.s32 @p2 $0x1  }
0x17: {  	s4 =	simm.s32 $0x1BF5;
	[smem:$0x3FB7] =	sst s0  }
0x18: {  	s0 =	sld [smem:$0x3F9A];
	_ =	swait.ge [sflag:s4], $0x0  }
0x19: {  	s7 =	sld [smem:$0x3F9B]  }
0x1a: {  	s8 =	sadd.s32 $0xFFFFE003, lr  }
0x1b: {  	s9 =	sadd.s32 $0xFFFFFEF7, lr;
	s5 =	simm.s32 $0xFFFFFFFF;
	p2 =	slt.u32 s8, $0xFFFFF086  }
0x1c: {  	p1 =	slt.u32 s9, $0xF7A;
	s5 =	simm.s32 @!p2 $0x0  }
0x1d: {  	s5 =	simm.s32 @p1 $0x1;
	p0 =	seq.s32 s7, s2  }
0x1e: {  	s7 =	smul.u32 @!p0 $0xF7A, s2;
	p2 =	seq.s32 @!p0 s5, $0x0  }
0x1f: {  	s9 =	smul.u32 $0xF7A, s1;
	s8 =	simm.s32 @!p0 $0x1BF5;
	p2 =	por !p2, p0  }
0x20: {  	[sflag:s8] =	ssyncset.s32 @!p0 $0xFFFFF086;
	s6 =	sadd.s32 @!p0 s3, s7;
	s7 =	simm.s32 @!p0 $0x108  }
0x21: {  	s3 =	sadd.s32 s3, s9;
	s6 =	sadd.s32 @!p0 $0x88, s6;
	s7 =	simm.s32 @p2 $0x1082  }
0x22: {  	[simem:s7], [sflag:s8] =	dma.local @!p0 [hbm:s6], $0xF7A  }
0x23: {  	s9 =	sor.u32 $0xD0000000, s2;
	s6 =	simm.s32 $0x108;
	_ =	swait.ge @!p0 [sflag:s8], $0x0  }
0x24: {  	s3 =	sadd.s32 $0x88, s3;
	s6 =	simm.s32 @!p1 $0x1082;
	[sflag:s4] =	ssyncset.s32 $0xFFFFF086  }
0x25: {  	[simem:s6], [sflag:s4] =	dma.local [hbm:s3], $0xF7A  }
0x26: {  	[smem:$0x3F9B] =	sst s1;
	(tag) =	ssettag s2;
	_ =	strace s9  }
0x27: {  	s1 =	sld [smem:$0x3FAB]  }
0x28: {  	s2 =	sld [smem:$0x3FAC]  }
0x29: {  	s4 =	sld [smem:$0x3FAE]  }
0x2a: {  	p0 =	seq.s32 s5, $0x0;
	s5 =	sld [smem:$0x3FAF]  }
0x2b: {  	s6 =	sld [smem:$0x3FB0]  }
0x2c: {  	s7 =	sld [smem:$0x3FB1]  }
0x2d: {  	s3 =	simm.s32 $0x108;
	s8 =	sld [smem:$0x3FB2]  }
0x2e: {  	s3 =	simm.s32 @!p0 $0x1082;
	s9 =	sld [smem:$0x3FB3]  }
0x2f: {  	lr =	sadd.s32 s0, s3;
	s0 =	sld [smem:$0x3FAA]  }
0x30: {  	s3 =	sld [smem:$0x3FAD]  }
0x31: {  	[smem:$0x3FB6] =	sst s10  }
0x32: {  	s10 =	sld [smem:$0x3FB4];
	_ =	sdelay $0x3  }
0x33: {  	p0 =	seq.s32 s10, $0x1;
	s10 =	sld [smem:$0x3FB6];
	_ =	sdelay $0x3  }
0x34: {  	[smem:$0x3FB6] =	sst s10  }
0x35: {  	s10 =	sld [smem:$0x3FB5];
	_ =	sdelay $0x3  }
0x36: {  	p1 =	seq.s32 s10, $0x1;
	s10 =	sld [smem:$0x3FB6];
	_ =	sdelay $0x3  }
0x37: {  	[smem:$0x3FB6] =	sst s10  }
0x38: {  	s10 =	sld [smem:$0x3FB7]  }
0x39: {  	_ = 	snop;
	(pc) =	sbr.ind lr, $3  }
0x3a: {  	_ = 	snop  }
0x3b: {  	_ = 	snop  }
0x3c: {  	p2 =	seq.s32 s10, $0x1;
	s10 =	sld [smem:$0x3FB6]  }
0x3d: {  	_ =	shalt  }
0x3e: {  	_ =	shalt  }
0x3f: {  	_ =	shalt  }
0x40: {  	_ =	shalt  }
0x41: {  	_ =	shalt  }
0x42: {  	_ =	shalt  }
0x43: {  	_ =	shalt  }
0x44: {  	_ =	shalt  }
0x45: {  	_ =	shalt  }
0x46: {  	_ =	shalt  }
0x47: {  	_ =	shalt  }
0x48: {  	_ =	shalt  }
0x49: {  	_ =	shalt  }
0x4a: {  	_ =	shalt  }
0x4b: {  	_ =	shalt  }
0x4c: {  	_ =	shalt  }
0x4d: {  	_ =	shalt  }
0x4e: {  	_ =	shalt  }
0x4f: {  	_ =	shalt  }
0x50: {  	_ =	shalt  }
0x51: {  	_ =	shalt  }
0x52: {  	_ =	shalt  }
0x53: {  	_ =	shalt  }
0x54: {  	_ =	shalt  }
0x55: {  	_ =	shalt  }
0x56: {  	_ =	shalt  }
0x57: {  	_ =	shalt  }
0x58: {  	_ =	shalt  }
0x59: {  	_ =	shalt  }
0x5a: {  	_ =	shalt  }
0x5b: {  	_ =	shalt  }
0x5c: {  	_ =	shalt  }
0x5d: {  	_ =	shalt  }
0x5e: {  	_ =	shalt  }
0x5f: {  	_ =	shalt  }
0x60: {  	_ =	shalt  }
0x61: {  	_ =	shalt  }
0x62: {  	_ =	shalt  }
0x63: {  	_ =	shalt  }
0x64: {  	_ =	shalt  }
0x65: {  	_ =	shalt  }
0x66: {  	_ =	shalt  }
0x67: {  	_ =	shalt  }
0x68: {  	_ =	shalt  }
0x69: {  	_ =	shalt  }
0x6a: {  	_ =	shalt  }
0x6b: {  	_ =	shalt  }
0x6c: {  	_ =	shalt  }
0x6d: {  	_ =	shalt  }
0x6e: {  	_ =	shalt  }
0x6f: {  	_ =	shalt  }
0x70: {  	_ =	shalt  }
0x71: {  	_ =	shalt  }
0x72: {  	_ =	shalt  }
0x73: {  	_ =	shalt  }
0x74: {  	_ =	shalt  }
0x75: {  	_ =	shalt  }
0x76: {  	_ =	shalt  }
0x77: {  	_ =	shalt  }
0x78: {  	_ =	shalt  }
0x79: {  	_ =	shalt  }
0x7a: {  	_ =	shalt  }
0x7b: {  	_ =	shalt  }
0x7c: {  	_ =	shalt  }
0x7d: {  	_ =	shalt  }
0x7e: {  	_ =	shalt  }
0x7f: {  	_ =	shalt  }
0x80: {  	_ =	shalt  }
0x81: {  	_ =	shalt  }
0x82: {  	_ =	shalt  }
0x83: {  	_ =	shalt  }
0x84: {  	_ =	shalt  }
0x85: {  	_ =	shalt  }
0x86: {  	_ =	shalt  }
0x87: {  	_ =	shalt  }
.Lfunc_end0:
.L_simem_size_0:
called_computation.1_lowered:
.L_overlay_start_0:
0x88: {  	s2 =	sld [smem:$0x3FD9]  }
0x89: {  	s3 =	sld [smem:$0x3FFE];
	_ =	sdelay $0x1  }
0x8a: {  	s1 =	srdreg.scid  }
0x8b: {  	s0 =	sand.u32 $0x1, s1  }
0x8c: {  	s14 =	sshll.u32 s0, $0xA;
	s2 =	sadd.s32 s3, s2  }
0x8d: {  	s2 =	sadd.s32 s2, s14  }
0x8e: {  	[smem:$0x3FC2] =	sst s2  }
0x8f: {  	_ = 	snop  }
0x90: {  	s2 =	sld [smem:$0x3FD0];
	_ =	sdelay $0x1  }
0x91: {  	s15 =	sld [smem:$0x3FC8]  }
0x92: {  	s5 =	simm.s32 $0xB;
	s6 =	simm.s32 $0x10;
	s4 =	sld [smem:$0x3FC7]  }
0x93: {  	[smem:s6], [sflag:s5] =	dma.local [hbm:s2], $0x1  }
0x94: {  	_ =	swait.eq [sflag:s5], $0x1  }
0x95: {  	[sflag:s5] =	ssyncset.done $0x0  }
0x96: {  	[sflag:s5] =	ssyncadd.s32 $0xFFFFFFFF  }
0x97: {  	s16 =	sld [smem:$0x11];
	(tm) =	ssettm $0x1  }
0x98: {  	s17 =	sld [smem:$0x3FFB];
	_ =	sdelay $0x3  }
0x99: {  	_ =	strace s17  }
0x9a: {  	s5 =	sld [smem:$0x3FFC];
	_ =	sdelay $0x3  }
0x9b: {  	_ =	strace s5  }
0x9c: {  	s5 =	sld [smem:$0x3FFD];
	_ =	sdelay $0x3  }
0x9d: {  	_ =	strace s5  }
0x9e: {  	_ =	strace $0x8FFFFFFF  }
0x9f: {  	s18 =	sld [smem:$0x3FDB];
	_ =	sdelay $0x1  }
0xa0: {  	s19 =	simm.s32 $_scs_section_size  }
0xa1: {  	s7 =	simm.s32 $_size__tile_overlayer_lowered;
	s8 =	simm.s32 $_tile_overlayer_lowered  }
0xa2: {  	s22 =	simm.s32 $0x1BFF;
	s21 =	sshll.u32 s8, $0x1;
	s5 =	sadd.s32 s19, s18  }
0xa3: {  	s9 =	simm.s32 $0x0;
	s20 =	sshll.u32 s7, $0x1;
	s7 =	sadd.s32 s21, s5  }
0xa4: {  	[timem:s9], [sflag:s22] =	dma.local [hbm:s7], s20  }
0xa5: {  	_ =	swait.ge [sflag:s22], s20  }
0xa6: {  	s6 =	ssub.s32 $0x0, s20;
	[sflag:s22] =	ssyncset.done $0x0  }
0xa7: {  	[sflag:s22] =	ssyncadd.s32 s6;
	_ =	sdelay $0x1  }
0xa8: {  	s23 =	simm.s32 $0x1B8B  }
0xa9: {  	_ =	swait.ge [sflag:s23], $0x1  }
0xaa: {  	[sflag:s23] =	ssyncset.done $0x0  }
0xab: {  	s25 =	simm.s32 $0x1B8E;
	s24 =	sld [smem:$0x3FFE];
	[sflag:s23] =	ssyncadd.s32 $0xFFFFFFFF  }
0xac: {  	s26 =	simm.s32 $execute0_lowered;
	[smem:$0x3FD2] =	sst s25  }
0xad: {  	s7 =	sshll.u32 s26, $0x1;
	_ =	strace $0x80000046;
	[dreg:$0x1] =	wrdreg $0xFFFFFFFF  }
0xae: {  	s28 =	simm.s32 $_size_execute0_lowered;
	s5 =	sadd.s32 s5, s7;
	[dreg:$0x0] =	wrdreg $0x0  }
0xaf: {  	s7 =	sshll.u32 s28, $0x1;
	[dreg:$0x2] =	wrdreg s5  }
0xb0: {  	[dreg:$0x3] =	wrdreg s7  }
0xb1: {  	[dreg:$0x4] =	wrdreg $0xC0  }
0xb2: {  	_ =	task [dreg:s9], $0x5FFFF  }
0xb3: {  	[dreg:$0x1] =	wrdreg $0xFFFFFFFF  }
0xb4: {  	[dreg:$0x0] =	wrdreg $0x60  }
0xb5: {  	[dreg:$0x2] =	wrdreg s15  }
0xb6: {  	[dreg:$0x3] =	wrdreg s4  }
0xb7: {  	[dreg:$0x4] =	wrdreg s24  }
0xb8: {  	[dreg:$0x5] =	wrdreg s16  }
0xb9: {  	[dreg:$0x6] =	wrdreg $0xA  }
0xba: {  	_ =	task.clear_ibuf [dreg:s9], $0x7FFFF;
	_ =	strace $0x90000046  }
0xbb: {  	s29 =	simm.s32 $0xA;
	_ =	strace $0x80000048  }
0xbc: {  	_ =	swait.ge [sflag:s29], $0x1  }
0xbd: {  	[sflag:s29] =	ssyncadd.s32 $0xFFFFFFFF  }
0xbe: {  	_ =	strace $0x90000048  }
0xbf: {  	_ =	sfence  }
0xc0: {  	s30 =	sld [smem:$0x0];
	_ =	sdelay $0x2  }
0xc1: {  	s31 =	sshll.u32 s1, $0xD;
	s1 =	sshrl.u32 s1, $0x2  }
0xc2: {  	s3 =	sand.u32 $0x4000, s31;
	s1 =	sadd.s32 s1, s30  }
0xc3: {  	s0 =	sor.u32 s3, s0;
	s1 =	sshll.u32 s1, $0x11  }
0xc4: {  	s0 =	sor.u32 s1, s0  }
0xc5: {  	s0 =	sadd.s32 $0x8F2B, s0  }
0xc6: {  	[sflag:s0] =	ssyncadd.remote.s32 $0x1  }
0xc7: {  	_ =	sfence.sel $0xFFFF  }
0xc8: {  	[dreg:$0x0] =	wrdreg $0xFFFFFFFF;
	(pc) =	sbr.abs _section_cstart, $3  }
0xc9: {  	[dreg:$0x1] =	wrdreg $0xFFFFFFFF  }
0xca: {  	_ =	task.clear_ibuf [dreg:s9], $0x2FFFF;
	_ =	strace $0x9FFFFFFF  }
0xcb: {  	(tm) =	ssettm $0x7FFFFFFF  }
tec
execute0_lowered:
.L_overlay_start_1:
0x0: {  	(tag) =	ssettag $0x1  }
0x1: {  	s0 =	rddreg [dreg:$0x0]  }
0x2: {  	s1 =	rddreg [dreg:$0x1]  }
0x3: {  	s4 =	rddreg [dreg:$0x2]  }
0x4: {  	s7 =	rddreg [dreg:$0x3];
	s2 =	simm.s32 $0x0;
	s3 =	srdreg.scid  }
0x5: {  	s6 =	stileid.u32;
	s10 =	simm.s32 $0x200;
	s11 =	simm.s32 $0x80  }
0x6: {  	s12 =	simm.s32 $0x400;
	s14 =	simm.s32 $0x2400;
	s15 =	simm.s32 $0x280  }
0x7: {  	s16 =	simm.s32 $0xA400;
	s17 =	simm.s32 $0x100;
	s18 =	simm.s32 $0x4400  }
0x8: {  	s19 =	simm.s32 $0x300;
	s20 =	simm.s32 $0xC400;
	s21 =	simm.s32 $0x180  }
0x9: {  	s22 =	simm.s32 $0x6400;
	s23 =	simm.s32 $0x380;
	s24 =	simm.s32 $0xE400  }
0xa: {  	s25 =	simm.s32 $0x1;
	s26 =	simm.s32 $0x2;
	s28 =	simm.s32 $0x0  }
0xb: {  	[smem:$0x7FF] =	sst s2;
	s3 =	sand.u32 $0x1, s3;
	s6 =	sshll.u32 s6, $0xA  }
0xc: {  	_ =	strace $0x80000047;
	s5 =	ssub.s32 $0x2, s3;
	s8 =	sshll.u32 s3, $0x9  }
0xd: {  	s3 =	sadd.s32 $0x24C800, s4;
	s9 =	sshrl.u32 s5, $0x1;
	s8 =	sor.u32 s8, s6  }
0xe: {  	s4 =	sadd.s32 $0x189200, s4;
	s9 =	ssub.s32 s5, s9;
	s6 =	sshrl.u32 s8, $0x3  }
0xf: {  	s31 =	sshll.u32 s8, $0x3;
	s5 =	sadd.s32 s0, s6;
	s6 =	sadd.s32 s1, s6  }
0x10: {  	s7 =	sadd.s32 s7, s31;
	s8 =	smax.u32 s9, $0x1;
	s9 =	simm.s32 $0x3  }
.LBB2_1:
0x11: {  	[tilespmem:s2], [sflag:$0x3] =	stream.linear.gather [hbm4b:s5+s2], $0x200, $0x38;
	[tilespmem:$0x10400] =	vst v63  }
0x12: {  	_ =	swait.ge [sflag:s9], $0x200  }
0x13: {  	[sflag:s9] =	ssyncset.done $0x0  }
0x14: {  	[sflag:s9] =	ssyncadd.s32 $0xFFFFFE00  }
0x15: {  	[tilespmem:s10], [sflag:$0x3] =	stream.linear.gather [hbm4b:s6+s2], $0x200, $0x38;
	[tilespmem:$0x10400] =	vst v63  }
0x16: {  	_ =	swait.ge [sflag:s9], $0x200  }
0x17: {  	[sflag:s9] =	ssyncset.done $0x0  }
0x18: {  	[sflag:s9] =	ssyncadd.s32 $0xFFFFFE00  }
0x19: {  	[tilespmem:s12], [sflag:$0x1] =	stream.indirect.gather [hbm4b:s3+s11], $0x40, s2, s11, $0xb8;
	[tilespmem:$0x10400] =	vst v63  }
0x1a: {  	s0 =	simm.s32 $0x8400  }
0x1b: {  	[tilespmem:s0], [sflag:$0x2] =	stream.indirect.gather [hbm4b:s4+s11], $0x40, s10, s11, $0xb8;
	[tilespmem:$0x10400] =	vst v63  }
0x1c: {  	_ = 	snop  }
0x1d: {  	[tilespmem:s14], [sflag:$0x1] =	stream.indirect.gather [hbm4b:s3+s11], $0x40, s11, s11, $0xb8;
	[tilespmem:$0x10400] =	vst v63  }
0x1e: {  	_ = 	snop  }
0x1f: {  	[tilespmem:s16], [sflag:$0x2] =	stream.indirect.gather [hbm4b:s4+s11], $0x40, s15, s11, $0xb8;
	[tilespmem:$0x10400] =	vst v63  }
0x20: {  	_ = 	snop  }
0x21: {  	[tilespmem:s18], [sflag:$0x1] =	stream.indirect.gather [hbm4b:s3+s11], $0x40, s17, s11, $0xb8;
	[tilespmem:$0x10400] =	vst v63  }
0x22: {  	_ = 	snop  }
0x23: {  	[tilespmem:s20], [sflag:$0x2] =	stream.indirect.gather [hbm4b:s4+s11], $0x40, s19, s11, $0xb8;
	[tilespmem:$0x10400] =	vst v63  }
0x24: {  	_ = 	snop  }
0x25: {  	[tilespmem:s22], [sflag:$0x1] =	stream.indirect.gather [hbm4b:s3+s11], $0x40, s21, s11, $0xb8;
	[tilespmem:$0x10400] =	vst v63  }
0x26: {  	_ = 	snop  }
0x27: {  	[tilespmem:s24], [sflag:$0x2] =	stream.indirect.gather [hbm4b:s4+s11], $0x40, s23, s11, $0xb8;
	[tilespmem:$0x10400] =	vst v63  }
0x28: {  	_ =	swait.ge [sflag:s25], $0x2000  }
0x29: {  	[sflag:s25] =	ssyncset.done $0x0  }
0x2a: {  	[sflag:s25] =	ssyncadd.s32 $0xFFFFE000  }
0x2b: {  	_ =	swait.ge [sflag:s26], $0x2000  }
0x2c: {  	[sflag:s26] =	ssyncset.done $0x0  }
0x2d: {  	[sflag:s26] =	ssyncadd.s32 $0xFFFFE000  }
0x2e: {  	_ =	swait.ge [sflag:s25], $0x2000  }
0x2f: {  	[sflag:s25] =	ssyncset.done $0x0  }
0x30: {  	[sflag:s25] =	ssyncadd.s32 $0xFFFFE000  }
0x31: {  	_ =	swait.ge [sflag:s26], $0x2000  }
0x32: {  	[sflag:s26] =	ssyncset.done $0x0  }
0x33: {  	[sflag:s26] =	ssyncadd.s32 $0xFFFFE000  }
0x34: {  	_ =	swait.ge [sflag:s25], $0x2000  }
0x35: {  	[sflag:s25] =	ssyncset.done $0x0  }
0x36: {  	[sflag:s25] =	ssyncadd.s32 $0xFFFFE000  }
0x37: {  	_ =	swait.ge [sflag:s26], $0x2000  }
0x38: {  	[sflag:s26] =	ssyncset.done $0x0  }
0x39: {  	[sflag:s26] =	ssyncadd.s32 $0xFFFFE000  }
0x3a: {  	_ =	swait.ge [sflag:s25], $0x2000  }
0x3b: {  	[sflag:s25] =	ssyncset.done $0x0  }
0x3c: {  	[sflag:s25] =	ssyncadd.s32 $0xFFFFE000  }
0x3d: {  	_ =	swait.ge [sflag:s26], $0x2000  }
0x3e: {  	[sflag:s26] =	ssyncset.done $0x0  }
0x3f: {  	s29 =	simm.s32 $0x440;
	[sflag:s26] =	ssyncadd.s32 $0xFFFFE000  }
0x40: {  	s13 =	simm.s32 $0x8440;
	v0 =	vld [tilespmem:s29+$0x0]  }
0x41: {  	v1 =	vld [tilespmem:s13+$0x0];
	_ =	sdelay $0x1  }
0x42: {  	v2 =	vld [tilespmem:s13+$0xFFFFFFC0]  }
0x43: {  	v3 =	vld [tilespmem:s29+$0xFFFFFFC0];
	_ =	sdelay $0x1  }
0x44: {  	v0 =	vadd.f32 v1, v0;
	_ =	sdelay $0x1  }
0x45: {  	[tilespmem:s29+$0x0] =	vst v0;
	v0 =	vld [tilespmem:s29+$0x10]  }
0x46: {  	v1 =	vadd.f32 v2, v3;
	v2 =	vld [tilespmem:s13+$0x10]  }
0x47: {  	v4 =	vld [tilespmem:s29+$0xFFFFFFE0]  }
0x48: {  	v5 =	vld [tilespmem:s29+$0x20]  }
0x49: {  	v3 =	vld [tilespmem:s29+$0xFFFFFFD0];
	[tilespmem:s29+$0xFFFFFFC0] =	vst v1  }
0x4a: {  	s30 =	simm.s32 $0x4C0;
	v1 =	vld [tilespmem:s13+$0xFFFFFFD0]  }
0x4b: {  	s31 =	simm.s32 $0x84C0;
	v6 =	vld [tilespmem:s30+$0x0];
	v0 =	vadd.f32 v2, v0  }
0x4c: {  	v7 =	vld [tilespmem:s31+$0x0]  }
0x4d: {  	v9 =	vld [tilespmem:s31+$0xFFFFFFC0];
	[tilespmem:s29+$0x10] =	vst v0  }
0x4e: {  	v8 =	vld [tilespmem:s13+$0x20]  }
0x4f: {  	v1 =	vadd.f32 v1, v3;
	v3 =	vld [tilespmem:s30+$0xFFFFFFC0]  }
0x50: {  	v2 =	vld [tilespmem:s30+$0xFFFFFFD0]  }
0x51: {  	v0 =	vld [tilespmem:s29+$0xFFFFFFF0];
	[tilespmem:s29+$0xFFFFFFD0] =	vst v1;
	v1 =	vadd.f32 v7, v6  }
0x52: {  	v6 =	vld [tilespmem:s13+$0xFFFFFFE0]  }
0x53: {  	v7 =	vld [tilespmem:s29+$0x30];
	[tilespmem:s30+$0x0] =	vst v1;
	v5 =	vadd.f32 v8, v5  }
0x54: {  	v1 =	vadd.f32 v9, v3;
	v9 =	vld [tilespmem:s31+$0x10]  }
0x55: {  	v8 =	vld [tilespmem:s30+$0x10];
	[tilespmem:s29+$0x20] =	vst v5  }
0x56: {  	v10 =	vld [tilespmem:s13+$0x30]  }
0x57: {  	v3 =	vld [tilespmem:s30+$0xFFFFFFF0];
	[tilespmem:s30+$0xFFFFFFC0] =	vst v1;
	v4 =	vadd.f32 v6, v4  }
0x58: {  	v6 =	vld [tilespmem:s31+$0xFFFFFFD0]  }
0x59: {  	v1 =	vld [tilespmem:s30+$0xFFFFFFE0];
	[tilespmem:s29+$0xFFFFFFE0] =	vst v4  }
0x5a: {  	v4 =	vld [tilespmem:s13+$0xFFFFFFF0];
	v8 =	vadd.f32 v9, v8  }
0x5b: {  	s1 =	simm.s32 $0x2;
	s0 =	simm.s32 $0x84C0;
	v5 =	vld [tilespmem:s30+$0x20];
	s13 =	simm.s32 $0x540;
	v7 =	vadd.f32 v10, v7  }
.LBB2_2:
0x5c: {  	v9 =	vld [tilespmem:s13+$0x0];
	[tilespmem:s30+$0x10] =	vst v8;
	s31 =	sadd.s32 $0x80, s31  }
0x5d: {  	v8 =	vld [tilespmem:s31+$0x0];
	v2 =	vadd.f32 v6, v2;
	[tilespmem:s29+$0x30] =	vst v7  }
0x5e: {  	s1 =	sadd.s32 $0x2, s1;
	v6 =	vld [tilespmem:s0+$0x20]  }
0x5f: {  	p0 =	slt.u32 s1, $0x1FE;
	v7 =	vld [tilespmem:s31+$0xFFFFFFC0];
	[tilespmem:s30+$0xFFFFFFD0] =	vst v2;
	v4 =	vadd.f32 v4, v0;
	v0 =	vmov v3  }
0x60: {  	v3 =	vld [tilespmem:s13+$0xFFFFFFC0]  }
0x61: {  	v2 =	vld [tilespmem:s13+$0xFFFFFFD0];
	[tilespmem:s29+$0xFFFFFFF0] =	vst v4;
	s29 =	smov.u32 s30;
	s30 =	smov.u32 s13  }
0x62: {  	v4 =	vadd.f32 v8, v9;
	v8 =	vld [tilespmem:s0+$0xFFFFFFE0]  }
0x63: {  	v5 =	vadd.f32 v6, v5;
	v9 =	vld [tilespmem:s29+$0x30]  }
0x64: {  	[tilespmem:s13+$0x0] =	vst v4;
	v4 =	vld [tilespmem:s13+$0x10]  }
0x65: {  	v3 =	vadd.f32 v7, v3;
	v7 =	vld [tilespmem:s31+$0x10];
	[tilespmem:s29+$0x20] =	vst v5  }
0x66: {  	v10 =	vld [tilespmem:s0+$0x30]  }
.Ltmp0:
0x67: {  	[tilespmem:s13+$0xFFFFFFC0] =	vst v3;
	v5 =	vadd.f32 v8, v1;
	v1 =	vld [tilespmem:s13+$0xFFFFFFE0];
	(pc) =	sbr.rel @p0 .LBB2_2-.Ltmp0, $4  }
0x68: {  	v6 =	vld [tilespmem:s31+$0xFFFFFFD0]  }
0x69: {  	v3 =	vld [tilespmem:s13+$0xFFFFFFF0];
	[tilespmem:s29+$0xFFFFFFE0] =	vst v5  }
0x6a: {  	v8 =	vadd.f32 v7, v4;
	v4 =	vld [tilespmem:s0+$0xFFFFFFF0];
	s0 =	smov.u32 s31  }
0x6b: {  	s13 =	sadd.s32 $0x80, s13;
	v5 =	vld [tilespmem:s30+$0x20];
	v7 =	vadd.f32 v10, v9  }
0x6c: {  	_ = 	snop  }
0x6d: {  	v2 =	vadd.f32 v6, v2  }
0x6e: {  	[tilespmem:s30+$0x10] =	vst v8  }
0x6f: {  	v60 =	vld [tilespmem:s0+$0x20];
	[tilespmem:s30+$0xFFFFFFD0] =	vst v2  }
0x70: {  	v2 =	vld [tilespmem:s0+$0xFFFFFFE0];
	_ =	sdelay $0x3  }
0x71: {  	v5 =	vadd.f32 v60, v5  }
0x72: {  	v1 =	vadd.f32 v2, v1  }
0x73: {  	v61 =	vld [tilespmem:s30+$0x30];
	[tilespmem:s30+$0x20] =	vst v5  }
0x74: {  	v62 =	vld [tilespmem:s0+$0x30];
	[tilespmem:s30+$0xFFFFFFE0] =	vst v1  }
0x75: {  	v1 =	vld [tilespmem:s0+$0xFFFFFFF0];
	_ =	sdelay $0x2  }
0x76: {  	v0 =	vadd.f32 v4, v0  }
0x77: {  	[tilespmem:s29+$0x30] =	vst v7;
	v2 =	vadd.f32 v62, v61  }
0x78: {  	s28 =	sadd.s32 $0x1, s28;
	[tilespmem:s29+$0xFFFFFFF0] =	vst v0;
	v63 =	vadd.f32 v1, v3  }
0x79: {  	p0 =	sne.s32 s28, s8;
	[tilespmem:s30+$0x30] =	vst v2  }
.Ltmp1:
0x7a: {  	[tilespmem:s30+$0xFFFFFFF0] =	vst v63;
	(pc) =	sbr.rel @p0 .LBB2_1-.Ltmp1, $4  }
0x7b: {  	[hbm4b:s7+s2] =	stream.linear.scatter [tilespmem:s12], [sflag:$0x3], $0x8000, $0x38;
	[tilespmem:$0x10400] =	vst v63  }
0x7c: {  	_ =	swait.ge [sflag:s9], $0x8000  }
0x7d: {  	[sflag:s9] =	ssyncset.done $0x0  }
0x7e: {  	[sflag:s9] =	ssyncadd.s32 $0xFFFF8000  }
0x7f: {  	_ =	sfence.sel $0x180000  }
0x80: {  	[bflag:$0x0] =	sbarrier.arrive $0xFFFF  }
0x81: {  	_ =	strace $0x90000047  }
0x82: {  	s0 =	stileid.u32;
	[bflag:$0x2] =	sbarrier.arrive $0xFFFF  }
0x83: {  	p0 =	sne.s32 s0, $0x0;
	s0 =	rddreg [dreg:$0x4]  }
0x84: {  	s0 =	sadd.s32 @!p0 $0x100000, s0  }
0x85: {  	[sflag:s0] =	ssyncadd.tile.s32 @!p0 $0x1;
	_ =	shalt  }
.Lfunc_end2:
_tile_overlayer_lowered:
.L_overlay_start_2:
0x86: {  	(tag) =	ssettag $0x2  }
0x87: {  	s0 =	rddreg [dreg:$0x0];
	s2 =	stileid.u32  }
0x88: {  	s1 =	rddreg [dreg:$0x1];
	p0 =	sne.s32 s2, $0x0  }
0x89: {  	s3 =	rddreg [dreg:$0x2];
	[bflag:$0x3] =	sbarrier.arrive $0xFFFF;
	s2 =	simm.s32 @!p0 $0x1C03  }
0x8a: {  	[timem:s3], [sflag:s2] =	dma.local @!p0 [hbm:s0], s1  }
0x8b: {  	s0 =	simm.s32 @!p0 $0x3  }
0x8c: {  	_ =	swait.ge @!p0 [sflag:s0], s1  }
0x8d: {  	s1 =	ssub.s32 @!p0 $0x0, s1;
	[sflag:s0] =	ssyncset.done @!p0 $0x0  }
0x8e: {  	[sflag:s0] =	ssyncadd.s32 @!p0 s1  }
0x8f: {  	[bflag:$0x3] =	sbarrier.arrive $0xFFFF  }
0x90: {  	_ =	shalt  }

</sc_bundles>
